<compile_context>
chip_gen: v7x
topology: tpu7x:2x2x1
jax: 0.10.2.dev20260603
libtpu: 0.0.44.dev20260713+nightly
codegen_flags: <defaults>
</compile_context>

<pallas_src>
import jax
import jax.numpy as jnp
from jax import lax
from jax.experimental import pallas as pl
from jax.experimental.pallas import tpu as pltpu
from jax.experimental.pallas import tpu_sc as plsc

N = 10000
E = 320000
D = 128
NCLS = 8

NPAD = 10112
EPAD = 327680
ROWS_PER_TILE = NPAD // 16
_ZS = [64] * 9 + [56]


def _stages(k, slab):
    if k <= slab:
        return [(k, 0)]
    assert k % slab == 0
    return [(slab, i * slab) for i in range(k // slab)]


def _zero_buf(ref, nrows, width, lanes, dtype):
    z = jnp.zeros((lanes,), dtype)

    def row(i, _):
        for j in range(width // lanes):
            ref[i, pl.ds(j * lanes, lanes)] = z
        return ()

    lax.fori_loop(0, nrows, row, ())


def _make_segsum(dtype, width, ch, nbuf, k0, k1, slab, with_counts):
    assert 16 * (k0 + k1) * ch == EPAD
    dep = nbuf // 2
    for k in (k0, k1):
        assert (k <= slab or k % slab == 0) and k % nbuf == 0 and k >= nbuf
    assert slab % nbuf == 0
    lanes = 32 if dtype == jnp.bfloat16 else 16
    mesh = plsc.VectorSubcoreMesh(core_axis_name="c", subcore_axis_name="s")

    zsizes = [ch] * (ROWS_PER_TILE // ch)
    if ROWS_PER_TILE % ch:
        zsizes.append(ROWS_PER_TILE % ch)

    def body(table, srcm, dstm, *rest):
        rest = list(rest)
        out_x = rest.pop(0)
        out_c = rest.pop(0) if with_counts else None
        isrc = rest.pop(0)
        idst = rest.pop(0)
        bufs = [rest.pop(0) for _ in range(nbuf)]
        gsems = [rest.pop(0) for _ in range(nbuf)]
        ssems = [rest.pop(0) for _ in range(nbuf)]
        if with_counts:
            ones, zb16, osem = rest.pop(0), rest.pop(0), rest.pop(0)
        acc = rest.pop(0)
        acc_c = rest.pop(0) if with_counts else None
        c = lax.axis_index("c")
        s = lax.axis_index("s")

        _zero_buf(bufs[0], ch, width, lanes, dtype)
        if with_counts:
            _zero_buf(zb16, ch, 16, 16, jnp.float32)
            lane = lax.iota(jnp.int32, 16)
            one_row = jnp.where(lane == 0, 1.0, 0.0).astype(jnp.float32)

            def ones_row(i, _):
                ones[i, pl.ds(0, 16)] = one_row
                return ()

            lax.fori_loop(0, ch, ones_row, ())

        rel = 0
        for sz in zsizes:
            pltpu.sync_copy(bufs[0].at[pl.ds(0, sz)],
                            acc.at[pl.ds(s * ROWS_PER_TILE + rel, sz)])
            if with_counts:
                pltpu.sync_copy(zb16.at[pl.ds(0, sz)],
                                acc_c.at[pl.ds(s * ROWS_PER_TILE + rel, sz)])
            rel += sz
        plsc.subcore_barrier()

        def fire_g(r, k):
            pltpu.async_copy(table.at[isrc.at[k]], bufs[r], gsems[r])

        def wait_g(r):
            pltpu.make_async_copy(table.at[pl.ds(0, ch)], bufs[r], gsems[r]).wait()

        def fire_s(r, k):
            pltpu.async_copy(bufs[r], acc.at[idst.at[k]], ssems[r], add=True)

        def wait_s(r):
            pltpu.make_async_copy(bufs[r], acc.at[pl.ds(0, ch)], ssems[r]).wait()

        def run_range(base_chunk, nch):
            pltpu.sync_copy(srcm.at[pl.ds(base_chunk, nch)], isrc.at[pl.ds(0, nch)])
            pltpu.sync_copy(dstm.at[pl.ds(base_chunk, nch)], idst.at[pl.ds(0, nch)])
            for r in range(dep):
                fire_g(r, r)

            def group(j, _):
                kb = j * nbuf
                for r in range(nbuf):
                    k = kb + r
                    wait_g(r)
                    fire_s(r, k)
                    if with_counts:
                        pltpu.async_copy(ones, acc_c.at[idst.at[k]], osem, add=True)
                    r2 = (r + dep) % nbuf

                    @pl.when((k >= dep) & (k + dep < nch))
                    def _(r2=r2):
                        wait_s(r2)

                    @pl.when(k + dep < nch)
                    def _(r2=r2, k=k):
                        fire_g(r2, k + dep)
                return ()

            lax.fori_loop(0, nch // nbuf, group, ())
            for r in range(nbuf):
                wait_s(r)
            if with_counts:
                def drain(i, _):
                    pltpu.make_async_copy(ones, acc_c.at[pl.ds(0, ch)], osem).wait()
                    return ()

                lax.fori_loop(0, nch, drain, ())

        @pl.when(c == 0)
        def _():
            for sz, rel in _stages(k0, slab):
                run_range(s * k0 + rel, sz)

        @pl.when(c == 1)
        def _():
            for sz, rel in _stages(k1, slab):
                run_range(16 * k0 + s * k1 + rel, sz)

        plsc.subcore_barrier()
        pltpu.sync_copy(acc.at[pl.ds(s * ROWS_PER_TILE, ROWS_PER_TILE)],
                        out_x.at[c, pl.ds(s * ROWS_PER_TILE, ROWS_PER_TILE)])
        if with_counts:
            pltpu.sync_copy(acc_c.at[pl.ds(s * ROWS_PER_TILE, ROWS_PER_TILE)],
                            out_c.at[c, pl.ds(s * ROWS_PER_TILE, ROWS_PER_TILE)])

    out_type = [jax.ShapeDtypeStruct((2, NPAD, width), dtype)]
    scratch = [pltpu.VMEM((slab, ch), jnp.int32), pltpu.VMEM((slab, ch), jnp.int32)]
    scratch += [pltpu.VMEM((ch, width), dtype)] * nbuf
    scratch += [pltpu.SemaphoreType.DMA] * (2 * nbuf)
    if with_counts:
        out_type.append(jax.ShapeDtypeStruct((2, NPAD, 16), jnp.float32))
        scratch += [pltpu.VMEM((ch, 16), jnp.float32),
                    pltpu.VMEM((ch, 16), jnp.float32),
                    pltpu.SemaphoreType.DMA]
    scratch.append(pltpu.VMEM_SHARED((NPAD, width), dtype))
    if with_counts:
        scratch.append(pltpu.VMEM_SHARED((NPAD, 16), jnp.float32))

    return pl.kernel(
        body,
        out_type=out_type if with_counts else out_type[0],
        mesh=mesh,
        scratch_types=scratch,
        compiler_params=pltpu.CompilerParams(use_tc_tiling_on_sc=False),
    )


_CH1 = 64
_CH2 = 128
_segsum1 = _make_segsum(jnp.bfloat16, D, _CH1, 8, 272, 48, 136, True)
_segsum2 = _make_segsum(jnp.float32, 16, _CH2, 8, 120, 40, 120, False)

_RB = ROWS_PER_TILE
_R = 1000


def _layer1_body(px_ref, pc_ref, x_ref, w1lt_ref, w1rt_ref, b1l_ref, m16t_ref,
                 e8_ref, h_ref, g_ref):
    cnt = jnp.maximum(pc_ref[0, :, 0:1] + pc_ref[1, :, 0:1], 1.0)
    mean = (px_ref[0].astype(jnp.float32) + px_ref[1].astype(jnp.float32)) / cnt
    h = mean @ w1lt_ref[...] + x_ref[...] @ w1rt_ref[...] + b1l_ref[...]
    h = jnp.maximum(h, 0.0)
    h_ref[...] = h
    rid = pl.program_id(0) * _RB + lax.broadcasted_iota(jnp.int32, (_RB, 1), 0)
    g_ref[...] = jnp.where(rid < N, h @ m16t_ref[...] + e8_ref[...], 0.0)


def _head_body(p2_ref, h_ref, flat_ref, wht_ref, wfot_ref, btot_ref, out_ref):
    p = p2_ref[0] + p2_ref[1]
    cnt = jnp.maximum(p[:, NCLS:NCLS + 1], 1.0)
    seg = p[:, :NCLS] / cnt
    out_ref[...] = seg + h_ref[...] @ wht_ref[...] + flat_ref[...] @ wfot_ref[...] + btot_ref[...]


def _full(shape):
    return pl.BlockSpec(shape, lambda i: tuple(0 for _ in shape))


_layer1 = pl.pallas_call(
    _layer1_body,
    grid=(NPAD // _RB,),
    in_specs=[
        pl.BlockSpec((2, _RB, D), lambda i: (0, i, 0)),
        pl.BlockSpec((2, _RB, 16), lambda i: (0, i, 0)),
        pl.BlockSpec((_RB, D), lambda i: (i, 0)),
        _full((D, D)),
        _full((D, D)),
        _full((1, D)),
        _full((D, 16)),
        _full((1, 16)),
    ],
    out_specs=[
        pl.BlockSpec((_RB, D), lambda i: (i, 0)),
        pl.BlockSpec((_RB, 16), lambda i: (i, 0)),
    ],
    out_shape=[
        jax.ShapeDtypeStruct((NPAD, D), jnp.float32),
        jax.ShapeDtypeStruct((NPAD, 16), jnp.float32),
    ],
)

_head = pl.pallas_call(
    _head_body,
    grid=(N // _R,),
    in_specs=[
        pl.BlockSpec((2, _R, 16), lambda i: (0, i, 0)),
        pl.BlockSpec((_R, D), lambda i: (i, 0)),
        pl.BlockSpec((_R, 32), lambda i: (i, 0)),
        _full((D, NCLS)),
        _full((32, NCLS)),
        _full((1, NCLS)),
    ],
    out_specs=pl.BlockSpec((_R, NCLS), lambda i: (i, 0)),
    out_shape=jax.ShapeDtypeStruct((N, NCLS), jnp.float32),
)


def _pad_edges(edge_index, ch):
    src = jnp.concatenate([edge_index[0], jnp.zeros((EPAD - E,), jnp.int32)])
    dst = jnp.concatenate([edge_index[1], jnp.full((EPAD - E,), N, jnp.int32)])
    return src.reshape(EPAD // ch, ch), dst.reshape(EPAD // ch, ch)


@jax.jit
def kernel(x, flat, edge_index1, edge_index2, W1l, b1l, W1r, W2l, b2l, W2r, Wf, bf, Wo, bo):
    src1, dst1 = _pad_edges(edge_index1, _CH1)
    src2, dst2 = _pad_edges(edge_index2, _CH2)

    WoA = Wo[:, :D]
    WoB = Wo[:, D:]
    M = WoA @ W2l
    m16t = jnp.concatenate([M, jnp.zeros((8, D), jnp.float32)]).T
    e8 = jnp.zeros((1, 16), jnp.float32).at[0, NCLS].set(1.0)
    wht = (WoA @ W2r).T
    wfot = (WoB @ Wf).T
    btot = (bo + WoA @ b2l + WoB @ bf).reshape(1, NCLS)

    px, pc = _segsum1(x.astype(jnp.bfloat16), src1, dst1)
    h, gtab = _layer1(px, pc, x, W1l.T, W1r.T, b1l.reshape(1, D), m16t, e8)
    p2 = _segsum2(gtab, src2, dst2)
    return _head(p2, h, flat, wht, wfot, btot)

# --- scband reference (transcript-rebuilt; emitter-appended) ---
"""Pipeline reference for scband-ns-gnn-40896678592675 (READ-ONLY COPY).

The authoritative reference and input builder live on the scoring server;
editing this copy changes nothing except your own understanding.
"""

import jax, jax.numpy as jnp
import numpy as np

N = 10000
E = 320000
D = 128
H = 128
OUT = 128
FLAT_IN = 32
FLAT_H = 64
NUM_CLS = 8


def setup_inputs(seed: int = 0) -> dict:
    key = jax.random.key(seed)
    ks = jax.random.split(key, 16)
    x = jax.random.normal(ks[0], (N, D), dtype=jnp.float32)
    flat = jax.random.normal(ks[1], (N, FLAT_IN), dtype=jnp.float32)
    edge_index1 = jax.random.randint(ks[2], (2, E), 0, N)
    edge_index2 = jax.random.randint(ks[3], (2, E), 0, N)
    # SAGEConv layer 1: lin_l (neighbor agg path, with bias) and lin_r (root path)
    W1l = jax.random.normal(ks[4], (H, D), dtype=jnp.float32) * 0.05
    b1l = jnp.zeros((H,), dtype=jnp.float32)
    W1r = jax.random.normal(ks[5], (H, D), dtype=jnp.float32) * 0.05
    # SAGEConv layer 2
    W2l = jax.random.normal(ks[6], (OUT, H), dtype=jnp.float32) * 0.05
    b2l = jnp.zeros((OUT,), dtype=jnp.float32)
    W2r = jax.random.normal(ks[7], (OUT, H), dtype=jnp.float32) * 0.05
    # flat_fc: Linear(num_flat_feats -> flat_nhid)
    Wf = jax.random.normal(ks[8], (FLAT_H, FLAT_IN), dtype=jnp.float32) * 0.05
    bf = jnp.zeros((FLAT_H,), dtype=jnp.float32)
    # out_layer: Linear(gnn_outdim + flat_nhid -> num_cls)
    Wo = jax.random.normal(ks[9], (NUM_CLS, OUT + FLAT_H), dtype=jnp.float32) * 0.05
    bo = jnp.zeros((NUM_CLS,), dtype=jnp.float32)
    return {
        'x': x, 'flat': flat,
        'edge_index1': edge_index1, 'edge_index2': edge_index2,
        'W1l': W1l, 'b1l': b1l, 'W1r': W1r,
        'W2l': W2l, 'b2l': b2l, 'W2r': W2r,
        'Wf': Wf, 'bf': bf, 'Wo': Wo, 'bo': bo,
    }


def _sage_conv(x_src, x_dst, edge_index, Wl, bl, Wr):
    # PyG SAGEConv (aggr='mean', root_weight=True):
    # out = lin_l(mean_{j in N(i)} x_j) + lin_r(x_i)
    src = edge_index[0]
    dst = edge_index[1]
    msgs = jnp.take(x_src, src, axis=0)
    n_dst = x_dst.shape[0]
    summed = jax.ops.segment_sum(msgs, dst, num_segments=n_dst)
    counts = jax.ops.segment_sum(jnp.ones((msgs.shape[0],), dtype=x_src.dtype), dst, num_segments=n_dst)
    mean = summed / jnp.clip(counts, 1.0)[:, None]
    return mean @ Wl.T + bl + x_dst @ Wr.T


def reference(x, flat, edge_index1, edge_index2, W1l, b1l, W1r, W2l, b2l, W2r, Wf, bf, Wo, bo):
    # adjs = [(edge_index1, None, (N, N)), (edge_index2, None, (N, N))]
    # layer 1 (x_target = x[:N] = x since full-size sampling hop)
    h = _sage_conv(x, x, edge_index1, W1l, b1l, W1r)
    h = jax.nn.relu(h)
    # dropout p=0.5 is identity in eval mode
    # layer 2
    h2 = _sage_conv(h, h, edge_index2, W2l, b2l, W2r)
    # flat_after branch: concat gnn output with projected flat features
    flat_proj = flat @ Wf.T + bf
    cat = jnp.concatenate([h2, flat_proj], axis=1)
    # main_dropout is identity in eval mode
    out = cat @ Wo.T + bo
    return out

if __name__ == "__main__":
    import jax
    _d = setup_inputs()
    print(jax.jit(kernel)(*tuple(_d.values())))

</pallas_src>

<mosaic_0001>
#map = affine_map<(d0, d1) -> (0, 0)>
#map1 = affine_map<(d0, d1) -> (0, 0, 0)>
module attributes {stable_mosaic.version = 14 : i64} {
  func.func @body(%arg0: i32, %arg1: i32, %arg2: memref<10000x128xbf16, #tpu.memory_space<hbm>>, %arg3: memref<5120x64xi32, #tpu.memory_space<hbm>>, %arg4: memref<5120x64xi32, #tpu.memory_space<hbm>>, %arg5: memref<2x10112x128xbf16, #tpu.memory_space<hbm>>, %arg6: memref<2x10112x16xf32, #tpu.memory_space<hbm>>, %arg7: memref<136x64xi32, #tpu.memory_space<vmem>>, %arg8: memref<136x64xi32, #tpu.memory_space<vmem>>, %arg9: memref<64x128xbf16, #tpu.memory_space<vmem>>, %arg10: memref<64x128xbf16, #tpu.memory_space<vmem>>, %arg11: memref<64x128xbf16, #tpu.memory_space<vmem>>, %arg12: memref<64x128xbf16, #tpu.memory_space<vmem>>, %arg13: memref<64x128xbf16, #tpu.memory_space<vmem>>, %arg14: memref<64x128xbf16, #tpu.memory_space<vmem>>, %arg15: memref<64x128xbf16, #tpu.memory_space<vmem>>, %arg16: memref<64x128xbf16, #tpu.memory_space<vmem>>, %arg17: memref<!tpu.dma_semaphore, #tpu.memory_space<semaphore_mem>>, %arg18: memref<!tpu.dma_semaphore, #tpu.memory_space<semaphore_mem>>, %arg19: memref<!tpu.dma_semaphore, #tpu.memory_space<semaphore_mem>>, %arg20: memref<!tpu.dma_semaphore, #tpu.memory_space<semaphore_mem>>, %arg21: memref<!tpu.dma_semaphore, #tpu.memory_space<semaphore_mem>>, %arg22: memref<!tpu.dma_semaphore, #tpu.memory_space<semaphore_mem>>, %arg23: memref<!tpu.dma_semaphore, #tpu.memory_space<semaphore_mem>>, %arg24: memref<!tpu.dma_semaphore, #tpu.memory_space<semaphore_mem>>, %arg25: memref<!tpu.dma_semaphore, #tpu.memory_space<semaphore_mem>>, %arg26: memref<!tpu.dma_semaphore, #tpu.memory_space<semaphore_mem>>, %arg27: memref<!tpu.dma_semaphore, #tpu.memory_space<semaphore_mem>>, %arg28: memref<!tpu.dma_semaphore, #tpu.memory_space<semaphore_mem>>, %arg29: memref<!tpu.dma_semaphore, #tpu.memory_space<semaphore_mem>>, %arg30: memref<!tpu.dma_semaphore, #tpu.memory_space<semaphore_mem>>, %arg31: memref<!tpu.dma_semaphore, #tpu.memory_space<semaphore_mem>>, %arg32: memref<!tpu.dma_semaphore, #tpu.memory_space<semaphore_mem>>, %arg33: memref<64x16xf32, #tpu.memory_space<vmem>>, %arg34: memref<64x16xf32, #tpu.memory_space<vmem>>, %arg35: memref<!tpu.dma_semaphore, #tpu.memory_space<semaphore_mem>>, %arg36: memref<10112x128xbf16, #tpu.memory_space<vmem_shared>>, %arg37: memref<10112x16xf32, #tpu.memory_space<vmem_shared>>) attributes {dimension_semantics = [#tpu.dimension_semantics<core_parallel>, #tpu.dimension_semantics<subcore_parallel>], iteration_bounds = array<i64: 2, 16>, scalar_prefetch = 0 : i64, scratch_operands = 31 : i64, tpu.core_type = #tpu.core_type<sc_vector_subcore>, window_params = [{transform_indices = #map}, {transform_indices = #map}, {transform_indices = #map}, {transform_indices = #map1}, {transform_indices = #map1}]} {
    %broadcast_in_dim3A = arith.constant 0.000000e+00 : bf16
    %broadcast_in_dim3A_0 = vector.broadcast %broadcast_in_dim3A : bf16 to vector<32xbf16>
    %scan3A = arith.constant 0 : i32
    %scan3A_1 = arith.constant 64 : i32
    %scan3A_2 = arith.addi %scan3A, %scan3A_1 : i32
    %scan3A_3 = arith.constant 1 : i32
    scf.for %scan3A_117 = %scan3A to %scan3A_2 step %scan3A_3  : i32 {
      %swap3A = arith.index_cast %scan3A_117 : i32 to index
      %swap3A_118 = arith.constant 0 : index
      %swap3A_119 = tpu.vector_load %arg9[%swap3A, %swap3A_118] {strides = array<i32>} : memref<64x128xbf16, #tpu.memory_space<vmem>>, vector<1x32xbf16>,
      %swap3A_120 = vector.shape_cast %swap3A_119 : vector<1x32xbf16> to vector<32xbf16>
      %swap3A_121 = vector.shape_cast %broadcast_in_dim3A_0 : vector<32xbf16> to vector<1x32xbf16>
      tpu.vector_store %arg9[%swap3A, %swap3A_118], %swap3A_121 {strides = array<i32>} : memref<64x128xbf16, #tpu.memory_space<vmem>>, vector<1x32xbf16>,
      %swap3A_122 = arith.index_cast %scan3A_117 : i32 to index
      %swap3A_123 = arith.constant 32 : index
      %swap3A_124 = tpu.vector_load %arg9[%swap3A_122, %swap3A_123] {strides = array<i32>} : memref<64x128xbf16, #tpu.memory_space<vmem>>, vector<1x32xbf16>,
      %swap3A_125 = vector.shape_cast %swap3A_124 : vector<1x32xbf16> to vector<32xbf16>
      %swap3A_126 = vector.shape_cast %broadcast_in_dim3A_0 : vector<32xbf16> to vector<1x32xbf16>
      tpu.vector_store %arg9[%swap3A_122, %swap3A_123], %swap3A_126 {strides = array<i32>} : memref<64x128xbf16, #tpu.memory_space<vmem>>, vector<1x32xbf16>,
      %swap3A_127 = arith.index_cast %scan3A_117 : i32 to index
      %swap3A_128 = arith.constant 64 : index
      %swap3A_129 = tpu.vector_load %arg9[%swap3A_127, %swap3A_128] {strides = array<i32>} : memref<64x128xbf16, #tpu.memory_space<vmem>>, vector<1x32xbf16>,
      %swap3A_130 = vector.shape_cast %swap3A_129 : vector<1x32xbf16> to vector<32xbf16>
      %swap3A_131 = vector.shape_cast %broadcast_in_dim3A_0 : vector<32xbf16> to vector<1x32xbf16>
      tpu.vector_store %arg9[%swap3A_127, %swap3A_128], %swap3A_131 {strides = array<i32>} : memref<64x128xbf16, #tpu.memory_space<vmem>>, vector<1x32xbf16>,
      %swap3A_132 = arith.index_cast %scan3A_117 : i32 to index
      %swap3A_133 = arith.constant 96 : index
      %swap3A_134 = tpu.vector_load %arg9[%swap3A_132, %swap3A_133] {strides = array<i32>} : memref<64x128xbf16, #tpu.memory_space<vmem>>, vector<1x32xbf16>,
      %swap3A_135 = vector.shape_cast %swap3A_134 : vector<1x32xbf16> to vector<32xbf16>
      %swap3A_136 = vector.shape_cast %broadcast_in_dim3A_0 : vector<32xbf16> to vector<1x32xbf16>
      tpu.vector_store %arg9[%swap3A_132, %swap3A_133], %swap3A_136 {strides = array<i32>} : memref<64x128xbf16, #tpu.memory_space<vmem>>, vector<1x32xbf16>,
    }
    %scan3A_4 = arith.constant 64 : i32
    %broadcast_in_dim3A_5 = arith.constant 0.000000e+00 : f32
    %broadcast_in_dim3A_6 = vector.broadcast %broadcast_in_dim3A_5 : f32 to vector<16xf32>
    %scan3A_7 = arith.constant 0 : i32
    %scan3A_8 = arith.constant 64 : i32
    %scan3A_9 = arith.addi %scan3A_7, %scan3A_8 : i32
    %scan3A_10 = arith.constant 1 : i32
    scf.for %scan3A_117 = %scan3A_7 to %scan3A_9 step %scan3A_10  : i32 {
      %swap3A = arith.index_cast %scan3A_117 : i32 to index
      %swap3A_118 = arith.constant 0 : index
      %swap3A_119 = tpu.vector_load %arg34[%swap3A, %swap3A_118] {strides = array<i32>} : memref<64x16xf32, #tpu.memory_space<vmem>>, vector<1x16xf32>,
      %swap3A_120 = vector.shape_cast %swap3A_119 : vector<1x16xf32> to vector<16xf32>
      %swap3A_121 = vector.shape_cast %broadcast_in_dim3A_6 : vector<16xf32> to vector<1x16xf32>
      tpu.vector_store %arg34[%swap3A, %swap3A_118], %swap3A_121 {strides = array<i32>} : memref<64x16xf32, #tpu.memory_space<vmem>>, vector<1x16xf32>,
    }
    %scan3A_11 = arith.constant 64 : i32
    %iota3A = tpu.iota {dimensions = array<i32: 0>} : vector<16xi32>
    %eq3A = arith.constant 0 : i32
    %eq3A_12 = vector.broadcast %eq3A : i32 to vector<16xi32>
    %eq3A_13 = arith.cmpi eq, %iota3A, %eq3A_12 : vector<16xi32>
    %jit3A = arith.constant 1.000000e+00 : f32
    %jit3A_14 = arith.constant 0.000000e+00 : f32
    %broadcast_in_dim3A_15 = vector.broadcast %jit3A : f32 to vector<16xf32>
    %broadcast_in_dim3A_16 = vector.broadcast %jit3A_14 : f32 to vector<16xf32>
    %select_n3A = arith.select %eq3A_13, %broadcast_in_dim3A_15, %broadcast_in_dim3A_16 : vector<16xi1>, vector<16xf32>
    %scan3A_17 = arith.constant 0 : i32
    %scan3A_18 = arith.constant 64 : i32
    %scan3A_19 = arith.addi %scan3A_17, %scan3A_18 : i32
    %scan3A_20 = arith.constant 1 : i32
    scf.for %scan3A_117 = %scan3A_17 to %scan3A_19 step %scan3A_20  : i32 {
      %swap3A = arith.index_cast %scan3A_117 : i32 to index
      %swap3A_118 = arith.constant 0 : index
      %swap3A_119 = tpu.vector_load %arg33[%swap3A, %swap3A_118] {strides = array<i32>} : memref<64x16xf32, #tpu.memory_space<vmem>>, vector<1x16xf32>,
      %swap3A_120 = vector.shape_cast %swap3A_119 : vector<1x16xf32> to vector<16xf32>
      %swap3A_121 = vector.shape_cast %select_n3A : vector<16xf32> to vector<1x16xf32>
      tpu.vector_store %arg33[%swap3A, %swap3A_118], %swap3A_121 {strides = array<i32>} : memref<64x16xf32, #tpu.memory_space<vmem>>, vector<1x16xf32>,
    }
    %scan3A_21 = arith.constant 64 : i32
    %mul3A = arith.constant 632 : i32
    %mul3A_22 = arith.muli %arg1, %mul3A : i32
    %add3A = arith.constant 0 : i32
    %add3A_23 = arith.addi %mul3A_22, %add3A : i32
    "tpu.region"() ({
      %run_scoped3A = tpu.sem_alloc : memref<!tpu.dma_semaphore, #tpu.memory_space<semaphore_mem>>
      %dma_start3A = arith.constant 0 : i32
      %dma_start3A_117 = arith.constant 0 : i32
      %dma_start3A_118 = tpu.memref_slice %arg9[%dma_start3A, %dma_start3A_117] : memref<64x128xbf16, #tpu.memory_space<vmem>> -> memref<64x128xbf16, #tpu.memory_space<vmem>>
      %dma_start3A_119 = arith.constant 0 : i32
      %dma_start3A_120 = tpu.memref_slice %arg36[%add3A_23, %dma_start3A_119] : memref<10112x128xbf16, #tpu.memory_space<vmem_shared>> -> memref<64x128xbf16, #tpu.memory_space<vmem_shared>>
      %dma_start3A_121 = arith.constant 0 : i32
      %dma_start3A_122 = tpu.memref_slice %arg36[%add3A_23, %dma_start3A_121] : memref<10112x128xbf16, #tpu.memory_space<vmem_shared>> -> memref<64x128xbf16, #tpu.memory_space<vmem_shared>>
      %dma_start3A_123 = arith.constant 0 : i32
      %dma_start3A_124 = arith.constant 0 : i32
      %dma_start3A_125 = tpu.memref_slice %arg9[%dma_start3A_123, %dma_start3A_124] : memref<64x128xbf16, #tpu.memory_space<vmem>> -> memref<64x128xbf16, #tpu.memory_space<vmem>>
      tpu.enqueue_dma source(%dma_start3A_125 : memref<64x128xbf16, #tpu.memory_space<vmem>>) target(%dma_start3A_122 : memref<64x128xbf16, #tpu.memory_space<vmem_shared>>) target_semaphore(%run_scoped3A : memref<!tpu.dma_semaphore, #tpu.memory_space<semaphore_mem>>)
      %dma_wait3A = arith.constant 0 : i32
      %dma_wait3A_126 = arith.constant 0 : i32
      %dma_wait3A_127 = tpu.memref_slice %arg9[%dma_wait3A, %dma_wait3A_126] : memref<64x128xbf16, #tpu.memory_space<vmem>> -> memref<64x128xbf16, #tpu.memory_space<vmem>>
      %dma_wait3A_128 = arith.constant 0 : i32
      %dma_wait3A_129 = tpu.memref_slice %arg36[%add3A_23, %dma_wait3A_128] : memref<10112x128xbf16, #tpu.memory_space<vmem_shared>> -> memref<64x128xbf16, #tpu.memory_space<vmem_shared>>
      %dma_wait3A_130 = arith.constant 0 : i32
      %dma_wait3A_131 = tpu.memref_slice %arg36[%add3A_23, %dma_wait3A_130] : memref<10112x128xbf16, #tpu.memory_space<vmem_shared>> -> memref<64x128xbf16, #tpu.memory_space<vmem_shared>>
      %dma_wait3A_132 = arith.constant 0 : i32
      %dma_wait3A_133 = arith.constant 0 : i32
      %dma_wait3A_134 = tpu.memref_slice %arg9[%dma_wait3A_132, %dma_wait3A_133] : memref<64x128xbf16, #tpu.memory_space<vmem>> -> memref<64x128xbf16, #tpu.memory_space<vmem>>
      tpu.wait_dma2 semaphore(%run_scoped3A : memref<!tpu.dma_semaphore, #tpu.memory_space<semaphore_mem>>) src(%dma_wait3A_134 : memref<64x128xbf16, #tpu.memory_space<vmem>>) dst(%dma_wait3A_131 : memref<64x128xbf16, #tpu.memory_space<vmem_shared>>)
      tpu.yield
    }) : () -> ()
    %mul3A_24 = arith.constant 632 : i32
    %mul3A_25 = arith.muli %arg1, %mul3A_24 : i32
    %add3A_26 = arith.constant 0 : i32
    %add3A_27 = arith.addi %mul3A_25, %add3A_26 : i32
    "tpu.region"() ({
      %run_scoped3A = tpu.sem_alloc : memref<!tpu.dma_semaphore, #tpu.memory_space<semaphore_mem>>
      %dma_start3A = arith.constant 0 : i32
      %dma_start3A_117 = arith.constant 0 : i32
      %dma_start3A_118 = tpu.memref_slice %arg34[%dma_start3A, %dma_start3A_117] : memref<64x16xf32, #tpu.memory_space<vmem>> -> memref<64x16xf32, #tpu.memory_space<vmem>>
      %dma_start3A_119 = arith.constant 0 : i32
      %dma_start3A_120 = tpu.memref_slice %arg37[%add3A_27, %dma_start3A_119] : memref<10112x16xf32, #tpu.memory_space<vmem_shared>> -> memref<64x16xf32, #tpu.memory_space<vmem_shared>>
      %dma_start3A_121 = arith.constant 0 : i32
      %dma_start3A_122 = tpu.memref_slice %arg37[%add3A_27, %dma_start3A_121] : memref<10112x16xf32, #tpu.memory_space<vmem_shared>> -> memref<64x16xf32, #tpu.memory_space<vmem_shared>>
      %dma_start3A_123 = arith.constant 0 : i32
      %dma_start3A_124 = arith.constant 0 : i32
      %dma_start3A_125 = tpu.memref_slice %arg34[%dma_start3A_123, %dma_start3A_124] : memref<64x16xf32, #tpu.memory_space<vmem>> -> memref<64x16xf32, #tpu.memory_space<vmem>>
      tpu.enqueue_dma source(%dma_start3A_125 : memref<64x16xf32, #tpu.memory_space<vmem>>) target(%dma_start3A_122 : memref<64x16xf32, #tpu.memory_space<vmem_shared>>) target_semaphore(%run_scoped3A : memref<!tpu.dma_semaphore, #tpu.memory_space<semaphore_mem>>)
      %dma_wait3A = arith.constant 0 : i32
      %dma_wait3A_126 = arith.constant 0 : i32
      %dma_wait3A_127 = tpu.memref_slice %arg34[%dma_wait3A, %dma_wait3A_126] : memref<64x16xf32, #tpu.memory_space<vmem>> -> memref<64x16xf32, #tpu.memory_space<vmem>>
      %dma_wait3A_128 = arith.constant 0 : i32
      %dma_wait3A_129 = tpu.memref_slice %arg37[%add3A_27, %dma_wait3A_128] : memref<10112x16xf32, #tpu.memory_space<vmem_shared>> -> memref<64x16xf32, #tpu.memory_space<vmem_shared>>
      %dma_wait3A_130 = arith.constant 0 : i32
      %dma_wait3A_131 = tpu.memref_slice %arg37[%add3A_27, %dma_wait3A_130] : memref<10112x16xf32, #tpu.memory_space<vmem_shared>> -> memref<64x16xf32, #tpu.memory_space<vmem_shared>>
      %dma_wait3A_132 = arith.constant 0 : i32
      %dma_wait3A_133 = arith.constant 0 : i32
      %dma_wait3A_134 = tpu.memref_slice %arg34[%dma_wait3A_132, %dma_wait3A_133] : memref<64x16xf32, #tpu.memory_space<vmem>> -> memref<64x16xf32, #tpu.memory_space<vmem>>
      tpu.wait_dma2 semaphore(%run_scoped3A : memref<!tpu.dma_semaphore, #tpu.memory_space<semaphore_mem>>) src(%dma_wait3A_134 : memref<64x16xf32, #tpu.memory_space<vmem>>) dst(%dma_wait3A_131 : memref<64x16xf32, #tpu.memory_space<vmem_shared>>)
      tpu.yield
    }) : () -> ()
    %mul3A_28 = arith.constant 632 : i32
    %mul3A_29 = arith.muli %arg1, %mul3A_28 : i32
    %add3A_30 = arith.constant 64 : i32
    %add3A_31 = arith.addi %mul3A_29, %add3A_30 : i32
    "tpu.region"() ({
      %run_scoped3A = tpu.sem_alloc : memref<!tpu.dma_semaphore, #tpu.memory_space<semaphore_mem>>
      %dma_start3A = arith.constant 0 : i32
      %dma_start3A_117 = arith.constant 0 : i32
      %dma_start3A_118 = tpu.memref_slice %arg9[%dma_start3A, %dma_start3A_117] : memref<64x128xbf16, #tpu.memory_space<vmem>> -> memref<64x128xbf16, #tpu.memory_space<vmem>>
      %dma_start3A_119 = arith.constant 0 : i32
      %dma_start3A_120 = tpu.memref_slice %arg36[%add3A_31, %dma_start3A_119] : memref<10112x128xbf16, #tpu.memory_space<vmem_shared>> -> memref<64x128xbf16, #tpu.memory_space<vmem_shared>>
      %dma_start3A_121 = arith.constant 0 : i32
      %dma_start3A_122 = tpu.memref_slice %arg36[%add3A_31, %dma_start3A_121] : memref<10112x128xbf16, #tpu.memory_space<vmem_shared>> -> memref<64x128xbf16, #tpu.memory_space<vmem_shared>>
      %dma_start3A_123 = arith.constant 0 : i32
      %dma_start3A_124 = arith.constant 0 : i32
      %dma_start3A_125 = tpu.memref_slice %arg9[%dma_start3A_123, %dma_start3A_124] : memref<64x128xbf16, #tpu.memory_space<vmem>> -> memref<64x128xbf16, #tpu.memory_space<vmem>>
      tpu.enqueue_dma source(%dma_start3A_125 : memref<64x128xbf16, #tpu.memory_space<vmem>>) target(%dma_start3A_122 : memref<64x128xbf16, #tpu.memory_space<vmem_shared>>) target_semaphore(%run_scoped3A : memref<!tpu.dma_semaphore, #tpu.memory_space<semaphore_mem>>)
      %dma_wait3A = arith.constant 0 : i32
      %dma_wait3A_126 = arith.constant 0 : i32
      %dma_wait3A_127 = tpu.memref_slice %arg9[%dma_wait3A, %dma_wait3A_126] : memref<64x128xbf16, #tpu.memory_space<vmem>> -> memref<64x128xbf16, #tpu.memory_space<vmem>>
      %dma_wait3A_128 = arith.constant 0 : i32
      %dma_wait3A_129 = tpu.memref_slice %arg36[%add3A_31, %dma_wait3A_128] : memref<10112x128xbf16, #tpu.memory_space<vmem_shared>> -> memref<64x128xbf16, #tpu.memory_space<vmem_shared>>
      %dma_wait3A_130 = arith.constant 0 : i32
      %dma_wait3A_131 = tpu.memref_slice %arg36[%add3A_31, %dma_wait3A_130] : memref<10112x128xbf16, #tpu.memory_space<vmem_shared>> -> memref<64x128xbf16, #tpu.memory_space<vmem_shared>>
      %dma_wait3A_132 = arith.constant 0 : i32
      %dma_wait3A_133 = arith.constant 0 : i32
      %dma_wait3A_134 = tpu.memref_slice %arg9[%dma_wait3A_132, %dma_wait3A_133] : memref<64x128xbf16, #tpu.memory_space<vmem>> -> memref<64x128xbf16, #tpu.memory_space<vmem>>
      tpu.wait_dma2 semaphore(%run_scoped3A : memref<!tpu.dma_semaphore, #tpu.memory_space<semaphore_mem>>) src(%dma_wait3A_134 : memref<64x128xbf16, #tpu.memory_space<vmem>>) dst(%dma_wait3A_131 : memref<64x128xbf16, #tpu.memory_space<vmem_shared>>)
      tpu.yield
    }) : () -> ()
    %mul3A_32 = arith.constant 632 : i32
    %mul3A_33 = arith.muli %arg1, %mul3A_32 : i32
    %add3A_34 = arith.constant 64 : i32
    %add3A_35 = arith.addi %mul3A_33, %add3A_34 : i32
    "tpu.region"() ({
      %run_scoped3A = tpu.sem_alloc : memref<!tpu.dma_semaphore, #tpu.memory_space<semaphore_mem>>
      %dma_start3A = arith.constant 0 : i32
      %dma_start3A_117 = arith.constant 0 : i32
      %dma_start3A_118 = tpu.memref_slice %arg34[%dma_start3A, %dma_start3A_117] : memref<64x16xf32, #tpu.memory_space<vmem>> -> memref<64x16xf32, #tpu.memory_space<vmem>>
      %dma_start3A_119 = arith.constant 0 : i32
      %dma_start3A_120 = tpu.memref_slice %arg37[%add3A_35, %dma_start3A_119] : memref<10112x16xf32, #tpu.memory_space<vmem_shared>> -> memref<64x16xf32, #tpu.memory_space<vmem_shared>>
      %dma_start3A_121 = arith.constant 0 : i32
      %dma_start3A_122 = tpu.memref_slice %arg37[%add3A_35, %dma_start3A_121] : memref<10112x16xf32, #tpu.memory_space<vmem_shared>> -> memref<64x16xf32, #tpu.memory_space<vmem_shared>>
      %dma_start3A_123 = arith.constant 0 : i32
      %dma_start3A_124 = arith.constant 0 : i32
      %dma_start3A_125 = tpu.memref_slice %arg34[%dma_start3A_123, %dma_start3A_124] : memref<64x16xf32, #tpu.memory_space<vmem>> -> memref<64x16xf32, #tpu.memory_space<vmem>>
      tpu.enqueue_dma source(%dma_start3A_125 : memref<64x16xf32, #tpu.memory_space<vmem>>) target(%dma_start3A_122 : memref<64x16xf32, #tpu.memory_space<vmem_shared>>) target_semaphore(%run_scoped3A : memref<!tpu.dma_semaphore, #tpu.memory_space<semaphore_mem>>)
      %dma_wait3A = arith.constant 0 : i32
      %dma_wait3A_126 = arith.constant 0 : i32
      %dma_wait3A_127 = tpu.memref_slice %arg34[%dma_wait3A, %dma_wait3A_126] : memref<64x16xf32, #tpu.memory_space<vmem>> -> memref<64x16xf32, #tpu.memory_space<vmem>>
      %dma_wait3A_128 = arith.constant 0 : i32
      %dma_wait3A_129 = tpu.memref_slice %arg37[%add3A_35, %dma_wait3A_128] : memref<10112x16xf32, #tpu.memory_space<vmem_shared>> -> memref<64x16xf32, #tpu.memory_space<vmem_shared>>
      %dma_wait3A_130 = arith.constant 0 : i32
      %dma_wait3A_131 = tpu.memref_slice %arg37[%add3A_35, %dma_wait3A_130] : memref<10112x16xf32, #tpu.memory_space<vmem_shared>> -> memref<64x16xf32, #tpu.memory_space<vmem_shared>>
      %dma_wait3A_132 = arith.constant 0 : i32
      %dma_wait3A_133 = arith.constant 0 : i32
      %dma_wait3A_134 = tpu.memref_slice %arg34[%dma_wait3A_132, %dma_wait3A_133] : memref<64x16xf32, #tpu.memory_space<vmem>> -> memref<64x16xf32, #tpu.memory_space<vmem>>
      tpu.wait_dma2 semaphore(%run_scoped3A : memref<!tpu.dma_semaphore, #tpu.memory_space<semaphore_mem>>) src(%dma_wait3A_134 : memref<64x16xf32, #tpu.memory_space<vmem>>) dst(%dma_wait3A_131 : memref<64x16xf32, #tpu.memory_space<vmem_shared>>)
      tpu.yield
    }) : () -> ()
    %mul3A_36 = arith.constant 632 : i32
    %mul3A_37 = arith.muli %arg1, %mul3A_36 : i32
    %add3A_38 = arith.constant 128 : i32
    %add3A_39 = arith.addi %mul3A_37, %add3A_38 : i32
    "tpu.region"() ({
      %run_scoped3A = tpu.sem_alloc : memref<!tpu.dma_semaphore, #tpu.memory_space<semaphore_mem>>
      %dma_start3A = arith.constant 0 : i32
      %dma_start3A_117 = arith.constant 0 : i32
      %dma_start3A_118 = tpu.memref_slice %arg9[%dma_start3A, %dma_start3A_117] : memref<64x128xbf16, #tpu.memory_space<vmem>> -> memref<64x128xbf16, #tpu.memory_space<vmem>>
      %dma_start3A_119 = arith.constant 0 : i32
      %dma_start3A_120 = tpu.memref_slice %arg36[%add3A_39, %dma_start3A_119] : memref<10112x128xbf16, #tpu.memory_space<vmem_shared>> -> memref<64x128xbf16, #tpu.memory_space<vmem_shared>>
      %dma_start3A_121 = arith.constant 0 : i32
      %dma_start3A_122 = tpu.memref_slice %arg36[%add3A_39, %dma_start3A_121] : memref<10112x128xbf16, #tpu.memory_space<vmem_shared>> -> memref<64x128xbf16, #tpu.memory_space<vmem_shared>>
      %dma_start3A_123 = arith.constant 0 : i32
      %dma_start3A_124 = arith.constant 0 : i32
      %dma_start3A_125 = tpu.memref_slice %arg9[%dma_start3A_123, %dma_start3A_124] : memref<64x128xbf16, #tpu.memory_space<vmem>> -> memref<64x128xbf16, #tpu.memory_space<vmem>>
      tpu.enqueue_dma source(%dma_start3A_125 : memref<64x128xbf16, #tpu.memory_space<vmem>>) target(%dma_start3A_122 : memref<64x128xbf16, #tpu.memory_space<vmem_shared>>) target_semaphore(%run_scoped3A : memref<!tpu.dma_semaphore, #tpu.memory_space<semaphore_mem>>)
      %dma_wait3A = arith.constant 0 : i32
      %dma_wait3A_126 = arith.constant 0 : i32
      %dma_wait3A_127 = tpu.memref_slice %arg9[%dma_wait3A, %dma_wait3A_126] : memref<64x128xbf16, #tpu.memory_space<vmem>> -> memref<64x128xbf16, #tpu.memory_space<vmem>>
      %dma_wait3A_128 = arith.constant 0 : i32
      %dma_wait3A_129 = tpu.memref_slice %arg36[%add3A_39, %dma_wait3A_128] : memref<10112x128xbf16, #tpu.memory_space<vmem_shared>> -> memref<64x128xbf16, #tpu.memory_space<vmem_shared>>
      %dma_wait3A_130 = arith.constant 0 : i32
      %dma_wait3A_131 = tpu.memref_slice %arg36[%add3A_39, %dma_wait3A_130] : memref<10112x128xbf16, #tpu.memory_space<vmem_shared>> -> memref<64x128xbf16, #tpu.memory_space<vmem_shared>>
      %dma_wait3A_132 = arith.constant 0 : i32
      %dma_wait3A_133 = arith.constant 0 : i32
      %dma_wait3A_134 = tpu.memref_slice %arg9[%dma_wait3A_132, %dma_wait3A_133] : memref<64x128xbf16, #tpu.memory_space<vmem>> -> memref<64x128xbf16, #tpu.memory_space<vmem>>
      tpu.wait_dma2 semaphore(%run_scoped3A : memref<!tpu.dma_semaphore, #tpu.memory_space<semaphore_mem>>) src(%dma_wait3A_134 : memref<64x128xbf16, #tpu.memory_space<vmem>>) dst(%dma_wait3A_131 : memref<64x128xbf16, #tpu.memory_space<vmem_shared>>)
      tpu.yield
    }) : () -> ()
    %mul3A_40 = arith.constant 632 : i32
    %mul3A_41 = arith.muli %arg1, %mul3A_40 : i32
    %add3A_42 = arith.constant 128 : i32
    %add3A_43 = arith.addi %mul3A_41, %add3A_42 : i32
    "tpu.region"() ({
      %run_scoped3A = tpu.sem_alloc : memref<!tpu.dma_semaphore, #tpu.memory_space<semaphore_mem>>
      %dma_start3A = arith.constant 0 : i32
      %dma_start3A_117 = arith.constant 0 : i32
      %dma_start3A_118 = tpu.memref_slice %arg34[%dma_start3A, %dma_start3A_117] : memref<64x16xf32, #tpu.memory_space<vmem>> -> memref<64x16xf32, #tpu.memory_space<vmem>>
      %dma_start3A_119 = arith.constant 0 : i32
      %dma_start3A_120 = tpu.memref_slice %arg37[%add3A_43, %dma_start3A_119] : memref<10112x16xf32, #tpu.memory_space<vmem_shared>> -> memref<64x16xf32, #tpu.memory_space<vmem_shared>>
      %dma_start3A_121 = arith.constant 0 : i32
      %dma_start3A_122 = tpu.memref_slice %arg37[%add3A_43, %dma_start3A_121] : memref<10112x16xf32, #tpu.memory_space<vmem_shared>> -> memref<64x16xf32, #tpu.memory_space<vmem_shared>>
      %dma_start3A_123 = arith.constant 0 : i32
      %dma_start3A_124 = arith.constant 0 : i32
      %dma_start3A_125 = tpu.memref_slice %arg34[%dma_start3A_123, %dma_start3A_124] : memref<64x16xf32, #tpu.memory_space<vmem>> -> memref<64x16xf32, #tpu.memory_space<vmem>>
      tpu.enqueue_dma source(%dma_start3A_125 : memref<64x16xf32, #tpu.memory_space<vmem>>) target(%dma_start3A_122 : memref<64x16xf32, #tpu.memory_space<vmem_shared>>) target_semaphore(%run_scoped3A : memref<!tpu.dma_semaphore, #tpu.memory_space<semaphore_mem>>)
      %dma_wait3A = arith.constant 0 : i32
      %dma_wait3A_126 = arith.constant 0 : i32
      %dma_wait3A_127 = tpu.memref_slice %arg34[%dma_wait3A, %dma_wait3A_126] : memref<64x16xf32, #tpu.memory_space<vmem>> -> memref<64x16xf32, #tpu.memory_space<vmem>>
      %dma_wait3A_128 = arith.constant 0 : i32
      %dma_wait3A_129 = tpu.memref_slice %arg37[%add3A_43, %dma_wait3A_128] : memref<10112x16xf32, #tpu.memory_space<vmem_shared>> -> memref<64x16xf32, #tpu.memory_space<vmem_shared>>
      %dma_wait3A_130 = arith.constant 0 : i32
      %dma_wait3A_131 = tpu.memref_slice %arg37[%add3A_43, %dma_wait3A_130] : memref<10112x16xf32, #tpu.memory_space<vmem_shared>> -> memref<64x16xf32, #tpu.memory_space<vmem_shared>>
      %dma_wait3A_132 = arith.constant 0 : i32
      %dma_wait3A_133 = arith.constant 0 : i32
      %dma_wait3A_134 = tpu.memref_slice %arg34[%dma_wait3A_132, %dma_wait3A_133] : memref<64x16xf32, #tpu.memory_space<vmem>> -> memref<64x16xf32, #tpu.memory_space<vmem>>
      tpu.wait_dma2 semaphore(%run_scoped3A : memref<!tpu.dma_semaphore, #tpu.memory_space<semaphore_mem>>) src(%dma_wait3A_134 : memref<64x16xf32, #tpu.memory_space<vmem>>) dst(%dma_wait3A_131 : memref<64x16xf32, #tpu.memory_space<vmem_shared>>)
      tpu.yield
    }) : () -> ()
    %mul3A_44 = arith.constant 632 : i32
    %mul3A_45 = arith.muli %arg1, %mul3A_44 : i32
    %add3A_46 = arith.constant 192 : i32
    %add3A_47 = arith.addi %mul3A_45, %add3A_46 : i32
    "tpu.region"() ({
      %run_scoped3A = tpu.sem_alloc : memref<!tpu.dma_semaphore, #tpu.memory_space<semaphore_mem>>
      %dma_start3A = arith.constant 0 : i32
      %dma_start3A_117 = arith.constant 0 : i32
      %dma_start3A_118 = tpu.memref_slice %arg9[%dma_start3A, %dma_start3A_117] : memref<64x128xbf16, #tpu.memory_space<vmem>> -> memref<64x128xbf16, #tpu.memory_space<vmem>>
      %dma_start3A_119 = arith.constant 0 : i32
      %dma_start3A_120 = tpu.memref_slice %arg36[%add3A_47, %dma_start3A_119] : memref<10112x128xbf16, #tpu.memory_space<vmem_shared>> -> memref<64x128xbf16, #tpu.memory_space<vmem_shared>>
      %dma_start3A_121 = arith.constant 0 : i32
      %dma_start3A_122 = tpu.memref_slice %arg36[%add3A_47, %dma_start3A_121] : memref<10112x128xbf16, #tpu.memory_space<vmem_shared>> -> memref<64x128xbf16, #tpu.memory_space<vmem_shared>>
      %dma_start3A_123 = arith.constant 0 : i32
      %dma_start3A_124 = arith.constant 0 : i32
      %dma_start3A_125 = tpu.memref_slice %arg9[%dma_start3A_123, %dma_start3A_124] : memref<64x128xbf16, #tpu.memory_space<vmem>> -> memref<64x128xbf16, #tpu.memory_space<vmem>>
      tpu.enqueue_dma source(%dma_start3A_125 : memref<64x128xbf16, #tpu.memory_space<vmem>>) target(%dma_start3A_122 : memref<64x128xbf16, #tpu.memory_space<vmem_shared>>) target_semaphore(%run_scoped3A : memref<!tpu.dma_semaphore, #tpu.memory_space<semaphore_mem>>)
      %dma_wait3A = arith.constant 0 : i32
      %dma_wait3A_126 = arith.constant 0 : i32
      %dma_wait3A_127 = tpu.memref_slice %arg9[%dma_wait3A, %dma_wait3A_126] : memref<64x128xbf16, #tpu.memory_space<vmem>> -> memref<64x128xbf16, #tpu.memory_space<vmem>>
      %dma_wait3A_128 = arith.constant 0 : i32
      %dma_wait3A_129 = tpu.memref_slice %arg36[%add3A_47, %dma_wait3A_128] : memref<10112x128xbf16, #tpu.memory_space<vmem_shared>> -> memref<64x128xbf16, #tpu.memory_space<vmem_shared>>
      %dma_wait3A_130 = arith.constant 0 : i32
      %dma_wait3A_131 = tpu.memref_slice %arg36[%add3A_47, %dma_wait3A_130] : memref<10112x128xbf16, #tpu.memory_space<vmem_shared>> -> memref<64x128xbf16, #tpu.memory_space<vmem_shared>>
      %dma_wait3A_132 = arith.constant 0 : i32
      %dma_wait3A_133 = arith.constant 0 : i32
      %dma_wait3A_134 = tpu.memref_slice %arg9[%dma_wait3A_132, %dma_wait3A_133] : memref<64x128xbf16, #tpu.memory_space<vmem>> -> memref<64x128xbf16, #tpu.memory_space<vmem>>
      tpu.wait_dma2 semaphore(%run_scoped3A : memref<!tpu.dma_semaphore, #tpu.memory_space<semaphore_mem>>) src(%dma_wait3A_134 : memref<64x128xbf16, #tpu.memory_space<vmem>>) dst(%dma_wait3A_131 : memref<64x128xbf16, #tpu.memory_space<vmem_shared>>)
      tpu.yield
    }) : () -> ()
    %mul3A_48 = arith.constant 632 : i32
    %mul3A_49 = arith.muli %arg1, %mul3A_48 : i32
    %add3A_50 = arith.constant 192 : i32
    %add3A_51 = arith.addi %mul3A_49, %add3A_50 : i32
    "tpu.region"() ({
      %run_scoped3A = tpu.sem_alloc : memref<!tpu.dma_semaphore, #tpu.memory_space<semaphore_mem>>
      %dma_start3A = arith.constant 0 : i32
      %dma_start3A_117 = arith.constant 0 : i32
      %dma_start3A_118 = tpu.memref_slice %arg34[%dma_start3A, %dma_start3A_117] : memref<64x16xf32, #tpu.memory_space<vmem>> -> memref<64x16xf32, #tpu.memory_space<vmem>>
      %dma_start3A_119 = arith.constant 0 : i32
      %dma_start3A_120 = tpu.memref_slice %arg37[%add3A_51, %dma_start3A_119] : memref<10112x16xf32, #tpu.memory_space<vmem_shared>> -> memref<64x16xf32, #tpu.memory_space<vmem_shared>>
      %dma_start3A_121 = arith.constant 0 : i32
      %dma_start3A_122 = tpu.memref_slice %arg37[%add3A_51, %dma_start3A_121] : memref<10112x16xf32, #tpu.memory_space<vmem_shared>> -> memref<64x16xf32, #tpu.memory_space<vmem_shared>>
      %dma_start3A_123 = arith.constant 0 : i32
      %dma_start3A_124 = arith.constant 0 : i32
      %dma_start3A_125 = tpu.memref_slice %arg34[%dma_start3A_123, %dma_start3A_124] : memref<64x16xf32, #tpu.memory_space<vmem>> -> memref<64x16xf32, #tpu.memory_space<vmem>>
      tpu.enqueue_dma source(%dma_start3A_125 : memref<64x16xf32, #tpu.memory_space<vmem>>) target(%dma_start3A_122 : memref<64x16xf32, #tpu.memory_space<vmem_shared>>) target_semaphore(%run_scoped3A : memref<!tpu.dma_semaphore, #tpu.memory_space<semaphore_mem>>)
      %dma_wait3A = arith.constant 0 : i32
      %dma_wait3A_126 = arith.constant 0 : i32
      %dma_wait3A_127 = tpu.memref_slice %arg34[%dma_wait3A, %dma_wait3A_126] : memref<64x16xf32, #tpu.memory_space<vmem>> -> memref<64x16xf32, #tpu.memory_space<vmem>>
      %dma_wait3A_128 = arith.constant 0 : i32
      %dma_wait3A_129 = tpu.memref_slice %arg37[%add3A_51, %dma_wait3A_128] : memref<10112x16xf32, #tpu.memory_space<vmem_shared>> -> memref<64x16xf32, #tpu.memory_space<vmem_shared>>
      %dma_wait3A_130 = arith.constant 0 : i32
      %dma_wait3A_131 = tpu.memref_slice %arg37[%add3A_51, %dma_wait3A_130] : memref<10112x16xf32, #tpu.memory_space<vmem_shared>> -> memref<64x16xf32, #tpu.memory_space<vmem_shared>>
      %dma_wait3A_132 = arith.constant 0 : i32
      %dma_wait3A_133 = arith.constant 0 : i32
      %dma_wait3A_134 = tpu.memref_slice %arg34[%dma_wait3A_132, %dma_wait3A_133] : memref<64x16xf32, #tpu.memory_space<vmem>> -> memref<64x16xf32, #tpu.memory_space<vmem>>
      tpu.wait_dma2 semaphore(%run_scoped3A : memref<!tpu.dma_semaphore, #tpu.memory_space<semaphore_mem>>) src(%dma_wait3A_134 : memref<64x16xf32, #tpu.memory_space<vmem>>) dst(%dma_wait3A_131 : memref<64x16xf32, #tpu.memory_space<vmem_shared>>)
      tpu.yield
    }) : () -> ()
    %mul3A_52 = arith.constant 632 : i32
    %mul3A_53 = arith.muli %arg1, %mul3A_52 : i32
    %add3A_54 = arith.constant 256 : i32
    %add3A_55 = arith.addi %mul3A_53, %add3A_54 : i32
    "tpu.region"() ({
      %run_scoped3A = tpu.sem_alloc : memref<!tpu.dma_semaphore, #tpu.memory_space<semaphore_mem>>
      %dma_start3A = arith.constant 0 : i32
      %dma_start3A_117 = arith.constant 0 : i32
      %dma_start3A_118 = tpu.memref_slice %arg9[%dma_start3A, %dma_start3A_117] : memref<64x128xbf16, #tpu.memory_space<vmem>> -> memref<64x128xbf16, #tpu.memory_space<vmem>>
      %dma_start3A_119 = arith.constant 0 : i32
      %dma_start3A_120 = tpu.memref_slice %arg36[%add3A_55, %dma_start3A_119] : memref<10112x128xbf16, #tpu.memory_space<vmem_shared>> -> memref<64x128xbf16, #tpu.memory_space<vmem_shared>>
      %dma_start3A_121 = arith.constant 0 : i32
      %dma_start3A_122 = tpu.memref_slice %arg36[%add3A_55, %dma_start3A_121] : memref<10112x128xbf16, #tpu.memory_space<vmem_shared>> -> memref<64x128xbf16, #tpu.memory_space<vmem_shared>>
      %dma_start3A_123 = arith.constant 0 : i32
      %dma_start3A_124 = arith.constant 0 : i32
      %dma_start3A_125 = tpu.memref_slice %arg9[%dma_start3A_123, %dma_start3A_124] : memref<64x128xbf16, #tpu.memory_space<vmem>> -> memref<64x128xbf16, #tpu.memory_space<vmem>>
      tpu.enqueue_dma source(%dma_start3A_125 : memref<64x128xbf16, #tpu.memory_space<vmem>>) target(%dma_start3A_122 : memref<64x128xbf16, #tpu.memory_space<vmem_shared>>) target_semaphore(%run_scoped3A : memref<!tpu.dma_semaphore, #tpu.memory_space<semaphore_mem>>)
      %dma_wait3A = arith.constant 0 : i32
      %dma_wait3A_126 = arith.constant 0 : i32
      %dma_wait3A_127 = tpu.memref_slice %arg9[%dma_wait3A, %dma_wait3A_126] : memref<64x128xbf16, #tpu.memory_space<vmem>> -> memref<64x128xbf16, #tpu.memory_space<vmem>>
      %dma_wait3A_128 = arith.constant 0 : i32
      %dma_wait3A_129 = tpu.memref_slice %arg36[%add3A_55, %dma_wait3A_128] : memref<10112x128xbf16, #tpu.memory_space<vmem_shared>> -> memref<64x128xbf16, #tpu.memory_space<vmem_shared>>
      %dma_wait3A_130 = arith.constant 0 : i32
      %dma_wait3A_131 = tpu.memref_slice %arg36[%add3A_55, %dma_wait3A_130] : memref<10112x128xbf16, #tpu.memory_space<vmem_shared>> -> memref<64x128xbf16, #tpu.memory_space<vmem_shared>>
      %dma_wait3A_132 = arith.constant 0 : i32
      %dma_wait3A_133 = arith.constant 0 : i32
      %dma_wait3A_134 = tpu.memref_slice %arg9[%dma_wait3A_132, %dma_wait3A_133] : memref<64x128xbf16, #tpu.memory_space<vmem>> -> memref<64x128xbf16, #tpu.memory_space<vmem>>
      tpu.wait_dma2 semaphore(%run_scoped3A : memref<!tpu.dma_semaphore, #tpu.memory_space<semaphore_mem>>) src(%dma_wait3A_134 : memref<64x128xbf16, #tpu.memory_space<vmem>>) dst(%dma_wait3A_131 : memref<64x128xbf16, #tpu.memory_space<vmem_shared>>)
      tpu.yield
    }) : () -> ()
    %mul3A_56 = arith.constant 632 : i32
    %mul3A_57 = arith.muli %arg1, %mul3A_56 : i32
    %add3A_58 = arith.constant 256 : i32
    %add3A_59 = arith.addi %mul3A_57, %add3A_58 : i32
    "tpu.region"() ({
      %run_scoped3A = tpu.sem_alloc : memref<!tpu.dma_semaphore, #tpu.memory_space<semaphore_mem>>
      %dma_start3A = arith.constant 0 : i32
      %dma_start3A_117 = arith.constant 0 : i32
      %dma_start3A_118 = tpu.memref_slice %arg34[%dma_start3A, %dma_start3A_117] : memref<64x16xf32, #tpu.memory_space<vmem>> -> memref<64x16xf32, #tpu.memory_space<vmem>>
      %dma_start3A_119 = arith.constant 0 : i32
      %dma_start3A_120 = tpu.memref_slice %arg37[%add3A_59, %dma_start3A_119] : memref<10112x16xf32, #tpu.memory_space<vmem_shared>> -> memref<64x16xf32, #tpu.memory_space<vmem_shared>>
      %dma_start3A_121 = arith.constant 0 : i32
      %dma_start3A_122 = tpu.memref_slice %arg37[%add3A_59, %dma_start3A_121] : memref<10112x16xf32, #tpu.memory_space<vmem_shared>> -> memref<64x16xf32, #tpu.memory_space<vmem_shared>>
      %dma_start3A_123 = arith.constant 0 : i32
      %dma_start3A_124 = arith.constant 0 : i32
      %dma_start3A_125 = tpu.memref_slice %arg34[%dma_start3A_123, %dma_start3A_124] : memref<64x16xf32, #tpu.memory_space<vmem>> -> memref<64x16xf32, #tpu.memory_space<vmem>>
      tpu.enqueue_dma source(%dma_start3A_125 : memref<64x16xf32, #tpu.memory_space<vmem>>) target(%dma_start3A_122 : memref<64x16xf32, #tpu.memory_space<vmem_shared>>) target_semaphore(%run_scoped3A : memref<!tpu.dma_semaphore, #tpu.memory_space<semaphore_mem>>)
      %dma_wait3A = arith.constant 0 : i32
      %dma_wait3A_126 = arith.constant 0 : i32
      %dma_wait3A_127 = tpu.memref_slice %arg34[%dma_wait3A, %dma_wait3A_126] : memref<64x16xf32, #tpu.memory_space<vmem>> -> memref<64x16xf32, #tpu.memory_space<vmem>>
      %dma_wait3A_128 = arith.constant 0 : i32
      %dma_wait3A_129 = tpu.memref_slice %arg37[%add3A_59, %dma_wait3A_128] : memref<10112x16xf32, #tpu.memory_space<vmem_shared>> -> memref<64x16xf32, #tpu.memory_space<vmem_shared>>
      %dma_wait3A_130 = arith.constant 0 : i32
      %dma_wait3A_131 = tpu.memref_slice %arg37[%add3A_59, %dma_wait3A_130] : memref<10112x16xf32, #tpu.memory_space<vmem_shared>> -> memref<64x16xf32, #tpu.memory_space<vmem_shared>>
      %dma_wait3A_132 = arith.constant 0 : i32
      %dma_wait3A_133 = arith.constant 0 : i32
      %dma_wait3A_134 = tpu.memref_slice %arg34[%dma_wait3A_132, %dma_wait3A_133] : memref<64x16xf32, #tpu.memory_space<vmem>> -> memref<64x16xf32, #tpu.memory_space<vmem>>
      tpu.wait_dma2 semaphore(%run_scoped3A : memref<!tpu.dma_semaphore, #tpu.memory_space<semaphore_mem>>) src(%dma_wait3A_134 : memref<64x16xf32, #tpu.memory_space<vmem>>) dst(%dma_wait3A_131 : memref<64x16xf32, #tpu.memory_space<vmem_shared>>)
      tpu.yield
    }) : () -> ()
    %mul3A_60 = arith.constant 632 : i32
    %mul3A_61 = arith.muli %arg1, %mul3A_60 : i32
    %add3A_62 = arith.constant 320 : i32
    %add3A_63 = arith.addi %mul3A_61, %add3A_62 : i32
    "tpu.region"() ({
      %run_scoped3A = tpu.sem_alloc : memref<!tpu.dma_semaphore, #tpu.memory_space<semaphore_mem>>
      %dma_start3A = arith.constant 0 : i32
      %dma_start3A_117 = arith.constant 0 : i32
      %dma_start3A_118 = tpu.memref_slice %arg9[%dma_start3A, %dma_start3A_117] : memref<64x128xbf16, #tpu.memory_space<vmem>> -> memref<64x128xbf16, #tpu.memory_space<vmem>>
      %dma_start3A_119 = arith.constant 0 : i32
      %dma_start3A_120 = tpu.memref_slice %arg36[%add3A_63, %dma_start3A_119] : memref<10112x128xbf16, #tpu.memory_space<vmem_shared>> -> memref<64x128xbf16, #tpu.memory_space<vmem_shared>>
      %dma_start3A_121 = arith.constant 0 : i32
      %dma_start3A_122 = tpu.memref_slice %arg36[%add3A_63, %dma_start3A_121] : memref<10112x128xbf16, #tpu.memory_space<vmem_shared>> -> memref<64x128xbf16, #tpu.memory_space<vmem_shared>>
      %dma_start3A_123 = arith.constant 0 : i32
      %dma_start3A_124 = arith.constant 0 : i32
      %dma_start3A_125 = tpu.memref_slice %arg9[%dma_start3A_123, %dma_start3A_124] : memref<64x128xbf16, #tpu.memory_space<vmem>> -> memref<64x128xbf16, #tpu.memory_space<vmem>>
      tpu.enqueue_dma source(%dma_start3A_125 : memref<64x128xbf16, #tpu.memory_space<vmem>>) target(%dma_start3A_122 : memref<64x128xbf16, #tpu.memory_space<vmem_shared>>) target_semaphore(%run_scoped3A : memref<!tpu.dma_semaphore, #tpu.memory_space<semaphore_mem>>)
      %dma_wait3A = arith.constant 0 : i32
      %dma_wait3A_126 = arith.constant 0 : i32
      %dma_wait3A_127 = tpu.memref_slice %arg9[%dma_wait3A, %dma_wait3A_126] : memref<64x128xbf16, #tpu.memory_space<vmem>> -> memref<64x128xbf16, #tpu.memory_space<vmem>>
      %dma_wait3A_128 = arith.constant 0 : i32
      %dma_wait3A_129 = tpu.memref_slice %arg36[%add3A_63, %dma_wait3A_128] : memref<10112x128xbf16, #tpu.memory_space<vmem_shared>> -> memref<64x128xbf16, #tpu.memory_space<vmem_shared>>
      %dma_wait3A_130 = arith.constant 0 : i32
      %dma_wait3A_131 = tpu.memref_slice %arg36[%add3A_63, %dma_wait3A_130] : memref<10112x128xbf16, #tpu.memory_space<vmem_shared>> -> memref<64x128xbf16, #tpu.memory_space<vmem_shared>>
      %dma_wait3A_132 = arith.constant 0 : i32
      %dma_wait3A_133 = arith.constant 0 : i32
      %dma_wait3A_134 = tpu.memref_slice %arg9[%dma_wait3A_132, %dma_wait3A_133] : memref<64x128xbf16, #tpu.memory_space<vmem>> -> memref<64x128xbf16, #tpu.memory_space<vmem>>
      tpu.wait_dma2 semaphore(%run_scoped3A : memref<!tpu.dma_semaphore, #tpu.memory_space<semaphore_mem>>) src(%dma_wait3A_134 : memref<64x128xbf16, #tpu.memory_space<vmem>>) dst(%dma_wait3A_131 : memref<64x128xbf16, #tpu.memory_space<vmem_shared>>)
      tpu.yield
    }) : () -> ()
    %mul3A_64 = arith.constant 632 : i32
    %mul3A_65 = arith.muli %arg1, %mul3A_64 : i32
    %add3A_66 = arith.constant 320 : i32
    %add3A_67 = arith.addi %mul3A_65, %add3A_66 : i32
    "tpu.region"() ({
      %run_scoped3A = tpu.sem_alloc : memref<!tpu.dma_semaphore, #tpu.memory_space<semaphore_mem>>
      %dma_start3A = arith.constant 0 : i32
      %dma_start3A_117 = arith.constant 0 : i32
      %dma_start3A_118 = tpu.memref_slice %arg34[%dma_start3A, %dma_start3A_117] : memref<64x16xf32, #tpu.memory_space<vmem>> -> memref<64x16xf32, #tpu.memory_space<vmem>>
      %dma_start3A_119 = arith.constant 0 : i32
      %dma_start3A_120 = tpu.memref_slice %arg37[%add3A_67, %dma_start3A_119] : memref<10112x16xf32, #tpu.memory_space<vmem_shared>> -> memref<64x16xf32, #tpu.memory_space<vmem_shared>>
      %dma_start3A_121 = arith.constant 0 : i32
      %dma_start3A_122 = tpu.memref_slice %arg37[%add3A_67, %dma_start3A_121] : memref<10112x16xf32, #tpu.memory_space<vmem_shared>> -> memref<64x16xf32, #tpu.memory_space<vmem_shared>>
      %dma_start3A_123 = arith.constant 0 : i32
      %dma_start3A_124 = arith.constant 0 : i32
      %dma_start3A_125 = tpu.memref_slice %arg34[%dma_start3A_123, %dma_start3A_124] : memref<64x16xf32, #tpu.memory_space<vmem>> -> memref<64x16xf32, #tpu.memory_space<vmem>>
      tpu.enqueue_dma source(%dma_start3A_125 : memref<64x16xf32, #tpu.memory_space<vmem>>) target(%dma_start3A_122 : memref<64x16xf32, #tpu.memory_space<vmem_shared>>) target_semaphore(%run_scoped3A : memref<!tpu.dma_semaphore, #tpu.memory_space<semaphore_mem>>)
      %dma_wait3A = arith.constant 0 : i32
      %dma_wait3A_126 = arith.constant 0 : i32
      %dma_wait3A_127 = tpu.memref_slice %arg34[%dma_wait3A, %dma_wait3A_126] : memref<64x16xf32, #tpu.memory_space<vmem>> -> memref<64x16xf32, #tpu.memory_space<vmem>>
      %dma_wait3A_128 = arith.constant 0 : i32
      %dma_wait3A_129 = tpu.memref_slice %arg37[%add3A_67, %dma_wait3A_128] : memref<10112x16xf32, #tpu.memory_space<vmem_shared>> -> memref<64x16xf32, #tpu.memory_space<vmem_shared>>
      %dma_wait3A_130 = arith.constant 0 : i32
      %dma_wait3A_131 = tpu.memref_slice %arg37[%add3A_67, %dma_wait3A_130] : memref<10112x16xf32, #tpu.memory_space<vmem_shared>> -> memref<64x16xf32, #tpu.memory_space<vmem_shared>>
      %dma_wait3A_132 = arith.constant 0 : i32
      %dma_wait3A_133 = arith.constant 0 : i32
      %dma_wait3A_134 = tpu.memref_slice %arg34[%dma_wait3A_132, %dma_wait3A_133] : memref<64x16xf32, #tpu.memory_space<vmem>> -> memref<64x16xf32, #tpu.memory_space<vmem>>
      tpu.wait_dma2 semaphore(%run_scoped3A : memref<!tpu.dma_semaphore, #tpu.memory_space<semaphore_mem>>) src(%dma_wait3A_134 : memref<64x16xf32, #tpu.memory_space<vmem>>) dst(%dma_wait3A_131 : memref<64x16xf32, #tpu.memory_space<vmem_shared>>)
      tpu.yield
    }) : () -> ()
    %mul3A_68 = arith.constant 632 : i32
    %mul3A_69 = arith.muli %arg1, %mul3A_68 : i32
    %add3A_70 = arith.constant 384 : i32
    %add3A_71 = arith.addi %mul3A_69, %add3A_70 : i32
    "tpu.region"() ({
      %run_scoped3A = tpu.sem_alloc : memref<!tpu.dma_semaphore, #tpu.memory_space<semaphore_mem>>
      %dma_start3A = arith.constant 0 : i32
      %dma_start3A_117 = arith.constant 0 : i32
      %dma_start3A_118 = tpu.memref_slice %arg9[%dma_start3A, %dma_start3A_117] : memref<64x128xbf16, #tpu.memory_space<vmem>> -> memref<64x128xbf16, #tpu.memory_space<vmem>>
      %dma_start3A_119 = arith.constant 0 : i32
      %dma_start3A_120 = tpu.memref_slice %arg36[%add3A_71, %dma_start3A_119] : memref<10112x128xbf16, #tpu.memory_space<vmem_shared>> -> memref<64x128xbf16, #tpu.memory_space<vmem_shared>>
      %dma_start3A_121 = arith.constant 0 : i32
      %dma_start3A_122 = tpu.memref_slice %arg36[%add3A_71, %dma_start3A_121] : memref<10112x128xbf16, #tpu.memory_space<vmem_shared>> -> memref<64x128xbf16, #tpu.memory_space<vmem_shared>>
      %dma_start3A_123 = arith.constant 0 : i32
      %dma_start3A_124 = arith.constant 0 : i32
      %dma_start3A_125 = tpu.memref_slice %arg9[%dma_start3A_123, %dma_start3A_124] : memref<64x128xbf16, #tpu.memory_space<vmem>> -> memref<64x128xbf16, #tpu.memory_space<vmem>>
      tpu.enqueue_dma source(%dma_start3A_125 : memref<64x128xbf16, #tpu.memory_space<vmem>>) target(%dma_start3A_122 : memref<64x128xbf16, #tpu.memory_space<vmem_shared>>) target_semaphore(%run_scoped3A : memref<!tpu.dma_semaphore, #tpu.memory_space<semaphore_mem>>)
      %dma_wait3A = arith.constant 0 : i32
      %dma_wait3A_126 = arith.constant 0 : i32
      %dma_wait3A_127 = tpu.memref_slice %arg9[%dma_wait3A, %dma_wait3A_126] : memref<64x128xbf16, #tpu.memory_space<vmem>> -> memref<64x128xbf16, #tpu.memory_space<vmem>>
      %dma_wait3A_128 = arith.constant 0 : i32
      %dma_wait3A_129 = tpu.memref_slice %arg36[%add3A_71, %dma_wait3A_128] : memref<10112x128xbf16, #tpu.memory_space<vmem_shared>> -> memref<64x128xbf16, #tpu.memory_space<vmem_shared>>
      %dma_wait3A_130 = arith.constant 0 : i32
      %dma_wait3A_131 = tpu.memref_slice %arg36[%add3A_71, %dma_wait3A_130] : memref<10112x128xbf16, #tpu.memory_space<vmem_shared>> -> memref<64x128xbf16, #tpu.memory_space<vmem_shared>>
      %dma_wait3A_132 = arith.constant 0 : i32
      %dma_wait3A_133 = arith.constant 0 : i32
      %dma_wait3A_134 = tpu.memref_slice %arg9[%dma_wait3A_132, %dma_wait3A_133] : memref<64x128xbf16, #tpu.memory_space<vmem>> -> memref<64x128xbf16, #tpu.memory_space<vmem>>
      tpu.wait_dma2 semaphore(%run_scoped3A : memref<!tpu.dma_semaphore, #tpu.memory_space<semaphore_mem>>) src(%dma_wait3A_134 : memref<64x128xbf16, #tpu.memory_space<vmem>>) dst(%dma_wait3A_131 : memref<64x128xbf16, #tpu.memory_space<vmem_shared>>)
      tpu.yield
    }) : () -> ()
    %mul3A_72 = arith.constant 632 : i32
    %mul3A_73 = arith.muli %arg1, %mul3A_72 : i32
    %add3A_74 = arith.constant 384 : i32
    %add3A_75 = arith.addi %mul3A_73, %add3A_74 : i32
    "tpu.region"() ({
      %run_scoped3A = tpu.sem_alloc : memref<!tpu.dma_semaphore, #tpu.memory_space<semaphore_mem>>
      %dma_start3A = arith.constant 0 : i32
      %dma_start3A_117 = arith.constant 0 : i32
      %dma_start3A_118 = tpu.memref_slice %arg34[%dma_start3A, %dma_start3A_117] : memref<64x16xf32, #tpu.memory_space<vmem>> -> memref<64x16xf32, #tpu.memory_space<vmem>>
      %dma_start3A_119 = arith.constant 0 : i32
      %dma_start3A_120 = tpu.memref_slice %arg37[%add3A_75, %dma_start3A_119] : memref<10112x16xf32, #tpu.memory_space<vmem_shared>> -> memref<64x16xf32, #tpu.memory_space<vmem_shared>>
      %dma_start3A_121 = arith.constant 0 : i32
      %dma_start3A_122 = tpu.memref_slice %arg37[%add3A_75, %dma_start3A_121] : memref<10112x16xf32, #tpu.memory_space<vmem_shared>> -> memref<64x16xf32, #tpu.memory_space<vmem_shared>>
      %dma_start3A_123 = arith.constant 0 : i32
      %dma_start3A_124 = arith.constant 0 : i32
      %dma_start3A_125 = tpu.memref_slice %arg34[%dma_start3A_123, %dma_start3A_124] : memref<64x16xf32, #tpu.memory_space<vmem>> -> memref<64x16xf32, #tpu.memory_space<vmem>>
      tpu.enqueue_dma source(%dma_start3A_125 : memref<64x16xf32, #tpu.memory_space<vmem>>) target(%dma_start3A_122 : memref<64x16xf32, #tpu.memory_space<vmem_shared>>) target_semaphore(%run_scoped3A : memref<!tpu.dma_semaphore, #tpu.memory_space<semaphore_mem>>)
      %dma_wait3A = arith.constant 0 : i32
      %dma_wait3A_126 = arith.constant 0 : i32
      %dma_wait3A_127 = tpu.memref_slice %arg34[%dma_wait3A, %dma_wait3A_126] : memref<64x16xf32, #tpu.memory_space<vmem>> -> memref<64x16xf32, #tpu.memory_space<vmem>>
      %dma_wait3A_128 = arith.constant 0 : i32
      %dma_wait3A_129 = tpu.memref_slice %arg37[%add3A_75, %dma_wait3A_128] : memref<10112x16xf32, #tpu.memory_space<vmem_shared>> -> memref<64x16xf32, #tpu.memory_space<vmem_shared>>
      %dma_wait3A_130 = arith.constant 0 : i32
      %dma_wait3A_131 = tpu.memref_slice %arg37[%add3A_75, %dma_wait3A_130] : memref<10112x16xf32, #tpu.memory_space<vmem_shared>> -> memref<64x16xf32, #tpu.memory_space<vmem_shared>>
      %dma_wait3A_132 = arith.constant 0 : i32
      %dma_wait3A_133 = arith.constant 0 : i32
      %dma_wait3A_134 = tpu.memref_slice %arg34[%dma_wait3A_132, %dma_wait3A_133] : memref<64x16xf32, #tpu.memory_space<vmem>> -> memref<64x16xf32, #tpu.memory_space<vmem>>
      tpu.wait_dma2 semaphore(%run_scoped3A : memref<!tpu.dma_semaphore, #tpu.memory_space<semaphore_mem>>) src(%dma_wait3A_134 : memref<64x16xf32, #tpu.memory_space<vmem>>) dst(%dma_wait3A_131 : memref<64x16xf32, #tpu.memory_space<vmem_shared>>)
      tpu.yield
    }) : () -> ()
    %mul3A_76 = arith.constant 632 : i32
    %mul3A_77 = arith.muli %arg1, %mul3A_76 : i32
    %add3A_78 = arith.constant 448 : i32
    %add3A_79 = arith.addi %mul3A_77, %add3A_78 : i32
    "tpu.region"() ({
      %run_scoped3A = tpu.sem_alloc : memref<!tpu.dma_semaphore, #tpu.memory_space<semaphore_mem>>
      %dma_start3A = arith.constant 0 : i32
      %dma_start3A_117 = arith.constant 0 : i32
      %dma_start3A_118 = tpu.memref_slice %arg9[%dma_start3A, %dma_start3A_117] : memref<64x128xbf16, #tpu.memory_space<vmem>> -> memref<64x128xbf16, #tpu.memory_space<vmem>>
      %dma_start3A_119 = arith.constant 0 : i32
      %dma_start3A_120 = tpu.memref_slice %arg36[%add3A_79, %dma_start3A_119] : memref<10112x128xbf16, #tpu.memory_space<vmem_shared>> -> memref<64x128xbf16, #tpu.memory_space<vmem_shared>>
      %dma_start3A_121 = arith.constant 0 : i32
      %dma_start3A_122 = tpu.memref_slice %arg36[%add3A_79, %dma_start3A_121] : memref<10112x128xbf16, #tpu.memory_space<vmem_shared>> -> memref<64x128xbf16, #tpu.memory_space<vmem_shared>>
      %dma_start3A_123 = arith.constant 0 : i32
      %dma_start3A_124 = arith.constant 0 : i32
      %dma_start3A_125 = tpu.memref_slice %arg9[%dma_start3A_123, %dma_start3A_124] : memref<64x128xbf16, #tpu.memory_space<vmem>> -> memref<64x128xbf16, #tpu.memory_space<vmem>>
      tpu.enqueue_dma source(%dma_start3A_125 : memref<64x128xbf16, #tpu.memory_space<vmem>>) target(%dma_start3A_122 : memref<64x128xbf16, #tpu.memory_space<vmem_shared>>) target_semaphore(%run_scoped3A : memref<!tpu.dma_semaphore, #tpu.memory_space<semaphore_mem>>)
      %dma_wait3A = arith.constant 0 : i32
      %dma_wait3A_126 = arith.constant 0 : i32
      %dma_wait3A_127 = tpu.memref_slice %arg9[%dma_wait3A, %dma_wait3A_126] : memref<64x128xbf16, #tpu.memory_space<vmem>> -> memref<64x128xbf16, #tpu.memory_space<vmem>>
      %dma_wait3A_128 = arith.constant 0 : i32
      %dma_wait3A_129 = tpu.memref_slice %arg36[%add3A_79, %dma_wait3A_128] : memref<10112x128xbf16, #tpu.memory_space<vmem_shared>> -> memref<64x128xbf16, #tpu.memory_space<vmem_shared>>
      %dma_wait3A_130 = arith.constant 0 : i32
      %dma_wait3A_131 = tpu.memref_slice %arg36[%add3A_79, %dma_wait3A_130] : memref<10112x128xbf16, #tpu.memory_space<vmem_shared>> -> memref<64x128xbf16, #tpu.memory_space<vmem_shared>>
      %dma_wait3A_132 = arith.constant 0 : i32
      %dma_wait3A_133 = arith.constant 0 : i32
      %dma_wait3A_134 = tpu.memref_slice %arg9[%dma_wait3A_132, %dma_wait3A_133] : memref<64x128xbf16, #tpu.memory_space<vmem>> -> memref<64x128xbf16, #tpu.memory_space<vmem>>
      tpu.wait_dma2 semaphore(%run_scoped3A : memref<!tpu.dma_semaphore, #tpu.memory_space<semaphore_mem>>) src(%dma_wait3A_134 : memref<64x128xbf16, #tpu.memory_space<vmem>>) dst(%dma_wait3A_131 : memref<64x128xbf16, #tpu.memory_space<vmem_shared>>)
      tpu.yield
    }) : () -> ()
    %mul3A_80 = arith.constant 632 : i32
    %mul3A_81 = arith.muli %arg1, %mul3A_80 : i32
    %add3A_82 = arith.constant 448 : i32
    %add3A_83 = arith.addi %mul3A_81, %add3A_82 : i32
    "tpu.region"() ({
      %run_scoped3A = tpu.sem_alloc : memref<!tpu.dma_semaphore, #tpu.memory_space<semaphore_mem>>
      %dma_start3A = arith.constant 0 : i32
      %dma_start3A_117 = arith.constant 0 : i32
      %dma_start3A_118 = tpu.memref_slice %arg34[%dma_start3A, %dma_start3A_117] : memref<64x16xf32, #tpu.memory_space<vmem>> -> memref<64x16xf32, #tpu.memory_space<vmem>>
      %dma_start3A_119 = arith.constant 0 : i32
      %dma_start3A_120 = tpu.memref_slice %arg37[%add3A_83, %dma_start3A_119] : memref<10112x16xf32, #tpu.memory_space<vmem_shared>> -> memref<64x16xf32, #tpu.memory_space<vmem_shared>>
      %dma_start3A_121 = arith.constant 0 : i32
      %dma_start3A_122 = tpu.memref_slice %arg37[%add3A_83, %dma_start3A_121] : memref<10112x16xf32, #tpu.memory_space<vmem_shared>> -> memref<64x16xf32, #tpu.memory_space<vmem_shared>>
      %dma_start3A_123 = arith.constant 0 : i32
      %dma_start3A_124 = arith.constant 0 : i32
      %dma_start3A_125 = tpu.memref_slice %arg34[%dma_start3A_123, %dma_start3A_124] : memref<64x16xf32, #tpu.memory_space<vmem>> -> memref<64x16xf32, #tpu.memory_space<vmem>>
      tpu.enqueue_dma source(%dma_start3A_125 : memref<64x16xf32, #tpu.memory_space<vmem>>) target(%dma_start3A_122 : memref<64x16xf32, #tpu.memory_space<vmem_shared>>) target_semaphore(%run_scoped3A : memref<!tpu.dma_semaphore, #tpu.memory_space<semaphore_mem>>)
      %dma_wait3A = arith.constant 0 : i32
      %dma_wait3A_126 = arith.constant 0 : i32
      %dma_wait3A_127 = tpu.memref_slice %arg34[%dma_wait3A, %dma_wait3A_126] : memref<64x16xf32, #tpu.memory_space<vmem>> -> memref<64x16xf32, #tpu.memory_space<vmem>>
      %dma_wait3A_128 = arith.constant 0 : i32
      %dma_wait3A_129 = tpu.memref_slice %arg37[%add3A_83, %dma_wait3A_128] : memref<10112x16xf32, #tpu.memory_space<vmem_shared>> -> memref<64x16xf32, #tpu.memory_space<vmem_shared>>
      %dma_wait3A_130 = arith.constant 0 : i32
      %dma_wait3A_131 = tpu.memref_slice %arg37[%add3A_83, %dma_wait3A_130] : memref<10112x16xf32, #tpu.memory_space<vmem_shared>> -> memref<64x16xf32, #tpu.memory_space<vmem_shared>>
      %dma_wait3A_132 = arith.constant 0 : i32
      %dma_wait3A_133 = arith.constant 0 : i32
      %dma_wait3A_134 = tpu.memref_slice %arg34[%dma_wait3A_132, %dma_wait3A_133] : memref<64x16xf32, #tpu.memory_space<vmem>> -> memref<64x16xf32, #tpu.memory_space<vmem>>
      tpu.wait_dma2 semaphore(%run_scoped3A : memref<!tpu.dma_semaphore, #tpu.memory_space<semaphore_mem>>) src(%dma_wait3A_134 : memref<64x16xf32, #tpu.memory_space<vmem>>) dst(%dma_wait3A_131 : memref<64x16xf32, #tpu.memory_space<vmem_shared>>)
      tpu.yield
    }) : () -> ()
    %mul3A_84 = arith.constant 632 : i32
    %mul3A_85 = arith.muli %arg1, %mul3A_84 : i32
    %add3A_86 = arith.constant 512 : i32
    %add3A_87 = arith.addi %mul3A_85, %add3A_86 : i32
    "tpu.region"() ({
      %run_scoped3A = tpu.sem_alloc : memref<!tpu.dma_semaphore, #tpu.memory_space<semaphore_mem>>
      %dma_start3A = arith.constant 0 : i32
      %dma_start3A_117 = arith.constant 0 : i32
      %dma_start3A_118 = tpu.memref_slice %arg9[%dma_start3A, %dma_start3A_117] : memref<64x128xbf16, #tpu.memory_space<vmem>> -> memref<64x128xbf16, #tpu.memory_space<vmem>>
      %dma_start3A_119 = arith.constant 0 : i32
      %dma_start3A_120 = tpu.memref_slice %arg36[%add3A_87, %dma_start3A_119] : memref<10112x128xbf16, #tpu.memory_space<vmem_shared>> -> memref<64x128xbf16, #tpu.memory_space<vmem_shared>>
      %dma_start3A_121 = arith.constant 0 : i32
      %dma_start3A_122 = tpu.memref_slice %arg36[%add3A_87, %dma_start3A_121] : memref<10112x128xbf16, #tpu.memory_space<vmem_shared>> -> memref<64x128xbf16, #tpu.memory_space<vmem_shared>>
      %dma_start3A_123 = arith.constant 0 : i32
      %dma_start3A_124 = arith.constant 0 : i32
      %dma_start3A_125 = tpu.memref_slice %arg9[%dma_start3A_123, %dma_start3A_124] : memref<64x128xbf16, #tpu.memory_space<vmem>> -> memref<64x128xbf16, #tpu.memory_space<vmem>>
      tpu.enqueue_dma source(%dma_start3A_125 : memref<64x128xbf16, #tpu.memory_space<vmem>>) target(%dma_start3A_122 : memref<64x128xbf16, #tpu.memory_space<vmem_shared>>) target_semaphore(%run_scoped3A : memref<!tpu.dma_semaphore, #tpu.memory_space<semaphore_mem>>)
      %dma_wait3A = arith.constant 0 : i32
      %dma_wait3A_126 = arith.constant 0 : i32
      %dma_wait3A_127 = tpu.memref_slice %arg9[%dma_wait3A, %dma_wait3A_126] : memref<64x128xbf16, #tpu.memory_space<vmem>> -> memref<64x128xbf16, #tpu.memory_space<vmem>>
      %dma_wait3A_128 = arith.constant 0 : i32
      %dma_wait3A_129 = tpu.memref_slice %arg36[%add3A_87, %dma_wait3A_128] : memref<10112x128xbf16, #tpu.memory_space<vmem_shared>> -> memref<64x128xbf16, #tpu.memory_space<vmem_shared>>
      %dma_wait3A_130 = arith.constant 0 : i32
      %dma_wait3A_131 = tpu.memref_slice %arg36[%add3A_87, %dma_wait3A_130] : memref<10112x128xbf16, #tpu.memory_space<vmem_shared>> -> memref<64x128xbf16, #tpu.memory_space<vmem_shared>>
      %dma_wait3A_132 = arith.constant 0 : i32
      %dma_wait3A_133 = arith.constant 0 : i32
      %dma_wait3A_134 = tpu.memref_slice %arg9[%dma_wait3A_132, %dma_wait3A_133] : memref<64x128xbf16, #tpu.memory_space<vmem>> -> memref<64x128xbf16, #tpu.memory_space<vmem>>
      tpu.wait_dma2 semaphore(%run_scoped3A : memref<!tpu.dma_semaphore, #tpu.memory_space<semaphore_mem>>) src(%dma_wait3A_134 : memref<64x128xbf16, #tpu.memory_space<vmem>>) dst(%dma_wait3A_131 : memref<64x128xbf16, #tpu.memory_space<vmem_shared>>)
      tpu.yield
    }) : () -> ()
    %mul3A_88 = arith.constant 632 : i32
    %mul3A_89 = arith.muli %arg1, %mul3A_88 : i32
    %add3A_90 = arith.constant 512 : i32
    %add3A_91 = arith.addi %mul3A_89, %add3A_90 : i32
    "tpu.region"() ({
      %run_scoped3A = tpu.sem_alloc : memref<!tpu.dma_semaphore, #tpu.memory_space<semaphore_mem>>
      %dma_start3A = arith.constant 0 : i32
      %dma_start3A_117 = arith.constant 0 : i32
      %dma_start3A_118 = tpu.memref_slice %arg34[%dma_start3A, %dma_start3A_117] : memref<64x16xf32, #tpu.memory_space<vmem>> -> memref<64x16xf32, #tpu.memory_space<vmem>>
      %dma_start3A_119 = arith.constant 0 : i32
      %dma_start3A_120 = tpu.memref_slice %arg37[%add3A_91, %dma_start3A_119] : memref<10112x16xf32, #tpu.memory_space<vmem_shared>> -> memref<64x16xf32, #tpu.memory_space<vmem_shared>>
      %dma_start3A_121 = arith.constant 0 : i32
      %dma_start3A_122 = tpu.memref_slice %arg37[%add3A_91, %dma_start3A_121] : memref<10112x16xf32, #tpu.memory_space<vmem_shared>> -> memref<64x16xf32, #tpu.memory_space<vmem_shared>>
      %dma_start3A_123 = arith.constant 0 : i32
      %dma_start3A_124 = arith.constant 0 : i32
      %dma_start3A_125 = tpu.memref_slice %arg34[%dma_start3A_123, %dma_start3A_124] : memref<64x16xf32, #tpu.memory_space<vmem>> -> memref<64x16xf32, #tpu.memory_space<vmem>>
      tpu.enqueue_dma source(%dma_start3A_125 : memref<64x16xf32, #tpu.memory_space<vmem>>) target(%dma_start3A_122 : memref<64x16xf32, #tpu.memory_space<vmem_shared>>) target_semaphore(%run_scoped3A : memref<!tpu.dma_semaphore, #tpu.memory_space<semaphore_mem>>)
      %dma_wait3A = arith.constant 0 : i32
      %dma_wait3A_126 = arith.constant 0 : i32
      %dma_wait3A_127 = tpu.memref_slice %arg34[%dma_wait3A, %dma_wait3A_126] : memref<64x16xf32, #tpu.memory_space<vmem>> -> memref<64x16xf32, #tpu.memory_space<vmem>>
      %dma_wait3A_128 = arith.constant 0 : i32
      %dma_wait3A_129 = tpu.memref_slice %arg37[%add3A_91, %dma_wait3A_128] : memref<10112x16xf32, #tpu.memory_space<vmem_shared>> -> memref<64x16xf32, #tpu.memory_space<vmem_shared>>
      %dma_wait3A_130 = arith.constant 0 : i32
      %dma_wait3A_131 = tpu.memref_slice %arg37[%add3A_91, %dma_wait3A_130] : memref<10112x16xf32, #tpu.memory_space<vmem_shared>> -> memref<64x16xf32, #tpu.memory_space<vmem_shared>>
      %dma_wait3A_132 = arith.constant 0 : i32
      %dma_wait3A_133 = arith.constant 0 : i32
      %dma_wait3A_134 = tpu.memref_slice %arg34[%dma_wait3A_132, %dma_wait3A_133] : memref<64x16xf32, #tpu.memory_space<vmem>> -> memref<64x16xf32, #tpu.memory_space<vmem>>
      tpu.wait_dma2 semaphore(%run_scoped3A : memref<!tpu.dma_semaphore, #tpu.memory_space<semaphore_mem>>) src(%dma_wait3A_134 : memref<64x16xf32, #tpu.memory_space<vmem>>) dst(%dma_wait3A_131 : memref<64x16xf32, #tpu.memory_space<vmem_shared>>)
      tpu.yield
    }) : () -> ()
    %mul3A_92 = arith.constant 632 : i32
    %mul3A_93 = arith.muli %arg1, %mul3A_92 : i32
    %add3A_94 = arith.constant 576 : i32
    %add3A_95 = arith.addi %mul3A_93, %add3A_94 : i32
    "tpu.region"() ({
      %run_scoped3A = tpu.sem_alloc : memref<!tpu.dma_semaphore, #tpu.memory_space<semaphore_mem>>
      %dma_start3A = arith.constant 0 : i32
      %dma_start3A_117 = arith.constant 0 : i32
      %dma_start3A_118 = tpu.memref_slice %arg9[%dma_start3A, %dma_start3A_117] : memref<64x128xbf16, #tpu.memory_space<vmem>> -> memref<56x128xbf16, #tpu.memory_space<vmem>>
      %dma_start3A_119 = arith.constant 0 : i32
      %dma_start3A_120 = tpu.memref_slice %arg36[%add3A_95, %dma_start3A_119] : memref<10112x128xbf16, #tpu.memory_space<vmem_shared>> -> memref<56x128xbf16, #tpu.memory_space<vmem_shared>>
      %dma_start3A_121 = arith.constant 0 : i32
      %dma_start3A_122 = tpu.memref_slice %arg36[%add3A_95, %dma_start3A_121] : memref<10112x128xbf16, #tpu.memory_space<vmem_shared>> -> memref<56x128xbf16, #tpu.memory_space<vmem_shared>>
      %dma_start3A_123 = arith.constant 0 : i32
      %dma_start3A_124 = arith.constant 0 : i32
      %dma_start3A_125 = tpu.memref_slice %arg9[%dma_start3A_123, %dma_start3A_124] : memref<64x128xbf16, #tpu.memory_space<vmem>> -> memref<56x128xbf16, #tpu.memory_space<vmem>>
      tpu.enqueue_dma source(%dma_start3A_125 : memref<56x128xbf16, #tpu.memory_space<vmem>>) target(%dma_start3A_122 : memref<56x128xbf16, #tpu.memory_space<vmem_shared>>) target_semaphore(%run_scoped3A : memref<!tpu.dma_semaphore, #tpu.memory_space<semaphore_mem>>)
      %dma_wait3A = arith.constant 0 : i32
      %dma_wait3A_126 = arith.constant 0 : i32
      %dma_wait3A_127 = tpu.memref_slice %arg9[%dma_wait3A, %dma_wait3A_126] : memref<64x128xbf16, #tpu.memory_space<vmem>> -> memref<56x128xbf16, #tpu.memory_space<vmem>>
      %dma_wait3A_128 = arith.constant 0 : i32
      %dma_wait3A_129 = tpu.memref_slice %arg36[%add3A_95, %dma_wait3A_128] : memref<10112x128xbf16, #tpu.memory_space<vmem_shared>> -> memref<56x128xbf16, #tpu.memory_space<vmem_shared>>
      %dma_wait3A_130 = arith.constant 0 : i32
      %dma_wait3A_131 = tpu.memref_slice %arg36[%add3A_95, %dma_wait3A_130] : memref<10112x128xbf16, #tpu.memory_space<vmem_shared>> -> memref<56x128xbf16, #tpu.memory_space<vmem_shared>>
      %dma_wait3A_132 = arith.constant 0 : i32
      %dma_wait3A_133 = arith.constant 0 : i32
      %dma_wait3A_134 = tpu.memref_slice %arg9[%dma_wait3A_132, %dma_wait3A_133] : memref<64x128xbf16, #tpu.memory_space<vmem>> -> memref<56x128xbf16, #tpu.memory_space<vmem>>
      tpu.wait_dma2 semaphore(%run_scoped3A : memref<!tpu.dma_semaphore, #tpu.memory_space<semaphore_mem>>) src(%dma_wait3A_134 : memref<56x128xbf16, #tpu.memory_space<vmem>>) dst(%dma_wait3A_131 : memref<56x128xbf16, #tpu.memory_space<vmem_shared>>)
      tpu.yield
    }) : () -> ()
    %mul3A_96 = arith.constant 632 : i32
    %mul3A_97 = arith.muli %arg1, %mul3A_96 : i32
    %add3A_98 = arith.constant 576 : i32
    %add3A_99 = arith.addi %mul3A_97, %add3A_98 : i32
    "tpu.region"() ({
      %run_scoped3A = tpu.sem_alloc : memref<!tpu.dma_semaphore, #tpu.memory_space<semaphore_mem>>
      %dma_start3A = arith.constant 0 : i32
      %dma_start3A_117 = arith.constant 0 : i32
      %dma_start3A_118 = tpu.memref_slice %arg34[%dma_start3A, %dma_start3A_117] : memref<64x16xf32, #tpu.memory_space<vmem>> -> memref<56x16xf32, #tpu.memory_space<vmem>>
      %dma_start3A_119 = arith.constant 0 : i32
      %dma_start3A_120 = tpu.memref_slice %arg37[%add3A_99, %dma_start3A_119] : memref<10112x16xf32, #tpu.memory_space<vmem_shared>> -> memref<56x16xf32, #tpu.memory_space<vmem_shared>>
      %dma_start3A_121 = arith.constant 0 : i32
      %dma_start3A_122 = tpu.memref_slice %arg37[%add3A_99, %dma_start3A_121] : memref<10112x16xf32, #tpu.memory_space<vmem_shared>> -> memref<56x16xf32, #tpu.memory_space<vmem_shared>>
      %dma_start3A_123 = arith.constant 0 : i32
      %dma_start3A_124 = arith.constant 0 : i32
      %dma_start3A_125 = tpu.memref_slice %arg34[%dma_start3A_123, %dma_start3A_124] : memref<64x16xf32, #tpu.memory_space<vmem>> -> memref<56x16xf32, #tpu.memory_space<vmem>>
      tpu.enqueue_dma source(%dma_start3A_125 : memref<56x16xf32, #tpu.memory_space<vmem>>) target(%dma_start3A_122 : memref<56x16xf32, #tpu.memory_space<vmem_shared>>) target_semaphore(%run_scoped3A : memref<!tpu.dma_semaphore, #tpu.memory_space<semaphore_mem>>)
      %dma_wait3A = arith.constant 0 : i32
      %dma_wait3A_126 = arith.constant 0 : i32
      %dma_wait3A_127 = tpu.memref_slice %arg34[%dma_wait3A, %dma_wait3A_126] : memref<64x16xf32, #tpu.memory_space<vmem>> -> memref<56x16xf32, #tpu.memory_space<vmem>>
      %dma_wait3A_128 = arith.constant 0 : i32
      %dma_wait3A_129 = tpu.memref_slice %arg37[%add3A_99, %dma_wait3A_128] : memref<10112x16xf32, #tpu.memory_space<vmem_shared>> -> memref<56x16xf32, #tpu.memory_space<vmem_shared>>
      %dma_wait3A_130 = arith.constant 0 : i32
      %dma_wait3A_131 = tpu.memref_slice %arg37[%add3A_99, %dma_wait3A_130] : memref<10112x16xf32, #tpu.memory_space<vmem_shared>> -> memref<56x16xf32, #tpu.memory_space<vmem_shared>>
      %dma_wait3A_132 = arith.constant 0 : i32
      %dma_wait3A_133 = arith.constant 0 : i32
      %dma_wait3A_134 = tpu.memref_slice %arg34[%dma_wait3A_132, %dma_wait3A_133] : memref<64x16xf32, #tpu.memory_space<vmem>> -> memref<56x16xf32, #tpu.memory_space<vmem>>
      tpu.wait_dma2 semaphore(%run_scoped3A : memref<!tpu.dma_semaphore, #tpu.memory_space<semaphore_mem>>) src(%dma_wait3A_134 : memref<56x16xf32, #tpu.memory_space<vmem>>) dst(%dma_wait3A_131 : memref<56x16xf32, #tpu.memory_space<vmem_shared>>)
      tpu.yield
    }) : () -> ()
    %barrier3A = arith.constant 0 : index
    tpu.barrier barrier_id(%barrier3A)
    %eq3A_100 = arith.constant 0 : i32
    %eq3A_101 = arith.cmpi eq, %arg0, %eq3A_100 : i32
    %convert_element_type3A = arith.extui %eq3A_101 : i1 to i32
    %cond3A = arith.constant 0 : i32
    %cond3A_102 = arith.cmpi ne, %convert_element_type3A, %cond3A : i32
    scf.if %cond3A_102 {
      %mul3A_117 = arith.constant 272 : i32
      %mul3A_118 = arith.muli %arg1, %mul3A_117 : i32
      %add3A_119 = arith.constant 0 : i32
      %add3A_120 = arith.addi %mul3A_118, %add3A_119 : i32
      "tpu.region"() ({
        %run_scoped3A = tpu.sem_alloc : memref<!tpu.dma_semaphore, #tpu.memory_space<semaphore_mem>>
        %dma_start3A_295 = arith.constant 0 : i32
        %dma_start3A_296 = arith.constant 0 : i32
        %dma_start3A_297 = tpu.memref_slice %arg7[%dma_start3A_295, %dma_start3A_296] : memref<136x64xi32, #tpu.memory_space<vmem>> -> memref<136x64xi32, #tpu.memory_space<vmem>>
        %dma_start3A_298 = arith.constant 0 : i32
        %dma_start3A_299 = tpu.memref_slice %arg3[%add3A_120, %dma_start3A_298] : memref<5120x64xi32, #tpu.memory_space<hbm>> -> memref<136x64xi32, #tpu.memory_space<hbm>>
        %dma_start3A_300 = arith.constant 0 : i32
        %dma_start3A_301 = arith.constant 0 : i32
        %dma_start3A_302 = tpu.memref_slice %arg7[%dma_start3A_300, %dma_start3A_301] : memref<136x64xi32, #tpu.memory_space<vmem>> -> memref<136x64xi32, #tpu.memory_space<vmem>>
        %dma_start3A_303 = arith.constant 0 : i32
        %dma_start3A_304 = tpu.memref_slice %arg3[%add3A_120, %dma_start3A_303] : memref<5120x64xi32, #tpu.memory_space<hbm>> -> memref<136x64xi32, #tpu.memory_space<hbm>>
        tpu.enqueue_dma source(%dma_start3A_304 : memref<136x64xi32, #tpu.memory_space<hbm>>) target(%dma_start3A_302 : memref<136x64xi32, #tpu.memory_space<vmem>>) target_semaphore(%run_scoped3A : memref<!tpu.dma_semaphore, #tpu.memory_space<semaphore_mem>>)
        %dma_wait3A_305 = arith.constant 0 : i32
        %dma_wait3A_306 = arith.constant 0 : i32
        %dma_wait3A_307 = tpu.memref_slice %arg7[%dma_wait3A_305, %dma_wait3A_306] : memref<136x64xi32, #tpu.memory_space<vmem>> -> memref<136x64xi32, #tpu.memory_space<vmem>>
        %dma_wait3A_308 = arith.constant 0 : i32
        %dma_wait3A_309 = tpu.memref_slice %arg3[%add3A_120, %dma_wait3A_308] : memref<5120x64xi32, #tpu.memory_space<hbm>> -> memref<136x64xi32, #tpu.memory_space<hbm>>
        %dma_wait3A_310 = arith.constant 0 : i32
        %dma_wait3A_311 = arith.constant 0 : i32
        %dma_wait3A_312 = tpu.memref_slice %arg7[%dma_wait3A_310, %dma_wait3A_311] : memref<136x64xi32, #tpu.memory_space<vmem>> -> memref<136x64xi32, #tpu.memory_space<vmem>>
        %dma_wait3A_313 = arith.constant 0 : i32
        %dma_wait3A_314 = tpu.memref_slice %arg3[%add3A_120, %dma_wait3A_313] : memref<5120x64xi32, #tpu.memory_space<hbm>> -> memref<136x64xi32, #tpu.memory_space<hbm>>
        tpu.wait_dma2 semaphore(%run_scoped3A : memref<!tpu.dma_semaphore, #tpu.memory_space<semaphore_mem>>) src(%dma_wait3A_314 : memref<136x64xi32, #tpu.memory_space<hbm>>) dst(%dma_wait3A_312 : memref<136x64xi32, #tpu.memory_space<vmem>>)
        tpu.yield
      }) : () -> ()
      "tpu.region"() ({
        %run_scoped3A = tpu.sem_alloc : memref<!tpu.dma_semaphore, #tpu.memory_space<semaphore_mem>>
        %dma_start3A_295 = arith.constant 0 : i32
        %dma_start3A_296 = arith.constant 0 : i32
        %dma_start3A_297 = tpu.memref_slice %arg8[%dma_start3A_295, %dma_start3A_296] : memref<136x64xi32, #tpu.memory_space<vmem>> -> memref<136x64xi32, #tpu.memory_space<vmem>>
        %dma_start3A_298 = arith.constant 0 : i32
        %dma_start3A_299 = tpu.memref_slice %arg4[%add3A_120, %dma_start3A_298] : memref<5120x64xi32, #tpu.memory_space<hbm>> -> memref<136x64xi32, #tpu.memory_space<hbm>>
        %dma_start3A_300 = arith.constant 0 : i32
        %dma_start3A_301 = arith.constant 0 : i32
        %dma_start3A_302 = tpu.memref_slice %arg8[%dma_start3A_300, %dma_start3A_301] : memref<136x64xi32, #tpu.memory_space<vmem>> -> memref<136x64xi32, #tpu.memory_space<vmem>>
        %dma_start3A_303 = arith.constant 0 : i32
        %dma_start3A_304 = tpu.memref_slice %arg4[%add3A_120, %dma_start3A_303] : memref<5120x64xi32, #tpu.memory_space<hbm>> -> memref<136x64xi32, #tpu.memory_space<hbm>>
        tpu.enqueue_dma source(%dma_start3A_304 : memref<136x64xi32, #tpu.memory_space<hbm>>) target(%dma_start3A_302 : memref<136x64xi32, #tpu.memory_space<vmem>>) target_semaphore(%run_scoped3A : memref<!tpu.dma_semaphore, #tpu.memory_space<semaphore_mem>>)
        %dma_wait3A_305 = arith.constant 0 : i32
        %dma_wait3A_306 = arith.constant 0 : i32
        %dma_wait3A_307 = tpu.memref_slice %arg8[%dma_wait3A_305, %dma_wait3A_306] : memref<136x64xi32, #tpu.memory_space<vmem>> -> memref<136x64xi32, #tpu.memory_space<vmem>>
        %dma_wait3A_308 = arith.constant 0 : i32
        %dma_wait3A_309 = tpu.memref_slice %arg4[%add3A_120, %dma_wait3A_308] : memref<5120x64xi32, #tpu.memory_space<hbm>> -> memref<136x64xi32, #tpu.memory_space<hbm>>
        %dma_wait3A_310 = arith.constant 0 : i32
        %dma_wait3A_311 = arith.constant 0 : i32
        %dma_wait3A_312 = tpu.memref_slice %arg8[%dma_wait3A_310, %dma_wait3A_311] : memref<136x64xi32, #tpu.memory_space<vmem>> -> memref<136x64xi32, #tpu.memory_space<vmem>>
        %dma_wait3A_313 = arith.constant 0 : i32
        %dma_wait3A_314 = tpu.memref_slice %arg4[%add3A_120, %dma_wait3A_313] : memref<5120x64xi32, #tpu.memory_space<hbm>> -> memref<136x64xi32, #tpu.memory_space<hbm>>
        tpu.wait_dma2 semaphore(%run_scoped3A : memref<!tpu.dma_semaphore, #tpu.memory_space<semaphore_mem>>) src(%dma_wait3A_314 : memref<136x64xi32, #tpu.memory_space<hbm>>) dst(%dma_wait3A_312 : memref<136x64xi32, #tpu.memory_space<vmem>>)
        tpu.yield
      }) : () -> ()
      %dma_start3A = arith.constant 0 : i32
      %dma_start3A_121 = arith.constant 0 : i32
      %dma_start3A_122 = tpu.memref_slice %arg7[%dma_start3A, %dma_start3A_121] : memref<136x64xi32, #tpu.memory_space<vmem>> -> memref<1x64xi32, #tpu.memory_space<vmem>>
      %dma_start3A_123 = tpu.memref_squeeze %dma_start3A_122 : memref<1x64xi32, #tpu.memory_space<vmem>> -> memref<64xi32, #tpu.memory_space<vmem>>
      %dma_start3A_124 = arith.constant 0 : i32
      %dma_start3A_125 = arith.constant 0 : i32
      %dma_start3A_126 = tpu.memref_slice %arg2[%dma_start3A_124, %dma_start3A_125] : memref<10000x128xbf16, #tpu.memory_space<hbm>> -> memref<10000x128xbf16, #tpu.memory_space<hbm>>
      tpu.enqueue_indirect_dma source(%dma_start3A_126 : memref<10000x128xbf16, #tpu.memory_space<hbm>>) target(%arg9 : memref<64x128xbf16, #tpu.memory_space<vmem>>) offsets(%dma_start3A_123 : memref<64xi32, #tpu.memory_space<vmem>>) semaphore(%arg17 : memref<!tpu.dma_semaphore, #tpu.memory_space<semaphore_mem>>)
      %dma_start3A_127 = arith.constant 1 : i32
      %dma_start3A_128 = arith.constant 0 : i32
      %dma_start3A_129 = tpu.memref_slice %arg7[%dma_start3A_127, %dma_start3A_128] : memref<136x64xi32, #tpu.memory_space<vmem>> -> memref<1x64xi32, #tpu.memory_space<vmem>>
      %dma_start3A_130 = tpu.memref_squeeze %dma_start3A_129 : memref<1x64xi32, #tpu.memory_space<vmem>> -> memref<64xi32, #tpu.memory_space<vmem>>
      %dma_start3A_131 = arith.constant 0 : i32
      %dma_start3A_132 = arith.constant 0 : i32
      %dma_start3A_133 = tpu.memref_slice %arg2[%dma_start3A_131, %dma_start3A_132] : memref<10000x128xbf16, #tpu.memory_space<hbm>> -> memref<10000x128xbf16, #tpu.memory_space<hbm>>
      tpu.enqueue_indirect_dma source(%dma_start3A_133 : memref<10000x128xbf16, #tpu.memory_space<hbm>>) target(%arg10 : memref<64x128xbf16, #tpu.memory_space<vmem>>) offsets(%dma_start3A_130 : memref<64xi32, #tpu.memory_space<vmem>>) semaphore(%arg18 : memref<!tpu.dma_semaphore, #tpu.memory_space<semaphore_mem>>)
      %dma_start3A_134 = arith.constant 2 : i32
      %dma_start3A_135 = arith.constant 0 : i32
      %dma_start3A_136 = tpu.memref_slice %arg7[%dma_start3A_134, %dma_start3A_135] : memref<136x64xi32, #tpu.memory_space<vmem>> -> memref<1x64xi32, #tpu.memory_space<vmem>>
      %dma_start3A_137 = tpu.memref_squeeze %dma_start3A_136 : memref<1x64xi32, #tpu.memory_space<vmem>> -> memref<64xi32, #tpu.memory_space<vmem>>
      %dma_start3A_138 = arith.constant 0 : i32
      %dma_start3A_139 = arith.constant 0 : i32
      %dma_start3A_140 = tpu.memref_slice %arg2[%dma_start3A_138, %dma_start3A_139] : memref<10000x128xbf16, #tpu.memory_space<hbm>> -> memref<10000x128xbf16, #tpu.memory_space<hbm>>
      tpu.enqueue_indirect_dma source(%dma_start3A_140 : memref<10000x128xbf16, #tpu.memory_space<hbm>>) target(%arg11 : memref<64x128xbf16, #tpu.memory_space<vmem>>) offsets(%dma_start3A_137 : memref<64xi32, #tpu.memory_space<vmem>>) semaphore(%arg19 : memref<!tpu.dma_semaphore, #tpu.memory_space<semaphore_mem>>)
      %dma_start3A_141 = arith.constant 3 : i32
      %dma_start3A_142 = arith.constant 0 : i32
      %dma_start3A_143 = tpu.memref_slice %arg7[%dma_start3A_141, %dma_start3A_142] : memref<136x64xi32, #tpu.memory_space<vmem>> -> memref<1x64xi32, #tpu.memory_space<vmem>>
      %dma_start3A_144 = tpu.memref_squeeze %dma_start3A_143 : memref<1x64xi32, #tpu.memory_space<vmem>> -> memref<64xi32, #tpu.memory_space<vmem>>
      %dma_start3A_145 = arith.constant 0 : i32
      %dma_start3A_146 = arith.constant 0 : i32
      %dma_start3A_147 = tpu.memref_slice %arg2[%dma_start3A_145, %dma_start3A_146] : memref<10000x128xbf16, #tpu.memory_space<hbm>> -> memref<10000x128xbf16, #tpu.memory_space<hbm>>
      tpu.enqueue_indirect_dma source(%dma_start3A_147 : memref<10000x128xbf16, #tpu.memory_space<hbm>>) target(%arg12 : memref<64x128xbf16, #tpu.memory_space<vmem>>) offsets(%dma_start3A_144 : memref<64xi32, #tpu.memory_space<vmem>>) semaphore(%arg20 : memref<!tpu.dma_semaphore, #tpu.memory_space<semaphore_mem>>)
      %scan3A_148 = arith.constant 0 : i32
      %scan3A_149 = arith.constant 17 : i32
      %scan3A_150 = arith.addi %scan3A_148, %scan3A_149 : i32
      %scan3A_151 = arith.constant 1 : i32
      scf.for %scan3A_295 = %scan3A_148 to %scan3A_150 step %scan3A_151  : i32 {
        %mul3A_296 = arith.constant 8 : i32
        %mul3A_297 = arith.muli %scan3A_295, %mul3A_296 : i32
        %add3A_298 = arith.constant 0 : i32
        %add3A_299 = arith.addi %mul3A_297, %add3A_298 : i32
        %dma_wait3A_300 = arith.constant 0 : i32
        %dma_wait3A_301 = arith.constant 0 : i32
        %dma_wait3A_302 = tpu.memref_slice %arg2[%dma_wait3A_300, %dma_wait3A_301] : memref<10000x128xbf16, #tpu.memory_space<hbm>> -> memref<64x128xbf16, #tpu.memory_space<hbm>>
        %dma_wait3A_303 = arith.constant 0 : i32
        %dma_wait3A_304 = arith.constant 0 : i32
        %dma_wait3A_305 = tpu.memref_slice %arg2[%dma_wait3A_303, %dma_wait3A_304] : memref<10000x128xbf16, #tpu.memory_space<hbm>> -> memref<64x128xbf16, #tpu.memory_space<hbm>>
        tpu.wait_dma2 semaphore(%arg17 : memref<!tpu.dma_semaphore, #tpu.memory_space<semaphore_mem>>) src(%dma_wait3A_305 : memref<64x128xbf16, #tpu.memory_space<hbm>>) dst(%arg9 : memref<64x128xbf16, #tpu.memory_space<vmem>>)
        %dma_start3A_306 = arith.constant 0 : i32
        %dma_start3A_307 = tpu.memref_slice %arg8[%add3A_299, %dma_start3A_306] : memref<136x64xi32, #tpu.memory_space<vmem>> -> memref<1x64xi32, #tpu.memory_space<vmem>>
        %dma_start3A_308 = tpu.memref_squeeze %dma_start3A_307 : memref<1x64xi32, #tpu.memory_space<vmem>> -> memref<64xi32, #tpu.memory_space<vmem>>
        %dma_start3A_309 = arith.constant 0 : i32
        %dma_start3A_310 = arith.constant 0 : i32
        %dma_start3A_311 = tpu.memref_slice %arg36[%dma_start3A_309, %dma_start3A_310] : memref<10112x128xbf16, #tpu.memory_space<vmem_shared>> -> memref<10112x128xbf16, #tpu.memory_space<vmem_shared>>
        tpu.enqueue_indirect_dma source(%arg9 : memref<64x128xbf16, #tpu.memory_space<vmem>>) target(%dma_start3A_311 : memref<10112x128xbf16, #tpu.memory_space<vmem_shared>>) offsets(%dma_start3A_308 : memref<64xi32, #tpu.memory_space<vmem>>) semaphore(%arg25 : memref<!tpu.dma_semaphore, #tpu.memory_space<semaphore_mem>>) {add = true}
        %dma_start3A_312 = arith.constant 0 : i32
        %dma_start3A_313 = tpu.memref_slice %arg8[%add3A_299, %dma_start3A_312] : memref<136x64xi32, #tpu.memory_space<vmem>> -> memref<1x64xi32, #tpu.memory_space<vmem>>
        %dma_start3A_314 = tpu.memref_squeeze %dma_start3A_313 : memref<1x64xi32, #tpu.memory_space<vmem>> -> memref<64xi32, #tpu.memory_space<vmem>>
        %dma_start3A_315 = arith.constant 0 : i32
        %dma_start3A_316 = arith.constant 0 : i32
        %dma_start3A_317 = tpu.memref_slice %arg37[%dma_start3A_315, %dma_start3A_316] : memref<10112x16xf32, #tpu.memory_space<vmem_shared>> -> memref<10112x16xf32, #tpu.memory_space<vmem_shared>>
        tpu.enqueue_indirect_dma source(%arg33 : memref<64x16xf32, #tpu.memory_space<vmem>>) target(%dma_start3A_317 : memref<10112x16xf32, #tpu.memory_space<vmem_shared>>) offsets(%dma_start3A_314 : memref<64xi32, #tpu.memory_space<vmem>>) semaphore(%arg35 : memref<!tpu.dma_semaphore, #tpu.memory_space<semaphore_mem>>) {add = true}
        %ge3A = arith.constant 4 : i32
        %ge3A_318 = arith.cmpi sge, %add3A_299, %ge3A : i32
        %add3A_319 = arith.constant 4 : i32
        %add3A_320 = arith.addi %add3A_299, %add3A_319 : i32
        %lt3A = arith.constant 136 : i32
        %lt3A_321 = arith.cmpi slt, %add3A_320, %lt3A : i32
        %and3A = arith.andi %ge3A_318, %lt3A_321 : i1
        %convert_element_type3A_322 = arith.extui %and3A : i1 to i32
        %cond3A_323 = arith.constant 0 : i32
        %cond3A_324 = arith.cmpi ne, %convert_element_type3A_322, %cond3A_323 : i32
        scf.if %cond3A_324 {
          %dma_wait3A_591 = arith.constant 0 : i32
          %dma_wait3A_592 = arith.constant 0 : i32
          %dma_wait3A_593 = tpu.memref_slice %arg36[%dma_wait3A_591, %dma_wait3A_592] : memref<10112x128xbf16, #tpu.memory_space<vmem_shared>> -> memref<64x128xbf16, #tpu.memory_space<vmem_shared>>
          %dma_wait3A_594 = arith.constant 0 : i32
          %dma_wait3A_595 = arith.constant 0 : i32
          %dma_wait3A_596 = tpu.memref_slice %arg36[%dma_wait3A_594, %dma_wait3A_595] : memref<10112x128xbf16, #tpu.memory_space<vmem_shared>> -> memref<64x128xbf16, #tpu.memory_space<vmem_shared>>
          tpu.wait_dma2 semaphore(%arg29 : memref<!tpu.dma_semaphore, #tpu.memory_space<semaphore_mem>>) src(%arg13 : memref<64x128xbf16, #tpu.memory_space<vmem>>) dst(%dma_wait3A_596 : memref<64x128xbf16, #tpu.memory_space<vmem_shared>>)
        } else {
        }
        %add3A_325 = arith.constant 4 : i32
        %add3A_326 = arith.addi %add3A_299, %add3A_325 : i32
        %lt3A_327 = arith.constant 136 : i32
        %lt3A_328 = arith.cmpi slt, %add3A_326, %lt3A_327 : i32
        %convert_element_type3A_329 = arith.extui %lt3A_328 : i1 to i32
        %cond3A_330 = arith.constant 0 : i32
        %cond3A_331 = arith.cmpi ne, %convert_element_type3A_329, %cond3A_330 : i32
        scf.if %cond3A_331 {
          %add3A_591 = arith.constant 4 : i32
          %add3A_592 = arith.addi %add3A_299, %add3A_591 : i32
          %dma_start3A_593 = arith.constant 0 : i32
          %dma_start3A_594 = tpu.memref_slice %arg7[%add3A_592, %dma_start3A_593] : memref<136x64xi32, #tpu.memory_space<vmem>> -> memref<1x64xi32, #tpu.memory_space<vmem>>
          %dma_start3A_595 = tpu.memref_squeeze %dma_start3A_594 : memref<1x64xi32, #tpu.memory_space<vmem>> -> memref<64xi32, #tpu.memory_space<vmem>>
          %dma_start3A_596 = arith.constant 0 : i32
          %dma_start3A_597 = arith.constant 0 : i32
          %dma_start3A_598 = tpu.memref_slice %arg2[%dma_start3A_596, %dma_start3A_597] : memref<10000x128xbf16, #tpu.memory_space<hbm>> -> memref<10000x128xbf16, #tpu.memory_space<hbm>>
          tpu.enqueue_indirect_dma source(%dma_start3A_598 : memref<10000x128xbf16, #tpu.memory_space<hbm>>) target(%arg13 : memref<64x128xbf16, #tpu.memory_space<vmem>>) offsets(%dma_start3A_595 : memref<64xi32, #tpu.memory_space<vmem>>) semaphore(%arg21 : memref<!tpu.dma_semaphore, #tpu.memory_space<semaphore_mem>>)
        } else {
        }
        %add3A_332 = arith.constant 1 : i32
        %add3A_333 = arith.addi %mul3A_297, %add3A_332 : i32
        %dma_wait3A_334 = arith.constant 0 : i32
        %dma_wait3A_335 = arith.constant 0 : i32
        %dma_wait3A_336 = tpu.memref_slice %arg2[%dma_wait3A_334, %dma_wait3A_335] : memref<10000x128xbf16, #tpu.memory_space<hbm>> -> memref<64x128xbf16, #tpu.memory_space<hbm>>
        %dma_wait3A_337 = arith.constant 0 : i32
        %dma_wait3A_338 = arith.constant 0 : i32
        %dma_wait3A_339 = tpu.memref_slice %arg2[%dma_wait3A_337, %dma_wait3A_338] : memref<10000x128xbf16, #tpu.memory_space<hbm>> -> memref<64x128xbf16, #tpu.memory_space<hbm>>
        tpu.wait_dma2 semaphore(%arg18 : memref<!tpu.dma_semaphore, #tpu.memory_space<semaphore_mem>>) src(%dma_wait3A_339 : memref<64x128xbf16, #tpu.memory_space<hbm>>) dst(%arg10 : memref<64x128xbf16, #tpu.memory_space<vmem>>)
        %dma_start3A_340 = arith.constant 0 : i32
        %dma_start3A_341 = tpu.memref_slice %arg8[%add3A_333, %dma_start3A_340] : memref<136x64xi32, #tpu.memory_space<vmem>> -> memref<1x64xi32, #tpu.memory_space<vmem>>
        %dma_start3A_342 = tpu.memref_squeeze %dma_start3A_341 : memref<1x64xi32, #tpu.memory_space<vmem>> -> memref<64xi32, #tpu.memory_space<vmem>>
        %dma_start3A_343 = arith.constant 0 : i32
        %dma_start3A_344 = arith.constant 0 : i32
        %dma_start3A_345 = tpu.memref_slice %arg36[%dma_start3A_343, %dma_start3A_344] : memref<10112x128xbf16, #tpu.memory_space<vmem_shared>> -> memref<10112x128xbf16, #tpu.memory_space<vmem_shared>>
        tpu.enqueue_indirect_dma source(%arg10 : memref<64x128xbf16, #tpu.memory_space<vmem>>) target(%dma_start3A_345 : memref<10112x128xbf16, #tpu.memory_space<vmem_shared>>) offsets(%dma_start3A_342 : memref<64xi32, #tpu.memory_space<vmem>>) semaphore(%arg26 : memref<!tpu.dma_semaphore, #tpu.memory_space<semaphore_mem>>) {add = true}
        %dma_start3A_346 = arith.constant 0 : i32
        %dma_start3A_347 = tpu.memref_slice %arg8[%add3A_333, %dma_start3A_346] : memref<136x64xi32, #tpu.memory_space<vmem>> -> memref<1x64xi32, #tpu.memory_space<vmem>>
        %dma_start3A_348 = tpu.memref_squeeze %dma_start3A_347 : memref<1x64xi32, #tpu.memory_space<vmem>> -> memref<64xi32, #tpu.memory_space<vmem>>
        %dma_start3A_349 = arith.constant 0 : i32
        %dma_start3A_350 = arith.constant 0 : i32
        %dma_start3A_351 = tpu.memref_slice %arg37[%dma_start3A_349, %dma_start3A_350] : memref<10112x16xf32, #tpu.memory_space<vmem_shared>> -> memref<10112x16xf32, #tpu.memory_space<vmem_shared>>
        tpu.enqueue_indirect_dma source(%arg33 : memref<64x16xf32, #tpu.memory_space<vmem>>) target(%dma_start3A_351 : memref<10112x16xf32, #tpu.memory_space<vmem_shared>>) offsets(%dma_start3A_348 : memref<64xi32, #tpu.memory_space<vmem>>) semaphore(%arg35 : memref<!tpu.dma_semaphore, #tpu.memory_space<semaphore_mem>>) {add = true}
        %ge3A_352 = arith.constant 4 : i32
        %ge3A_353 = arith.cmpi sge, %add3A_333, %ge3A_352 : i32
        %add3A_354 = arith.constant 4 : i32
        %add3A_355 = arith.addi %add3A_333, %add3A_354 : i32
        %lt3A_356 = arith.constant 136 : i32
        %lt3A_357 = arith.cmpi slt, %add3A_355, %lt3A_356 : i32
        %and3A_358 = arith.andi %ge3A_353, %lt3A_357 : i1
        %convert_element_type3A_359 = arith.extui %and3A_358 : i1 to i32
        %cond3A_360 = arith.constant 0 : i32
        %cond3A_361 = arith.cmpi ne, %convert_element_type3A_359, %cond3A_360 : i32
        scf.if %cond3A_361 {
          %dma_wait3A_591 = arith.constant 0 : i32
          %dma_wait3A_592 = arith.constant 0 : i32
          %dma_wait3A_593 = tpu.memref_slice %arg36[%dma_wait3A_591, %dma_wait3A_592] : memref<10112x128xbf16, #tpu.memory_space<vmem_shared>> -> memref<64x128xbf16, #tpu.memory_space<vmem_shared>>
          %dma_wait3A_594 = arith.constant 0 : i32
          %dma_wait3A_595 = arith.constant 0 : i32
          %dma_wait3A_596 = tpu.memref_slice %arg36[%dma_wait3A_594, %dma_wait3A_595] : memref<10112x128xbf16, #tpu.memory_space<vmem_shared>> -> memref<64x128xbf16, #tpu.memory_space<vmem_shared>>
          tpu.wait_dma2 semaphore(%arg30 : memref<!tpu.dma_semaphore, #tpu.memory_space<semaphore_mem>>) src(%arg14 : memref<64x128xbf16, #tpu.memory_space<vmem>>) dst(%dma_wait3A_596 : memref<64x128xbf16, #tpu.memory_space<vmem_shared>>)
        } else {
        }
        %add3A_362 = arith.constant 4 : i32
        %add3A_363 = arith.addi %add3A_333, %add3A_362 : i32
        %lt3A_364 = arith.constant 136 : i32
        %lt3A_365 = arith.cmpi slt, %add3A_363, %lt3A_364 : i32
        %convert_element_type3A_366 = arith.extui %lt3A_365 : i1 to i32
        %cond3A_367 = arith.constant 0 : i32
        %cond3A_368 = arith.cmpi ne, %convert_element_type3A_366, %cond3A_367 : i32
        scf.if %cond3A_368 {
          %add3A_591 = arith.constant 4 : i32
          %add3A_592 = arith.addi %add3A_333, %add3A_591 : i32
          %dma_start3A_593 = arith.constant 0 : i32
          %dma_start3A_594 = tpu.memref_slice %arg7[%add3A_592, %dma_start3A_593] : memref<136x64xi32, #tpu.memory_space<vmem>> -> memref<1x64xi32, #tpu.memory_space<vmem>>
          %dma_start3A_595 = tpu.memref_squeeze %dma_start3A_594 : memref<1x64xi32, #tpu.memory_space<vmem>> -> memref<64xi32, #tpu.memory_space<vmem>>
          %dma_start3A_596 = arith.constant 0 : i32
          %dma_start3A_597 = arith.constant 0 : i32
          %dma_start3A_598 = tpu.memref_slice %arg2[%dma_start3A_596, %dma_start3A_597] : memref<10000x128xbf16, #tpu.memory_space<hbm>> -> memref<10000x128xbf16, #tpu.memory_space<hbm>>
          tpu.enqueue_indirect_dma source(%dma_start3A_598 : memref<10000x128xbf16, #tpu.memory_space<hbm>>) target(%arg14 : memref<64x128xbf16, #tpu.memory_space<vmem>>) offsets(%dma_start3A_595 : memref<64xi32, #tpu.memory_space<vmem>>) semaphore(%arg22 : memref<!tpu.dma_semaphore, #tpu.memory_space<semaphore_mem>>)
        } else {
        }
        %add3A_369 = arith.constant 2 : i32
        %add3A_370 = arith.addi %mul3A_297, %add3A_369 : i32
        %dma_wait3A_371 = arith.constant 0 : i32
        %dma_wait3A_372 = arith.constant 0 : i32
        %dma_wait3A_373 = tpu.memref_slice %arg2[%dma_wait3A_371, %dma_wait3A_372] : memref<10000x128xbf16, #tpu.memory_space<hbm>> -> memref<64x128xbf16, #tpu.memory_space<hbm>>
        %dma_wait3A_374 = arith.constant 0 : i32
        %dma_wait3A_375 = arith.constant 0 : i32
        %dma_wait3A_376 = tpu.memref_slice %arg2[%dma_wait3A_374, %dma_wait3A_375] : memref<10000x128xbf16, #tpu.memory_space<hbm>> -> memref<64x128xbf16, #tpu.memory_space<hbm>>
        tpu.wait_dma2 semaphore(%arg19 : memref<!tpu.dma_semaphore, #tpu.memory_space<semaphore_mem>>) src(%dma_wait3A_376 : memref<64x128xbf16, #tpu.memory_space<hbm>>) dst(%arg11 : memref<64x128xbf16, #tpu.memory_space<vmem>>)
        %dma_start3A_377 = arith.constant 0 : i32
        %dma_start3A_378 = tpu.memref_slice %arg8[%add3A_370, %dma_start3A_377] : memref<136x64xi32, #tpu.memory_space<vmem>> -> memref<1x64xi32, #tpu.memory_space<vmem>>
        %dma_start3A_379 = tpu.memref_squeeze %dma_start3A_378 : memref<1x64xi32, #tpu.memory_space<vmem>> -> memref<64xi32, #tpu.memory_space<vmem>>
        %dma_start3A_380 = arith.constant 0 : i32
        %dma_start3A_381 = arith.constant 0 : i32
        %dma_start3A_382 = tpu.memref_slice %arg36[%dma_start3A_380, %dma_start3A_381] : memref<10112x128xbf16, #tpu.memory_space<vmem_shared>> -> memref<10112x128xbf16, #tpu.memory_space<vmem_shared>>
        tpu.enqueue_indirect_dma source(%arg11 : memref<64x128xbf16, #tpu.memory_space<vmem>>) target(%dma_start3A_382 : memref<10112x128xbf16, #tpu.memory_space<vmem_shared>>) offsets(%dma_start3A_379 : memref<64xi32, #tpu.memory_space<vmem>>) semaphore(%arg27 : memref<!tpu.dma_semaphore, #tpu.memory_space<semaphore_mem>>) {add = true}
        %dma_start3A_383 = arith.constant 0 : i32
        %dma_start3A_384 = tpu.memref_slice %arg8[%add3A_370, %dma_start3A_383] : memref<136x64xi32, #tpu.memory_space<vmem>> -> memref<1x64xi32, #tpu.memory_space<vmem>>
        %dma_start3A_385 = tpu.memref_squeeze %dma_start3A_384 : memref<1x64xi32, #tpu.memory_space<vmem>> -> memref<64xi32, #tpu.memory_space<vmem>>
        %dma_start3A_386 = arith.constant 0 : i32
        %dma_start3A_387 = arith.constant 0 : i32
        %dma_start3A_388 = tpu.memref_slice %arg37[%dma_start3A_386, %dma_start3A_387] : memref<10112x16xf32, #tpu.memory_space<vmem_shared>> -> memref<10112x16xf32, #tpu.memory_space<vmem_shared>>
        tpu.enqueue_indirect_dma source(%arg33 : memref<64x16xf32, #tpu.memory_space<vmem>>) target(%dma_start3A_388 : memref<10112x16xf32, #tpu.memory_space<vmem_shared>>) offsets(%dma_start3A_385 : memref<64xi32, #tpu.memory_space<vmem>>) semaphore(%arg35 : memref<!tpu.dma_semaphore, #tpu.memory_space<semaphore_mem>>) {add = true}
        %ge3A_389 = arith.constant 4 : i32
        %ge3A_390 = arith.cmpi sge, %add3A_370, %ge3A_389 : i32
        %add3A_391 = arith.constant 4 : i32
        %add3A_392 = arith.addi %add3A_370, %add3A_391 : i32
        %lt3A_393 = arith.constant 136 : i32
        %lt3A_394 = arith.cmpi slt, %add3A_392, %lt3A_393 : i32
        %and3A_395 = arith.andi %ge3A_390, %lt3A_394 : i1
        %convert_element_type3A_396 = arith.extui %and3A_395 : i1 to i32
        %cond3A_397 = arith.constant 0 : i32
        %cond3A_398 = arith.cmpi ne, %convert_element_type3A_396, %cond3A_397 : i32
        scf.if %cond3A_398 {
          %dma_wait3A_591 = arith.constant 0 : i32
          %dma_wait3A_592 = arith.constant 0 : i32
          %dma_wait3A_593 = tpu.memref_slice %arg36[%dma_wait3A_591, %dma_wait3A_592] : memref<10112x128xbf16, #tpu.memory_space<vmem_shared>> -> memref<64x128xbf16, #tpu.memory_space<vmem_shared>>
          %dma_wait3A_594 = arith.constant 0 : i32
          %dma_wait3A_595 = arith.constant 0 : i32
          %dma_wait3A_596 = tpu.memref_slice %arg36[%dma_wait3A_594, %dma_wait3A_595] : memref<10112x128xbf16, #tpu.memory_space<vmem_shared>> -> memref<64x128xbf16, #tpu.memory_space<vmem_shared>>
          tpu.wait_dma2 semaphore(%arg31 : memref<!tpu.dma_semaphore, #tpu.memory_space<semaphore_mem>>) src(%arg15 : memref<64x128xbf16, #tpu.memory_space<vmem>>) dst(%dma_wait3A_596 : memref<64x128xbf16, #tpu.memory_space<vmem_shared>>)
        } else {
        }
        %add3A_399 = arith.constant 4 : i32
        %add3A_400 = arith.addi %add3A_370, %add3A_399 : i32
        %lt3A_401 = arith.constant 136 : i32
        %lt3A_402 = arith.cmpi slt, %add3A_400, %lt3A_401 : i32
        %convert_element_type3A_403 = arith.extui %lt3A_402 : i1 to i32
        %cond3A_404 = arith.constant 0 : i32
        %cond3A_405 = arith.cmpi ne, %convert_element_type3A_403, %cond3A_404 : i32
        scf.if %cond3A_405 {
          %add3A_591 = arith.constant 4 : i32
          %add3A_592 = arith.addi %add3A_370, %add3A_591 : i32
          %dma_start3A_593 = arith.constant 0 : i32
          %dma_start3A_594 = tpu.memref_slice %arg7[%add3A_592, %dma_start3A_593] : memref<136x64xi32, #tpu.memory_space<vmem>> -> memref<1x64xi32, #tpu.memory_space<vmem>>
          %dma_start3A_595 = tpu.memref_squeeze %dma_start3A_594 : memref<1x64xi32, #tpu.memory_space<vmem>> -> memref<64xi32, #tpu.memory_space<vmem>>
          %dma_start3A_596 = arith.constant 0 : i32
          %dma_start3A_597 = arith.constant 0 : i32
          %dma_start3A_598 = tpu.memref_slice %arg2[%dma_start3A_596, %dma_start3A_597] : memref<10000x128xbf16, #tpu.memory_space<hbm>> -> memref<10000x128xbf16, #tpu.memory_space<hbm>>
          tpu.enqueue_indirect_dma source(%dma_start3A_598 : memref<10000x128xbf16, #tpu.memory_space<hbm>>) target(%arg15 : memref<64x128xbf16, #tpu.memory_space<vmem>>) offsets(%dma_start3A_595 : memref<64xi32, #tpu.memory_space<vmem>>) semaphore(%arg23 : memref<!tpu.dma_semaphore, #tpu.memory_space<semaphore_mem>>)
        } else {
        }
        %add3A_406 = arith.constant 3 : i32
        %add3A_407 = arith.addi %mul3A_297, %add3A_406 : i32
        %dma_wait3A_408 = arith.constant 0 : i32
        %dma_wait3A_409 = arith.constant 0 : i32
        %dma_wait3A_410 = tpu.memref_slice %arg2[%dma_wait3A_408, %dma_wait3A_409] : memref<10000x128xbf16, #tpu.memory_space<hbm>> -> memref<64x128xbf16, #tpu.memory_space<hbm>>
        %dma_wait3A_411 = arith.constant 0 : i32
        %dma_wait3A_412 = arith.constant 0 : i32
        %dma_wait3A_413 = tpu.memref_slice %arg2[%dma_wait3A_411, %dma_wait3A_412] : memref<10000x128xbf16, #tpu.memory_space<hbm>> -> memref<64x128xbf16, #tpu.memory_space<hbm>>
        tpu.wait_dma2 semaphore(%arg20 : memref<!tpu.dma_semaphore, #tpu.memory_space<semaphore_mem>>) src(%dma_wait3A_413 : memref<64x128xbf16, #tpu.memory_space<hbm>>) dst(%arg12 : memref<64x128xbf16, #tpu.memory_space<vmem>>)
        %dma_start3A_414 = arith.constant 0 : i32
        %dma_start3A_415 = tpu.memref_slice %arg8[%add3A_407, %dma_start3A_414] : memref<136x64xi32, #tpu.memory_space<vmem>> -> memref<1x64xi32, #tpu.memory_space<vmem>>
        %dma_start3A_416 = tpu.memref_squeeze %dma_start3A_415 : memref<1x64xi32, #tpu.memory_space<vmem>> -> memref<64xi32, #tpu.memory_space<vmem>>
        %dma_start3A_417 = arith.constant 0 : i32
        %dma_start3A_418 = arith.constant 0 : i32
        %dma_start3A_419 = tpu.memref_slice %arg36[%dma_start3A_417, %dma_start3A_418] : memref<10112x128xbf16, #tpu.memory_space<vmem_shared>> -> memref<10112x128xbf16, #tpu.memory_space<vmem_shared>>
        tpu.enqueue_indirect_dma source(%arg12 : memref<64x128xbf16, #tpu.memory_space<vmem>>) target(%dma_start3A_419 : memref<10112x128xbf16, #tpu.memory_space<vmem_shared>>) offsets(%dma_start3A_416 : memref<64xi32, #tpu.memory_space<vmem>>) semaphore(%arg28 : memref<!tpu.dma_semaphore, #tpu.memory_space<semaphore_mem>>) {add = true}
        %dma_start3A_420 = arith.constant 0 : i32
        %dma_start3A_421 = tpu.memref_slice %arg8[%add3A_407, %dma_start3A_420] : memref<136x64xi32, #tpu.memory_space<vmem>> -> memref<1x64xi32, #tpu.memory_space<vmem>>
        %dma_start3A_422 = tpu.memref_squeeze %dma_start3A_421 : memref<1x64xi32, #tpu.memory_space<vmem>> -> memref<64xi32, #tpu.memory_space<vmem>>
        %dma_start3A_423 = arith.constant 0 : i32
        %dma_start3A_424 = arith.constant 0 : i32
        %dma_start3A_425 = tpu.memref_slice %arg37[%dma_start3A_423, %dma_start3A_424] : memref<10112x16xf32, #tpu.memory_space<vmem_shared>> -> memref<10112x16xf32, #tpu.memory_space<vmem_shared>>
        tpu.enqueue_indirect_dma source(%arg33 : memref<64x16xf32, #tpu.memory_space<vmem>>) target(%dma_start3A_425 : memref<10112x16xf32, #tpu.memory_space<vmem_shared>>) offsets(%dma_start3A_422 : memref<64xi32, #tpu.memory_space<vmem>>) semaphore(%arg35 : memref<!tpu.dma_semaphore, #tpu.memory_space<semaphore_mem>>) {add = true}
        %ge3A_426 = arith.constant 4 : i32
        %ge3A_427 = arith.cmpi sge, %add3A_407, %ge3A_426 : i32
        %add3A_428 = arith.constant 4 : i32
        %add3A_429 = arith.addi %add3A_407, %add3A_428 : i32
        %lt3A_430 = arith.constant 136 : i32
        %lt3A_431 = arith.cmpi slt, %add3A_429, %lt3A_430 : i32
        %and3A_432 = arith.andi %ge3A_427, %lt3A_431 : i1
        %convert_element_type3A_433 = arith.extui %and3A_432 : i1 to i32
        %cond3A_434 = arith.constant 0 : i32
        %cond3A_435 = arith.cmpi ne, %convert_element_type3A_433, %cond3A_434 : i32
        scf.if %cond3A_435 {
          %dma_wait3A_591 = arith.constant 0 : i32
          %dma_wait3A_592 = arith.constant 0 : i32
          %dma_wait3A_593 = tpu.memref_slice %arg36[%dma_wait3A_591, %dma_wait3A_592] : memref<10112x128xbf16, #tpu.memory_space<vmem_shared>> -> memref<64x128xbf16, #tpu.memory_space<vmem_shared>>
          %dma_wait3A_594 = arith.constant 0 : i32
          %dma_wait3A_595 = arith.constant 0 : i32
          %dma_wait3A_596 = tpu.memref_slice %arg36[%dma_wait3A_594, %dma_wait3A_595] : memref<10112x128xbf16, #tpu.memory_space<vmem_shared>> -> memref<64x128xbf16, #tpu.memory_space<vmem_shared>>
          tpu.wait_dma2 semaphore(%arg32 : memref<!tpu.dma_semaphore, #tpu.memory_space<semaphore_mem>>) src(%arg16 : memref<64x128xbf16, #tpu.memory_space<vmem>>) dst(%dma_wait3A_596 : memref<64x128xbf16, #tpu.memory_space<vmem_shared>>)
        } else {
        }
        %add3A_436 = arith.constant 4 : i32
        %add3A_437 = arith.addi %add3A_407, %add3A_436 : i32
        %lt3A_438 = arith.constant 136 : i32
        %lt3A_439 = arith.cmpi slt, %add3A_437, %lt3A_438 : i32
        %convert_element_type3A_440 = arith.extui %lt3A_439 : i1 to i32
        %cond3A_441 = arith.constant 0 : i32
        %cond3A_442 = arith.cmpi ne, %convert_element_type3A_440, %cond3A_441 : i32
        scf.if %cond3A_442 {
          %add3A_591 = arith.constant 4 : i32
          %add3A_592 = arith.addi %add3A_407, %add3A_591 : i32
          %dma_start3A_593 = arith.constant 0 : i32
          %dma_start3A_594 = tpu.memref_slice %arg7[%add3A_592, %dma_start3A_593] : memref<136x64xi32, #tpu.memory_space<vmem>> -> memref<1x64xi32, #tpu.memory_space<vmem>>
          %dma_start3A_595 = tpu.memref_squeeze %dma_start3A_594 : memref<1x64xi32, #tpu.memory_space<vmem>> -> memref<64xi32, #tpu.memory_space<vmem>>
          %dma_start3A_596 = arith.constant 0 : i32
          %dma_start3A_597 = arith.constant 0 : i32
          %dma_start3A_598 = tpu.memref_slice %arg2[%dma_start3A_596, %dma_start3A_597] : memref<10000x128xbf16, #tpu.memory_space<hbm>> -> memref<10000x128xbf16, #tpu.memory_space<hbm>>
          tpu.enqueue_indirect_dma source(%dma_start3A_598 : memref<10000x128xbf16, #tpu.memory_space<hbm>>) target(%arg16 : memref<64x128xbf16, #tpu.memory_space<vmem>>) offsets(%dma_start3A_595 : memref<64xi32, #tpu.memory_space<vmem>>) semaphore(%arg24 : memref<!tpu.dma_semaphore, #tpu.memory_space<semaphore_mem>>)
        } else {
        }
        %add3A_443 = arith.constant 4 : i32
        %add3A_444 = arith.addi %mul3A_297, %add3A_443 : i32
        %dma_wait3A_445 = arith.constant 0 : i32
        %dma_wait3A_446 = arith.constant 0 : i32
        %dma_wait3A_447 = tpu.memref_slice %arg2[%dma_wait3A_445, %dma_wait3A_446] : memref<10000x128xbf16, #tpu.memory_space<hbm>> -> memref<64x128xbf16, #tpu.memory_space<hbm>>
        %dma_wait3A_448 = arith.constant 0 : i32
        %dma_wait3A_449 = arith.constant 0 : i32
        %dma_wait3A_450 = tpu.memref_slice %arg2[%dma_wait3A_448, %dma_wait3A_449] : memref<10000x128xbf16, #tpu.memory_space<hbm>> -> memref<64x128xbf16, #tpu.memory_space<hbm>>
        tpu.wait_dma2 semaphore(%arg21 : memref<!tpu.dma_semaphore, #tpu.memory_space<semaphore_mem>>) src(%dma_wait3A_450 : memref<64x128xbf16, #tpu.memory_space<hbm>>) dst(%arg13 : memref<64x128xbf16, #tpu.memory_space<vmem>>)
        %dma_start3A_451 = arith.constant 0 : i32
        %dma_start3A_452 = tpu.memref_slice %arg8[%add3A_444, %dma_start3A_451] : memref<136x64xi32, #tpu.memory_space<vmem>> -> memref<1x64xi32, #tpu.memory_space<vmem>>
        %dma_start3A_453 = tpu.memref_squeeze %dma_start3A_452 : memref<1x64xi32, #tpu.memory_space<vmem>> -> memref<64xi32, #tpu.memory_space<vmem>>
        %dma_start3A_454 = arith.constant 0 : i32
        %dma_start3A_455 = arith.constant 0 : i32
        %dma_start3A_456 = tpu.memref_slice %arg36[%dma_start3A_454, %dma_start3A_455] : memref<10112x128xbf16, #tpu.memory_space<vmem_shared>> -> memref<10112x128xbf16, #tpu.memory_space<vmem_shared>>
        tpu.enqueue_indirect_dma source(%arg13 : memref<64x128xbf16, #tpu.memory_space<vmem>>) target(%dma_start3A_456 : memref<10112x128xbf16, #tpu.memory_space<vmem_shared>>) offsets(%dma_start3A_453 : memref<64xi32, #tpu.memory_space<vmem>>) semaphore(%arg29 : memref<!tpu.dma_semaphore, #tpu.memory_space<semaphore_mem>>) {add = true}
        %dma_start3A_457 = arith.constant 0 : i32
        %dma_start3A_458 = tpu.memref_slice %arg8[%add3A_444, %dma_start3A_457] : memref<136x64xi32, #tpu.memory_space<vmem>> -> memref<1x64xi32, #tpu.memory_space<vmem>>
        %dma_start3A_459 = tpu.memref_squeeze %dma_start3A_458 : memref<1x64xi32, #tpu.memory_space<vmem>> -> memref<64xi32, #tpu.memory_space<vmem>>
        %dma_start3A_460 = arith.constant 0 : i32
        %dma_start3A_461 = arith.constant 0 : i32
        %dma_start3A_462 = tpu.memref_slice %arg37[%dma_start3A_460, %dma_start3A_461] : memref<10112x16xf32, #tpu.memory_space<vmem_shared>> -> memref<10112x16xf32, #tpu.memory_space<vmem_shared>>
        tpu.enqueue_indirect_dma source(%arg33 : memref<64x16xf32, #tpu.memory_space<vmem>>) target(%dma_start3A_462 : memref<10112x16xf32, #tpu.memory_space<vmem_shared>>) offsets(%dma_start3A_459 : memref<64xi32, #tpu.memory_space<vmem>>) semaphore(%arg35 : memref<!tpu.dma_semaphore, #tpu.memory_space<semaphore_mem>>) {add = true}
        %ge3A_463 = arith.constant 4 : i32
        %ge3A_464 = arith.cmpi sge, %add3A_444, %ge3A_463 : i32
        %add3A_465 = arith.constant 4 : i32
        %add3A_466 = arith.addi %add3A_444, %add3A_465 : i32
        %lt3A_467 = arith.constant 136 : i32
        %lt3A_468 = arith.cmpi slt, %add3A_466, %lt3A_467 : i32
        %and3A_469 = arith.andi %ge3A_464, %lt3A_468 : i1
        %convert_element_type3A_470 = arith.extui %and3A_469 : i1 to i32
        %cond3A_471 = arith.constant 0 : i32
        %cond3A_472 = arith.cmpi ne, %convert_element_type3A_470, %cond3A_471 : i32
        scf.if %cond3A_472 {
          %dma_wait3A_591 = arith.constant 0 : i32
          %dma_wait3A_592 = arith.constant 0 : i32
          %dma_wait3A_593 = tpu.memref_slice %arg36[%dma_wait3A_591, %dma_wait3A_592] : memref<10112x128xbf16, #tpu.memory_space<vmem_shared>> -> memref<64x128xbf16, #tpu.memory_space<vmem_shared>>
          %dma_wait3A_594 = arith.constant 0 : i32
          %dma_wait3A_595 = arith.constant 0 : i32
          %dma_wait3A_596 = tpu.memref_slice %arg36[%dma_wait3A_594, %dma_wait3A_595] : memref<10112x128xbf16, #tpu.memory_space<vmem_shared>> -> memref<64x128xbf16, #tpu.memory_space<vmem_shared>>
          tpu.wait_dma2 semaphore(%arg25 : memref<!tpu.dma_semaphore, #tpu.memory_space<semaphore_mem>>) src(%arg9 : memref<64x128xbf16, #tpu.memory_space<vmem>>) dst(%dma_wait3A_596 : memref<64x128xbf16, #tpu.memory_space<vmem_shared>>)
        } else {
        }
        %add3A_473 = arith.constant 4 : i32
        %add3A_474 = arith.addi %add3A_444, %add3A_473 : i32
        %lt3A_475 = arith.constant 136 : i32
        %lt3A_476 = arith.cmpi slt, %add3A_474, %lt3A_475 : i32
        %convert_element_type3A_477 = arith.extui %lt3A_476 : i1 to i32
        %cond3A_478 = arith.constant 0 : i32
        %cond3A_479 = arith.cmpi ne, %convert_element_type3A_477, %cond3A_478 : i32
        scf.if %cond3A_479 {
          %add3A_591 = arith.constant 4 : i32
          %add3A_592 = arith.addi %add3A_444, %add3A_591 : i32
          %dma_start3A_593 = arith.constant 0 : i32
          %dma_start3A_594 = tpu.memref_slice %arg7[%add3A_592, %dma_start3A_593] : memref<136x64xi32, #tpu.memory_space<vmem>> -> memref<1x64xi32, #tpu.memory_space<vmem>>
          %dma_start3A_595 = tpu.memref_squeeze %dma_start3A_594 : memref<1x64xi32, #tpu.memory_space<vmem>> -> memref<64xi32, #tpu.memory_space<vmem>>
          %dma_start3A_596 = arith.constant 0 : i32
          %dma_start3A_597 = arith.constant 0 : i32
          %dma_start3A_598 = tpu.memref_slice %arg2[%dma_start3A_596, %dma_start3A_597] : memref<10000x128xbf16, #tpu.memory_space<hbm>> -> memref<10000x128xbf16, #tpu.memory_space<hbm>>
          tpu.enqueue_indirect_dma source(%dma_start3A_598 : memref<10000x128xbf16, #tpu.memory_space<hbm>>) target(%arg9 : memref<64x128xbf16, #tpu.memory_space<vmem>>) offsets(%dma_start3A_595 : memref<64xi32, #tpu.memory_space<vmem>>) semaphore(%arg17 : memref<!tpu.dma_semaphore, #tpu.memory_space<semaphore_mem>>)
        } else {
        }
        %add3A_480 = arith.constant 5 : i32
        %add3A_481 = arith.addi %mul3A_297, %add3A_480 : i32
        %dma_wait3A_482 = arith.constant 0 : i32
        %dma_wait3A_483 = arith.constant 0 : i32
        %dma_wait3A_484 = tpu.memref_slice %arg2[%dma_wait3A_482, %dma_wait3A_483] : memref<10000x128xbf16, #tpu.memory_space<hbm>> -> memref<64x128xbf16, #tpu.memory_space<hbm>>
        %dma_wait3A_485 = arith.constant 0 : i32
        %dma_wait3A_486 = arith.constant 0 : i32
        %dma_wait3A_487 = tpu.memref_slice %arg2[%dma_wait3A_485, %dma_wait3A_486] : memref<10000x128xbf16, #tpu.memory_space<hbm>> -> memref<64x128xbf16, #tpu.memory_space<hbm>>
        tpu.wait_dma2 semaphore(%arg22 : memref<!tpu.dma_semaphore, #tpu.memory_space<semaphore_mem>>) src(%dma_wait3A_487 : memref<64x128xbf16, #tpu.memory_space<hbm>>) dst(%arg14 : memref<64x128xbf16, #tpu.memory_space<vmem>>)
        %dma_start3A_488 = arith.constant 0 : i32
        %dma_start3A_489 = tpu.memref_slice %arg8[%add3A_481, %dma_start3A_488] : memref<136x64xi32, #tpu.memory_space<vmem>> -> memref<1x64xi32, #tpu.memory_space<vmem>>
        %dma_start3A_490 = tpu.memref_squeeze %dma_start3A_489 : memref<1x64xi32, #tpu.memory_space<vmem>> -> memref<64xi32, #tpu.memory_space<vmem>>
        %dma_start3A_491 = arith.constant 0 : i32
        %dma_start3A_492 = arith.constant 0 : i32
        %dma_start3A_493 = tpu.memref_slice %arg36[%dma_start3A_491, %dma_start3A_492] : memref<10112x128xbf16, #tpu.memory_space<vmem_shared>> -> memref<10112x128xbf16, #tpu.memory_space<vmem_shared>>
        tpu.enqueue_indirect_dma source(%arg14 : memref<64x128xbf16, #tpu.memory_space<vmem>>) target(%dma_start3A_493 : memref<10112x128xbf16, #tpu.memory_space<vmem_shared>>) offsets(%dma_start3A_490 : memref<64xi32, #tpu.memory_space<vmem>>) semaphore(%arg30 : memref<!tpu.dma_semaphore, #tpu.memory_space<semaphore_mem>>) {add = true}
        %dma_start3A_494 = arith.constant 0 : i32
        %dma_start3A_495 = tpu.memref_slice %arg8[%add3A_481, %dma_start3A_494] : memref<136x64xi32, #tpu.memory_space<vmem>> -> memref<1x64xi32, #tpu.memory_space<vmem>>
        %dma_start3A_496 = tpu.memref_squeeze %dma_start3A_495 : memref<1x64xi32, #tpu.memory_space<vmem>> -> memref<64xi32, #tpu.memory_space<vmem>>
        %dma_start3A_497 = arith.constant 0 : i32
        %dma_start3A_498 = arith.constant 0 : i32
        %dma_start3A_499 = tpu.memref_slice %arg37[%dma_start3A_497, %dma_start3A_498] : memref<10112x16xf32, #tpu.memory_space<vmem_shared>> -> memref<10112x16xf32, #tpu.memory_space<vmem_shared>>
        tpu.enqueue_indirect_dma source(%arg33 : memref<64x16xf32, #tpu.memory_space<vmem>>) target(%dma_start3A_499 : memref<10112x16xf32, #tpu.memory_space<vmem_shared>>) offsets(%dma_start3A_496 : memref<64xi32, #tpu.memory_space<vmem>>) semaphore(%arg35 : memref<!tpu.dma_semaphore, #tpu.memory_space<semaphore_mem>>) {add = true}
        %ge3A_500 = arith.constant 4 : i32
        %ge3A_501 = arith.cmpi sge, %add3A_481, %ge3A_500 : i32
        %add3A_502 = arith.constant 4 : i32
        %add3A_503 = arith.addi %add3A_481, %add3A_502 : i32
        %lt3A_504 = arith.constant 136 : i32
        %lt3A_505 = arith.cmpi slt, %add3A_503, %lt3A_504 : i32
        %and3A_506 = arith.andi %ge3A_501, %lt3A_505 : i1
        %convert_element_type3A_507 = arith.extui %and3A_506 : i1 to i32
        %cond3A_508 = arith.constant 0 : i32
        %cond3A_509 = arith.cmpi ne, %convert_element_type3A_507, %cond3A_508 : i32
        scf.if %cond3A_509 {
          %dma_wait3A_591 = arith.constant 0 : i32
          %dma_wait3A_592 = arith.constant 0 : i32
          %dma_wait3A_593 = tpu.memref_slice %arg36[%dma_wait3A_591, %dma_wait3A_592] : memref<10112x128xbf16, #tpu.memory_space<vmem_shared>> -> memref<64x128xbf16, #tpu.memory_space<vmem_shared>>
          %dma_wait3A_594 = arith.constant 0 : i32
          %dma_wait3A_595 = arith.constant 0 : i32
          %dma_wait3A_596 = tpu.memref_slice %arg36[%dma_wait3A_594, %dma_wait3A_595] : memref<10112x128xbf16, #tpu.memory_space<vmem_shared>> -> memref<64x128xbf16, #tpu.memory_space<vmem_shared>>
          tpu.wait_dma2 semaphore(%arg26 : memref<!tpu.dma_semaphore, #tpu.memory_space<semaphore_mem>>) src(%arg10 : memref<64x128xbf16, #tpu.memory_space<vmem>>) dst(%dma_wait3A_596 : memref<64x128xbf16, #tpu.memory_space<vmem_shared>>)
        } else {
        }
        %add3A_510 = arith.constant 4 : i32
        %add3A_511 = arith.addi %add3A_481, %add3A_510 : i32
        %lt3A_512 = arith.constant 136 : i32
        %lt3A_513 = arith.cmpi slt, %add3A_511, %lt3A_512 : i32
        %convert_element_type3A_514 = arith.extui %lt3A_513 : i1 to i32
        %cond3A_515 = arith.constant 0 : i32
        %cond3A_516 = arith.cmpi ne, %convert_element_type3A_514, %cond3A_515 : i32
        scf.if %cond3A_516 {
          %add3A_591 = arith.constant 4 : i32
          %add3A_592 = arith.addi %add3A_481, %add3A_591 : i32
          %dma_start3A_593 = arith.constant 0 : i32
          %dma_start3A_594 = tpu.memref_slice %arg7[%add3A_592, %dma_start3A_593] : memref<136x64xi32, #tpu.memory_space<vmem>> -> memref<1x64xi32, #tpu.memory_space<vmem>>
          %dma_start3A_595 = tpu.memref_squeeze %dma_start3A_594 : memref<1x64xi32, #tpu.memory_space<vmem>> -> memref<64xi32, #tpu.memory_space<vmem>>
          %dma_start3A_596 = arith.constant 0 : i32
          %dma_start3A_597 = arith.constant 0 : i32
          %dma_start3A_598 = tpu.memref_slice %arg2[%dma_start3A_596, %dma_start3A_597] : memref<10000x128xbf16, #tpu.memory_space<hbm>> -> memref<10000x128xbf16, #tpu.memory_space<hbm>>
          tpu.enqueue_indirect_dma source(%dma_start3A_598 : memref<10000x128xbf16, #tpu.memory_space<hbm>>) target(%arg10 : memref<64x128xbf16, #tpu.memory_space<vmem>>) offsets(%dma_start3A_595 : memref<64xi32, #tpu.memory_space<vmem>>) semaphore(%arg18 : memref<!tpu.dma_semaphore, #tpu.memory_space<semaphore_mem>>)
        } else {
        }
        %add3A_517 = arith.constant 6 : i32
        %add3A_518 = arith.addi %mul3A_297, %add3A_517 : i32
        %dma_wait3A_519 = arith.constant 0 : i32
        %dma_wait3A_520 = arith.constant 0 : i32
        %dma_wait3A_521 = tpu.memref_slice %arg2[%dma_wait3A_519, %dma_wait3A_520] : memref<10000x128xbf16, #tpu.memory_space<hbm>> -> memref<64x128xbf16, #tpu.memory_space<hbm>>
        %dma_wait3A_522 = arith.constant 0 : i32
        %dma_wait3A_523 = arith.constant 0 : i32
        %dma_wait3A_524 = tpu.memref_slice %arg2[%dma_wait3A_522, %dma_wait3A_523] : memref<10000x128xbf16, #tpu.memory_space<hbm>> -> memref<64x128xbf16, #tpu.memory_space<hbm>>
        tpu.wait_dma2 semaphore(%arg23 : memref<!tpu.dma_semaphore, #tpu.memory_space<semaphore_mem>>) src(%dma_wait3A_524 : memref<64x128xbf16, #tpu.memory_space<hbm>>) dst(%arg15 : memref<64x128xbf16, #tpu.memory_space<vmem>>)
        %dma_start3A_525 = arith.constant 0 : i32
        %dma_start3A_526 = tpu.memref_slice %arg8[%add3A_518, %dma_start3A_525] : memref<136x64xi32, #tpu.memory_space<vmem>> -> memref<1x64xi32, #tpu.memory_space<vmem>>
        %dma_start3A_527 = tpu.memref_squeeze %dma_start3A_526 : memref<1x64xi32, #tpu.memory_space<vmem>> -> memref<64xi32, #tpu.memory_space<vmem>>
        %dma_start3A_528 = arith.constant 0 : i32
        %dma_start3A_529 = arith.constant 0 : i32
        %dma_start3A_530 = tpu.memref_slice %arg36[%dma_start3A_528, %dma_start3A_529] : memref<10112x128xbf16, #tpu.memory_space<vmem_shared>> -> memref<10112x128xbf16, #tpu.memory_space<vmem_shared>>
        tpu.enqueue_indirect_dma source(%arg15 : memref<64x128xbf16, #tpu.memory_space<vmem>>) target(%dma_start3A_530 : memref<10112x128xbf16, #tpu.memory_space<vmem_shared>>) offsets(%dma_start3A_527 : memref<64xi32, #tpu.memory_space<vmem>>) semaphore(%arg31 : memref<!tpu.dma_semaphore, #tpu.memory_space<semaphore_mem>>) {add = true}
        %dma_start3A_531 = arith.constant 0 : i32
        %dma_start3A_532 = tpu.memref_slice %arg8[%add3A_518, %dma_start3A_531] : memref<136x64xi32, #tpu.memory_space<vmem>> -> memref<1x64xi32, #tpu.memory_space<vmem>>
        %dma_start3A_533 = tpu.memref_squeeze %dma_start3A_532 : memref<1x64xi32, #tpu.memory_space<vmem>> -> memref<64xi32, #tpu.memory_space<vmem>>
        %dma_start3A_534 = arith.constant 0 : i32
        %dma_start3A_535 = arith.constant 0 : i32
        %dma_start3A_536 = tpu.memref_slice %arg37[%dma_start3A_534, %dma_start3A_535] : memref<10112x16xf32, #tpu.memory_space<vmem_shared>> -> memref<10112x16xf32, #tpu.memory_space<vmem_shared>>
        tpu.enqueue_indirect_dma source(%arg33 : memref<64x16xf32, #tpu.memory_space<vmem>>) target(%dma_start3A_536 : memref<10112x16xf32, #tpu.memory_space<vmem_shared>>) offsets(%dma_start3A_533 : memref<64xi32, #tpu.memory_space<vmem>>) semaphore(%arg35 : memref<!tpu.dma_semaphore, #tpu.memory_space<semaphore_mem>>) {add = true}
        %ge3A_537 = arith.constant 4 : i32
        %ge3A_538 = arith.cmpi sge, %add3A_518, %ge3A_537 : i32
        %add3A_539 = arith.constant 4 : i32
        %add3A_540 = arith.addi %add3A_518, %add3A_539 : i32
        %lt3A_541 = arith.constant 136 : i32
        %lt3A_542 = arith.cmpi slt, %add3A_540, %lt3A_541 : i32
        %and3A_543 = arith.andi %ge3A_538, %lt3A_542 : i1
        %convert_element_type3A_544 = arith.extui %and3A_543 : i1 to i32
        %cond3A_545 = arith.constant 0 : i32
        %cond3A_546 = arith.cmpi ne, %convert_element_type3A_544, %cond3A_545 : i32
        scf.if %cond3A_546 {
          %dma_wait3A_591 = arith.constant 0 : i32
          %dma_wait3A_592 = arith.constant 0 : i32
          %dma_wait3A_593 = tpu.memref_slice %arg36[%dma_wait3A_591, %dma_wait3A_592] : memref<10112x128xbf16, #tpu.memory_space<vmem_shared>> -> memref<64x128xbf16, #tpu.memory_space<vmem_shared>>
          %dma_wait3A_594 = arith.constant 0 : i32
          %dma_wait3A_595 = arith.constant 0 : i32
          %dma_wait3A_596 = tpu.memref_slice %arg36[%dma_wait3A_594, %dma_wait3A_595] : memref<10112x128xbf16, #tpu.memory_space<vmem_shared>> -> memref<64x128xbf16, #tpu.memory_space<vmem_shared>>
          tpu.wait_dma2 semaphore(%arg27 : memref<!tpu.dma_semaphore, #tpu.memory_space<semaphore_mem>>) src(%arg11 : memref<64x128xbf16, #tpu.memory_space<vmem>>) dst(%dma_wait3A_596 : memref<64x128xbf16, #tpu.memory_space<vmem_shared>>)
        } else {
        }
        %add3A_547 = arith.constant 4 : i32
        %add3A_548 = arith.addi %add3A_518, %add3A_547 : i32
        %lt3A_549 = arith.constant 136 : i32
        %lt3A_550 = arith.cmpi slt, %add3A_548, %lt3A_549 : i32
        %convert_element_type3A_551 = arith.extui %lt3A_550 : i1 to i32
        %cond3A_552 = arith.constant 0 : i32
        %cond3A_553 = arith.cmpi ne, %convert_element_type3A_551, %cond3A_552 : i32
        scf.if %cond3A_553 {
          %add3A_591 = arith.constant 4 : i32
          %add3A_592 = arith.addi %add3A_518, %add3A_591 : i32
          %dma_start3A_593 = arith.constant 0 : i32
          %dma_start3A_594 = tpu.memref_slice %arg7[%add3A_592, %dma_start3A_593] : memref<136x64xi32, #tpu.memory_space<vmem>> -> memref<1x64xi32, #tpu.memory_space<vmem>>
          %dma_start3A_595 = tpu.memref_squeeze %dma_start3A_594 : memref<1x64xi32, #tpu.memory_space<vmem>> -> memref<64xi32, #tpu.memory_space<vmem>>
          %dma_start3A_596 = arith.constant 0 : i32
          %dma_start3A_597 = arith.constant 0 : i32
          %dma_start3A_598 = tpu.memref_slice %arg2[%dma_start3A_596, %dma_start3A_597] : memref<10000x128xbf16, #tpu.memory_space<hbm>> -> memref<10000x128xbf16, #tpu.memory_space<hbm>>
          tpu.enqueue_indirect_dma source(%dma_start3A_598 : memref<10000x128xbf16, #tpu.memory_space<hbm>>) target(%arg11 : memref<64x128xbf16, #tpu.memory_space<vmem>>) offsets(%dma_start3A_595 : memref<64xi32, #tpu.memory_space<vmem>>) semaphore(%arg19 : memref<!tpu.dma_semaphore, #tpu.memory_space<semaphore_mem>>)
        } else {
        }
        %add3A_554 = arith.constant 7 : i32
        %add3A_555 = arith.addi %mul3A_297, %add3A_554 : i32
        %dma_wait3A_556 = arith.constant 0 : i32
        %dma_wait3A_557 = arith.constant 0 : i32
        %dma_wait3A_558 = tpu.memref_slice %arg2[%dma_wait3A_556, %dma_wait3A_557] : memref<10000x128xbf16, #tpu.memory_space<hbm>> -> memref<64x128xbf16, #tpu.memory_space<hbm>>
        %dma_wait3A_559 = arith.constant 0 : i32
        %dma_wait3A_560 = arith.constant 0 : i32
        %dma_wait3A_561 = tpu.memref_slice %arg2[%dma_wait3A_559, %dma_wait3A_560] : memref<10000x128xbf16, #tpu.memory_space<hbm>> -> memref<64x128xbf16, #tpu.memory_space<hbm>>
        tpu.wait_dma2 semaphore(%arg24 : memref<!tpu.dma_semaphore, #tpu.memory_space<semaphore_mem>>) src(%dma_wait3A_561 : memref<64x128xbf16, #tpu.memory_space<hbm>>) dst(%arg16 : memref<64x128xbf16, #tpu.memory_space<vmem>>)
        %dma_start3A_562 = arith.constant 0 : i32
        %dma_start3A_563 = tpu.memref_slice %arg8[%add3A_555, %dma_start3A_562] : memref<136x64xi32, #tpu.memory_space<vmem>> -> memref<1x64xi32, #tpu.memory_space<vmem>>
        %dma_start3A_564 = tpu.memref_squeeze %dma_start3A_563 : memref<1x64xi32, #tpu.memory_space<vmem>> -> memref<64xi32, #tpu.memory_space<vmem>>
        %dma_start3A_565 = arith.constant 0 : i32
        %dma_start3A_566 = arith.constant 0 : i32
        %dma_start3A_567 = tpu.memref_slice %arg36[%dma_start3A_565, %dma_start3A_566] : memref<10112x128xbf16, #tpu.memory_space<vmem_shared>> -> memref<10112x128xbf16, #tpu.memory_space<vmem_shared>>
        tpu.enqueue_indirect_dma source(%arg16 : memref<64x128xbf16, #tpu.memory_space<vmem>>) target(%dma_start3A_567 : memref<10112x128xbf16, #tpu.memory_space<vmem_shared>>) offsets(%dma_start3A_564 : memref<64xi32, #tpu.memory_space<vmem>>) semaphore(%arg32 : memref<!tpu.dma_semaphore, #tpu.memory_space<semaphore_mem>>) {add = true}
        %dma_start3A_568 = arith.constant 0 : i32
        %dma_start3A_569 = tpu.memref_slice %arg8[%add3A_555, %dma_start3A_568] : memref<136x64xi32, #tpu.memory_space<vmem>> -> memref<1x64xi32, #tpu.memory_space<vmem>>
        %dma_start3A_570 = tpu.memref_squeeze %dma_start3A_569 : memref<1x64xi32, #tpu.memory_space<vmem>> -> memref<64xi32, #tpu.memory_space<vmem>>
        %dma_start3A_571 = arith.constant 0 : i32
        %dma_start3A_572 = arith.constant 0 : i32
        %dma_start3A_573 = tpu.memref_slice %arg37[%dma_start3A_571, %dma_start3A_572] : memref<10112x16xf32, #tpu.memory_space<vmem_shared>> -> memref<10112x16xf32, #tpu.memory_space<vmem_shared>>
        tpu.enqueue_indirect_dma source(%arg33 : memref<64x16xf32, #tpu.memory_space<vmem>>) target(%dma_start3A_573 : memref<10112x16xf32, #tpu.memory_space<vmem_shared>>) offsets(%dma_start3A_570 : memref<64xi32, #tpu.memory_space<vmem>>) semaphore(%arg35 : memref<!tpu.dma_semaphore, #tpu.memory_space<semaphore_mem>>) {add = true}
        %ge3A_574 = arith.constant 4 : i32
        %ge3A_575 = arith.cmpi sge, %add3A_555, %ge3A_574 : i32
        %add3A_576 = arith.constant 4 : i32
        %add3A_577 = arith.addi %add3A_555, %add3A_576 : i32
        %lt3A_578 = arith.constant 136 : i32
        %lt3A_579 = arith.cmpi slt, %add3A_577, %lt3A_578 : i32
        %and3A_580 = arith.andi %ge3A_575, %lt3A_579 : i1
        %convert_element_type3A_581 = arith.extui %and3A_580 : i1 to i32
        %cond3A_582 = arith.constant 0 : i32
        %cond3A_583 = arith.cmpi ne, %convert_element_type3A_581, %cond3A_582 : i32
        scf.if %cond3A_583 {
          %dma_wait3A_591 = arith.constant 0 : i32
          %dma_wait3A_592 = arith.constant 0 : i32
          %dma_wait3A_593 = tpu.memref_slice %arg36[%dma_wait3A_591, %dma_wait3A_592] : memref<10112x128xbf16, #tpu.memory_space<vmem_shared>> -> memref<64x128xbf16, #tpu.memory_space<vmem_shared>>
          %dma_wait3A_594 = arith.constant 0 : i32
          %dma_wait3A_595 = arith.constant 0 : i32
          %dma_wait3A_596 = tpu.memref_slice %arg36[%dma_wait3A_594, %dma_wait3A_595] : memref<10112x128xbf16, #tpu.memory_space<vmem_shared>> -> memref<64x128xbf16, #tpu.memory_space<vmem_shared>>
          tpu.wait_dma2 semaphore(%arg28 : memref<!tpu.dma_semaphore, #tpu.memory_space<semaphore_mem>>) src(%arg12 : memref<64x128xbf16, #tpu.memory_space<vmem>>) dst(%dma_wait3A_596 : memref<64x128xbf16, #tpu.memory_space<vmem_shared>>)
        } else {
        }
        %add3A_584 = arith.constant 4 : i32
        %add3A_585 = arith.addi %add3A_555, %add3A_584 : i32
        %lt3A_586 = arith.constant 136 : i32
        %lt3A_587 = arith.cmpi slt, %add3A_585, %lt3A_586 : i32
        %convert_element_type3A_588 = arith.extui %lt3A_587 : i1 to i32
        %cond3A_589 = arith.constant 0 : i32
        %cond3A_590 = arith.cmpi ne, %convert_element_type3A_588, %cond3A_589 : i32
        scf.if %cond3A_590 {
          %add3A_591 = arith.constant 4 : i32
          %add3A_592 = arith.addi %add3A_555, %add3A_591 : i32
          %dma_start3A_593 = arith.constant 0 : i32
          %dma_start3A_594 = tpu.memref_slice %arg7[%add3A_592, %dma_start3A_593] : memref<136x64xi32, #tpu.memory_space<vmem>> -> memref<1x64xi32, #tpu.memory_space<vmem>>
          %dma_start3A_595 = tpu.memref_squeeze %dma_start3A_594 : memref<1x64xi32, #tpu.memory_space<vmem>> -> memref<64xi32, #tpu.memory_space<vmem>>
          %dma_start3A_596 = arith.constant 0 : i32
          %dma_start3A_597 = arith.constant 0 : i32
          %dma_start3A_598 = tpu.memref_slice %arg2[%dma_start3A_596, %dma_start3A_597] : memref<10000x128xbf16, #tpu.memory_space<hbm>> -> memref<10000x128xbf16, #tpu.memory_space<hbm>>
          tpu.enqueue_indirect_dma source(%dma_start3A_598 : memref<10000x128xbf16, #tpu.memory_space<hbm>>) target(%arg12 : memref<64x128xbf16, #tpu.memory_space<vmem>>) offsets(%dma_start3A_595 : memref<64xi32, #tpu.memory_space<vmem>>) semaphore(%arg20 : memref<!tpu.dma_semaphore, #tpu.memory_space<semaphore_mem>>)
        } else {
        }
      }
      %scan3A_152 = arith.constant 17 : i32
      %dma_wait3A = arith.constant 0 : i32
      %dma_wait3A_153 = arith.constant 0 : i32
      %dma_wait3A_154 = tpu.memref_slice %arg36[%dma_wait3A, %dma_wait3A_153] : memref<10112x128xbf16, #tpu.memory_space<vmem_shared>> -> memref<64x128xbf16, #tpu.memory_space<vmem_shared>>
      %dma_wait3A_155 = arith.constant 0 : i32
      %dma_wait3A_156 = arith.constant 0 : i32
      %dma_wait3A_157 = tpu.memref_slice %arg36[%dma_wait3A_155, %dma_wait3A_156] : memref<10112x128xbf16, #tpu.memory_space<vmem_shared>> -> memref<64x128xbf16, #tpu.memory_space<vmem_shared>>
      tpu.wait_dma2 semaphore(%arg25 : memref<!tpu.dma_semaphore, #tpu.memory_space<semaphore_mem>>) src(%arg9 : memref<64x128xbf16, #tpu.memory_space<vmem>>) dst(%dma_wait3A_157 : memref<64x128xbf16, #tpu.memory_space<vmem_shared>>)
      %dma_wait3A_158 = arith.constant 0 : i32
      %dma_wait3A_159 = arith.constant 0 : i32
      %dma_wait3A_160 = tpu.memref_slice %arg36[%dma_wait3A_158, %dma_wait3A_159] : memref<10112x128xbf16, #tpu.memory_space<vmem_shared>> -> memref<64x128xbf16, #tpu.memory_space<vmem_shared>>
      %dma_wait3A_161 = arith.constant 0 : i32
      %dma_wait3A_162 = arith.constant 0 : i32
      %dma_wait3A_163 = tpu.memref_slice %arg36[%dma_wait3A_161, %dma_wait3A_162] : memref<10112x128xbf16, #tpu.memory_space<vmem_shared>> -> memref<64x128xbf16, #tpu.memory_space<vmem_shared>>
      tpu.wait_dma2 semaphore(%arg26 : memref<!tpu.dma_semaphore, #tpu.memory_space<semaphore_mem>>) src(%arg10 : memref<64x128xbf16, #tpu.memory_space<vmem>>) dst(%dma_wait3A_163 : memref<64x128xbf16, #tpu.memory_space<vmem_shared>>)
      %dma_wait3A_164 = arith.constant 0 : i32
      %dma_wait3A_165 = arith.constant 0 : i32
      %dma_wait3A_166 = tpu.memref_slice %arg36[%dma_wait3A_164, %dma_wait3A_165] : memref<10112x128xbf16, #tpu.memory_space<vmem_shared>> -> memref<64x128xbf16, #tpu.memory_space<vmem_shared>>
      %dma_wait3A_167 = arith.constant 0 : i32
      %dma_wait3A_168 = arith.constant 0 : i32
      %dma_wait3A_169 = tpu.memref_slice %arg36[%dma_wait3A_167, %dma_wait3A_168] : memref<10112x128xbf16, #tpu.memory_space<vmem_shared>> -> memref<64x128xbf16, #tpu.memory_space<vmem_shared>>
      tpu.wait_dma2 semaphore(%arg27 : memref<!tpu.dma_semaphore, #tpu.memory_space<semaphore_mem>>) src(%arg11 : memref<64x128xbf16, #tpu.memory_space<vmem>>) dst(%dma_wait3A_169 : memref<64x128xbf16, #tpu.memory_space<vmem_shared>>)
      %dma_wait3A_170 = arith.constant 0 : i32
      %dma_wait3A_171 = arith.constant 0 : i32
      %dma_wait3A_172 = tpu.memref_slice %arg36[%dma_wait3A_170, %dma_wait3A_171] : memref<10112x128xbf16, #tpu.memory_space<vmem_shared>> -> memref<64x128xbf16, #tpu.memory_space<vmem_shared>>
      %dma_wait3A_173 = arith.constant 0 : i32
      %dma_wait3A_174 = arith.constant 0 : i32
      %dma_wait3A_175 = tpu.memref_slice %arg36[%dma_wait3A_173, %dma_wait3A_174] : memref<10112x128xbf16, #tpu.memory_space<vmem_shared>> -> memref<64x128xbf16, #tpu.memory_space<vmem_shared>>
      tpu.wait_dma2 semaphore(%arg28 : memref<!tpu.dma_semaphore, #tpu.memory_space<semaphore_mem>>) src(%arg12 : memref<64x128xbf16, #tpu.memory_space<vmem>>) dst(%dma_wait3A_175 : memref<64x128xbf16, #tpu.memory_space<vmem_shared>>)
      %dma_wait3A_176 = arith.constant 0 : i32
      %dma_wait3A_177 = arith.constant 0 : i32
      %dma_wait3A_178 = tpu.memref_slice %arg36[%dma_wait3A_176, %dma_wait3A_177] : memref<10112x128xbf16, #tpu.memory_space<vmem_shared>> -> memref<64x128xbf16, #tpu.memory_space<vmem_shared>>
      %dma_wait3A_179 = arith.constant 0 : i32
      %dma_wait3A_180 = arith.constant 0 : i32
      %dma_wait3A_181 = tpu.memref_slice %arg36[%dma_wait3A_179, %dma_wait3A_180] : memref<10112x128xbf16, #tpu.memory_space<vmem_shared>> -> memref<64x128xbf16, #tpu.memory_space<vmem_shared>>
      tpu.wait_dma2 semaphore(%arg29 : memref<!tpu.dma_semaphore, #tpu.memory_space<semaphore_mem>>) src(%arg13 : memref<64x128xbf16, #tpu.memory_space<vmem>>) dst(%dma_wait3A_181 : memref<64x128xbf16, #tpu.memory_space<vmem_shared>>)
      %dma_wait3A_182 = arith.constant 0 : i32
      %dma_wait3A_183 = arith.constant 0 : i32
      %dma_wait3A_184 = tpu.memref_slice %arg36[%dma_wait3A_182, %dma_wait3A_183] : memref<10112x128xbf16, #tpu.memory_space<vmem_shared>> -> memref<64x128xbf16, #tpu.memory_space<vmem_shared>>
      %dma_wait3A_185 = arith.constant 0 : i32
      %dma_wait3A_186 = arith.constant 0 : i32
      %dma_wait3A_187 = tpu.memref_slice %arg36[%dma_wait3A_185, %dma_wait3A_186] : memref<10112x128xbf16, #tpu.memory_space<vmem_shared>> -> memref<64x128xbf16, #tpu.memory_space<vmem_shared>>
      tpu.wait_dma2 semaphore(%arg30 : memref<!tpu.dma_semaphore, #tpu.memory_space<semaphore_mem>>) src(%arg14 : memref<64x128xbf16, #tpu.memory_space<vmem>>) dst(%dma_wait3A_187 : memref<64x128xbf16, #tpu.memory_space<vmem_shared>>)
      %dma_wait3A_188 = arith.constant 0 : i32
      %dma_wait3A_189 = arith.constant 0 : i32
      %dma_wait3A_190 = tpu.memref_slice %arg36[%dma_wait3A_188, %dma_wait3A_189] : memref<10112x128xbf16, #tpu.memory_space<vmem_shared>> -> memref<64x128xbf16, #tpu.memory_space<vmem_shared>>
      %dma_wait3A_191 = arith.constant 0 : i32
      %dma_wait3A_192 = arith.constant 0 : i32
      %dma_wait3A_193 = tpu.memref_slice %arg36[%dma_wait3A_191, %dma_wait3A_192] : memref<10112x128xbf16, #tpu.memory_space<vmem_shared>> -> memref<64x128xbf16, #tpu.memory_space<vmem_shared>>
      tpu.wait_dma2 semaphore(%arg31 : memref<!tpu.dma_semaphore, #tpu.memory_space<semaphore_mem>>) src(%arg15 : memref<64x128xbf16, #tpu.memory_space<vmem>>) dst(%dma_wait3A_193 : memref<64x128xbf16, #tpu.memory_space<vmem_shared>>)
      %dma_wait3A_194 = arith.constant 0 : i32
      %dma_wait3A_195 = arith.constant 0 : i32
      %dma_wait3A_196 = tpu.memref_slice %arg36[%dma_wait3A_194, %dma_wait3A_195] : memref<10112x128xbf16, #tpu.memory_space<vmem_shared>> -> memref<64x128xbf16, #tpu.memory_space<vmem_shared>>
      %dma_wait3A_197 = arith.constant 0 : i32
      %dma_wait3A_198 = arith.constant 0 : i32
      %dma_wait3A_199 = tpu.memref_slice %arg36[%dma_wait3A_197, %dma_wait3A_198] : memref<10112x128xbf16, #tpu.memory_space<vmem_shared>> -> memref<64x128xbf16, #tpu.memory_space<vmem_shared>>
      tpu.wait_dma2 semaphore(%arg32 : memref<!tpu.dma_semaphore, #tpu.memory_space<semaphore_mem>>) src(%arg16 : memref<64x128xbf16, #tpu.memory_space<vmem>>) dst(%dma_wait3A_199 : memref<64x128xbf16, #tpu.memory_space<vmem_shared>>)
      %scan3A_200 = arith.constant 0 : i32
      %scan3A_201 = arith.constant 136 : i32
      %scan3A_202 = arith.addi %scan3A_200, %scan3A_201 : i32
      %scan3A_203 = arith.constant 1 : i32
      scf.for %scan3A_295 = %scan3A_200 to %scan3A_202 step %scan3A_203  : i32 {
        %dma_wait3A_296 = arith.constant 0 : i32
        %dma_wait3A_297 = arith.constant 0 : i32
        %dma_wait3A_298 = tpu.memref_slice %arg37[%dma_wait3A_296, %dma_wait3A_297] : memref<10112x16xf32, #tpu.memory_space<vmem_shared>> -> memref<64x16xf32, #tpu.memory_space<vmem_shared>>
        %dma_wait3A_299 = arith.constant 0 : i32
        %dma_wait3A_300 = arith.constant 0 : i32
        %dma_wait3A_301 = tpu.memref_slice %arg37[%dma_wait3A_299, %dma_wait3A_300] : memref<10112x16xf32, #tpu.memory_space<vmem_shared>> -> memref<64x16xf32, #tpu.memory_space<vmem_shared>>
        tpu.wait_dma2 semaphore(%arg35 : memref<!tpu.dma_semaphore, #tpu.memory_space<semaphore_mem>>) src(%arg33 : memref<64x16xf32, #tpu.memory_space<vmem>>) dst(%dma_wait3A_301 : memref<64x16xf32, #tpu.memory_space<vmem_shared>>)
      }
      %scan3A_204 = arith.constant 136 : i32
      %mul3A_205 = arith.constant 272 : i32
      %mul3A_206 = arith.muli %arg1, %mul3A_205 : i32
      %add3A_207 = arith.constant 136 : i32
      %add3A_208 = arith.addi %mul3A_206, %add3A_207 : i32
      "tpu.region"() ({
        %run_scoped3A = tpu.sem_alloc : memref<!tpu.dma_semaphore, #tpu.memory_space<semaphore_mem>>
        %dma_start3A_295 = arith.constant 0 : i32
        %dma_start3A_296 = arith.constant 0 : i32
        %dma_start3A_297 = tpu.memref_slice %arg7[%dma_start3A_295, %dma_start3A_296] : memref<136x64xi32, #tpu.memory_space<vmem>> -> memref<136x64xi32, #tpu.memory_space<vmem>>
        %dma_start3A_298 = arith.constant 0 : i32
        %dma_start3A_299 = tpu.memref_slice %arg3[%add3A_208, %dma_start3A_298] : memref<5120x64xi32, #tpu.memory_space<hbm>> -> memref<136x64xi32, #tpu.memory_space<hbm>>
        %dma_start3A_300 = arith.constant 0 : i32
        %dma_start3A_301 = arith.constant 0 : i32
        %dma_start3A_302 = tpu.memref_slice %arg7[%dma_start3A_300, %dma_start3A_301] : memref<136x64xi32, #tpu.memory_space<vmem>> -> memref<136x64xi32, #tpu.memory_space<vmem>>
        %dma_start3A_303 = arith.constant 0 : i32
        %dma_start3A_304 = tpu.memref_slice %arg3[%add3A_208, %dma_start3A_303] : memref<5120x64xi32, #tpu.memory_space<hbm>> -> memref<136x64xi32, #tpu.memory_space<hbm>>
        tpu.enqueue_dma source(%dma_start3A_304 : memref<136x64xi32, #tpu.memory_space<hbm>>) target(%dma_start3A_302 : memref<136x64xi32, #tpu.memory_space<vmem>>) target_semaphore(%run_scoped3A : memref<!tpu.dma_semaphore, #tpu.memory_space<semaphore_mem>>)
        %dma_wait3A_305 = arith.constant 0 : i32
        %dma_wait3A_306 = arith.constant 0 : i32
        %dma_wait3A_307 = tpu.memref_slice %arg7[%dma_wait3A_305, %dma_wait3A_306] : memref<136x64xi32, #tpu.memory_space<vmem>> -> memref<136x64xi32, #tpu.memory_space<vmem>>
        %dma_wait3A_308 = arith.constant 0 : i32
        %dma_wait3A_309 = tpu.memref_slice %arg3[%add3A_208, %dma_wait3A_308] : memref<5120x64xi32, #tpu.memory_space<hbm>> -> memref<136x64xi32, #tpu.memory_space<hbm>>
        %dma_wait3A_310 = arith.constant 0 : i32
        %dma_wait3A_311 = arith.constant 0 : i32
        %dma_wait3A_312 = tpu.memref_slice %arg7[%dma_wait3A_310, %dma_wait3A_311] : memref<136x64xi32, #tpu.memory_space<vmem>> -> memref<136x64xi32, #tpu.memory_space<vmem>>
        %dma_wait3A_313 = arith.constant 0 : i32
        %dma_wait3A_314 = tpu.memref_slice %arg3[%add3A_208, %dma_wait3A_313] : memref<5120x64xi32, #tpu.memory_space<hbm>> -> memref<136x64xi32, #tpu.memory_space<hbm>>
        tpu.wait_dma2 semaphore(%run_scoped3A : memref<!tpu.dma_semaphore, #tpu.memory_space<semaphore_mem>>) src(%dma_wait3A_314 : memref<136x64xi32, #tpu.memory_space<hbm>>) dst(%dma_wait3A_312 : memref<136x64xi32, #tpu.memory_space<vmem>>)
        tpu.yield
      }) : () -> ()
      "tpu.region"() ({
        %run_scoped3A = tpu.sem_alloc : memref<!tpu.dma_semaphore, #tpu.memory_space<semaphore_mem>>
        %dma_start3A_295 = arith.constant 0 : i32
        %dma_start3A_296 = arith.constant 0 : i32
        %dma_start3A_297 = tpu.memref_slice %arg8[%dma_start3A_295, %dma_start3A_296] : memref<136x64xi32, #tpu.memory_space<vmem>> -> memref<136x64xi32, #tpu.memory_space<vmem>>
        %dma_start3A_298 = arith.constant 0 : i32
        %dma_start3A_299 = tpu.memref_slice %arg4[%add3A_208, %dma_start3A_298] : memref<5120x64xi32, #tpu.memory_space<hbm>> -> memref<136x64xi32, #tpu.memory_space<hbm>>
        %dma_start3A_300 = arith.constant 0 : i32
        %dma_start3A_301 = arith.constant 0 : i32
        %dma_start3A_302 = tpu.memref_slice %arg8[%dma_start3A_300, %dma_start3A_301] : memref<136x64xi32, #tpu.memory_space<vmem>> -> memref<136x64xi32, #tpu.memory_space<vmem>>
        %dma_start3A_303 = arith.constant 0 : i32
        %dma_start3A_304 = tpu.memref_slice %arg4[%add3A_208, %dma_start3A_303] : memref<5120x64xi32, #tpu.memory_space<hbm>> -> memref<136x64xi32, #tpu.memory_space<hbm>>
        tpu.enqueue_dma source(%dma_start3A_304 : memref<136x64xi32, #tpu.memory_space<hbm>>) target(%dma_start3A_302 : memref<136x64xi32, #tpu.memory_space<vmem>>) target_semaphore(%run_scoped3A : memref<!tpu.dma_semaphore, #tpu.memory_space<semaphore_mem>>)
        %dma_wait3A_305 = arith.constant 0 : i32
        %dma_wait3A_306 = arith.constant 0 : i32
        %dma_wait3A_307 = tpu.memref_slice %arg8[%dma_wait3A_305, %dma_wait3A_306] : memref<136x64xi32, #tpu.memory_space<vmem>> -> memref<136x64xi32, #tpu.memory_space<vmem>>
        %dma_wait3A_308 = arith.constant 0 : i32
        %dma_wait3A_309 = tpu.memref_slice %arg4[%add3A_208, %dma_wait3A_308] : memref<5120x64xi32, #tpu.memory_space<hbm>> -> memref<136x64xi32, #tpu.memory_space<hbm>>
        %dma_wait3A_310 = arith.constant 0 : i32
        %dma_wait3A_311 = arith.constant 0 : i32
        %dma_wait3A_312 = tpu.memref_slice %arg8[%dma_wait3A_310, %dma_wait3A_311] : memref<136x64xi32, #tpu.memory_space<vmem>> -> memref<136x64xi32, #tpu.memory_space<vmem>>
        %dma_wait3A_313 = arith.constant 0 : i32
        %dma_wait3A_314 = tpu.memref_slice %arg4[%add3A_208, %dma_wait3A_313] : memref<5120x64xi32, #tpu.memory_space<hbm>> -> memref<136x64xi32, #tpu.memory_space<hbm>>
        tpu.wait_dma2 semaphore(%run_scoped3A : memref<!tpu.dma_semaphore, #tpu.memory_space<semaphore_mem>>) src(%dma_wait3A_314 : memref<136x64xi32, #tpu.memory_space<hbm>>) dst(%dma_wait3A_312 : memref<136x64xi32, #tpu.memory_space<vmem>>)
        tpu.yield
      }) : () -> ()
      %dma_start3A_209 = arith.constant 0 : i32
      %dma_start3A_210 = arith.constant 0 : i32
      %dma_start3A_211 = tpu.memref_slice %arg7[%dma_start3A_209, %dma_start3A_210] : memref<136x64xi32, #tpu.memory_space<vmem>> -> memref<1x64xi32, #tpu.memory_space<vmem>>
      %dma_start3A_212 = tpu.memref_squeeze %dma_start3A_211 : memref<1x64xi32, #tpu.memory_space<vmem>> -> memref<64xi32, #tpu.memory_space<vmem>>
      %dma_start3A_213 = arith.constant 0 : i32
      %dma_start3A_214 = arith.constant 0 : i32
      %dma_start3A_215 = tpu.memref_slice %arg2[%dma_start3A_213, %dma_start3A_214] : memref<10000x128xbf16, #tpu.memory_space<hbm>> -> memref<10000x128xbf16, #tpu.memory_space<hbm>>
      tpu.enqueue_indirect_dma source(%dma_start3A_215 : memref<10000x128xbf16, #tpu.memory_space<hbm>>) target(%arg9 : memref<64x128xbf16, #tpu.memory_space<vmem>>) offsets(%dma_start3A_212 : memref<64xi32, #tpu.memory_space<vmem>>) semaphore(%arg17 : memref<!tpu.dma_semaphore, #tpu.memory_space<semaphore_mem>>)
      %dma_start3A_216 = arith.constant 1 : i32
      %dma_start3A_217 = arith.constant 0 : i32
      %dma_start3A_218 = tpu.memref_slice %arg7[%dma_start3A_216, %dma_start3A_217] : memref<136x64xi32, #tpu.memory_space<vmem>> -> memref<1x64xi32, #tpu.memory_space<vmem>>
      %dma_start3A_219 = tpu.memref_squeeze %dma_start3A_218 : memref<1x64xi32, #tpu.memory_space<vmem>> -> memref<64xi32, #tpu.memory_space<vmem>>
      %dma_start3A_220 = arith.constant 0 : i32
      %dma_start3A_221 = arith.constant 0 : i32
      %dma_start3A_222 = tpu.memref_slice %arg2[%dma_start3A_220, %dma_start3A_221] : memref<10000x128xbf16, #tpu.memory_space<hbm>> -> memref<10000x128xbf16, #tpu.memory_space<hbm>>
      tpu.enqueue_indirect_dma source(%dma_start3A_222 : memref<10000x128xbf16, #tpu.memory_space<hbm>>) target(%arg10 : memref<64x128xbf16, #tpu.memory_space<vmem>>) offsets(%dma_start3A_219 : memref<64xi32, #tpu.memory_space<vmem>>) semaphore(%arg18 : memref<!tpu.dma_semaphore, #tpu.memory_space<semaphore_mem>>)
      %dma_start3A_223 = arith.constant 2 : i32
      %dma_start3A_224 = arith.constant 0 : i32
      %dma_start3A_225 = tpu.memref_slice %arg7[%dma_start3A_223, %dma_start3A_224] : memref<136x64xi32, #tpu.memory_space<vmem>> -> memref<1x64xi32, #tpu.memory_space<vmem>>
      %dma_start3A_226 = tpu.memref_squeeze %dma_start3A_225 : memref<1x64xi32, #tpu.memory_space<vmem>> -> memref<64xi32, #tpu.memory_space<vmem>>
      %dma_start3A_227 = arith.constant 0 : i32
      %dma_start3A_228 = arith.constant 0 : i32
      %dma_start3A_229 = tpu.memref_slice %arg2[%dma_start3A_227, %dma_start3A_228] : memref<10000x128xbf16, #tpu.memory_space<hbm>> -> memref<10000x128xbf16, #tpu.memory_space<hbm>>
      tpu.enqueue_indirect_dma source(%dma_start3A_229 : memref<10000x128xbf16, #tpu.memory_space<hbm>>) target(%arg11 : memref<64x128xbf16, #tpu.memory_space<vmem>>) offsets(%dma_start3A_226 : memref<64xi32, #tpu.memory_space<vmem>>) semaphore(%arg19 : memref<!tpu.dma_semaphore, #tpu.memory_space<semaphore_mem>>)
      %dma_start3A_230 = arith.constant 3 : i32
      %dma_start3A_231 = arith.constant 0 : i32
      %dma_start3A_232 = tpu.memref_slice %arg7[%dma_start3A_230, %dma_start3A_231] : memref<136x64xi32, #tpu.memory_space<vmem>> -> memref<1x64xi32, #tpu.memory_space<vmem>>
      %dma_start3A_233 = tpu.memref_squeeze %dma_start3A_232 : memref<1x64xi32, #tpu.memory_space<vmem>> -> memref<64xi32, #tpu.memory_space<vmem>>
      %dma_start3A_234 = arith.constant 0 : i32
      %dma_start3A_235 = arith.constant 0 : i32
      %dma_start3A_236 = tpu.memref_slice %arg2[%dma_start3A_234, %dma_start3A_235] : memref<10000x128xbf16, #tpu.memory_space<hbm>> -> memref<10000x128xbf16, #tpu.memory_space<hbm>>
      tpu.enqueue_indirect_dma source(%dma_start3A_236 : memref<10000x128xbf16, #tpu.memory_space<hbm>>) target(%arg12 : memref<64x128xbf16, #tpu.memory_space<vmem>>) offsets(%dma_start3A_233 : memref<64xi32, #tpu.memory_space<vmem>>) semaphore(%arg20 : memref<!tpu.dma_semaphore, #tpu.memory_space<semaphore_mem>>)
      %scan3A_237 = arith.constant 0 : i32
      %scan3A_238 = arith.constant 17 : i32
      %scan3A_239 = arith.addi %scan3A_237, %scan3A_238 : i32
      %scan3A_240 = arith.constant 1 : i32
      scf.for %scan3A_295 = %scan3A_237 to %scan3A_239 step %scan3A_240  : i32 {
        %mul3A_296 = arith.constant 8 : i32
        %mul3A_297 = arith.muli %scan3A_295, %mul3A_296 : i32
        %add3A_298 = arith.constant 0 : i32
        %add3A_299 = arith.addi %mul3A_297, %add3A_298 : i32
        %dma_wait3A_300 = arith.constant 0 : i32
        %dma_wait3A_301 = arith.constant 0 : i32
        %dma_wait3A_302 = tpu.memref_slice %arg2[%dma_wait3A_300, %dma_wait3A_301] : memref<10000x128xbf16, #tpu.memory_space<hbm>> -> memref<64x128xbf16, #tpu.memory_space<hbm>>
        %dma_wait3A_303 = arith.constant 0 : i32
        %dma_wait3A_304 = arith.constant 0 : i32
        %dma_wait3A_305 = tpu.memref_slice %arg2[%dma_wait3A_303, %dma_wait3A_304] : memref<10000x128xbf16, #tpu.memory_space<hbm>> -> memref<64x128xbf16, #tpu.memory_space<hbm>>
        tpu.wait_dma2 semaphore(%arg17 : memref<!tpu.dma_semaphore, #tpu.memory_space<semaphore_mem>>) src(%dma_wait3A_305 : memref<64x128xbf16, #tpu.memory_space<hbm>>) dst(%arg9 : memref<64x128xbf16, #tpu.memory_space<vmem>>)
        %dma_start3A_306 = arith.constant 0 : i32
        %dma_start3A_307 = tpu.memref_slice %arg8[%add3A_299, %dma_start3A_306] : memref<136x64xi32, #tpu.memory_space<vmem>> -> memref<1x64xi32, #tpu.memory_space<vmem>>
        %dma_start3A_308 = tpu.memref_squeeze %dma_start3A_307 : memref<1x64xi32, #tpu.memory_space<vmem>> -> memref<64xi32, #tpu.memory_space<vmem>>
        %dma_start3A_309 = arith.constant 0 : i32
        %dma_start3A_310 = arith.constant 0 : i32
        %dma_start3A_311 = tpu.memref_slice %arg36[%dma_start3A_309, %dma_start3A_310] : memref<10112x128xbf16, #tpu.memory_space<vmem_shared>> -> memref<10112x128xbf16, #tpu.memory_space<vmem_shared>>
        tpu.enqueue_indirect_dma source(%arg9 : memref<64x128xbf16, #tpu.memory_space<vmem>>) target(%dma_start3A_311 : memref<10112x128xbf16, #tpu.memory_space<vmem_shared>>) offsets(%dma_start3A_308 : memref<64xi32, #tpu.memory_space<vmem>>) semaphore(%arg25 : memref<!tpu.dma_semaphore, #tpu.memory_space<semaphore_mem>>) {add = true}
        %dma_start3A_312 = arith.constant 0 : i32
        %dma_start3A_313 = tpu.memref_slice %arg8[%add3A_299, %dma_start3A_312] : memref<136x64xi32, #tpu.memory_space<vmem>> -> memref<1x64xi32, #tpu.memory_space<vmem>>
        %dma_start3A_314 = tpu.memref_squeeze %dma_start3A_313 : memref<1x64xi32, #tpu.memory_space<vmem>> -> memref<64xi32, #tpu.memory_space<vmem>>
        %dma_start3A_315 = arith.constant 0 : i32
        %dma_start3A_316 = arith.constant 0 : i32
        %dma_start3A_317 = tpu.memref_slice %arg37[%dma_start3A_315, %dma_start3A_316] : memref<10112x16xf32, #tpu.memory_space<vmem_shared>> -> memref<10112x16xf32, #tpu.memory_space<vmem_shared>>
        tpu.enqueue_indirect_dma source(%arg33 : memref<64x16xf32, #tpu.memory_space<vmem>>) target(%dma_start3A_317 : memref<10112x16xf32, #tpu.memory_space<vmem_shared>>) offsets(%dma_start3A_314 : memref<64xi32, #tpu.memory_space<vmem>>) semaphore(%arg35 : memref<!tpu.dma_semaphore, #tpu.memory_space<semaphore_mem>>) {add = true}
        %ge3A = arith.constant 4 : i32
        %ge3A_318 = arith.cmpi sge, %add3A_299, %ge3A : i32
        %add3A_319 = arith.constant 4 : i32
        %add3A_320 = arith.addi %add3A_299, %add3A_319 : i32
        %lt3A = arith.constant 136 : i32
        %lt3A_321 = arith.cmpi slt, %add3A_320, %lt3A : i32
        %and3A = arith.andi %ge3A_318, %lt3A_321 : i1
        %convert_element_type3A_322 = arith.extui %and3A : i1 to i32
        %cond3A_323 = arith.constant 0 : i32
        %cond3A_324 = arith.cmpi ne, %convert_element_type3A_322, %cond3A_323 : i32
        scf.if %cond3A_324 {
          %dma_wait3A_591 = arith.constant 0 : i32
          %dma_wait3A_592 = arith.constant 0 : i32
          %dma_wait3A_593 = tpu.memref_slice %arg36[%dma_wait3A_591, %dma_wait3A_592] : memref<10112x128xbf16, #tpu.memory_space<vmem_shared>> -> memref<64x128xbf16, #tpu.memory_space<vmem_shared>>
          %dma_wait3A_594 = arith.constant 0 : i32
          %dma_wait3A_595 = arith.constant 0 : i32
          %dma_wait3A_596 = tpu.memref_slice %arg36[%dma_wait3A_594, %dma_wait3A_595] : memref<10112x128xbf16, #tpu.memory_space<vmem_shared>> -> memref<64x128xbf16, #tpu.memory_space<vmem_shared>>
          tpu.wait_dma2 semaphore(%arg29 : memref<!tpu.dma_semaphore, #tpu.memory_space<semaphore_mem>>) src(%arg13 : memref<64x128xbf16, #tpu.memory_space<vmem>>) dst(%dma_wait3A_596 : memref<64x128xbf16, #tpu.memory_space<vmem_shared>>)
        } else {
        }
        %add3A_325 = arith.constant 4 : i32
        %add3A_326 = arith.addi %add3A_299, %add3A_325 : i32
        %lt3A_327 = arith.constant 136 : i32
        %lt3A_328 = arith.cmpi slt, %add3A_326, %lt3A_327 : i32
        %convert_element_type3A_329 = arith.extui %lt3A_328 : i1 to i32
        %cond3A_330 = arith.constant 0 : i32
        %cond3A_331 = arith.cmpi ne, %convert_element_type3A_329, %cond3A_330 : i32
        scf.if %cond3A_331 {
          %add3A_591 = arith.constant 4 : i32
          %add3A_592 = arith.addi %add3A_299, %add3A_591 : i32
          %dma_start3A_593 = arith.constant 0 : i32
          %dma_start3A_594 = tpu.memref_slice %arg7[%add3A_592, %dma_start3A_593] : memref<136x64xi32, #tpu.memory_space<vmem>> -> memref<1x64xi32, #tpu.memory_space<vmem>>
          %dma_start3A_595 = tpu.memref_squeeze %dma_start3A_594 : memref<1x64xi32, #tpu.memory_space<vmem>> -> memref<64xi32, #tpu.memory_space<vmem>>
          %dma_start3A_596 = arith.constant 0 : i32
          %dma_start3A_597 = arith.constant 0 : i32
          %dma_start3A_598 = tpu.memref_slice %arg2[%dma_start3A_596, %dma_start3A_597] : memref<10000x128xbf16, #tpu.memory_space<hbm>> -> memref<10000x128xbf16, #tpu.memory_space<hbm>>
          tpu.enqueue_indirect_dma source(%dma_start3A_598 : memref<10000x128xbf16, #tpu.memory_space<hbm>>) target(%arg13 : memref<64x128xbf16, #tpu.memory_space<vmem>>) offsets(%dma_start3A_595 : memref<64xi32, #tpu.memory_space<vmem>>) semaphore(%arg21 : memref<!tpu.dma_semaphore, #tpu.memory_space<semaphore_mem>>)
        } else {
        }
        %add3A_332 = arith.constant 1 : i32
        %add3A_333 = arith.addi %mul3A_297, %add3A_332 : i32
        %dma_wait3A_334 = arith.constant 0 : i32
        %dma_wait3A_335 = arith.constant 0 : i32
        %dma_wait3A_336 = tpu.memref_slice %arg2[%dma_wait3A_334, %dma_wait3A_335] : memref<10000x128xbf16, #tpu.memory_space<hbm>> -> memref<64x128xbf16, #tpu.memory_space<hbm>>
        %dma_wait3A_337 = arith.constant 0 : i32
        %dma_wait3A_338 = arith.constant 0 : i32
        %dma_wait3A_339 = tpu.memref_slice %arg2[%dma_wait3A_337, %dma_wait3A_338] : memref<10000x128xbf16, #tpu.memory_space<hbm>> -> memref<64x128xbf16, #tpu.memory_space<hbm>>
        tpu.wait_dma2 semaphore(%arg18 : memref<!tpu.dma_semaphore, #tpu.memory_space<semaphore_mem>>) src(%dma_wait3A_339 : memref<64x128xbf16, #tpu.memory_space<hbm>>) dst(%arg10 : memref<64x128xbf16, #tpu.memory_space<vmem>>)
        %dma_start3A_340 = arith.constant 0 : i32
        %dma_start3A_341 = tpu.memref_slice %arg8[%add3A_333, %dma_start3A_340] : memref<136x64xi32, #tpu.memory_space<vmem>> -> memref<1x64xi32, #tpu.memory_space<vmem>>
        %dma_start3A_342 = tpu.memref_squeeze %dma_start3A_341 : memref<1x64xi32, #tpu.memory_space<vmem>> -> memref<64xi32, #tpu.memory_space<vmem>>
        %dma_start3A_343 = arith.constant 0 : i32
        %dma_start3A_344 = arith.constant 0 : i32
        %dma_start3A_345 = tpu.memref_slice %arg36[%dma_start3A_343, %dma_start3A_344] : memref<10112x128xbf16, #tpu.memory_space<vmem_shared>> -> memref<10112x128xbf16, #tpu.memory_space<vmem_shared>>
        tpu.enqueue_indirect_dma source(%arg10 : memref<64x128xbf16, #tpu.memory_space<vmem>>) target(%dma_start3A_345 : memref<10112x128xbf16, #tpu.memory_space<vmem_shared>>) offsets(%dma_start3A_342 : memref<64xi32, #tpu.memory_space<vmem>>) semaphore(%arg26 : memref<!tpu.dma_semaphore, #tpu.memory_space<semaphore_mem>>) {add = true}
        %dma_start3A_346 = arith.constant 0 : i32
        %dma_start3A_347 = tpu.memref_slice %arg8[%add3A_333, %dma_start3A_346] : memref<136x64xi32, #tpu.memory_space<vmem>> -> memref<1x64xi32, #tpu.memory_space<vmem>>
        %dma_start3A_348 = tpu.memref_squeeze %dma_start3A_347 : memref<1x64xi32, #tpu.memory_space<vmem>> -> memref<64xi32, #tpu.memory_space<vmem>>
        %dma_start3A_349 = arith.constant 0 : i32
        %dma_start3A_350 = arith.constant 0 : i32
        %dma_start3A_351 = tpu.memref_slice %arg37[%dma_start3A_349, %dma_start3A_350] : memref<10112x16xf32, #tpu.memory_space<vmem_shared>> -> memref<10112x16xf32, #tpu.memory_space<vmem_shared>>
        tpu.enqueue_indirect_dma source(%arg33 : memref<64x16xf32, #tpu.memory_space<vmem>>) target(%dma_start3A_351 : memref<10112x16xf32, #tpu.memory_space<vmem_shared>>) offsets(%dma_start3A_348 : memref<64xi32, #tpu.memory_space<vmem>>) semaphore(%arg35 : memref<!tpu.dma_semaphore, #tpu.memory_space<semaphore_mem>>) {add = true}
        %ge3A_352 = arith.constant 4 : i32
        %ge3A_353 = arith.cmpi sge, %add3A_333, %ge3A_352 : i32
        %add3A_354 = arith.constant 4 : i32
        %add3A_355 = arith.addi %add3A_333, %add3A_354 : i32
        %lt3A_356 = arith.constant 136 : i32
        %lt3A_357 = arith.cmpi slt, %add3A_355, %lt3A_356 : i32
        %and3A_358 = arith.andi %ge3A_353, %lt3A_357 : i1
        %convert_element_type3A_359 = arith.extui %and3A_358 : i1 to i32
        %cond3A_360 = arith.constant 0 : i32
        %cond3A_361 = arith.cmpi ne, %convert_element_type3A_359, %cond3A_360 : i32
        scf.if %cond3A_361 {
          %dma_wait3A_591 = arith.constant 0 : i32
          %dma_wait3A_592 = arith.constant 0 : i32
          %dma_wait3A_593 = tpu.memref_slice %arg36[%dma_wait3A_591, %dma_wait3A_592] : memref<10112x128xbf16, #tpu.memory_space<vmem_shared>> -> memref<64x128xbf16, #tpu.memory_space<vmem_shared>>
          %dma_wait3A_594 = arith.constant 0 : i32
          %dma_wait3A_595 = arith.constant 0 : i32
          %dma_wait3A_596 = tpu.memref_slice %arg36[%dma_wait3A_594, %dma_wait3A_595] : memref<10112x128xbf16, #tpu.memory_space<vmem_shared>> -> memref<64x128xbf16, #tpu.memory_space<vmem_shared>>
          tpu.wait_dma2 semaphore(%arg30 : memref<!tpu.dma_semaphore, #tpu.memory_space<semaphore_mem>>) src(%arg14 : memref<64x128xbf16, #tpu.memory_space<vmem>>) dst(%dma_wait3A_596 : memref<64x128xbf16, #tpu.memory_space<vmem_shared>>)
        } else {
        }
        %add3A_362 = arith.constant 4 : i32
        %add3A_363 = arith.addi %add3A_333, %add3A_362 : i32
        %lt3A_364 = arith.constant 136 : i32
        %lt3A_365 = arith.cmpi slt, %add3A_363, %lt3A_364 : i32
        %convert_element_type3A_366 = arith.extui %lt3A_365 : i1 to i32
        %cond3A_367 = arith.constant 0 : i32
        %cond3A_368 = arith.cmpi ne, %convert_element_type3A_366, %cond3A_367 : i32
        scf.if %cond3A_368 {
          %add3A_591 = arith.constant 4 : i32
          %add3A_592 = arith.addi %add3A_333, %add3A_591 : i32
          %dma_start3A_593 = arith.constant 0 : i32
          %dma_start3A_594 = tpu.memref_slice %arg7[%add3A_592, %dma_start3A_593] : memref<136x64xi32, #tpu.memory_space<vmem>> -> memref<1x64xi32, #tpu.memory_space<vmem>>
          %dma_start3A_595 = tpu.memref_squeeze %dma_start3A_594 : memref<1x64xi32, #tpu.memory_space<vmem>> -> memref<64xi32, #tpu.memory_space<vmem>>
          %dma_start3A_596 = arith.constant 0 : i32
          %dma_start3A_597 = arith.constant 0 : i32
          %dma_start3A_598 = tpu.memref_slice %arg2[%dma_start3A_596, %dma_start3A_597] : memref<10000x128xbf16, #tpu.memory_space<hbm>> -> memref<10000x128xbf16, #tpu.memory_space<hbm>>
          tpu.enqueue_indirect_dma source(%dma_start3A_598 : memref<10000x128xbf16, #tpu.memory_space<hbm>>) target(%arg14 : memref<64x128xbf16, #tpu.memory_space<vmem>>) offsets(%dma_start3A_595 : memref<64xi32, #tpu.memory_space<vmem>>) semaphore(%arg22 : memref<!tpu.dma_semaphore, #tpu.memory_space<semaphore_mem>>)
        } else {
        }
        %add3A_369 = arith.constant 2 : i32
        %add3A_370 = arith.addi %mul3A_297, %add3A_369 : i32
        %dma_wait3A_371 = arith.constant 0 : i32
        %dma_wait3A_372 = arith.constant 0 : i32
        %dma_wait3A_373 = tpu.memref_slice %arg2[%dma_wait3A_371, %dma_wait3A_372] : memref<10000x128xbf16, #tpu.memory_space<hbm>> -> memref<64x128xbf16, #tpu.memory_space<hbm>>
        %dma_wait3A_374 = arith.constant 0 : i32
        %dma_wait3A_375 = arith.constant 0 : i32
        %dma_wait3A_376 = tpu.memref_slice %arg2[%dma_wait3A_374, %dma_wait3A_375] : memref<10000x128xbf16, #tpu.memory_space<hbm>> -> memref<64x128xbf16, #tpu.memory_space<hbm>>
        tpu.wait_dma2 semaphore(%arg19 : memref<!tpu.dma_semaphore, #tpu.memory_space<semaphore_mem>>) src(%dma_wait3A_376 : memref<64x128xbf16, #tpu.memory_space<hbm>>) dst(%arg11 : memref<64x128xbf16, #tpu.memory_space<vmem>>)
        %dma_start3A_377 = arith.constant 0 : i32
        %dma_start3A_378 = tpu.memref_slice %arg8[%add3A_370, %dma_start3A_377] : memref<136x64xi32, #tpu.memory_space<vmem>> -> memref<1x64xi32, #tpu.memory_space<vmem>>
        %dma_start3A_379 = tpu.memref_squeeze %dma_start3A_378 : memref<1x64xi32, #tpu.memory_space<vmem>> -> memref<64xi32, #tpu.memory_space<vmem>>
        %dma_start3A_380 = arith.constant 0 : i32
        %dma_start3A_381 = arith.constant 0 : i32
        %dma_start3A_382 = tpu.memref_slice %arg36[%dma_start3A_380, %dma_start3A_381] : memref<10112x128xbf16, #tpu.memory_space<vmem_shared>> -> memref<10112x128xbf16, #tpu.memory_space<vmem_shared>>
        tpu.enqueue_indirect_dma source(%arg11 : memref<64x128xbf16, #tpu.memory_space<vmem>>) target(%dma_start3A_382 : memref<10112x128xbf16, #tpu.memory_space<vmem_shared>>) offsets(%dma_start3A_379 : memref<64xi32, #tpu.memory_space<vmem>>) semaphore(%arg27 : memref<!tpu.dma_semaphore, #tpu.memory_space<semaphore_mem>>) {add = true}
        %dma_start3A_383 = arith.constant 0 : i32
        %dma_start3A_384 = tpu.memref_slice %arg8[%add3A_370, %dma_start3A_383] : memref<136x64xi32, #tpu.memory_space<vmem>> -> memref<1x64xi32, #tpu.memory_space<vmem>>
        %dma_start3A_385 = tpu.memref_squeeze %dma_start3A_384 : memref<1x64xi32, #tpu.memory_space<vmem>> -> memref<64xi32, #tpu.memory_space<vmem>>
        %dma_start3A_386 = arith.constant 0 : i32
        %dma_start3A_387 = arith.constant 0 : i32
        %dma_start3A_388 = tpu.memref_slice %arg37[%dma_start3A_386, %dma_start3A_387] : memref<10112x16xf32, #tpu.memory_space<vmem_shared>> -> memref<10112x16xf32, #tpu.memory_space<vmem_shared>>
        tpu.enqueue_indirect_dma source(%arg33 : memref<64x16xf32, #tpu.memory_space<vmem>>) target(%dma_start3A_388 : memref<10112x16xf32, #tpu.memory_space<vmem_shared>>) offsets(%dma_start3A_385 : memref<64xi32, #tpu.memory_space<vmem>>) semaphore(%arg35 : memref<!tpu.dma_semaphore, #tpu.memory_space<semaphore_mem>>) {add = true}
        %ge3A_389 = arith.constant 4 : i32
        %ge3A_390 = arith.cmpi sge, %add3A_370, %ge3A_389 : i32
        %add3A_391 = arith.constant 4 : i32
        %add3A_392 = arith.addi %add3A_370, %add3A_391 : i32
        %lt3A_393 = arith.constant 136 : i32
        %lt3A_394 = arith.cmpi slt, %add3A_392, %lt3A_393 : i32
        %and3A_395 = arith.andi %ge3A_390, %lt3A_394 : i1
        %convert_element_type3A_396 = arith.extui %and3A_395 : i1 to i32
        %cond3A_397 = arith.constant 0 : i32
        %cond3A_398 = arith.cmpi ne, %convert_element_type3A_396, %cond3A_397 : i32
        scf.if %cond3A_398 {
          %dma_wait3A_591 = arith.constant 0 : i32
          %dma_wait3A_592 = arith.constant 0 : i32
          %dma_wait3A_593 = tpu.memref_slice %arg36[%dma_wait3A_591, %dma_wait3A_592] : memref<10112x128xbf16, #tpu.memory_space<vmem_shared>> -> memref<64x128xbf16, #tpu.memory_space<vmem_shared>>
          %dma_wait3A_594 = arith.constant 0 : i32
          %dma_wait3A_595 = arith.constant 0 : i32
          %dma_wait3A_596 = tpu.memref_slice %arg36[%dma_wait3A_594, %dma_wait3A_595] : memref<10112x128xbf16, #tpu.memory_space<vmem_shared>> -> memref<64x128xbf16, #tpu.memory_space<vmem_shared>>
          tpu.wait_dma2 semaphore(%arg31 : memref<!tpu.dma_semaphore, #tpu.memory_space<semaphore_mem>>) src(%arg15 : memref<64x128xbf16, #tpu.memory_space<vmem>>) dst(%dma_wait3A_596 : memref<64x128xbf16, #tpu.memory_space<vmem_shared>>)
        } else {
        }
        %add3A_399 = arith.constant 4 : i32
        %add3A_400 = arith.addi %add3A_370, %add3A_399 : i32
        %lt3A_401 = arith.constant 136 : i32
        %lt3A_402 = arith.cmpi slt, %add3A_400, %lt3A_401 : i32
        %convert_element_type3A_403 = arith.extui %lt3A_402 : i1 to i32
        %cond3A_404 = arith.constant 0 : i32
        %cond3A_405 = arith.cmpi ne, %convert_element_type3A_403, %cond3A_404 : i32
        scf.if %cond3A_405 {
          %add3A_591 = arith.constant 4 : i32
          %add3A_592 = arith.addi %add3A_370, %add3A_591 : i32
          %dma_start3A_593 = arith.constant 0 : i32
          %dma_start3A_594 = tpu.memref_slice %arg7[%add3A_592, %dma_start3A_593] : memref<136x64xi32, #tpu.memory_space<vmem>> -> memref<1x64xi32, #tpu.memory_space<vmem>>
          %dma_start3A_595 = tpu.memref_squeeze %dma_start3A_594 : memref<1x64xi32, #tpu.memory_space<vmem>> -> memref<64xi32, #tpu.memory_space<vmem>>
          %dma_start3A_596 = arith.constant 0 : i32
          %dma_start3A_597 = arith.constant 0 : i32
          %dma_start3A_598 = tpu.memref_slice %arg2[%dma_start3A_596, %dma_start3A_597] : memref<10000x128xbf16, #tpu.memory_space<hbm>> -> memref<10000x128xbf16, #tpu.memory_space<hbm>>
          tpu.enqueue_indirect_dma source(%dma_start3A_598 : memref<10000x128xbf16, #tpu.memory_space<hbm>>) target(%arg15 : memref<64x128xbf16, #tpu.memory_space<vmem>>) offsets(%dma_start3A_595 : memref<64xi32, #tpu.memory_space<vmem>>) semaphore(%arg23 : memref<!tpu.dma_semaphore, #tpu.memory_space<semaphore_mem>>)
        } else {
        }
        %add3A_406 = arith.constant 3 : i32
        %add3A_407 = arith.addi %mul3A_297, %add3A_406 : i32
        %dma_wait3A_408 = arith.constant 0 : i32
        %dma_wait3A_409 = arith.constant 0 : i32
        %dma_wait3A_410 = tpu.memref_slice %arg2[%dma_wait3A_408, %dma_wait3A_409] : memref<10000x128xbf16, #tpu.memory_space<hbm>> -> memref<64x128xbf16, #tpu.memory_space<hbm>>
        %dma_wait3A_411 = arith.constant 0 : i32
        %dma_wait3A_412 = arith.constant 0 : i32
        %dma_wait3A_413 = tpu.memref_slice %arg2[%dma_wait3A_411, %dma_wait3A_412] : memref<10000x128xbf16, #tpu.memory_space<hbm>> -> memref<64x128xbf16, #tpu.memory_space<hbm>>
        tpu.wait_dma2 semaphore(%arg20 : memref<!tpu.dma_semaphore, #tpu.memory_space<semaphore_mem>>) src(%dma_wait3A_413 : memref<64x128xbf16, #tpu.memory_space<hbm>>) dst(%arg12 : memref<64x128xbf16, #tpu.memory_space<vmem>>)
        %dma_start3A_414 = arith.constant 0 : i32
        %dma_start3A_415 = tpu.memref_slice %arg8[%add3A_407, %dma_start3A_414] : memref<136x64xi32, #tpu.memory_space<vmem>> -> memref<1x64xi32, #tpu.memory_space<vmem>>
        %dma_start3A_416 = tpu.memref_squeeze %dma_start3A_415 : memref<1x64xi32, #tpu.memory_space<vmem>> -> memref<64xi32, #tpu.memory_space<vmem>>
        %dma_start3A_417 = arith.constant 0 : i32
        %dma_start3A_418 = arith.constant 0 : i32
        %dma_start3A_419 = tpu.memref_slice %arg36[%dma_start3A_417, %dma_start3A_418] : memref<10112x128xbf16, #tpu.memory_space<vmem_shared>> -> memref<10112x128xbf16, #tpu.memory_space<vmem_shared>>
        tpu.enqueue_indirect_dma source(%arg12 : memref<64x128xbf16, #tpu.memory_space<vmem>>) target(%dma_start3A_419 : memref<10112x128xbf16, #tpu.memory_space<vmem_shared>>) offsets(%dma_start3A_416 : memref<64xi32, #tpu.memory_space<vmem>>) semaphore(%arg28 : memref<!tpu.dma_semaphore, #tpu.memory_space<semaphore_mem>>) {add = true}
        %dma_start3A_420 = arith.constant 0 : i32
        %dma_start3A_421 = tpu.memref_slice %arg8[%add3A_407, %dma_start3A_420] : memref<136x64xi32, #tpu.memory_space<vmem>> -> memref<1x64xi32, #tpu.memory_space<vmem>>
        %dma_start3A_422 = tpu.memref_squeeze %dma_start3A_421 : memref<1x64xi32, #tpu.memory_space<vmem>> -> memref<64xi32, #tpu.memory_space<vmem>>
        %dma_start3A_423 = arith.constant 0 : i32
        %dma_start3A_424 = arith.constant 0 : i32
        %dma_start3A_425 = tpu.memref_slice %arg37[%dma_start3A_423, %dma_start3A_424] : memref<10112x16xf32, #tpu.memory_space<vmem_shared>> -> memref<10112x16xf32, #tpu.memory_space<vmem_shared>>
        tpu.enqueue_indirect_dma source(%arg33 : memref<64x16xf32, #tpu.memory_space<vmem>>) target(%dma_start3A_425 : memref<10112x16xf32, #tpu.memory_space<vmem_shared>>) offsets(%dma_start3A_422 : memref<64xi32, #tpu.memory_space<vmem>>) semaphore(%arg35 : memref<!tpu.dma_semaphore, #tpu.memory_space<semaphore_mem>>) {add = true}
        %ge3A_426 = arith.constant 4 : i32
        %ge3A_427 = arith.cmpi sge, %add3A_407, %ge3A_426 : i32
        %add3A_428 = arith.constant 4 : i32
        %add3A_429 = arith.addi %add3A_407, %add3A_428 : i32
        %lt3A_430 = arith.constant 136 : i32
        %lt3A_431 = arith.cmpi slt, %add3A_429, %lt3A_430 : i32
        %and3A_432 = arith.andi %ge3A_427, %lt3A_431 : i1
        %convert_element_type3A_433 = arith.extui %and3A_432 : i1 to i32
        %cond3A_434 = arith.constant 0 : i32
        %cond3A_435 = arith.cmpi ne, %convert_element_type3A_433, %cond3A_434 : i32
        scf.if %cond3A_435 {
          %dma_wait3A_591 = arith.constant 0 : i32
          %dma_wait3A_592 = arith.constant 0 : i32
          %dma_wait3A_593 = tpu.memref_slice %arg36[%dma_wait3A_591, %dma_wait3A_592] : memref<10112x128xbf16, #tpu.memory_space<vmem_shared>> -> memref<64x128xbf16, #tpu.memory_space<vmem_shared>>
          %dma_wait3A_594 = arith.constant 0 : i32
          %dma_wait3A_595 = arith.constant 0 : i32
          %dma_wait3A_596 = tpu.memref_slice %arg36[%dma_wait3A_594, %dma_wait3A_595] : memref<10112x128xbf16, #tpu.memory_space<vmem_shared>> -> memref<64x128xbf16, #tpu.memory_space<vmem_shared>>
          tpu.wait_dma2 semaphore(%arg32 : memref<!tpu.dma_semaphore, #tpu.memory_space<semaphore_mem>>) src(%arg16 : memref<64x128xbf16, #tpu.memory_space<vmem>>) dst(%dma_wait3A_596 : memref<64x128xbf16, #tpu.memory_space<vmem_shared>>)
        } else {
        }
        %add3A_436 = arith.constant 4 : i32
        %add3A_437 = arith.addi %add3A_407, %add3A_436 : i32
        %lt3A_438 = arith.constant 136 : i32
        %lt3A_439 = arith.cmpi slt, %add3A_437, %lt3A_438 : i32
        %convert_element_type3A_440 = arith.extui %lt3A_439 : i1 to i32
        %cond3A_441 = arith.constant 0 : i32
        %cond3A_442 = arith.cmpi ne, %convert_element_type3A_440, %cond3A_441 : i32
        scf.if %cond3A_442 {
          %add3A_591 = arith.constant 4 : i32
          %add3A_592 = arith.addi %add3A_407, %add3A_591 : i32
          %dma_start3A_593 = arith.constant 0 : i32
          %dma_start3A_594 = tpu.memref_slice %arg7[%add3A_592, %dma_start3A_593] : memref<136x64xi32, #tpu.memory_space<vmem>> -> memref<1x64xi32, #tpu.memory_space<vmem>>
          %dma_start3A_595 = tpu.memref_squeeze %dma_start3A_594 : memref<1x64xi32, #tpu.memory_space<vmem>> -> memref<64xi32, #tpu.memory_space<vmem>>
          %dma_start3A_596 = arith.constant 0 : i32
          %dma_start3A_597 = arith.constant 0 : i32
          %dma_start3A_598 = tpu.memref_slice %arg2[%dma_start3A_596, %dma_start3A_597] : memref<10000x128xbf16, #tpu.memory_space<hbm>> -> memref<10000x128xbf16, #tpu.memory_space<hbm>>
          tpu.enqueue_indirect_dma source(%dma_start3A_598 : memref<10000x128xbf16, #tpu.memory_space<hbm>>) target(%arg16 : memref<64x128xbf16, #tpu.memory_space<vmem>>) offsets(%dma_start3A_595 : memref<64xi32, #tpu.memory_space<vmem>>) semaphore(%arg24 : memref<!tpu.dma_semaphore, #tpu.memory_space<semaphore_mem>>)
        } else {
        }
        %add3A_443 = arith.constant 4 : i32
        %add3A_444 = arith.addi %mul3A_297, %add3A_443 : i32
        %dma_wait3A_445 = arith.constant 0 : i32
        %dma_wait3A_446 = arith.constant 0 : i32
        %dma_wait3A_447 = tpu.memref_slice %arg2[%dma_wait3A_445, %dma_wait3A_446] : memref<10000x128xbf16, #tpu.memory_space<hbm>> -> memref<64x128xbf16, #tpu.memory_space<hbm>>
        %dma_wait3A_448 = arith.constant 0 : i32
        %dma_wait3A_449 = arith.constant 0 : i32
        %dma_wait3A_450 = tpu.memref_slice %arg2[%dma_wait3A_448, %dma_wait3A_449] : memref<10000x128xbf16, #tpu.memory_space<hbm>> -> memref<64x128xbf16, #tpu.memory_space<hbm>>
        tpu.wait_dma2 semaphore(%arg21 : memref<!tpu.dma_semaphore, #tpu.memory_space<semaphore_mem>>) src(%dma_wait3A_450 : memref<64x128xbf16, #tpu.memory_space<hbm>>) dst(%arg13 : memref<64x128xbf16, #tpu.memory_space<vmem>>)
        %dma_start3A_451 = arith.constant 0 : i32
        %dma_start3A_452 = tpu.memref_slice %arg8[%add3A_444, %dma_start3A_451] : memref<136x64xi32, #tpu.memory_space<vmem>> -> memref<1x64xi32, #tpu.memory_space<vmem>>
        %dma_start3A_453 = tpu.memref_squeeze %dma_start3A_452 : memref<1x64xi32, #tpu.memory_space<vmem>> -> memref<64xi32, #tpu.memory_space<vmem>>
        %dma_start3A_454 = arith.constant 0 : i32
        %dma_start3A_455 = arith.constant 0 : i32
        %dma_start3A_456 = tpu.memref_slice %arg36[%dma_start3A_454, %dma_start3A_455] : memref<10112x128xbf16, #tpu.memory_space<vmem_shared>> -> memref<10112x128xbf16, #tpu.memory_space<vmem_shared>>
        tpu.enqueue_indirect_dma source(%arg13 : memref<64x128xbf16, #tpu.memory_space<vmem>>) target(%dma_start3A_456 : memref<10112x128xbf16, #tpu.memory_space<vmem_shared>>) offsets(%dma_start3A_453 : memref<64xi32, #tpu.memory_space<vmem>>) semaphore(%arg29 : memref<!tpu.dma_semaphore, #tpu.memory_space<semaphore_mem>>) {add = true}
        %dma_start3A_457 = arith.constant 0 : i32
        %dma_start3A_458 = tpu.memref_slice %arg8[%add3A_444, %dma_start3A_457] : memref<136x64xi32, #tpu.memory_space<vmem>> -> memref<1x64xi32, #tpu.memory_space<vmem>>
        %dma_start3A_459 = tpu.memref_squeeze %dma_start3A_458 : memref<1x64xi32, #tpu.memory_space<vmem>> -> memref<64xi32, #tpu.memory_space<vmem>>
        %dma_start3A_460 = arith.constant 0 : i32
        %dma_start3A_461 = arith.constant 0 : i32
        %dma_start3A_462 = tpu.memref_slice %arg37[%dma_start3A_460, %dma_start3A_461] : memref<10112x16xf32, #tpu.memory_space<vmem_shared>> -> memref<10112x16xf32, #tpu.memory_space<vmem_shared>>
        tpu.enqueue_indirect_dma source(%arg33 : memref<64x16xf32, #tpu.memory_space<vmem>>) target(%dma_start3A_462 : memref<10112x16xf32, #tpu.memory_space<vmem_shared>>) offsets(%dma_start3A_459 : memref<64xi32, #tpu.memory_space<vmem>>) semaphore(%arg35 : memref<!tpu.dma_semaphore, #tpu.memory_space<semaphore_mem>>) {add = true}
        %ge3A_463 = arith.constant 4 : i32
        %ge3A_464 = arith.cmpi sge, %add3A_444, %ge3A_463 : i32
        %add3A_465 = arith.constant 4 : i32
        %add3A_466 = arith.addi %add3A_444, %add3A_465 : i32
        %lt3A_467 = arith.constant 136 : i32
        %lt3A_468 = arith.cmpi slt, %add3A_466, %lt3A_467 : i32
        %and3A_469 = arith.andi %ge3A_464, %lt3A_468 : i1
        %convert_element_type3A_470 = arith.extui %and3A_469 : i1 to i32
        %cond3A_471 = arith.constant 0 : i32
        %cond3A_472 = arith.cmpi ne, %convert_element_type3A_470, %cond3A_471 : i32
        scf.if %cond3A_472 {
          %dma_wait3A_591 = arith.constant 0 : i32
          %dma_wait3A_592 = arith.constant 0 : i32
          %dma_wait3A_593 = tpu.memref_slice %arg36[%dma_wait3A_591, %dma_wait3A_592] : memref<10112x128xbf16, #tpu.memory_space<vmem_shared>> -> memref<64x128xbf16, #tpu.memory_space<vmem_shared>>
          %dma_wait3A_594 = arith.constant 0 : i32
          %dma_wait3A_595 = arith.constant 0 : i32
          %dma_wait3A_596 = tpu.memref_slice %arg36[%dma_wait3A_594, %dma_wait3A_595] : memref<10112x128xbf16, #tpu.memory_space<vmem_shared>> -> memref<64x128xbf16, #tpu.memory_space<vmem_shared>>
          tpu.wait_dma2 semaphore(%arg25 : memref<!tpu.dma_semaphore, #tpu.memory_space<semaphore_mem>>) src(%arg9 : memref<64x128xbf16, #tpu.memory_space<vmem>>) dst(%dma_wait3A_596 : memref<64x128xbf16, #tpu.memory_space<vmem_shared>>)
        } else {
        }
        %add3A_473 = arith.constant 4 : i32
        %add3A_474 = arith.addi %add3A_444, %add3A_473 : i32
        %lt3A_475 = arith.constant 136 : i32
        %lt3A_476 = arith.cmpi slt, %add3A_474, %lt3A_475 : i32
        %convert_element_type3A_477 = arith.extui %lt3A_476 : i1 to i32
        %cond3A_478 = arith.constant 0 : i32
        %cond3A_479 = arith.cmpi ne, %convert_element_type3A_477, %cond3A_478 : i32
        scf.if %cond3A_479 {
          %add3A_591 = arith.constant 4 : i32
          %add3A_592 = arith.addi %add3A_444, %add3A_591 : i32
          %dma_start3A_593 = arith.constant 0 : i32
          %dma_start3A_594 = tpu.memref_slice %arg7[%add3A_592, %dma_start3A_593] : memref<136x64xi32, #tpu.memory_space<vmem>> -> memref<1x64xi32, #tpu.memory_space<vmem>>
          %dma_start3A_595 = tpu.memref_squeeze %dma_start3A_594 : memref<1x64xi32, #tpu.memory_space<vmem>> -> memref<64xi32, #tpu.memory_space<vmem>>
          %dma_start3A_596 = arith.constant 0 : i32
          %dma_start3A_597 = arith.constant 0 : i32
          %dma_start3A_598 = tpu.memref_slice %arg2[%dma_start3A_596, %dma_start3A_597] : memref<10000x128xbf16, #tpu.memory_space<hbm>> -> memref<10000x128xbf16, #tpu.memory_space<hbm>>
          tpu.enqueue_indirect_dma source(%dma_start3A_598 : memref<10000x128xbf16, #tpu.memory_space<hbm>>) target(%arg9 : memref<64x128xbf16, #tpu.memory_space<vmem>>) offsets(%dma_start3A_595 : memref<64xi32, #tpu.memory_space<vmem>>) semaphore(%arg17 : memref<!tpu.dma_semaphore, #tpu.memory_space<semaphore_mem>>)
        } else {
        }
        %add3A_480 = arith.constant 5 : i32
        %add3A_481 = arith.addi %mul3A_297, %add3A_480 : i32
        %dma_wait3A_482 = arith.constant 0 : i32
        %dma_wait3A_483 = arith.constant 0 : i32
        %dma_wait3A_484 = tpu.memref_slice %arg2[%dma_wait3A_482, %dma_wait3A_483] : memref<10000x128xbf16, #tpu.memory_space<hbm>> -> memref<64x128xbf16, #tpu.memory_space<hbm>>
        %dma_wait3A_485 = arith.constant 0 : i32
        %dma_wait3A_486 = arith.constant 0 : i32
        %dma_wait3A_487 = tpu.memref_slice %arg2[%dma_wait3A_485, %dma_wait3A_486] : memref<10000x128xbf16, #tpu.memory_space<hbm>> -> memref<64x128xbf16, #tpu.memory_space<hbm>>
        tpu.wait_dma2 semaphore(%arg22 : memref<!tpu.dma_semaphore, #tpu.memory_space<semaphore_mem>>) src(%dma_wait3A_487 : memref<64x128xbf16, #tpu.memory_space<hbm>>) dst(%arg14 : memref<64x128xbf16, #tpu.memory_space<vmem>>)
        %dma_start3A_488 = arith.constant 0 : i32
        %dma_start3A_489 = tpu.memref_slice %arg8[%add3A_481, %dma_start3A_488] : memref<136x64xi32, #tpu.memory_space<vmem>> -> memref<1x64xi32, #tpu.memory_space<vmem>>
        %dma_start3A_490 = tpu.memref_squeeze %dma_start3A_489 : memref<1x64xi32, #tpu.memory_space<vmem>> -> memref<64xi32, #tpu.memory_space<vmem>>
        %dma_start3A_491 = arith.constant 0 : i32
        %dma_start3A_492 = arith.constant 0 : i32
        %dma_start3A_493 = tpu.memref_slice %arg36[%dma_start3A_491, %dma_start3A_492] : memref<10112x128xbf16, #tpu.memory_space<vmem_shared>> -> memref<10112x128xbf16, #tpu.memory_space<vmem_shared>>
        tpu.enqueue_indirect_dma source(%arg14 : memref<64x128xbf16, #tpu.memory_space<vmem>>) target(%dma_start3A_493 : memref<10112x128xbf16, #tpu.memory_space<vmem_shared>>) offsets(%dma_start3A_490 : memref<64xi32, #tpu.memory_space<vmem>>) semaphore(%arg30 : memref<!tpu.dma_semaphore, #tpu.memory_space<semaphore_mem>>) {add = true}
        %dma_start3A_494 = arith.constant 0 : i32
        %dma_start3A_495 = tpu.memref_slice %arg8[%add3A_481, %dma_start3A_494] : memref<136x64xi32, #tpu.memory_space<vmem>> -> memref<1x64xi32, #tpu.memory_space<vmem>>
        %dma_start3A_496 = tpu.memref_squeeze %dma_start3A_495 : memref<1x64xi32, #tpu.memory_space<vmem>> -> memref<64xi32, #tpu.memory_space<vmem>>
        %dma_start3A_497 = arith.constant 0 : i32
        %dma_start3A_498 = arith.constant 0 : i32
        %dma_start3A_499 = tpu.memref_slice %arg37[%dma_start3A_497, %dma_start3A_498] : memref<10112x16xf32, #tpu.memory_space<vmem_shared>> -> memref<10112x16xf32, #tpu.memory_space<vmem_shared>>
        tpu.enqueue_indirect_dma source(%arg33 : memref<64x16xf32, #tpu.memory_space<vmem>>) target(%dma_start3A_499 : memref<10112x16xf32, #tpu.memory_space<vmem_shared>>) offsets(%dma_start3A_496 : memref<64xi32, #tpu.memory_space<vmem>>) semaphore(%arg35 : memref<!tpu.dma_semaphore, #tpu.memory_space<semaphore_mem>>) {add = true}
        %ge3A_500 = arith.constant 4 : i32
        %ge3A_501 = arith.cmpi sge, %add3A_481, %ge3A_500 : i32
        %add3A_502 = arith.constant 4 : i32
        %add3A_503 = arith.addi %add3A_481, %add3A_502 : i32
        %lt3A_504 = arith.constant 136 : i32
        %lt3A_505 = arith.cmpi slt, %add3A_503, %lt3A_504 : i32
        %and3A_506 = arith.andi %ge3A_501, %lt3A_505 : i1
        %convert_element_type3A_507 = arith.extui %and3A_506 : i1 to i32
        %cond3A_508 = arith.constant 0 : i32
        %cond3A_509 = arith.cmpi ne, %convert_element_type3A_507, %cond3A_508 : i32
        scf.if %cond3A_509 {
          %dma_wait3A_591 = arith.constant 0 : i32
          %dma_wait3A_592 = arith.constant 0 : i32
          %dma_wait3A_593 = tpu.memref_slice %arg36[%dma_wait3A_591, %dma_wait3A_592] : memref<10112x128xbf16, #tpu.memory_space<vmem_shared>> -> memref<64x128xbf16, #tpu.memory_space<vmem_shared>>
          %dma_wait3A_594 = arith.constant 0 : i32
          %dma_wait3A_595 = arith.constant 0 : i32
          %dma_wait3A_596 = tpu.memref_slice %arg36[%dma_wait3A_594, %dma_wait3A_595] : memref<10112x128xbf16, #tpu.memory_space<vmem_shared>> -> memref<64x128xbf16, #tpu.memory_space<vmem_shared>>
          tpu.wait_dma2 semaphore(%arg26 : memref<!tpu.dma_semaphore, #tpu.memory_space<semaphore_mem>>) src(%arg10 : memref<64x128xbf16, #tpu.memory_space<vmem>>) dst(%dma_wait3A_596 : memref<64x128xbf16, #tpu.memory_space<vmem_shared>>)
        } else {
        }
        %add3A_510 = arith.constant 4 : i32
        %add3A_511 = arith.addi %add3A_481, %add3A_510 : i32
        %lt3A_512 = arith.constant 136 : i32
        %lt3A_513 = arith.cmpi slt, %add3A_511, %lt3A_512 : i32
        %convert_element_type3A_514 = arith.extui %lt3A_513 : i1 to i32
        %cond3A_515 = arith.constant 0 : i32
        %cond3A_516 = arith.cmpi ne, %convert_element_type3A_514, %cond3A_515 : i32
        scf.if %cond3A_516 {
          %add3A_591 = arith.constant 4 : i32
          %add3A_592 = arith.addi %add3A_481, %add3A_591 : i32
          %dma_start3A_593 = arith.constant 0 : i32
          %dma_start3A_594 = tpu.memref_slice %arg7[%add3A_592, %dma_start3A_593] : memref<136x64xi32, #tpu.memory_space<vmem>> -> memref<1x64xi32, #tpu.memory_space<vmem>>
          %dma_start3A_595 = tpu.memref_squeeze %dma_start3A_594 : memref<1x64xi32, #tpu.memory_space<vmem>> -> memref<64xi32, #tpu.memory_space<vmem>>
          %dma_start3A_596 = arith.constant 0 : i32
          %dma_start3A_597 = arith.constant 0 : i32
          %dma_start3A_598 = tpu.memref_slice %arg2[%dma_start3A_596, %dma_start3A_597] : memref<10000x128xbf16, #tpu.memory_space<hbm>> -> memref<10000x128xbf16, #tpu.memory_space<hbm>>
          tpu.enqueue_indirect_dma source(%dma_start3A_598 : memref<10000x128xbf16, #tpu.memory_space<hbm>>) target(%arg10 : memref<64x128xbf16, #tpu.memory_space<vmem>>) offsets(%dma_start3A_595 : memref<64xi32, #tpu.memory_space<vmem>>) semaphore(%arg18 : memref<!tpu.dma_semaphore, #tpu.memory_space<semaphore_mem>>)
        } else {
        }
        %add3A_517 = arith.constant 6 : i32
        %add3A_518 = arith.addi %mul3A_297, %add3A_517 : i32
        %dma_wait3A_519 = arith.constant 0 : i32
        %dma_wait3A_520 = arith.constant 0 : i32
        %dma_wait3A_521 = tpu.memref_slice %arg2[%dma_wait3A_519, %dma_wait3A_520] : memref<10000x128xbf16, #tpu.memory_space<hbm>> -> memref<64x128xbf16, #tpu.memory_space<hbm>>
        %dma_wait3A_522 = arith.constant 0 : i32
        %dma_wait3A_523 = arith.constant 0 : i32
        %dma_wait3A_524 = tpu.memref_slice %arg2[%dma_wait3A_522, %dma_wait3A_523] : memref<10000x128xbf16, #tpu.memory_space<hbm>> -> memref<64x128xbf16, #tpu.memory_space<hbm>>
        tpu.wait_dma2 semaphore(%arg23 : memref<!tpu.dma_semaphore, #tpu.memory_space<semaphore_mem>>) src(%dma_wait3A_524 : memref<64x128xbf16, #tpu.memory_space<hbm>>) dst(%arg15 : memref<64x128xbf16, #tpu.memory_space<vmem>>)
        %dma_start3A_525 = arith.constant 0 : i32
        %dma_start3A_526 = tpu.memref_slice %arg8[%add3A_518, %dma_start3A_525] : memref<136x64xi32, #tpu.memory_space<vmem>> -> memref<1x64xi32, #tpu.memory_space<vmem>>
        %dma_start3A_527 = tpu.memref_squeeze %dma_start3A_526 : memref<1x64xi32, #tpu.memory_space<vmem>> -> memref<64xi32, #tpu.memory_space<vmem>>
        %dma_start3A_528 = arith.constant 0 : i32
        %dma_start3A_529 = arith.constant 0 : i32
        %dma_start3A_530 = tpu.memref_slice %arg36[%dma_start3A_528, %dma_start3A_529] : memref<10112x128xbf16, #tpu.memory_space<vmem_shared>> -> memref<10112x128xbf16, #tpu.memory_space<vmem_shared>>
        tpu.enqueue_indirect_dma source(%arg15 : memref<64x128xbf16, #tpu.memory_space<vmem>>) target(%dma_start3A_530 : memref<10112x128xbf16, #tpu.memory_space<vmem_shared>>) offsets(%dma_start3A_527 : memref<64xi32, #tpu.memory_space<vmem>>) semaphore(%arg31 : memref<!tpu.dma_semaphore, #tpu.memory_space<semaphore_mem>>) {add = true}
        %dma_start3A_531 = arith.constant 0 : i32
        %dma_start3A_532 = tpu.memref_slice %arg8[%add3A_518, %dma_start3A_531] : memref<136x64xi32, #tpu.memory_space<vmem>> -> memref<1x64xi32, #tpu.memory_space<vmem>>
        %dma_start3A_533 = tpu.memref_squeeze %dma_start3A_532 : memref<1x64xi32, #tpu.memory_space<vmem>> -> memref<64xi32, #tpu.memory_space<vmem>>
        %dma_start3A_534 = arith.constant 0 : i32
        %dma_start3A_535 = arith.constant 0 : i32
        %dma_start3A_536 = tpu.memref_slice %arg37[%dma_start3A_534, %dma_start3A_535] : memref<10112x16xf32, #tpu.memory_space<vmem_shared>> -> memref<10112x16xf32, #tpu.memory_space<vmem_shared>>
        tpu.enqueue_indirect_dma source(%arg33 : memref<64x16xf32, #tpu.memory_space<vmem>>) target(%dma_start3A_536 : memref<10112x16xf32, #tpu.memory_space<vmem_shared>>) offsets(%dma_start3A_533 : memref<64xi32, #tpu.memory_space<vmem>>) semaphore(%arg35 : memref<!tpu.dma_semaphore, #tpu.memory_space<semaphore_mem>>) {add = true}
        %ge3A_537 = arith.constant 4 : i32
        %ge3A_538 = arith.cmpi sge, %add3A_518, %ge3A_537 : i32
        %add3A_539 = arith.constant 4 : i32
        %add3A_540 = arith.addi %add3A_518, %add3A_539 : i32
        %lt3A_541 = arith.constant 136 : i32
        %lt3A_542 = arith.cmpi slt, %add3A_540, %lt3A_541 : i32
        %and3A_543 = arith.andi %ge3A_538, %lt3A_542 : i1
        %convert_element_type3A_544 = arith.extui %and3A_543 : i1 to i32
        %cond3A_545 = arith.constant 0 : i32
        %cond3A_546 = arith.cmpi ne, %convert_element_type3A_544, %cond3A_545 : i32
        scf.if %cond3A_546 {
          %dma_wait3A_591 = arith.constant 0 : i32
          %dma_wait3A_592 = arith.constant 0 : i32
          %dma_wait3A_593 = tpu.memref_slice %arg36[%dma_wait3A_591, %dma_wait3A_592] : memref<10112x128xbf16, #tpu.memory_space<vmem_shared>> -> memref<64x128xbf16, #tpu.memory_space<vmem_shared>>
          %dma_wait3A_594 = arith.constant 0 : i32
          %dma_wait3A_595 = arith.constant 0 : i32
          %dma_wait3A_596 = tpu.memref_slice %arg36[%dma_wait3A_594, %dma_wait3A_595] : memref<10112x128xbf16, #tpu.memory_space<vmem_shared>> -> memref<64x128xbf16, #tpu.memory_space<vmem_shared>>
          tpu.wait_dma2 semaphore(%arg27 : memref<!tpu.dma_semaphore, #tpu.memory_space<semaphore_mem>>) src(%arg11 : memref<64x128xbf16, #tpu.memory_space<vmem>>) dst(%dma_wait3A_596 : memref<64x128xbf16, #tpu.memory_space<vmem_shared>>)
        } else {
        }
        %add3A_547 = arith.constant 4 : i32
        %add3A_548 = arith.addi %add3A_518, %add3A_547 : i32
        %lt3A_549 = arith.constant 136 : i32
        %lt3A_550 = arith.cmpi slt, %add3A_548, %lt3A_549 : i32
        %convert_element_type3A_551 = arith.extui %lt3A_550 : i1 to i32
        %cond3A_552 = arith.constant 0 : i32
        %cond3A_553 = arith.cmpi ne, %convert_element_type3A_551, %cond3A_552 : i32
        scf.if %cond3A_553 {
          %add3A_591 = arith.constant 4 : i32
          %add3A_592 = arith.addi %add3A_518, %add3A_591 : i32
          %dma_start3A_593 = arith.constant 0 : i32
          %dma_start3A_594 = tpu.memref_slice %arg7[%add3A_592, %dma_start3A_593] : memref<136x64xi32, #tpu.memory_space<vmem>> -> memref<1x64xi32, #tpu.memory_space<vmem>>
          %dma_start3A_595 = tpu.memref_squeeze %dma_start3A_594 : memref<1x64xi32, #tpu.memory_space<vmem>> -> memref<64xi32, #tpu.memory_space<vmem>>
          %dma_start3A_596 = arith.constant 0 : i32
          %dma_start3A_597 = arith.constant 0 : i32
          %dma_start3A_598 = tpu.memref_slice %arg2[%dma_start3A_596, %dma_start3A_597] : memref<10000x128xbf16, #tpu.memory_space<hbm>> -> memref<10000x128xbf16, #tpu.memory_space<hbm>>
          tpu.enqueue_indirect_dma source(%dma_start3A_598 : memref<10000x128xbf16, #tpu.memory_space<hbm>>) target(%arg11 : memref<64x128xbf16, #tpu.memory_space<vmem>>) offsets(%dma_start3A_595 : memref<64xi32, #tpu.memory_space<vmem>>) semaphore(%arg19 : memref<!tpu.dma_semaphore, #tpu.memory_space<semaphore_mem>>)
        } else {
        }
        %add3A_554 = arith.constant 7 : i32
        %add3A_555 = arith.addi %mul3A_297, %add3A_554 : i32
        %dma_wait3A_556 = arith.constant 0 : i32
        %dma_wait3A_557 = arith.constant 0 : i32
        %dma_wait3A_558 = tpu.memref_slice %arg2[%dma_wait3A_556, %dma_wait3A_557] : memref<10000x128xbf16, #tpu.memory_space<hbm>> -> memref<64x128xbf16, #tpu.memory_space<hbm>>
        %dma_wait3A_559 = arith.constant 0 : i32
        %dma_wait3A_560 = arith.constant 0 : i32
        %dma_wait3A_561 = tpu.memref_slice %arg2[%dma_wait3A_559, %dma_wait3A_560] : memref<10000x128xbf16, #tpu.memory_space<hbm>> -> memref<64x128xbf16, #tpu.memory_space<hbm>>
        tpu.wait_dma2 semaphore(%arg24 : memref<!tpu.dma_semaphore, #tpu.memory_space<semaphore_mem>>) src(%dma_wait3A_561 : memref<64x128xbf16, #tpu.memory_space<hbm>>) dst(%arg16 : memref<64x128xbf16, #tpu.memory_space<vmem>>)
        %dma_start3A_562 = arith.constant 0 : i32
        %dma_start3A_563 = tpu.memref_slice %arg8[%add3A_555, %dma_start3A_562] : memref<136x64xi32, #tpu.memory_space<vmem>> -> memref<1x64xi32, #tpu.memory_space<vmem>>
        %dma_start3A_564 = tpu.memref_squeeze %dma_start3A_563 : memref<1x64xi32, #tpu.memory_space<vmem>> -> memref<64xi32, #tpu.memory_space<vmem>>
        %dma_start3A_565 = arith.constant 0 : i32
        %dma_start3A_566 = arith.constant 0 : i32
        %dma_start3A_567 = tpu.memref_slice %arg36[%dma_start3A_565, %dma_start3A_566] : memref<10112x128xbf16, #tpu.memory_space<vmem_shared>> -> memref<10112x128xbf16, #tpu.memory_space<vmem_shared>>
        tpu.enqueue_indirect_dma source(%arg16 : memref<64x128xbf16, #tpu.memory_space<vmem>>) target(%dma_start3A_567 : memref<10112x128xbf16, #tpu.memory_space<vmem_shared>>) offsets(%dma_start3A_564 : memref<64xi32, #tpu.memory_space<vmem>>) semaphore(%arg32 : memref<!tpu.dma_semaphore, #tpu.memory_space<semaphore_mem>>) {add = true}
        %dma_start3A_568 = arith.constant 0 : i32
        %dma_start3A_569 = tpu.memref_slice %arg8[%add3A_555, %dma_start3A_568] : memref<136x64xi32, #tpu.memory_space<vmem>> -> memref<1x64xi32, #tpu.memory_space<vmem>>
        %dma_start3A_570 = tpu.memref_squeeze %dma_start3A_569 : memref<1x64xi32, #tpu.memory_space<vmem>> -> memref<64xi32, #tpu.memory_space<vmem>>
        %dma_start3A_571 = arith.constant 0 : i32
        %dma_start3A_572 = arith.constant 0 : i32
        %dma_start3A_573 = tpu.memref_slice %arg37[%dma_start3A_571, %dma_start3A_572] : memref<10112x16xf32, #tpu.memory_space<vmem_shared>> -> memref<10112x16xf32, #tpu.memory_space<vmem_shared>>
        tpu.enqueue_indirect_dma source(%arg33 : memref<64x16xf32, #tpu.memory_space<vmem>>) target(%dma_start3A_573 : memref<10112x16xf32, #tpu.memory_space<vmem_shared>>) offsets(%dma_start3A_570 : memref<64xi32, #tpu.memory_space<vmem>>) semaphore(%arg35 : memref<!tpu.dma_semaphore, #tpu.memory_space<semaphore_mem>>) {add = true}
        %ge3A_574 = arith.constant 4 : i32
        %ge3A_575 = arith.cmpi sge, %add3A_555, %ge3A_574 : i32
        %add3A_576 = arith.constant 4 : i32
        %add3A_577 = arith.addi %add3A_555, %add3A_576 : i32
        %lt3A_578 = arith.constant 136 : i32
        %lt3A_579 = arith.cmpi slt, %add3A_577, %lt3A_578 : i32
        %and3A_580 = arith.andi %ge3A_575, %lt3A_579 : i1
        %convert_element_type3A_581 = arith.extui %and3A_580 : i1 to i32
        %cond3A_582 = arith.constant 0 : i32
        %cond3A_583 = arith.cmpi ne, %convert_element_type3A_581, %cond3A_582 : i32
        scf.if %cond3A_583 {
          %dma_wait3A_591 = arith.constant 0 : i32
          %dma_wait3A_592 = arith.constant 0 : i32
          %dma_wait3A_593 = tpu.memref_slice %arg36[%dma_wait3A_591, %dma_wait3A_592] : memref<10112x128xbf16, #tpu.memory_space<vmem_shared>> -> memref<64x128xbf16, #tpu.memory_space<vmem_shared>>
          %dma_wait3A_594 = arith.constant 0 : i32
          %dma_wait3A_595 = arith.constant 0 : i32
          %dma_wait3A_596 = tpu.memref_slice %arg36[%dma_wait3A_594, %dma_wait3A_595] : memref<10112x128xbf16, #tpu.memory_space<vmem_shared>> -> memref<64x128xbf16, #tpu.memory_space<vmem_shared>>
          tpu.wait_dma2 semaphore(%arg28 : memref<!tpu.dma_semaphore, #tpu.memory_space<semaphore_mem>>) src(%arg12 : memref<64x128xbf16, #tpu.memory_space<vmem>>) dst(%dma_wait3A_596 : memref<64x128xbf16, #tpu.memory_space<vmem_shared>>)
        } else {
        }
        %add3A_584 = arith.constant 4 : i32
        %add3A_585 = arith.addi %add3A_555, %add3A_584 : i32
        %lt3A_586 = arith.constant 136 : i32
        %lt3A_587 = arith.cmpi slt, %add3A_585, %lt3A_586 : i32
        %convert_element_type3A_588 = arith.extui %lt3A_587 : i1 to i32
        %cond3A_589 = arith.constant 0 : i32
        %cond3A_590 = arith.cmpi ne, %convert_element_type3A_588, %cond3A_589 : i32
        scf.if %cond3A_590 {
          %add3A_591 = arith.constant 4 : i32
          %add3A_592 = arith.addi %add3A_555, %add3A_591 : i32
          %dma_start3A_593 = arith.constant 0 : i32
          %dma_start3A_594 = tpu.memref_slice %arg7[%add3A_592, %dma_start3A_593] : memref<136x64xi32, #tpu.memory_space<vmem>> -> memref<1x64xi32, #tpu.memory_space<vmem>>
          %dma_start3A_595 = tpu.memref_squeeze %dma_start3A_594 : memref<1x64xi32, #tpu.memory_space<vmem>> -> memref<64xi32, #tpu.memory_space<vmem>>
          %dma_start3A_596 = arith.constant 0 : i32
          %dma_start3A_597 = arith.constant 0 : i32
          %dma_start3A_598 = tpu.memref_slice %arg2[%dma_start3A_596, %dma_start3A_597] : memref<10000x128xbf16, #tpu.memory_space<hbm>> -> memref<10000x128xbf16, #tpu.memory_space<hbm>>
          tpu.enqueue_indirect_dma source(%dma_start3A_598 : memref<10000x128xbf16, #tpu.memory_space<hbm>>) target(%arg12 : memref<64x128xbf16, #tpu.memory_space<vmem>>) offsets(%dma_start3A_595 : memref<64xi32, #tpu.memory_space<vmem>>) semaphore(%arg20 : memref<!tpu.dma_semaphore, #tpu.memory_space<semaphore_mem>>)
        } else {
        }
      }
      %scan3A_241 = arith.constant 17 : i32
      %dma_wait3A_242 = arith.constant 0 : i32
      %dma_wait3A_243 = arith.constant 0 : i32
      %dma_wait3A_244 = tpu.memref_slice %arg36[%dma_wait3A_242, %dma_wait3A_243] : memref<10112x128xbf16, #tpu.memory_space<vmem_shared>> -> memref<64x128xbf16, #tpu.memory_space<vmem_shared>>
      %dma_wait3A_245 = arith.constant 0 : i32
      %dma_wait3A_246 = arith.constant 0 : i32
      %dma_wait3A_247 = tpu.memref_slice %arg36[%dma_wait3A_245, %dma_wait3A_246] : memref<10112x128xbf16, #tpu.memory_space<vmem_shared>> -> memref<64x128xbf16, #tpu.memory_space<vmem_shared>>
      tpu.wait_dma2 semaphore(%arg25 : memref<!tpu.dma_semaphore, #tpu.memory_space<semaphore_mem>>) src(%arg9 : memref<64x128xbf16, #tpu.memory_space<vmem>>) dst(%dma_wait3A_247 : memref<64x128xbf16, #tpu.memory_space<vmem_shared>>)
      %dma_wait3A_248 = arith.constant 0 : i32
      %dma_wait3A_249 = arith.constant 0 : i32
      %dma_wait3A_250 = tpu.memref_slice %arg36[%dma_wait3A_248, %dma_wait3A_249] : memref<10112x128xbf16, #tpu.memory_space<vmem_shared>> -> memref<64x128xbf16, #tpu.memory_space<vmem_shared>>
      %dma_wait3A_251 = arith.constant 0 : i32
      %dma_wait3A_252 = arith.constant 0 : i32
      %dma_wait3A_253 = tpu.memref_slice %arg36[%dma_wait3A_251, %dma_wait3A_252] : memref<10112x128xbf16, #tpu.memory_space<vmem_shared>> -> memref<64x128xbf16, #tpu.memory_space<vmem_shared>>
      tpu.wait_dma2 semaphore(%arg26 : memref<!tpu.dma_semaphore, #tpu.memory_space<semaphore_mem>>) src(%arg10 : memref<64x128xbf16, #tpu.memory_space<vmem>>) dst(%dma_wait3A_253 : memref<64x128xbf16, #tpu.memory_space<vmem_shared>>)
      %dma_wait3A_254 = arith.constant 0 : i32
      %dma_wait3A_255 = arith.constant 0 : i32
      %dma_wait3A_256 = tpu.memref_slice %arg36[%dma_wait3A_254, %dma_wait3A_255] : memref<10112x128xbf16, #tpu.memory_space<vmem_shared>> -> memref<64x128xbf16, #tpu.memory_space<vmem_shared>>
      %dma_wait3A_257 = arith.constant 0 : i32
      %dma_wait3A_258 = arith.constant 0 : i32
      %dma_wait3A_259 = tpu.memref_slice %arg36[%dma_wait3A_257, %dma_wait3A_258] : memref<10112x128xbf16, #tpu.memory_space<vmem_shared>> -> memref<64x128xbf16, #tpu.memory_space<vmem_shared>>
      tpu.wait_dma2 semaphore(%arg27 : memref<!tpu.dma_semaphore, #tpu.memory_space<semaphore_mem>>) src(%arg11 : memref<64x128xbf16, #tpu.memory_space<vmem>>) dst(%dma_wait3A_259 : memref<64x128xbf16, #tpu.memory_space<vmem_shared>>)
      %dma_wait3A_260 = arith.constant 0 : i32
      %dma_wait3A_261 = arith.constant 0 : i32
      %dma_wait3A_262 = tpu.memref_slice %arg36[%dma_wait3A_260, %dma_wait3A_261] : memref<10112x128xbf16, #tpu.memory_space<vmem_shared>> -> memref<64x128xbf16, #tpu.memory_space<vmem_shared>>
      %dma_wait3A_263 = arith.constant 0 : i32
      %dma_wait3A_264 = arith.constant 0 : i32
      %dma_wait3A_265 = tpu.memref_slice %arg36[%dma_wait3A_263, %dma_wait3A_264] : memref<10112x128xbf16, #tpu.memory_space<vmem_shared>> -> memref<64x128xbf16, #tpu.memory_space<vmem_shared>>
      tpu.wait_dma2 semaphore(%arg28 : memref<!tpu.dma_semaphore, #tpu.memory_space<semaphore_mem>>) src(%arg12 : memref<64x128xbf16, #tpu.memory_space<vmem>>) dst(%dma_wait3A_265 : memref<64x128xbf16, #tpu.memory_space<vmem_shared>>)
      %dma_wait3A_266 = arith.constant 0 : i32
      %dma_wait3A_267 = arith.constant 0 : i32
      %dma_wait3A_268 = tpu.memref_slice %arg36[%dma_wait3A_266, %dma_wait3A_267] : memref<10112x128xbf16, #tpu.memory_space<vmem_shared>> -> memref<64x128xbf16, #tpu.memory_space<vmem_shared>>
      %dma_wait3A_269 = arith.constant 0 : i32
      %dma_wait3A_270 = arith.constant 0 : i32
      %dma_wait3A_271 = tpu.memref_slice %arg36[%dma_wait3A_269, %dma_wait3A_270] : memref<10112x128xbf16, #tpu.memory_space<vmem_shared>> -> memref<64x128xbf16, #tpu.memory_space<vmem_shared>>
      tpu.wait_dma2 semaphore(%arg29 : memref<!tpu.dma_semaphore, #tpu.memory_space<semaphore_mem>>) src(%arg13 : memref<64x128xbf16, #tpu.memory_space<vmem>>) dst(%dma_wait3A_271 : memref<64x128xbf16, #tpu.memory_space<vmem_shared>>)
      %dma_wait3A_272 = arith.constant 0 : i32
      %dma_wait3A_273 = arith.constant 0 : i32
      %dma_wait3A_274 = tpu.memref_slice %arg36[%dma_wait3A_272, %dma_wait3A_273] : memref<10112x128xbf16, #tpu.memory_space<vmem_shared>> -> memref<64x128xbf16, #tpu.memory_space<vmem_shared>>
      %dma_wait3A_275 = arith.constant 0 : i32
      %dma_wait3A_276 = arith.constant 0 : i32
      %dma_wait3A_277 = tpu.memref_slice %arg36[%dma_wait3A_275, %dma_wait3A_276] : memref<10112x128xbf16, #tpu.memory_space<vmem_shared>> -> memref<64x128xbf16, #tpu.memory_space<vmem_shared>>
      tpu.wait_dma2 semaphore(%arg30 : memref<!tpu.dma_semaphore, #tpu.memory_space<semaphore_mem>>) src(%arg14 : memref<64x128xbf16, #tpu.memory_space<vmem>>) dst(%dma_wait3A_277 : memref<64x128xbf16, #tpu.memory_space<vmem_shared>>)
      %dma_wait3A_278 = arith.constant 0 : i32
      %dma_wait3A_279 = arith.constant 0 : i32
      %dma_wait3A_280 = tpu.memref_slice %arg36[%dma_wait3A_278, %dma_wait3A_279] : memref<10112x128xbf16, #tpu.memory_space<vmem_shared>> -> memref<64x128xbf16, #tpu.memory_space<vmem_shared>>
      %dma_wait3A_281 = arith.constant 0 : i32
      %dma_wait3A_282 = arith.constant 0 : i32
      %dma_wait3A_283 = tpu.memref_slice %arg36[%dma_wait3A_281, %dma_wait3A_282] : memref<10112x128xbf16, #tpu.memory_space<vmem_shared>> -> memref<64x128xbf16, #tpu.memory_space<vmem_shared>>
      tpu.wait_dma2 semaphore(%arg31 : memref<!tpu.dma_semaphore, #tpu.memory_space<semaphore_mem>>) src(%arg15 : memref<64x128xbf16, #tpu.memory_space<vmem>>) dst(%dma_wait3A_283 : memref<64x128xbf16, #tpu.memory_space<vmem_shared>>)
      %dma_wait3A_284 = arith.constant 0 : i32
      %dma_wait3A_285 = arith.constant 0 : i32
      %dma_wait3A_286 = tpu.memref_slice %arg36[%dma_wait3A_284, %dma_wait3A_285] : memref<10112x128xbf16, #tpu.memory_space<vmem_shared>> -> memref<64x128xbf16, #tpu.memory_space<vmem_shared>>
      %dma_wait3A_287 = arith.constant 0 : i32
      %dma_wait3A_288 = arith.constant 0 : i32
      %dma_wait3A_289 = tpu.memref_slice %arg36[%dma_wait3A_287, %dma_wait3A_288] : memref<10112x128xbf16, #tpu.memory_space<vmem_shared>> -> memref<64x128xbf16, #tpu.memory_space<vmem_shared>>
      tpu.wait_dma2 semaphore(%arg32 : memref<!tpu.dma_semaphore, #tpu.memory_space<semaphore_mem>>) src(%arg16 : memref<64x128xbf16, #tpu.memory_space<vmem>>) dst(%dma_wait3A_289 : memref<64x128xbf16, #tpu.memory_space<vmem_shared>>)
      %scan3A_290 = arith.constant 0 : i32
      %scan3A_291 = arith.constant 136 : i32
      %scan3A_292 = arith.addi %scan3A_290, %scan3A_291 : i32
      %scan3A_293 = arith.constant 1 : i32
      scf.for %scan3A_295 = %scan3A_290 to %scan3A_292 step %scan3A_293  : i32 {
        %dma_wait3A_296 = arith.constant 0 : i32
        %dma_wait3A_297 = arith.constant 0 : i32
        %dma_wait3A_298 = tpu.memref_slice %arg37[%dma_wait3A_296, %dma_wait3A_297] : memref<10112x16xf32, #tpu.memory_space<vmem_shared>> -> memref<64x16xf32, #tpu.memory_space<vmem_shared>>
        %dma_wait3A_299 = arith.constant 0 : i32
        %dma_wait3A_300 = arith.constant 0 : i32
        %dma_wait3A_301 = tpu.memref_slice %arg37[%dma_wait3A_299, %dma_wait3A_300] : memref<10112x16xf32, #tpu.memory_space<vmem_shared>> -> memref<64x16xf32, #tpu.memory_space<vmem_shared>>
        tpu.wait_dma2 semaphore(%arg35 : memref<!tpu.dma_semaphore, #tpu.memory_space<semaphore_mem>>) src(%arg33 : memref<64x16xf32, #tpu.memory_space<vmem>>) dst(%dma_wait3A_301 : memref<64x16xf32, #tpu.memory_space<vmem_shared>>)
      }
      %scan3A_294 = arith.constant 136 : i32
    } else {
    }
    %eq3A_103 = arith.constant 1 : i32
    %eq3A_104 = arith.cmpi eq, %arg0, %eq3A_103 : i32
    %convert_element_type3A_105 = arith.extui %eq3A_104 : i1 to i32
    %cond3A_106 = arith.constant 0 : i32
    %cond3A_107 = arith.cmpi ne, %convert_element_type3A_105, %cond3A_106 : i32
    scf.if %cond3A_107 {
      %mul3A_117 = arith.constant 48 : i32
      %mul3A_118 = arith.muli %arg1, %mul3A_117 : i32
      %add3A_119 = arith.constant 4352 : i32
      %add3A_120 = arith.addi %add3A_119, %mul3A_118 : i32
      %add3A_121 = arith.constant 0 : i32
      %add3A_122 = arith.addi %add3A_120, %add3A_121 : i32
      "tpu.region"() ({
        %run_scoped3A = tpu.sem_alloc : memref<!tpu.dma_semaphore, #tpu.memory_space<semaphore_mem>>
        %dma_start3A_207 = arith.constant 0 : i32
        %dma_start3A_208 = arith.constant 0 : i32
        %dma_start3A_209 = tpu.memref_slice %arg7[%dma_start3A_207, %dma_start3A_208] : memref<136x64xi32, #tpu.memory_space<vmem>> -> memref<48x64xi32, #tpu.memory_space<vmem>>
        %dma_start3A_210 = arith.constant 0 : i32
        %dma_start3A_211 = tpu.memref_slice %arg3[%add3A_122, %dma_start3A_210] : memref<5120x64xi32, #tpu.memory_space<hbm>> -> memref<48x64xi32, #tpu.memory_space<hbm>>
        %dma_start3A_212 = arith.constant 0 : i32
        %dma_start3A_213 = arith.constant 0 : i32
        %dma_start3A_214 = tpu.memref_slice %arg7[%dma_start3A_212, %dma_start3A_213] : memref<136x64xi32, #tpu.memory_space<vmem>> -> memref<48x64xi32, #tpu.memory_space<vmem>>
        %dma_start3A_215 = arith.constant 0 : i32
        %dma_start3A_216 = tpu.memref_slice %arg3[%add3A_122, %dma_start3A_215] : memref<5120x64xi32, #tpu.memory_space<hbm>> -> memref<48x64xi32, #tpu.memory_space<hbm>>
        tpu.enqueue_dma source(%dma_start3A_216 : memref<48x64xi32, #tpu.memory_space<hbm>>) target(%dma_start3A_214 : memref<48x64xi32, #tpu.memory_space<vmem>>) target_semaphore(%run_scoped3A : memref<!tpu.dma_semaphore, #tpu.memory_space<semaphore_mem>>)
        %dma_wait3A_217 = arith.constant 0 : i32
        %dma_wait3A_218 = arith.constant 0 : i32
        %dma_wait3A_219 = tpu.memref_slice %arg7[%dma_wait3A_217, %dma_wait3A_218] : memref<136x64xi32, #tpu.memory_space<vmem>> -> memref<48x64xi32, #tpu.memory_space<vmem>>
        %dma_wait3A_220 = arith.constant 0 : i32
        %dma_wait3A_221 = tpu.memref_slice %arg3[%add3A_122, %dma_wait3A_220] : memref<5120x64xi32, #tpu.memory_space<hbm>> -> memref<48x64xi32, #tpu.memory_space<hbm>>
        %dma_wait3A_222 = arith.constant 0 : i32
        %dma_wait3A_223 = arith.constant 0 : i32
        %dma_wait3A_224 = tpu.memref_slice %arg7[%dma_wait3A_222, %dma_wait3A_223] : memref<136x64xi32, #tpu.memory_space<vmem>> -> memref<48x64xi32, #tpu.memory_space<vmem>>
        %dma_wait3A_225 = arith.constant 0 : i32
        %dma_wait3A_226 = tpu.memref_slice %arg3[%add3A_122, %dma_wait3A_225] : memref<5120x64xi32, #tpu.memory_space<hbm>> -> memref<48x64xi32, #tpu.memory_space<hbm>>
        tpu.wait_dma2 semaphore(%run_scoped3A : memref<!tpu.dma_semaphore, #tpu.memory_space<semaphore_mem>>) src(%dma_wait3A_226 : memref<48x64xi32, #tpu.memory_space<hbm>>) dst(%dma_wait3A_224 : memref<48x64xi32, #tpu.memory_space<vmem>>)
        tpu.yield
      }) : () -> ()
      "tpu.region"() ({
        %run_scoped3A = tpu.sem_alloc : memref<!tpu.dma_semaphore, #tpu.memory_space<semaphore_mem>>
        %dma_start3A_207 = arith.constant 0 : i32
        %dma_start3A_208 = arith.constant 0 : i32
        %dma_start3A_209 = tpu.memref_slice %arg8[%dma_start3A_207, %dma_start3A_208] : memref<136x64xi32, #tpu.memory_space<vmem>> -> memref<48x64xi32, #tpu.memory_space<vmem>>
        %dma_start3A_210 = arith.constant 0 : i32
        %dma_start3A_211 = tpu.memref_slice %arg4[%add3A_122, %dma_start3A_210] : memref<5120x64xi32, #tpu.memory_space<hbm>> -> memref<48x64xi32, #tpu.memory_space<hbm>>
        %dma_start3A_212 = arith.constant 0 : i32
        %dma_start3A_213 = arith.constant 0 : i32
        %dma_start3A_214 = tpu.memref_slice %arg8[%dma_start3A_212, %dma_start3A_213] : memref<136x64xi32, #tpu.memory_space<vmem>> -> memref<48x64xi32, #tpu.memory_space<vmem>>
        %dma_start3A_215 = arith.constant 0 : i32
        %dma_start3A_216 = tpu.memref_slice %arg4[%add3A_122, %dma_start3A_215] : memref<5120x64xi32, #tpu.memory_space<hbm>> -> memref<48x64xi32, #tpu.memory_space<hbm>>
        tpu.enqueue_dma source(%dma_start3A_216 : memref<48x64xi32, #tpu.memory_space<hbm>>) target(%dma_start3A_214 : memref<48x64xi32, #tpu.memory_space<vmem>>) target_semaphore(%run_scoped3A : memref<!tpu.dma_semaphore, #tpu.memory_space<semaphore_mem>>)
        %dma_wait3A_217 = arith.constant 0 : i32
        %dma_wait3A_218 = arith.constant 0 : i32
        %dma_wait3A_219 = tpu.memref_slice %arg8[%dma_wait3A_217, %dma_wait3A_218] : memref<136x64xi32, #tpu.memory_space<vmem>> -> memref<48x64xi32, #tpu.memory_space<vmem>>
        %dma_wait3A_220 = arith.constant 0 : i32
        %dma_wait3A_221 = tpu.memref_slice %arg4[%add3A_122, %dma_wait3A_220] : memref<5120x64xi32, #tpu.memory_space<hbm>> -> memref<48x64xi32, #tpu.memory_space<hbm>>
        %dma_wait3A_222 = arith.constant 0 : i32
        %dma_wait3A_223 = arith.constant 0 : i32
        %dma_wait3A_224 = tpu.memref_slice %arg8[%dma_wait3A_222, %dma_wait3A_223] : memref<136x64xi32, #tpu.memory_space<vmem>> -> memref<48x64xi32, #tpu.memory_space<vmem>>
        %dma_wait3A_225 = arith.constant 0 : i32
        %dma_wait3A_226 = tpu.memref_slice %arg4[%add3A_122, %dma_wait3A_225] : memref<5120x64xi32, #tpu.memory_space<hbm>> -> memref<48x64xi32, #tpu.memory_space<hbm>>
        tpu.wait_dma2 semaphore(%run_scoped3A : memref<!tpu.dma_semaphore, #tpu.memory_space<semaphore_mem>>) src(%dma_wait3A_226 : memref<48x64xi32, #tpu.memory_space<hbm>>) dst(%dma_wait3A_224 : memref<48x64xi32, #tpu.memory_space<vmem>>)
        tpu.yield
      }) : () -> ()
      %dma_start3A = arith.constant 0 : i32
      %dma_start3A_123 = arith.constant 0 : i32
      %dma_start3A_124 = tpu.memref_slice %arg7[%dma_start3A, %dma_start3A_123] : memref<136x64xi32, #tpu.memory_space<vmem>> -> memref<1x64xi32, #tpu.memory_space<vmem>>
      %dma_start3A_125 = tpu.memref_squeeze %dma_start3A_124 : memref<1x64xi32, #tpu.memory_space<vmem>> -> memref<64xi32, #tpu.memory_space<vmem>>
      %dma_start3A_126 = arith.constant 0 : i32
      %dma_start3A_127 = arith.constant 0 : i32
      %dma_start3A_128 = tpu.memref_slice %arg2[%dma_start3A_126, %dma_start3A_127] : memref<10000x128xbf16, #tpu.memory_space<hbm>> -> memref<10000x128xbf16, #tpu.memory_space<hbm>>
      tpu.enqueue_indirect_dma source(%dma_start3A_128 : memref<10000x128xbf16, #tpu.memory_space<hbm>>) target(%arg9 : memref<64x128xbf16, #tpu.memory_space<vmem>>) offsets(%dma_start3A_125 : memref<64xi32, #tpu.memory_space<vmem>>) semaphore(%arg17 : memref<!tpu.dma_semaphore, #tpu.memory_space<semaphore_mem>>)
      %dma_start3A_129 = arith.constant 1 : i32
      %dma_start3A_130 = arith.constant 0 : i32
      %dma_start3A_131 = tpu.memref_slice %arg7[%dma_start3A_129, %dma_start3A_130] : memref<136x64xi32, #tpu.memory_space<vmem>> -> memref<1x64xi32, #tpu.memory_space<vmem>>
      %dma_start3A_132 = tpu.memref_squeeze %dma_start3A_131 : memref<1x64xi32, #tpu.memory_space<vmem>> -> memref<64xi32, #tpu.memory_space<vmem>>
      %dma_start3A_133 = arith.constant 0 : i32
      %dma_start3A_134 = arith.constant 0 : i32
      %dma_start3A_135 = tpu.memref_slice %arg2[%dma_start3A_133, %dma_start3A_134] : memref<10000x128xbf16, #tpu.memory_space<hbm>> -> memref<10000x128xbf16, #tpu.memory_space<hbm>>
      tpu.enqueue_indirect_dma source(%dma_start3A_135 : memref<10000x128xbf16, #tpu.memory_space<hbm>>) target(%arg10 : memref<64x128xbf16, #tpu.memory_space<vmem>>) offsets(%dma_start3A_132 : memref<64xi32, #tpu.memory_space<vmem>>) semaphore(%arg18 : memref<!tpu.dma_semaphore, #tpu.memory_space<semaphore_mem>>)
      %dma_start3A_136 = arith.constant 2 : i32
      %dma_start3A_137 = arith.constant 0 : i32
      %dma_start3A_138 = tpu.memref_slice %arg7[%dma_start3A_136, %dma_start3A_137] : memref<136x64xi32, #tpu.memory_space<vmem>> -> memref<1x64xi32, #tpu.memory_space<vmem>>
      %dma_start3A_139 = tpu.memref_squeeze %dma_start3A_138 : memref<1x64xi32, #tpu.memory_space<vmem>> -> memref<64xi32, #tpu.memory_space<vmem>>
      %dma_start3A_140 = arith.constant 0 : i32
      %dma_start3A_141 = arith.constant 0 : i32
      %dma_start3A_142 = tpu.memref_slice %arg2[%dma_start3A_140, %dma_start3A_141] : memref<10000x128xbf16, #tpu.memory_space<hbm>> -> memref<10000x128xbf16, #tpu.memory_space<hbm>>
      tpu.enqueue_indirect_dma source(%dma_start3A_142 : memref<10000x128xbf16, #tpu.memory_space<hbm>>) target(%arg11 : memref<64x128xbf16, #tpu.memory_space<vmem>>) offsets(%dma_start3A_139 : memref<64xi32, #tpu.memory_space<vmem>>) semaphore(%arg19 : memref<!tpu.dma_semaphore, #tpu.memory_space<semaphore_mem>>)
      %dma_start3A_143 = arith.constant 3 : i32
      %dma_start3A_144 = arith.constant 0 : i32
      %dma_start3A_145 = tpu.memref_slice %arg7[%dma_start3A_143, %dma_start3A_144] : memref<136x64xi32, #tpu.memory_space<vmem>> -> memref<1x64xi32, #tpu.memory_space<vmem>>
      %dma_start3A_146 = tpu.memref_squeeze %dma_start3A_145 : memref<1x64xi32, #tpu.memory_space<vmem>> -> memref<64xi32, #tpu.memory_space<vmem>>
      %dma_start3A_147 = arith.constant 0 : i32
      %dma_start3A_148 = arith.constant 0 : i32
      %dma_start3A_149 = tpu.memref_slice %arg2[%dma_start3A_147, %dma_start3A_148] : memref<10000x128xbf16, #tpu.memory_space<hbm>> -> memref<10000x128xbf16, #tpu.memory_space<hbm>>
      tpu.enqueue_indirect_dma source(%dma_start3A_149 : memref<10000x128xbf16, #tpu.memory_space<hbm>>) target(%arg12 : memref<64x128xbf16, #tpu.memory_space<vmem>>) offsets(%dma_start3A_146 : memref<64xi32, #tpu.memory_space<vmem>>) semaphore(%arg20 : memref<!tpu.dma_semaphore, #tpu.memory_space<semaphore_mem>>)
      %scan3A_150 = arith.constant 0 : i32
      %scan3A_151 = arith.constant 6 : i32
      %scan3A_152 = arith.addi %scan3A_150, %scan3A_151 : i32
      %scan3A_153 = arith.constant 1 : i32
      scf.for %scan3A_207 = %scan3A_150 to %scan3A_152 step %scan3A_153  : i32 {
        %mul3A_208 = arith.constant 8 : i32
        %mul3A_209 = arith.muli %scan3A_207, %mul3A_208 : i32
        %add3A_210 = arith.constant 0 : i32
        %add3A_211 = arith.addi %mul3A_209, %add3A_210 : i32
        %dma_wait3A_212 = arith.constant 0 : i32
        %dma_wait3A_213 = arith.constant 0 : i32
        %dma_wait3A_214 = tpu.memref_slice %arg2[%dma_wait3A_212, %dma_wait3A_213] : memref<10000x128xbf16, #tpu.memory_space<hbm>> -> memref<64x128xbf16, #tpu.memory_space<hbm>>
        %dma_wait3A_215 = arith.constant 0 : i32
        %dma_wait3A_216 = arith.constant 0 : i32
        %dma_wait3A_217 = tpu.memref_slice %arg2[%dma_wait3A_215, %dma_wait3A_216] : memref<10000x128xbf16, #tpu.memory_space<hbm>> -> memref<64x128xbf16, #tpu.memory_space<hbm>>
        tpu.wait_dma2 semaphore(%arg17 : memref<!tpu.dma_semaphore, #tpu.memory_space<semaphore_mem>>) src(%dma_wait3A_217 : memref<64x128xbf16, #tpu.memory_space<hbm>>) dst(%arg9 : memref<64x128xbf16, #tpu.memory_space<vmem>>)
        %dma_start3A_218 = arith.constant 0 : i32
        %dma_start3A_219 = tpu.memref_slice %arg8[%add3A_211, %dma_start3A_218] : memref<136x64xi32, #tpu.memory_space<vmem>> -> memref<1x64xi32, #tpu.memory_space<vmem>>
        %dma_start3A_220 = tpu.memref_squeeze %dma_start3A_219 : memref<1x64xi32, #tpu.memory_space<vmem>> -> memref<64xi32, #tpu.memory_space<vmem>>
        %dma_start3A_221 = arith.constant 0 : i32
        %dma_start3A_222 = arith.constant 0 : i32
        %dma_start3A_223 = tpu.memref_slice %arg36[%dma_start3A_221, %dma_start3A_222] : memref<10112x128xbf16, #tpu.memory_space<vmem_shared>> -> memref<10112x128xbf16, #tpu.memory_space<vmem_shared>>
        tpu.enqueue_indirect_dma source(%arg9 : memref<64x128xbf16, #tpu.memory_space<vmem>>) target(%dma_start3A_223 : memref<10112x128xbf16, #tpu.memory_space<vmem_shared>>) offsets(%dma_start3A_220 : memref<64xi32, #tpu.memory_space<vmem>>) semaphore(%arg25 : memref<!tpu.dma_semaphore, #tpu.memory_space<semaphore_mem>>) {add = true}
        %dma_start3A_224 = arith.constant 0 : i32
        %dma_start3A_225 = tpu.memref_slice %arg8[%add3A_211, %dma_start3A_224] : memref<136x64xi32, #tpu.memory_space<vmem>> -> memref<1x64xi32, #tpu.memory_space<vmem>>
        %dma_start3A_226 = tpu.memref_squeeze %dma_start3A_225 : memref<1x64xi32, #tpu.memory_space<vmem>> -> memref<64xi32, #tpu.memory_space<vmem>>
        %dma_start3A_227 = arith.constant 0 : i32
        %dma_start3A_228 = arith.constant 0 : i32
        %dma_start3A_229 = tpu.memref_slice %arg37[%dma_start3A_227, %dma_start3A_228] : memref<10112x16xf32, #tpu.memory_space<vmem_shared>> -> memref<10112x16xf32, #tpu.memory_space<vmem_shared>>
        tpu.enqueue_indirect_dma source(%arg33 : memref<64x16xf32, #tpu.memory_space<vmem>>) target(%dma_start3A_229 : memref<10112x16xf32, #tpu.memory_space<vmem_shared>>) offsets(%dma_start3A_226 : memref<64xi32, #tpu.memory_space<vmem>>) semaphore(%arg35 : memref<!tpu.dma_semaphore, #tpu.memory_space<semaphore_mem>>) {add = true}
        %ge3A = arith.constant 4 : i32
        %ge3A_230 = arith.cmpi sge, %add3A_211, %ge3A : i32
        %add3A_231 = arith.constant 4 : i32
        %add3A_232 = arith.addi %add3A_211, %add3A_231 : i32
        %lt3A = arith.constant 48 : i32
        %lt3A_233 = arith.cmpi slt, %add3A_232, %lt3A : i32
        %and3A = arith.andi %ge3A_230, %lt3A_233 : i1
        %convert_element_type3A_234 = arith.extui %and3A : i1 to i32
        %cond3A_235 = arith.constant 0 : i32
        %cond3A_236 = arith.cmpi ne, %convert_element_type3A_234, %cond3A_235 : i32
        scf.if %cond3A_236 {
          %dma_wait3A_503 = arith.constant 0 : i32
          %dma_wait3A_504 = arith.constant 0 : i32
          %dma_wait3A_505 = tpu.memref_slice %arg36[%dma_wait3A_503, %dma_wait3A_504] : memref<10112x128xbf16, #tpu.memory_space<vmem_shared>> -> memref<64x128xbf16, #tpu.memory_space<vmem_shared>>
          %dma_wait3A_506 = arith.constant 0 : i32
          %dma_wait3A_507 = arith.constant 0 : i32
          %dma_wait3A_508 = tpu.memref_slice %arg36[%dma_wait3A_506, %dma_wait3A_507] : memref<10112x128xbf16, #tpu.memory_space<vmem_shared>> -> memref<64x128xbf16, #tpu.memory_space<vmem_shared>>
          tpu.wait_dma2 semaphore(%arg29 : memref<!tpu.dma_semaphore, #tpu.memory_space<semaphore_mem>>) src(%arg13 : memref<64x128xbf16, #tpu.memory_space<vmem>>) dst(%dma_wait3A_508 : memref<64x128xbf16, #tpu.memory_space<vmem_shared>>)
        } else {
        }
        %add3A_237 = arith.constant 4 : i32
        %add3A_238 = arith.addi %add3A_211, %add3A_237 : i32
        %lt3A_239 = arith.constant 48 : i32
        %lt3A_240 = arith.cmpi slt, %add3A_238, %lt3A_239 : i32
        %convert_element_type3A_241 = arith.extui %lt3A_240 : i1 to i32
        %cond3A_242 = arith.constant 0 : i32
        %cond3A_243 = arith.cmpi ne, %convert_element_type3A_241, %cond3A_242 : i32
        scf.if %cond3A_243 {
          %add3A_503 = arith.constant 4 : i32
          %add3A_504 = arith.addi %add3A_211, %add3A_503 : i32
          %dma_start3A_505 = arith.constant 0 : i32
          %dma_start3A_506 = tpu.memref_slice %arg7[%add3A_504, %dma_start3A_505] : memref<136x64xi32, #tpu.memory_space<vmem>> -> memref<1x64xi32, #tpu.memory_space<vmem>>
          %dma_start3A_507 = tpu.memref_squeeze %dma_start3A_506 : memref<1x64xi32, #tpu.memory_space<vmem>> -> memref<64xi32, #tpu.memory_space<vmem>>
          %dma_start3A_508 = arith.constant 0 : i32
          %dma_start3A_509 = arith.constant 0 : i32
          %dma_start3A_510 = tpu.memref_slice %arg2[%dma_start3A_508, %dma_start3A_509] : memref<10000x128xbf16, #tpu.memory_space<hbm>> -> memref<10000x128xbf16, #tpu.memory_space<hbm>>
          tpu.enqueue_indirect_dma source(%dma_start3A_510 : memref<10000x128xbf16, #tpu.memory_space<hbm>>) target(%arg13 : memref<64x128xbf16, #tpu.memory_space<vmem>>) offsets(%dma_start3A_507 : memref<64xi32, #tpu.memory_space<vmem>>) semaphore(%arg21 : memref<!tpu.dma_semaphore, #tpu.memory_space<semaphore_mem>>)
        } else {
        }
        %add3A_244 = arith.constant 1 : i32
        %add3A_245 = arith.addi %mul3A_209, %add3A_244 : i32
        %dma_wait3A_246 = arith.constant 0 : i32
        %dma_wait3A_247 = arith.constant 0 : i32
        %dma_wait3A_248 = tpu.memref_slice %arg2[%dma_wait3A_246, %dma_wait3A_247] : memref<10000x128xbf16, #tpu.memory_space<hbm>> -> memref<64x128xbf16, #tpu.memory_space<hbm>>
        %dma_wait3A_249 = arith.constant 0 : i32
        %dma_wait3A_250 = arith.constant 0 : i32
        %dma_wait3A_251 = tpu.memref_slice %arg2[%dma_wait3A_249, %dma_wait3A_250] : memref<10000x128xbf16, #tpu.memory_space<hbm>> -> memref<64x128xbf16, #tpu.memory_space<hbm>>
        tpu.wait_dma2 semaphore(%arg18 : memref<!tpu.dma_semaphore, #tpu.memory_space<semaphore_mem>>) src(%dma_wait3A_251 : memref<64x128xbf16, #tpu.memory_space<hbm>>) dst(%arg10 : memref<64x128xbf16, #tpu.memory_space<vmem>>)
        %dma_start3A_252 = arith.constant 0 : i32
        %dma_start3A_253 = tpu.memref_slice %arg8[%add3A_245, %dma_start3A_252] : memref<136x64xi32, #tpu.memory_space<vmem>> -> memref<1x64xi32, #tpu.memory_space<vmem>>
        %dma_start3A_254 = tpu.memref_squeeze %dma_start3A_253 : memref<1x64xi32, #tpu.memory_space<vmem>> -> memref<64xi32, #tpu.memory_space<vmem>>
        %dma_start3A_255 = arith.constant 0 : i32
        %dma_start3A_256 = arith.constant 0 : i32
        %dma_start3A_257 = tpu.memref_slice %arg36[%dma_start3A_255, %dma_start3A_256] : memref<10112x128xbf16, #tpu.memory_space<vmem_shared>> -> memref<10112x128xbf16, #tpu.memory_space<vmem_shared>>
        tpu.enqueue_indirect_dma source(%arg10 : memref<64x128xbf16, #tpu.memory_space<vmem>>) target(%dma_start3A_257 : memref<10112x128xbf16, #tpu.memory_space<vmem_shared>>) offsets(%dma_start3A_254 : memref<64xi32, #tpu.memory_space<vmem>>) semaphore(%arg26 : memref<!tpu.dma_semaphore, #tpu.memory_space<semaphore_mem>>) {add = true}
        %dma_start3A_258 = arith.constant 0 : i32
        %dma_start3A_259 = tpu.memref_slice %arg8[%add3A_245, %dma_start3A_258] : memref<136x64xi32, #tpu.memory_space<vmem>> -> memref<1x64xi32, #tpu.memory_space<vmem>>
        %dma_start3A_260 = tpu.memref_squeeze %dma_start3A_259 : memref<1x64xi32, #tpu.memory_space<vmem>> -> memref<64xi32, #tpu.memory_space<vmem>>
        %dma_start3A_261 = arith.constant 0 : i32
        %dma_start3A_262 = arith.constant 0 : i32
        %dma_start3A_263 = tpu.memref_slice %arg37[%dma_start3A_261, %dma_start3A_262] : memref<10112x16xf32, #tpu.memory_space<vmem_shared>> -> memref<10112x16xf32, #tpu.memory_space<vmem_shared>>
        tpu.enqueue_indirect_dma source(%arg33 : memref<64x16xf32, #tpu.memory_space<vmem>>) target(%dma_start3A_263 : memref<10112x16xf32, #tpu.memory_space<vmem_shared>>) offsets(%dma_start3A_260 : memref<64xi32, #tpu.memory_space<vmem>>) semaphore(%arg35 : memref<!tpu.dma_semaphore, #tpu.memory_space<semaphore_mem>>) {add = true}
        %ge3A_264 = arith.constant 4 : i32
        %ge3A_265 = arith.cmpi sge, %add3A_245, %ge3A_264 : i32
        %add3A_266 = arith.constant 4 : i32
        %add3A_267 = arith.addi %add3A_245, %add3A_266 : i32
        %lt3A_268 = arith.constant 48 : i32
        %lt3A_269 = arith.cmpi slt, %add3A_267, %lt3A_268 : i32
        %and3A_270 = arith.andi %ge3A_265, %lt3A_269 : i1
        %convert_element_type3A_271 = arith.extui %and3A_270 : i1 to i32
        %cond3A_272 = arith.constant 0 : i32
        %cond3A_273 = arith.cmpi ne, %convert_element_type3A_271, %cond3A_272 : i32
        scf.if %cond3A_273 {
          %dma_wait3A_503 = arith.constant 0 : i32
          %dma_wait3A_504 = arith.constant 0 : i32
          %dma_wait3A_505 = tpu.memref_slice %arg36[%dma_wait3A_503, %dma_wait3A_504] : memref<10112x128xbf16, #tpu.memory_space<vmem_shared>> -> memref<64x128xbf16, #tpu.memory_space<vmem_shared>>
          %dma_wait3A_506 = arith.constant 0 : i32
          %dma_wait3A_507 = arith.constant 0 : i32
          %dma_wait3A_508 = tpu.memref_slice %arg36[%dma_wait3A_506, %dma_wait3A_507] : memref<10112x128xbf16, #tpu.memory_space<vmem_shared>> -> memref<64x128xbf16, #tpu.memory_space<vmem_shared>>
          tpu.wait_dma2 semaphore(%arg30 : memref<!tpu.dma_semaphore, #tpu.memory_space<semaphore_mem>>) src(%arg14 : memref<64x128xbf16, #tpu.memory_space<vmem>>) dst(%dma_wait3A_508 : memref<64x128xbf16, #tpu.memory_space<vmem_shared>>)
        } else {
        }
        %add3A_274 = arith.constant 4 : i32
        %add3A_275 = arith.addi %add3A_245, %add3A_274 : i32
        %lt3A_276 = arith.constant 48 : i32
        %lt3A_277 = arith.cmpi slt, %add3A_275, %lt3A_276 : i32
        %convert_element_type3A_278 = arith.extui %lt3A_277 : i1 to i32
        %cond3A_279 = arith.constant 0 : i32
        %cond3A_280 = arith.cmpi ne, %convert_element_type3A_278, %cond3A_279 : i32
        scf.if %cond3A_280 {
          %add3A_503 = arith.constant 4 : i32
          %add3A_504 = arith.addi %add3A_245, %add3A_503 : i32
          %dma_start3A_505 = arith.constant 0 : i32
          %dma_start3A_506 = tpu.memref_slice %arg7[%add3A_504, %dma_start3A_505] : memref<136x64xi32, #tpu.memory_space<vmem>> -> memref<1x64xi32, #tpu.memory_space<vmem>>
          %dma_start3A_507 = tpu.memref_squeeze %dma_start3A_506 : memref<1x64xi32, #tpu.memory_space<vmem>> -> memref<64xi32, #tpu.memory_space<vmem>>
          %dma_start3A_508 = arith.constant 0 : i32
          %dma_start3A_509 = arith.constant 0 : i32
          %dma_start3A_510 = tpu.memref_slice %arg2[%dma_start3A_508, %dma_start3A_509] : memref<10000x128xbf16, #tpu.memory_space<hbm>> -> memref<10000x128xbf16, #tpu.memory_space<hbm>>
          tpu.enqueue_indirect_dma source(%dma_start3A_510 : memref<10000x128xbf16, #tpu.memory_space<hbm>>) target(%arg14 : memref<64x128xbf16, #tpu.memory_space<vmem>>) offsets(%dma_start3A_507 : memref<64xi32, #tpu.memory_space<vmem>>) semaphore(%arg22 : memref<!tpu.dma_semaphore, #tpu.memory_space<semaphore_mem>>)
        } else {
        }
        %add3A_281 = arith.constant 2 : i32
        %add3A_282 = arith.addi %mul3A_209, %add3A_281 : i32
        %dma_wait3A_283 = arith.constant 0 : i32
        %dma_wait3A_284 = arith.constant 0 : i32
        %dma_wait3A_285 = tpu.memref_slice %arg2[%dma_wait3A_283, %dma_wait3A_284] : memref<10000x128xbf16, #tpu.memory_space<hbm>> -> memref<64x128xbf16, #tpu.memory_space<hbm>>
        %dma_wait3A_286 = arith.constant 0 : i32
        %dma_wait3A_287 = arith.constant 0 : i32
        %dma_wait3A_288 = tpu.memref_slice %arg2[%dma_wait3A_286, %dma_wait3A_287] : memref<10000x128xbf16, #tpu.memory_space<hbm>> -> memref<64x128xbf16, #tpu.memory_space<hbm>>
        tpu.wait_dma2 semaphore(%arg19 : memref<!tpu.dma_semaphore, #tpu.memory_space<semaphore_mem>>) src(%dma_wait3A_288 : memref<64x128xbf16, #tpu.memory_space<hbm>>) dst(%arg11 : memref<64x128xbf16, #tpu.memory_space<vmem>>)
        %dma_start3A_289 = arith.constant 0 : i32
        %dma_start3A_290 = tpu.memref_slice %arg8[%add3A_282, %dma_start3A_289] : memref<136x64xi32, #tpu.memory_space<vmem>> -> memref<1x64xi32, #tpu.memory_space<vmem>>
        %dma_start3A_291 = tpu.memref_squeeze %dma_start3A_290 : memref<1x64xi32, #tpu.memory_space<vmem>> -> memref<64xi32, #tpu.memory_space<vmem>>
        %dma_start3A_292 = arith.constant 0 : i32
        %dma_start3A_293 = arith.constant 0 : i32
        %dma_start3A_294 = tpu.memref_slice %arg36[%dma_start3A_292, %dma_start3A_293] : memref<10112x128xbf16, #tpu.memory_space<vmem_shared>> -> memref<10112x128xbf16, #tpu.memory_space<vmem_shared>>
        tpu.enqueue_indirect_dma source(%arg11 : memref<64x128xbf16, #tpu.memory_space<vmem>>) target(%dma_start3A_294 : memref<10112x128xbf16, #tpu.memory_space<vmem_shared>>) offsets(%dma_start3A_291 : memref<64xi32, #tpu.memory_space<vmem>>) semaphore(%arg27 : memref<!tpu.dma_semaphore, #tpu.memory_space<semaphore_mem>>) {add = true}
        %dma_start3A_295 = arith.constant 0 : i32
        %dma_start3A_296 = tpu.memref_slice %arg8[%add3A_282, %dma_start3A_295] : memref<136x64xi32, #tpu.memory_space<vmem>> -> memref<1x64xi32, #tpu.memory_space<vmem>>
        %dma_start3A_297 = tpu.memref_squeeze %dma_start3A_296 : memref<1x64xi32, #tpu.memory_space<vmem>> -> memref<64xi32, #tpu.memory_space<vmem>>
        %dma_start3A_298 = arith.constant 0 : i32
        %dma_start3A_299 = arith.constant 0 : i32
        %dma_start3A_300 = tpu.memref_slice %arg37[%dma_start3A_298, %dma_start3A_299] : memref<10112x16xf32, #tpu.memory_space<vmem_shared>> -> memref<10112x16xf32, #tpu.memory_space<vmem_shared>>
        tpu.enqueue_indirect_dma source(%arg33 : memref<64x16xf32, #tpu.memory_space<vmem>>) target(%dma_start3A_300 : memref<10112x16xf32, #tpu.memory_space<vmem_shared>>) offsets(%dma_start3A_297 : memref<64xi32, #tpu.memory_space<vmem>>) semaphore(%arg35 : memref<!tpu.dma_semaphore, #tpu.memory_space<semaphore_mem>>) {add = true}
        %ge3A_301 = arith.constant 4 : i32
        %ge3A_302 = arith.cmpi sge, %add3A_282, %ge3A_301 : i32
        %add3A_303 = arith.constant 4 : i32
        %add3A_304 = arith.addi %add3A_282, %add3A_303 : i32
        %lt3A_305 = arith.constant 48 : i32
        %lt3A_306 = arith.cmpi slt, %add3A_304, %lt3A_305 : i32
        %and3A_307 = arith.andi %ge3A_302, %lt3A_306 : i1
        %convert_element_type3A_308 = arith.extui %and3A_307 : i1 to i32
        %cond3A_309 = arith.constant 0 : i32
        %cond3A_310 = arith.cmpi ne, %convert_element_type3A_308, %cond3A_309 : i32
        scf.if %cond3A_310 {
          %dma_wait3A_503 = arith.constant 0 : i32
          %dma_wait3A_504 = arith.constant 0 : i32
          %dma_wait3A_505 = tpu.memref_slice %arg36[%dma_wait3A_503, %dma_wait3A_504] : memref<10112x128xbf16, #tpu.memory_space<vmem_shared>> -> memref<64x128xbf16, #tpu.memory_space<vmem_shared>>
          %dma_wait3A_506 = arith.constant 0 : i32
          %dma_wait3A_507 = arith.constant 0 : i32
          %dma_wait3A_508 = tpu.memref_slice %arg36[%dma_wait3A_506, %dma_wait3A_507] : memref<10112x128xbf16, #tpu.memory_space<vmem_shared>> -> memref<64x128xbf16, #tpu.memory_space<vmem_shared>>
          tpu.wait_dma2 semaphore(%arg31 : memref<!tpu.dma_semaphore, #tpu.memory_space<semaphore_mem>>) src(%arg15 : memref<64x128xbf16, #tpu.memory_space<vmem>>) dst(%dma_wait3A_508 : memref<64x128xbf16, #tpu.memory_space<vmem_shared>>)
        } else {
        }
        %add3A_311 = arith.constant 4 : i32
        %add3A_312 = arith.addi %add3A_282, %add3A_311 : i32
        %lt3A_313 = arith.constant 48 : i32
        %lt3A_314 = arith.cmpi slt, %add3A_312, %lt3A_313 : i32
        %convert_element_type3A_315 = arith.extui %lt3A_314 : i1 to i32
        %cond3A_316 = arith.constant 0 : i32
        %cond3A_317 = arith.cmpi ne, %convert_element_type3A_315, %cond3A_316 : i32
        scf.if %cond3A_317 {
          %add3A_503 = arith.constant 4 : i32
          %add3A_504 = arith.addi %add3A_282, %add3A_503 : i32
          %dma_start3A_505 = arith.constant 0 : i32
          %dma_start3A_506 = tpu.memref_slice %arg7[%add3A_504, %dma_start3A_505] : memref<136x64xi32, #tpu.memory_space<vmem>> -> memref<1x64xi32, #tpu.memory_space<vmem>>
          %dma_start3A_507 = tpu.memref_squeeze %dma_start3A_506 : memref<1x64xi32, #tpu.memory_space<vmem>> -> memref<64xi32, #tpu.memory_space<vmem>>
          %dma_start3A_508 = arith.constant 0 : i32
          %dma_start3A_509 = arith.constant 0 : i32
          %dma_start3A_510 = tpu.memref_slice %arg2[%dma_start3A_508, %dma_start3A_509] : memref<10000x128xbf16, #tpu.memory_space<hbm>> -> memref<10000x128xbf16, #tpu.memory_space<hbm>>
          tpu.enqueue_indirect_dma source(%dma_start3A_510 : memref<10000x128xbf16, #tpu.memory_space<hbm>>) target(%arg15 : memref<64x128xbf16, #tpu.memory_space<vmem>>) offsets(%dma_start3A_507 : memref<64xi32, #tpu.memory_space<vmem>>) semaphore(%arg23 : memref<!tpu.dma_semaphore, #tpu.memory_space<semaphore_mem>>)
        } else {
        }
        %add3A_318 = arith.constant 3 : i32
        %add3A_319 = arith.addi %mul3A_209, %add3A_318 : i32
        %dma_wait3A_320 = arith.constant 0 : i32
        %dma_wait3A_321 = arith.constant 0 : i32
        %dma_wait3A_322 = tpu.memref_slice %arg2[%dma_wait3A_320, %dma_wait3A_321] : memref<10000x128xbf16, #tpu.memory_space<hbm>> -> memref<64x128xbf16, #tpu.memory_space<hbm>>
        %dma_wait3A_323 = arith.constant 0 : i32
        %dma_wait3A_324 = arith.constant 0 : i32
        %dma_wait3A_325 = tpu.memref_slice %arg2[%dma_wait3A_323, %dma_wait3A_324] : memref<10000x128xbf16, #tpu.memory_space<hbm>> -> memref<64x128xbf16, #tpu.memory_space<hbm>>
        tpu.wait_dma2 semaphore(%arg20 : memref<!tpu.dma_semaphore, #tpu.memory_space<semaphore_mem>>) src(%dma_wait3A_325 : memref<64x128xbf16, #tpu.memory_space<hbm>>) dst(%arg12 : memref<64x128xbf16, #tpu.memory_space<vmem>>)
        %dma_start3A_326 = arith.constant 0 : i32
        %dma_start3A_327 = tpu.memref_slice %arg8[%add3A_319, %dma_start3A_326] : memref<136x64xi32, #tpu.memory_space<vmem>> -> memref<1x64xi32, #tpu.memory_space<vmem>>
        %dma_start3A_328 = tpu.memref_squeeze %dma_start3A_327 : memref<1x64xi32, #tpu.memory_space<vmem>> -> memref<64xi32, #tpu.memory_space<vmem>>
        %dma_start3A_329 = arith.constant 0 : i32
        %dma_start3A_330 = arith.constant 0 : i32
        %dma_start3A_331 = tpu.memref_slice %arg36[%dma_start3A_329, %dma_start3A_330] : memref<10112x128xbf16, #tpu.memory_space<vmem_shared>> -> memref<10112x128xbf16, #tpu.memory_space<vmem_shared>>
        tpu.enqueue_indirect_dma source(%arg12 : memref<64x128xbf16, #tpu.memory_space<vmem>>) target(%dma_start3A_331 : memref<10112x128xbf16, #tpu.memory_space<vmem_shared>>) offsets(%dma_start3A_328 : memref<64xi32, #tpu.memory_space<vmem>>) semaphore(%arg28 : memref<!tpu.dma_semaphore, #tpu.memory_space<semaphore_mem>>) {add = true}
        %dma_start3A_332 = arith.constant 0 : i32
        %dma_start3A_333 = tpu.memref_slice %arg8[%add3A_319, %dma_start3A_332] : memref<136x64xi32, #tpu.memory_space<vmem>> -> memref<1x64xi32, #tpu.memory_space<vmem>>
        %dma_start3A_334 = tpu.memref_squeeze %dma_start3A_333 : memref<1x64xi32, #tpu.memory_space<vmem>> -> memref<64xi32, #tpu.memory_space<vmem>>
        %dma_start3A_335 = arith.constant 0 : i32
        %dma_start3A_336 = arith.constant 0 : i32
        %dma_start3A_337 = tpu.memref_slice %arg37[%dma_start3A_335, %dma_start3A_336] : memref<10112x16xf32, #tpu.memory_space<vmem_shared>> -> memref<10112x16xf32, #tpu.memory_space<vmem_shared>>
        tpu.enqueue_indirect_dma source(%arg33 : memref<64x16xf32, #tpu.memory_space<vmem>>) target(%dma_start3A_337 : memref<10112x16xf32, #tpu.memory_space<vmem_shared>>) offsets(%dma_start3A_334 : memref<64xi32, #tpu.memory_space<vmem>>) semaphore(%arg35 : memref<!tpu.dma_semaphore, #tpu.memory_space<semaphore_mem>>) {add = true}
        %ge3A_338 = arith.constant 4 : i32
        %ge3A_339 = arith.cmpi sge, %add3A_319, %ge3A_338 : i32
        %add3A_340 = arith.constant 4 : i32
        %add3A_341 = arith.addi %add3A_319, %add3A_340 : i32
        %lt3A_342 = arith.constant 48 : i32
        %lt3A_343 = arith.cmpi slt, %add3A_341, %lt3A_342 : i32
        %and3A_344 = arith.andi %ge3A_339, %lt3A_343 : i1
        %convert_element_type3A_345 = arith.extui %and3A_344 : i1 to i32
        %cond3A_346 = arith.constant 0 : i32
        %cond3A_347 = arith.cmpi ne, %convert_element_type3A_345, %cond3A_346 : i32
        scf.if %cond3A_347 {
          %dma_wait3A_503 = arith.constant 0 : i32
          %dma_wait3A_504 = arith.constant 0 : i32
          %dma_wait3A_505 = tpu.memref_slice %arg36[%dma_wait3A_503, %dma_wait3A_504] : memref<10112x128xbf16, #tpu.memory_space<vmem_shared>> -> memref<64x128xbf16, #tpu.memory_space<vmem_shared>>
          %dma_wait3A_506 = arith.constant 0 : i32
          %dma_wait3A_507 = arith.constant 0 : i32
          %dma_wait3A_508 = tpu.memref_slice %arg36[%dma_wait3A_506, %dma_wait3A_507] : memref<10112x128xbf16, #tpu.memory_space<vmem_shared>> -> memref<64x128xbf16, #tpu.memory_space<vmem_shared>>
          tpu.wait_dma2 semaphore(%arg32 : memref<!tpu.dma_semaphore, #tpu.memory_space<semaphore_mem>>) src(%arg16 : memref<64x128xbf16, #tpu.memory_space<vmem>>) dst(%dma_wait3A_508 : memref<64x128xbf16, #tpu.memory_space<vmem_shared>>)
        } else {
        }
        %add3A_348 = arith.constant 4 : i32
        %add3A_349 = arith.addi %add3A_319, %add3A_348 : i32
        %lt3A_350 = arith.constant 48 : i32
        %lt3A_351 = arith.cmpi slt, %add3A_349, %lt3A_350 : i32
        %convert_element_type3A_352 = arith.extui %lt3A_351 : i1 to i32
        %cond3A_353 = arith.constant 0 : i32
        %cond3A_354 = arith.cmpi ne, %convert_element_type3A_352, %cond3A_353 : i32
        scf.if %cond3A_354 {
          %add3A_503 = arith.constant 4 : i32
          %add3A_504 = arith.addi %add3A_319, %add3A_503 : i32
          %dma_start3A_505 = arith.constant 0 : i32
          %dma_start3A_506 = tpu.memref_slice %arg7[%add3A_504, %dma_start3A_505] : memref<136x64xi32, #tpu.memory_space<vmem>> -> memref<1x64xi32, #tpu.memory_space<vmem>>
          %dma_start3A_507 = tpu.memref_squeeze %dma_start3A_506 : memref<1x64xi32, #tpu.memory_space<vmem>> -> memref<64xi32, #tpu.memory_space<vmem>>
          %dma_start3A_508 = arith.constant 0 : i32
          %dma_start3A_509 = arith.constant 0 : i32
          %dma_start3A_510 = tpu.memref_slice %arg2[%dma_start3A_508, %dma_start3A_509] : memref<10000x128xbf16, #tpu.memory_space<hbm>> -> memref<10000x128xbf16, #tpu.memory_space<hbm>>
          tpu.enqueue_indirect_dma source(%dma_start3A_510 : memref<10000x128xbf16, #tpu.memory_space<hbm>>) target(%arg16 : memref<64x128xbf16, #tpu.memory_space<vmem>>) offsets(%dma_start3A_507 : memref<64xi32, #tpu.memory_space<vmem>>) semaphore(%arg24 : memref<!tpu.dma_semaphore, #tpu.memory_space<semaphore_mem>>)
        } else {
        }
        %add3A_355 = arith.constant 4 : i32
        %add3A_356 = arith.addi %mul3A_209, %add3A_355 : i32
        %dma_wait3A_357 = arith.constant 0 : i32
        %dma_wait3A_358 = arith.constant 0 : i32
        %dma_wait3A_359 = tpu.memref_slice %arg2[%dma_wait3A_357, %dma_wait3A_358] : memref<10000x128xbf16, #tpu.memory_space<hbm>> -> memref<64x128xbf16, #tpu.memory_space<hbm>>
        %dma_wait3A_360 = arith.constant 0 : i32
        %dma_wait3A_361 = arith.constant 0 : i32
        %dma_wait3A_362 = tpu.memref_slice %arg2[%dma_wait3A_360, %dma_wait3A_361] : memref<10000x128xbf16, #tpu.memory_space<hbm>> -> memref<64x128xbf16, #tpu.memory_space<hbm>>
        tpu.wait_dma2 semaphore(%arg21 : memref<!tpu.dma_semaphore, #tpu.memory_space<semaphore_mem>>) src(%dma_wait3A_362 : memref<64x128xbf16, #tpu.memory_space<hbm>>) dst(%arg13 : memref<64x128xbf16, #tpu.memory_space<vmem>>)
        %dma_start3A_363 = arith.constant 0 : i32
        %dma_start3A_364 = tpu.memref_slice %arg8[%add3A_356, %dma_start3A_363] : memref<136x64xi32, #tpu.memory_space<vmem>> -> memref<1x64xi32, #tpu.memory_space<vmem>>
        %dma_start3A_365 = tpu.memref_squeeze %dma_start3A_364 : memref<1x64xi32, #tpu.memory_space<vmem>> -> memref<64xi32, #tpu.memory_space<vmem>>
        %dma_start3A_366 = arith.constant 0 : i32
        %dma_start3A_367 = arith.constant 0 : i32
        %dma_start3A_368 = tpu.memref_slice %arg36[%dma_start3A_366, %dma_start3A_367] : memref<10112x128xbf16, #tpu.memory_space<vmem_shared>> -> memref<10112x128xbf16, #tpu.memory_space<vmem_shared>>
        tpu.enqueue_indirect_dma source(%arg13 : memref<64x128xbf16, #tpu.memory_space<vmem>>) target(%dma_start3A_368 : memref<10112x128xbf16, #tpu.memory_space<vmem_shared>>) offsets(%dma_start3A_365 : memref<64xi32, #tpu.memory_space<vmem>>) semaphore(%arg29 : memref<!tpu.dma_semaphore, #tpu.memory_space<semaphore_mem>>) {add = true}
        %dma_start3A_369 = arith.constant 0 : i32
        %dma_start3A_370 = tpu.memref_slice %arg8[%add3A_356, %dma_start3A_369] : memref<136x64xi32, #tpu.memory_space<vmem>> -> memref<1x64xi32, #tpu.memory_space<vmem>>
        %dma_start3A_371 = tpu.memref_squeeze %dma_start3A_370 : memref<1x64xi32, #tpu.memory_space<vmem>> -> memref<64xi32, #tpu.memory_space<vmem>>
        %dma_start3A_372 = arith.constant 0 : i32
        %dma_start3A_373 = arith.constant 0 : i32
        %dma_start3A_374 = tpu.memref_slice %arg37[%dma_start3A_372, %dma_start3A_373] : memref<10112x16xf32, #tpu.memory_space<vmem_shared>> -> memref<10112x16xf32, #tpu.memory_space<vmem_shared>>
        tpu.enqueue_indirect_dma source(%arg33 : memref<64x16xf32, #tpu.memory_space<vmem>>) target(%dma_start3A_374 : memref<10112x16xf32, #tpu.memory_space<vmem_shared>>) offsets(%dma_start3A_371 : memref<64xi32, #tpu.memory_space<vmem>>) semaphore(%arg35 : memref<!tpu.dma_semaphore, #tpu.memory_space<semaphore_mem>>) {add = true}
        %ge3A_375 = arith.constant 4 : i32
        %ge3A_376 = arith.cmpi sge, %add3A_356, %ge3A_375 : i32
        %add3A_377 = arith.constant 4 : i32
        %add3A_378 = arith.addi %add3A_356, %add3A_377 : i32
        %lt3A_379 = arith.constant 48 : i32
        %lt3A_380 = arith.cmpi slt, %add3A_378, %lt3A_379 : i32
        %and3A_381 = arith.andi %ge3A_376, %lt3A_380 : i1
        %convert_element_type3A_382 = arith.extui %and3A_381 : i1 to i32
        %cond3A_383 = arith.constant 0 : i32
        %cond3A_384 = arith.cmpi ne, %convert_element_type3A_382, %cond3A_383 : i32
        scf.if %cond3A_384 {
          %dma_wait3A_503 = arith.constant 0 : i32
          %dma_wait3A_504 = arith.constant 0 : i32
          %dma_wait3A_505 = tpu.memref_slice %arg36[%dma_wait3A_503, %dma_wait3A_504] : memref<10112x128xbf16, #tpu.memory_space<vmem_shared>> -> memref<64x128xbf16, #tpu.memory_space<vmem_shared>>
          %dma_wait3A_506 = arith.constant 0 : i32
          %dma_wait3A_507 = arith.constant 0 : i32
          %dma_wait3A_508 = tpu.memref_slice %arg36[%dma_wait3A_506, %dma_wait3A_507] : memref<10112x128xbf16, #tpu.memory_space<vmem_shared>> -> memref<64x128xbf16, #tpu.memory_space<vmem_shared>>
          tpu.wait_dma2 semaphore(%arg25 : memref<!tpu.dma_semaphore, #tpu.memory_space<semaphore_mem>>) src(%arg9 : memref<64x128xbf16, #tpu.memory_space<vmem>>) dst(%dma_wait3A_508 : memref<64x128xbf16, #tpu.memory_space<vmem_shared>>)
        } else {
        }
        %add3A_385 = arith.constant 4 : i32
        %add3A_386 = arith.addi %add3A_356, %add3A_385 : i32
        %lt3A_387 = arith.constant 48 : i32
        %lt3A_388 = arith.cmpi slt, %add3A_386, %lt3A_387 : i32
        %convert_element_type3A_389 = arith.extui %lt3A_388 : i1 to i32
        %cond3A_390 = arith.constant 0 : i32
        %cond3A_391 = arith.cmpi ne, %convert_element_type3A_389, %cond3A_390 : i32
        scf.if %cond3A_391 {
          %add3A_503 = arith.constant 4 : i32
          %add3A_504 = arith.addi %add3A_356, %add3A_503 : i32
          %dma_start3A_505 = arith.constant 0 : i32
          %dma_start3A_506 = tpu.memref_slice %arg7[%add3A_504, %dma_start3A_505] : memref<136x64xi32, #tpu.memory_space<vmem>> -> memref<1x64xi32, #tpu.memory_space<vmem>>
          %dma_start3A_507 = tpu.memref_squeeze %dma_start3A_506 : memref<1x64xi32, #tpu.memory_space<vmem>> -> memref<64xi32, #tpu.memory_space<vmem>>
          %dma_start3A_508 = arith.constant 0 : i32
          %dma_start3A_509 = arith.constant 0 : i32
          %dma_start3A_510 = tpu.memref_slice %arg2[%dma_start3A_508, %dma_start3A_509] : memref<10000x128xbf16, #tpu.memory_space<hbm>> -> memref<10000x128xbf16, #tpu.memory_space<hbm>>
          tpu.enqueue_indirect_dma source(%dma_start3A_510 : memref<10000x128xbf16, #tpu.memory_space<hbm>>) target(%arg9 : memref<64x128xbf16, #tpu.memory_space<vmem>>) offsets(%dma_start3A_507 : memref<64xi32, #tpu.memory_space<vmem>>) semaphore(%arg17 : memref<!tpu.dma_semaphore, #tpu.memory_space<semaphore_mem>>)
        } else {
        }
        %add3A_392 = arith.constant 5 : i32
        %add3A_393 = arith.addi %mul3A_209, %add3A_392 : i32
        %dma_wait3A_394 = arith.constant 0 : i32
        %dma_wait3A_395 = arith.constant 0 : i32
        %dma_wait3A_396 = tpu.memref_slice %arg2[%dma_wait3A_394, %dma_wait3A_395] : memref<10000x128xbf16, #tpu.memory_space<hbm>> -> memref<64x128xbf16, #tpu.memory_space<hbm>>
        %dma_wait3A_397 = arith.constant 0 : i32
        %dma_wait3A_398 = arith.constant 0 : i32
        %dma_wait3A_399 = tpu.memref_slice %arg2[%dma_wait3A_397, %dma_wait3A_398] : memref<10000x128xbf16, #tpu.memory_space<hbm>> -> memref<64x128xbf16, #tpu.memory_space<hbm>>
        tpu.wait_dma2 semaphore(%arg22 : memref<!tpu.dma_semaphore, #tpu.memory_space<semaphore_mem>>) src(%dma_wait3A_399 : memref<64x128xbf16, #tpu.memory_space<hbm>>) dst(%arg14 : memref<64x128xbf16, #tpu.memory_space<vmem>>)
        %dma_start3A_400 = arith.constant 0 : i32
        %dma_start3A_401 = tpu.memref_slice %arg8[%add3A_393, %dma_start3A_400] : memref<136x64xi32, #tpu.memory_space<vmem>> -> memref<1x64xi32, #tpu.memory_space<vmem>>
        %dma_start3A_402 = tpu.memref_squeeze %dma_start3A_401 : memref<1x64xi32, #tpu.memory_space<vmem>> -> memref<64xi32, #tpu.memory_space<vmem>>
        %dma_start3A_403 = arith.constant 0 : i32
        %dma_start3A_404 = arith.constant 0 : i32
        %dma_start3A_405 = tpu.memref_slice %arg36[%dma_start3A_403, %dma_start3A_404] : memref<10112x128xbf16, #tpu.memory_space<vmem_shared>> -> memref<10112x128xbf16, #tpu.memory_space<vmem_shared>>
        tpu.enqueue_indirect_dma source(%arg14 : memref<64x128xbf16, #tpu.memory_space<vmem>>) target(%dma_start3A_405 : memref<10112x128xbf16, #tpu.memory_space<vmem_shared>>) offsets(%dma_start3A_402 : memref<64xi32, #tpu.memory_space<vmem>>) semaphore(%arg30 : memref<!tpu.dma_semaphore, #tpu.memory_space<semaphore_mem>>) {add = true}
        %dma_start3A_406 = arith.constant 0 : i32
        %dma_start3A_407 = tpu.memref_slice %arg8[%add3A_393, %dma_start3A_406] : memref<136x64xi32, #tpu.memory_space<vmem>> -> memref<1x64xi32, #tpu.memory_space<vmem>>
        %dma_start3A_408 = tpu.memref_squeeze %dma_start3A_407 : memref<1x64xi32, #tpu.memory_space<vmem>> -> memref<64xi32, #tpu.memory_space<vmem>>
        %dma_start3A_409 = arith.constant 0 : i32
        %dma_start3A_410 = arith.constant 0 : i32
        %dma_start3A_411 = tpu.memref_slice %arg37[%dma_start3A_409, %dma_start3A_410] : memref<10112x16xf32, #tpu.memory_space<vmem_shared>> -> memref<10112x16xf32, #tpu.memory_space<vmem_shared>>
        tpu.enqueue_indirect_dma source(%arg33 : memref<64x16xf32, #tpu.memory_space<vmem>>) target(%dma_start3A_411 : memref<10112x16xf32, #tpu.memory_space<vmem_shared>>) offsets(%dma_start3A_408 : memref<64xi32, #tpu.memory_space<vmem>>) semaphore(%arg35 : memref<!tpu.dma_semaphore, #tpu.memory_space<semaphore_mem>>) {add = true}
        %ge3A_412 = arith.constant 4 : i32
        %ge3A_413 = arith.cmpi sge, %add3A_393, %ge3A_412 : i32
        %add3A_414 = arith.constant 4 : i32
        %add3A_415 = arith.addi %add3A_393, %add3A_414 : i32
        %lt3A_416 = arith.constant 48 : i32
        %lt3A_417 = arith.cmpi slt, %add3A_415, %lt3A_416 : i32
        %and3A_418 = arith.andi %ge3A_413, %lt3A_417 : i1
        %convert_element_type3A_419 = arith.extui %and3A_418 : i1 to i32
        %cond3A_420 = arith.constant 0 : i32
        %cond3A_421 = arith.cmpi ne, %convert_element_type3A_419, %cond3A_420 : i32
        scf.if %cond3A_421 {
          %dma_wait3A_503 = arith.constant 0 : i32
          %dma_wait3A_504 = arith.constant 0 : i32
          %dma_wait3A_505 = tpu.memref_slice %arg36[%dma_wait3A_503, %dma_wait3A_504] : memref<10112x128xbf16, #tpu.memory_space<vmem_shared>> -> memref<64x128xbf16, #tpu.memory_space<vmem_shared>>
          %dma_wait3A_506 = arith.constant 0 : i32
          %dma_wait3A_507 = arith.constant 0 : i32
          %dma_wait3A_508 = tpu.memref_slice %arg36[%dma_wait3A_506, %dma_wait3A_507] : memref<10112x128xbf16, #tpu.memory_space<vmem_shared>> -> memref<64x128xbf16, #tpu.memory_space<vmem_shared>>
          tpu.wait_dma2 semaphore(%arg26 : memref<!tpu.dma_semaphore, #tpu.memory_space<semaphore_mem>>) src(%arg10 : memref<64x128xbf16, #tpu.memory_space<vmem>>) dst(%dma_wait3A_508 : memref<64x128xbf16, #tpu.memory_space<vmem_shared>>)
        } else {
        }
        %add3A_422 = arith.constant 4 : i32
        %add3A_423 = arith.addi %add3A_393, %add3A_422 : i32
        %lt3A_424 = arith.constant 48 : i32
        %lt3A_425 = arith.cmpi slt, %add3A_423, %lt3A_424 : i32
        %convert_element_type3A_426 = arith.extui %lt3A_425 : i1 to i32
        %cond3A_427 = arith.constant 0 : i32
        %cond3A_428 = arith.cmpi ne, %convert_element_type3A_426, %cond3A_427 : i32
        scf.if %cond3A_428 {
          %add3A_503 = arith.constant 4 : i32
          %add3A_504 = arith.addi %add3A_393, %add3A_503 : i32
          %dma_start3A_505 = arith.constant 0 : i32
          %dma_start3A_506 = tpu.memref_slice %arg7[%add3A_504, %dma_start3A_505] : memref<136x64xi32, #tpu.memory_space<vmem>> -> memref<1x64xi32, #tpu.memory_space<vmem>>
          %dma_start3A_507 = tpu.memref_squeeze %dma_start3A_506 : memref<1x64xi32, #tpu.memory_space<vmem>> -> memref<64xi32, #tpu.memory_space<vmem>>
          %dma_start3A_508 = arith.constant 0 : i32
          %dma_start3A_509 = arith.constant 0 : i32
          %dma_start3A_510 = tpu.memref_slice %arg2[%dma_start3A_508, %dma_start3A_509] : memref<10000x128xbf16, #tpu.memory_space<hbm>> -> memref<10000x128xbf16, #tpu.memory_space<hbm>>
          tpu.enqueue_indirect_dma source(%dma_start3A_510 : memref<10000x128xbf16, #tpu.memory_space<hbm>>) target(%arg10 : memref<64x128xbf16, #tpu.memory_space<vmem>>) offsets(%dma_start3A_507 : memref<64xi32, #tpu.memory_space<vmem>>) semaphore(%arg18 : memref<!tpu.dma_semaphore, #tpu.memory_space<semaphore_mem>>)
        } else {
        }
        %add3A_429 = arith.constant 6 : i32
        %add3A_430 = arith.addi %mul3A_209, %add3A_429 : i32
        %dma_wait3A_431 = arith.constant 0 : i32
        %dma_wait3A_432 = arith.constant 0 : i32
        %dma_wait3A_433 = tpu.memref_slice %arg2[%dma_wait3A_431, %dma_wait3A_432] : memref<10000x128xbf16, #tpu.memory_space<hbm>> -> memref<64x128xbf16, #tpu.memory_space<hbm>>
        %dma_wait3A_434 = arith.constant 0 : i32
        %dma_wait3A_435 = arith.constant 0 : i32
        %dma_wait3A_436 = tpu.memref_slice %arg2[%dma_wait3A_434, %dma_wait3A_435] : memref<10000x128xbf16, #tpu.memory_space<hbm>> -> memref<64x128xbf16, #tpu.memory_space<hbm>>
        tpu.wait_dma2 semaphore(%arg23 : memref<!tpu.dma_semaphore, #tpu.memory_space<semaphore_mem>>) src(%dma_wait3A_436 : memref<64x128xbf16, #tpu.memory_space<hbm>>) dst(%arg15 : memref<64x128xbf16, #tpu.memory_space<vmem>>)
        %dma_start3A_437 = arith.constant 0 : i32
        %dma_start3A_438 = tpu.memref_slice %arg8[%add3A_430, %dma_start3A_437] : memref<136x64xi32, #tpu.memory_space<vmem>> -> memref<1x64xi32, #tpu.memory_space<vmem>>
        %dma_start3A_439 = tpu.memref_squeeze %dma_start3A_438 : memref<1x64xi32, #tpu.memory_space<vmem>> -> memref<64xi32, #tpu.memory_space<vmem>>
        %dma_start3A_440 = arith.constant 0 : i32
        %dma_start3A_441 = arith.constant 0 : i32
        %dma_start3A_442 = tpu.memref_slice %arg36[%dma_start3A_440, %dma_start3A_441] : memref<10112x128xbf16, #tpu.memory_space<vmem_shared>> -> memref<10112x128xbf16, #tpu.memory_space<vmem_shared>>
        tpu.enqueue_indirect_dma source(%arg15 : memref<64x128xbf16, #tpu.memory_space<vmem>>) target(%dma_start3A_442 : memref<10112x128xbf16, #tpu.memory_space<vmem_shared>>) offsets(%dma_start3A_439 : memref<64xi32, #tpu.memory_space<vmem>>) semaphore(%arg31 : memref<!tpu.dma_semaphore, #tpu.memory_space<semaphore_mem>>) {add = true}
        %dma_start3A_443 = arith.constant 0 : i32
        %dma_start3A_444 = tpu.memref_slice %arg8[%add3A_430, %dma_start3A_443] : memref<136x64xi32, #tpu.memory_space<vmem>> -> memref<1x64xi32, #tpu.memory_space<vmem>>
        %dma_start3A_445 = tpu.memref_squeeze %dma_start3A_444 : memref<1x64xi32, #tpu.memory_space<vmem>> -> memref<64xi32, #tpu.memory_space<vmem>>
        %dma_start3A_446 = arith.constant 0 : i32
        %dma_start3A_447 = arith.constant 0 : i32
        %dma_start3A_448 = tpu.memref_slice %arg37[%dma_start3A_446, %dma_start3A_447] : memref<10112x16xf32, #tpu.memory_space<vmem_shared>> -> memref<10112x16xf32, #tpu.memory_space<vmem_shared>>
        tpu.enqueue_indirect_dma source(%arg33 : memref<64x16xf32, #tpu.memory_space<vmem>>) target(%dma_start3A_448 : memref<10112x16xf32, #tpu.memory_space<vmem_shared>>) offsets(%dma_start3A_445 : memref<64xi32, #tpu.memory_space<vmem>>) semaphore(%arg35 : memref<!tpu.dma_semaphore, #tpu.memory_space<semaphore_mem>>) {add = true}
        %ge3A_449 = arith.constant 4 : i32
        %ge3A_450 = arith.cmpi sge, %add3A_430, %ge3A_449 : i32
        %add3A_451 = arith.constant 4 : i32
        %add3A_452 = arith.addi %add3A_430, %add3A_451 : i32
        %lt3A_453 = arith.constant 48 : i32
        %lt3A_454 = arith.cmpi slt, %add3A_452, %lt3A_453 : i32
        %and3A_455 = arith.andi %ge3A_450, %lt3A_454 : i1
        %convert_element_type3A_456 = arith.extui %and3A_455 : i1 to i32
        %cond3A_457 = arith.constant 0 : i32
        %cond3A_458 = arith.cmpi ne, %convert_element_type3A_456, %cond3A_457 : i32
        scf.if %cond3A_458 {
          %dma_wait3A_503 = arith.constant 0 : i32
          %dma_wait3A_504 = arith.constant 0 : i32
          %dma_wait3A_505 = tpu.memref_slice %arg36[%dma_wait3A_503, %dma_wait3A_504] : memref<10112x128xbf16, #tpu.memory_space<vmem_shared>> -> memref<64x128xbf16, #tpu.memory_space<vmem_shared>>
          %dma_wait3A_506 = arith.constant 0 : i32
          %dma_wait3A_507 = arith.constant 0 : i32
          %dma_wait3A_508 = tpu.memref_slice %arg36[%dma_wait3A_506, %dma_wait3A_507] : memref<10112x128xbf16, #tpu.memory_space<vmem_shared>> -> memref<64x128xbf16, #tpu.memory_space<vmem_shared>>
          tpu.wait_dma2 semaphore(%arg27 : memref<!tpu.dma_semaphore, #tpu.memory_space<semaphore_mem>>) src(%arg11 : memref<64x128xbf16, #tpu.memory_space<vmem>>) dst(%dma_wait3A_508 : memref<64x128xbf16, #tpu.memory_space<vmem_shared>>)
        } else {
        }
        %add3A_459 = arith.constant 4 : i32
        %add3A_460 = arith.addi %add3A_430, %add3A_459 : i32
        %lt3A_461 = arith.constant 48 : i32
        %lt3A_462 = arith.cmpi slt, %add3A_460, %lt3A_461 : i32
        %convert_element_type3A_463 = arith.extui %lt3A_462 : i1 to i32
        %cond3A_464 = arith.constant 0 : i32
        %cond3A_465 = arith.cmpi ne, %convert_element_type3A_463, %cond3A_464 : i32
        scf.if %cond3A_465 {
          %add3A_503 = arith.constant 4 : i32
          %add3A_504 = arith.addi %add3A_430, %add3A_503 : i32
          %dma_start3A_505 = arith.constant 0 : i32
          %dma_start3A_506 = tpu.memref_slice %arg7[%add3A_504, %dma_start3A_505] : memref<136x64xi32, #tpu.memory_space<vmem>> -> memref<1x64xi32, #tpu.memory_space<vmem>>
          %dma_start3A_507 = tpu.memref_squeeze %dma_start3A_506 : memref<1x64xi32, #tpu.memory_space<vmem>> -> memref<64xi32, #tpu.memory_space<vmem>>
          %dma_start3A_508 = arith.constant 0 : i32
          %dma_start3A_509 = arith.constant 0 : i32
          %dma_start3A_510 = tpu.memref_slice %arg2[%dma_start3A_508, %dma_start3A_509] : memref<10000x128xbf16, #tpu.memory_space<hbm>> -> memref<10000x128xbf16, #tpu.memory_space<hbm>>
          tpu.enqueue_indirect_dma source(%dma_start3A_510 : memref<10000x128xbf16, #tpu.memory_space<hbm>>) target(%arg11 : memref<64x128xbf16, #tpu.memory_space<vmem>>) offsets(%dma_start3A_507 : memref<64xi32, #tpu.memory_space<vmem>>) semaphore(%arg19 : memref<!tpu.dma_semaphore, #tpu.memory_space<semaphore_mem>>)
        } else {
        }
        %add3A_466 = arith.constant 7 : i32
        %add3A_467 = arith.addi %mul3A_209, %add3A_466 : i32
        %dma_wait3A_468 = arith.constant 0 : i32
        %dma_wait3A_469 = arith.constant 0 : i32
        %dma_wait3A_470 = tpu.memref_slice %arg2[%dma_wait3A_468, %dma_wait3A_469] : memref<10000x128xbf16, #tpu.memory_space<hbm>> -> memref<64x128xbf16, #tpu.memory_space<hbm>>
        %dma_wait3A_471 = arith.constant 0 : i32
        %dma_wait3A_472 = arith.constant 0 : i32
        %dma_wait3A_473 = tpu.memref_slice %arg2[%dma_wait3A_471, %dma_wait3A_472] : memref<10000x128xbf16, #tpu.memory_space<hbm>> -> memref<64x128xbf16, #tpu.memory_space<hbm>>
        tpu.wait_dma2 semaphore(%arg24 : memref<!tpu.dma_semaphore, #tpu.memory_space<semaphore_mem>>) src(%dma_wait3A_473 : memref<64x128xbf16, #tpu.memory_space<hbm>>) dst(%arg16 : memref<64x128xbf16, #tpu.memory_space<vmem>>)
        %dma_start3A_474 = arith.constant 0 : i32
        %dma_start3A_475 = tpu.memref_slice %arg8[%add3A_467, %dma_start3A_474] : memref<136x64xi32, #tpu.memory_space<vmem>> -> memref<1x64xi32, #tpu.memory_space<vmem>>
        %dma_start3A_476 = tpu.memref_squeeze %dma_start3A_475 : memref<1x64xi32, #tpu.memory_space<vmem>> -> memref<64xi32, #tpu.memory_space<vmem>>
        %dma_start3A_477 = arith.constant 0 : i32
        %dma_start3A_478 = arith.constant 0 : i32
        %dma_start3A_479 = tpu.memref_slice %arg36[%dma_start3A_477, %dma_start3A_478] : memref<10112x128xbf16, #tpu.memory_space<vmem_shared>> -> memref<10112x128xbf16, #tpu.memory_space<vmem_shared>>
        tpu.enqueue_indirect_dma source(%arg16 : memref<64x128xbf16, #tpu.memory_space<vmem>>) target(%dma_start3A_479 : memref<10112x128xbf16, #tpu.memory_space<vmem_shared>>) offsets(%dma_start3A_476 : memref<64xi32, #tpu.memory_space<vmem>>) semaphore(%arg32 : memref<!tpu.dma_semaphore, #tpu.memory_space<semaphore_mem>>) {add = true}
        %dma_start3A_480 = arith.constant 0 : i32
        %dma_start3A_481 = tpu.memref_slice %arg8[%add3A_467, %dma_start3A_480] : memref<136x64xi32, #tpu.memory_space<vmem>> -> memref<1x64xi32, #tpu.memory_space<vmem>>
        %dma_start3A_482 = tpu.memref_squeeze %dma_start3A_481 : memref<1x64xi32, #tpu.memory_space<vmem>> -> memref<64xi32, #tpu.memory_space<vmem>>
        %dma_start3A_483 = arith.constant 0 : i32
        %dma_start3A_484 = arith.constant 0 : i32
        %dma_start3A_485 = tpu.memref_slice %arg37[%dma_start3A_483, %dma_start3A_484] : memref<10112x16xf32, #tpu.memory_space<vmem_shared>> -> memref<10112x16xf32, #tpu.memory_space<vmem_shared>>
        tpu.enqueue_indirect_dma source(%arg33 : memref<64x16xf32, #tpu.memory_space<vmem>>) target(%dma_start3A_485 : memref<10112x16xf32, #tpu.memory_space<vmem_shared>>) offsets(%dma_start3A_482 : memref<64xi32, #tpu.memory_space<vmem>>) semaphore(%arg35 : memref<!tpu.dma_semaphore, #tpu.memory_space<semaphore_mem>>) {add = true}
        %ge3A_486 = arith.constant 4 : i32
        %ge3A_487 = arith.cmpi sge, %add3A_467, %ge3A_486 : i32
        %add3A_488 = arith.constant 4 : i32
        %add3A_489 = arith.addi %add3A_467, %add3A_488 : i32
        %lt3A_490 = arith.constant 48 : i32
        %lt3A_491 = arith.cmpi slt, %add3A_489, %lt3A_490 : i32
        %and3A_492 = arith.andi %ge3A_487, %lt3A_491 : i1
        %convert_element_type3A_493 = arith.extui %and3A_492 : i1 to i32
        %cond3A_494 = arith.constant 0 : i32
        %cond3A_495 = arith.cmpi ne, %convert_element_type3A_493, %cond3A_494 : i32
        scf.if %cond3A_495 {
          %dma_wait3A_503 = arith.constant 0 : i32
          %dma_wait3A_504 = arith.constant 0 : i32
          %dma_wait3A_505 = tpu.memref_slice %arg36[%dma_wait3A_503, %dma_wait3A_504] : memref<10112x128xbf16, #tpu.memory_space<vmem_shared>> -> memref<64x128xbf16, #tpu.memory_space<vmem_shared>>
          %dma_wait3A_506 = arith.constant 0 : i32
          %dma_wait3A_507 = arith.constant 0 : i32
          %dma_wait3A_508 = tpu.memref_slice %arg36[%dma_wait3A_506, %dma_wait3A_507] : memref<10112x128xbf16, #tpu.memory_space<vmem_shared>> -> memref<64x128xbf16, #tpu.memory_space<vmem_shared>>
          tpu.wait_dma2 semaphore(%arg28 : memref<!tpu.dma_semaphore, #tpu.memory_space<semaphore_mem>>) src(%arg12 : memref<64x128xbf16, #tpu.memory_space<vmem>>) dst(%dma_wait3A_508 : memref<64x128xbf16, #tpu.memory_space<vmem_shared>>)
        } else {
        }
        %add3A_496 = arith.constant 4 : i32
        %add3A_497 = arith.addi %add3A_467, %add3A_496 : i32
        %lt3A_498 = arith.constant 48 : i32
        %lt3A_499 = arith.cmpi slt, %add3A_497, %lt3A_498 : i32
        %convert_element_type3A_500 = arith.extui %lt3A_499 : i1 to i32
        %cond3A_501 = arith.constant 0 : i32
        %cond3A_502 = arith.cmpi ne, %convert_element_type3A_500, %cond3A_501 : i32
        scf.if %cond3A_502 {
          %add3A_503 = arith.constant 4 : i32
          %add3A_504 = arith.addi %add3A_467, %add3A_503 : i32
          %dma_start3A_505 = arith.constant 0 : i32
          %dma_start3A_506 = tpu.memref_slice %arg7[%add3A_504, %dma_start3A_505] : memref<136x64xi32, #tpu.memory_space<vmem>> -> memref<1x64xi32, #tpu.memory_space<vmem>>
          %dma_start3A_507 = tpu.memref_squeeze %dma_start3A_506 : memref<1x64xi32, #tpu.memory_space<vmem>> -> memref<64xi32, #tpu.memory_space<vmem>>
          %dma_start3A_508 = arith.constant 0 : i32
          %dma_start3A_509 = arith.constant 0 : i32
          %dma_start3A_510 = tpu.memref_slice %arg2[%dma_start3A_508, %dma_start3A_509] : memref<10000x128xbf16, #tpu.memory_space<hbm>> -> memref<10000x128xbf16, #tpu.memory_space<hbm>>
          tpu.enqueue_indirect_dma source(%dma_start3A_510 : memref<10000x128xbf16, #tpu.memory_space<hbm>>) target(%arg12 : memref<64x128xbf16, #tpu.memory_space<vmem>>) offsets(%dma_start3A_507 : memref<64xi32, #tpu.memory_space<vmem>>) semaphore(%arg20 : memref<!tpu.dma_semaphore, #tpu.memory_space<semaphore_mem>>)
        } else {
        }
      }
      %scan3A_154 = arith.constant 6 : i32
      %dma_wait3A = arith.constant 0 : i32
      %dma_wait3A_155 = arith.constant 0 : i32
      %dma_wait3A_156 = tpu.memref_slice %arg36[%dma_wait3A, %dma_wait3A_155] : memref<10112x128xbf16, #tpu.memory_space<vmem_shared>> -> memref<64x128xbf16, #tpu.memory_space<vmem_shared>>
      %dma_wait3A_157 = arith.constant 0 : i32
      %dma_wait3A_158 = arith.constant 0 : i32
      %dma_wait3A_159 = tpu.memref_slice %arg36[%dma_wait3A_157, %dma_wait3A_158] : memref<10112x128xbf16, #tpu.memory_space<vmem_shared>> -> memref<64x128xbf16, #tpu.memory_space<vmem_shared>>
      tpu.wait_dma2 semaphore(%arg25 : memref<!tpu.dma_semaphore, #tpu.memory_space<semaphore_mem>>) src(%arg9 : memref<64x128xbf16, #tpu.memory_space<vmem>>) dst(%dma_wait3A_159 : memref<64x128xbf16, #tpu.memory_space<vmem_shared>>)
      %dma_wait3A_160 = arith.constant 0 : i32
      %dma_wait3A_161 = arith.constant 0 : i32
      %dma_wait3A_162 = tpu.memref_slice %arg36[%dma_wait3A_160, %dma_wait3A_161] : memref<10112x128xbf16, #tpu.memory_space<vmem_shared>> -> memref<64x128xbf16, #tpu.memory_space<vmem_shared>>
      %dma_wait3A_163 = arith.constant 0 : i32
      %dma_wait3A_164 = arith.constant 0 : i32
      %dma_wait3A_165 = tpu.memref_slice %arg36[%dma_wait3A_163, %dma_wait3A_164] : memref<10112x128xbf16, #tpu.memory_space<vmem_shared>> -> memref<64x128xbf16, #tpu.memory_space<vmem_shared>>
      tpu.wait_dma2 semaphore(%arg26 : memref<!tpu.dma_semaphore, #tpu.memory_space<semaphore_mem>>) src(%arg10 : memref<64x128xbf16, #tpu.memory_space<vmem>>) dst(%dma_wait3A_165 : memref<64x128xbf16, #tpu.memory_space<vmem_shared>>)
      %dma_wait3A_166 = arith.constant 0 : i32
      %dma_wait3A_167 = arith.constant 0 : i32
      %dma_wait3A_168 = tpu.memref_slice %arg36[%dma_wait3A_166, %dma_wait3A_167] : memref<10112x128xbf16, #tpu.memory_space<vmem_shared>> -> memref<64x128xbf16, #tpu.memory_space<vmem_shared>>
      %dma_wait3A_169 = arith.constant 0 : i32
      %dma_wait3A_170 = arith.constant 0 : i32
      %dma_wait3A_171 = tpu.memref_slice %arg36[%dma_wait3A_169, %dma_wait3A_170] : memref<10112x128xbf16, #tpu.memory_space<vmem_shared>> -> memref<64x128xbf16, #tpu.memory_space<vmem_shared>>
      tpu.wait_dma2 semaphore(%arg27 : memref<!tpu.dma_semaphore, #tpu.memory_space<semaphore_mem>>) src(%arg11 : memref<64x128xbf16, #tpu.memory_space<vmem>>) dst(%dma_wait3A_171 : memref<64x128xbf16, #tpu.memory_space<vmem_shared>>)
      %dma_wait3A_172 = arith.constant 0 : i32
      %dma_wait3A_173 = arith.constant 0 : i32
      %dma_wait3A_174 = tpu.memref_slice %arg36[%dma_wait3A_172, %dma_wait3A_173] : memref<10112x128xbf16, #tpu.memory_space<vmem_shared>> -> memref<64x128xbf16, #tpu.memory_space<vmem_shared>>
      %dma_wait3A_175 = arith.constant 0 : i32
      %dma_wait3A_176 = arith.constant 0 : i32
      %dma_wait3A_177 = tpu.memref_slice %arg36[%dma_wait3A_175, %dma_wait3A_176] : memref<10112x128xbf16, #tpu.memory_space<vmem_shared>> -> memref<64x128xbf16, #tpu.memory_space<vmem_shared>>
      tpu.wait_dma2 semaphore(%arg28 : memref<!tpu.dma_semaphore, #tpu.memory_space<semaphore_mem>>) src(%arg12 : memref<64x128xbf16, #tpu.memory_space<vmem>>) dst(%dma_wait3A_177 : memref<64x128xbf16, #tpu.memory_space<vmem_shared>>)
      %dma_wait3A_178 = arith.constant 0 : i32
      %dma_wait3A_179 = arith.constant 0 : i32
      %dma_wait3A_180 = tpu.memref_slice %arg36[%dma_wait3A_178, %dma_wait3A_179] : memref<10112x128xbf16, #tpu.memory_space<vmem_shared>> -> memref<64x128xbf16, #tpu.memory_space<vmem_shared>>
      %dma_wait3A_181 = arith.constant 0 : i32
      %dma_wait3A_182 = arith.constant 0 : i32
      %dma_wait3A_183 = tpu.memref_slice %arg36[%dma_wait3A_181, %dma_wait3A_182] : memref<10112x128xbf16, #tpu.memory_space<vmem_shared>> -> memref<64x128xbf16, #tpu.memory_space<vmem_shared>>
      tpu.wait_dma2 semaphore(%arg29 : memref<!tpu.dma_semaphore, #tpu.memory_space<semaphore_mem>>) src(%arg13 : memref<64x128xbf16, #tpu.memory_space<vmem>>) dst(%dma_wait3A_183 : memref<64x128xbf16, #tpu.memory_space<vmem_shared>>)
      %dma_wait3A_184 = arith.constant 0 : i32
      %dma_wait3A_185 = arith.constant 0 : i32
      %dma_wait3A_186 = tpu.memref_slice %arg36[%dma_wait3A_184, %dma_wait3A_185] : memref<10112x128xbf16, #tpu.memory_space<vmem_shared>> -> memref<64x128xbf16, #tpu.memory_space<vmem_shared>>
      %dma_wait3A_187 = arith.constant 0 : i32
      %dma_wait3A_188 = arith.constant 0 : i32
      %dma_wait3A_189 = tpu.memref_slice %arg36[%dma_wait3A_187, %dma_wait3A_188] : memref<10112x128xbf16, #tpu.memory_space<vmem_shared>> -> memref<64x128xbf16, #tpu.memory_space<vmem_shared>>
      tpu.wait_dma2 semaphore(%arg30 : memref<!tpu.dma_semaphore, #tpu.memory_space<semaphore_mem>>) src(%arg14 : memref<64x128xbf16, #tpu.memory_space<vmem>>) dst(%dma_wait3A_189 : memref<64x128xbf16, #tpu.memory_space<vmem_shared>>)
      %dma_wait3A_190 = arith.constant 0 : i32
      %dma_wait3A_191 = arith.constant 0 : i32
      %dma_wait3A_192 = tpu.memref_slice %arg36[%dma_wait3A_190, %dma_wait3A_191] : memref<10112x128xbf16, #tpu.memory_space<vmem_shared>> -> memref<64x128xbf16, #tpu.memory_space<vmem_shared>>
      %dma_wait3A_193 = arith.constant 0 : i32
      %dma_wait3A_194 = arith.constant 0 : i32
      %dma_wait3A_195 = tpu.memref_slice %arg36[%dma_wait3A_193, %dma_wait3A_194] : memref<10112x128xbf16, #tpu.memory_space<vmem_shared>> -> memref<64x128xbf16, #tpu.memory_space<vmem_shared>>
      tpu.wait_dma2 semaphore(%arg31 : memref<!tpu.dma_semaphore, #tpu.memory_space<semaphore_mem>>) src(%arg15 : memref<64x128xbf16, #tpu.memory_space<vmem>>) dst(%dma_wait3A_195 : memref<64x128xbf16, #tpu.memory_space<vmem_shared>>)
      %dma_wait3A_196 = arith.constant 0 : i32
      %dma_wait3A_197 = arith.constant 0 : i32
      %dma_wait3A_198 = tpu.memref_slice %arg36[%dma_wait3A_196, %dma_wait3A_197] : memref<10112x128xbf16, #tpu.memory_space<vmem_shared>> -> memref<64x128xbf16, #tpu.memory_space<vmem_shared>>
      %dma_wait3A_199 = arith.constant 0 : i32
      %dma_wait3A_200 = arith.constant 0 : i32
      %dma_wait3A_201 = tpu.memref_slice %arg36[%dma_wait3A_199, %dma_wait3A_200] : memref<10112x128xbf16, #tpu.memory_space<vmem_shared>> -> memref<64x128xbf16, #tpu.memory_space<vmem_shared>>
      tpu.wait_dma2 semaphore(%arg32 : memref<!tpu.dma_semaphore, #tpu.memory_space<semaphore_mem>>) src(%arg16 : memref<64x128xbf16, #tpu.memory_space<vmem>>) dst(%dma_wait3A_201 : memref<64x128xbf16, #tpu.memory_space<vmem_shared>>)
      %scan3A_202 = arith.constant 0 : i32
      %scan3A_203 = arith.constant 48 : i32
      %scan3A_204 = arith.addi %scan3A_202, %scan3A_203 : i32
      %scan3A_205 = arith.constant 1 : i32
      scf.for %scan3A_207 = %scan3A_202 to %scan3A_204 step %scan3A_205  : i32 {
        %dma_wait3A_208 = arith.constant 0 : i32
        %dma_wait3A_209 = arith.constant 0 : i32
        %dma_wait3A_210 = tpu.memref_slice %arg37[%dma_wait3A_208, %dma_wait3A_209] : memref<10112x16xf32, #tpu.memory_space<vmem_shared>> -> memref<64x16xf32, #tpu.memory_space<vmem_shared>>
        %dma_wait3A_211 = arith.constant 0 : i32
        %dma_wait3A_212 = arith.constant 0 : i32
        %dma_wait3A_213 = tpu.memref_slice %arg37[%dma_wait3A_211, %dma_wait3A_212] : memref<10112x16xf32, #tpu.memory_space<vmem_shared>> -> memref<64x16xf32, #tpu.memory_space<vmem_shared>>
        tpu.wait_dma2 semaphore(%arg35 : memref<!tpu.dma_semaphore, #tpu.memory_space<semaphore_mem>>) src(%arg33 : memref<64x16xf32, #tpu.memory_space<vmem>>) dst(%dma_wait3A_213 : memref<64x16xf32, #tpu.memory_space<vmem_shared>>)
      }
      %scan3A_206 = arith.constant 48 : i32
    } else {
    }
    %barrier3A_108 = arith.constant 0 : index
    tpu.barrier barrier_id(%barrier3A_108)
    %mul3A_109 = arith.constant 632 : i32
    %mul3A_110 = arith.muli %arg1, %mul3A_109 : i32
    %mul3A_111 = arith.constant 632 : i32
    %mul3A_112 = arith.muli %arg1, %mul3A_111 : i32
    "tpu.region"() ({
      %run_scoped3A = tpu.sem_alloc : memref<!tpu.dma_semaphore, #tpu.memory_space<semaphore_mem>>
      %dma_start3A = arith.constant 0 : i32
      %dma_start3A_117 = tpu.memref_slice %arg5[%arg0, %mul3A_112, %dma_start3A] : memref<2x10112x128xbf16, #tpu.memory_space<hbm>> -> memref<1x632x128xbf16, #tpu.memory_space<hbm>>
      %dma_start3A_118 = tpu.memref_squeeze %dma_start3A_117 : memref<1x632x128xbf16, #tpu.memory_space<hbm>> -> memref<632x128xbf16, #tpu.memory_space<hbm>>
      %dma_start3A_119 = arith.constant 0 : i32
      %dma_start3A_120 = tpu.memref_slice %arg36[%mul3A_110, %dma_start3A_119] : memref<10112x128xbf16, #tpu.memory_space<vmem_shared>> -> memref<632x128xbf16, #tpu.memory_space<vmem_shared>>
      tpu.enqueue_dma source(%dma_start3A_120 : memref<632x128xbf16, #tpu.memory_space<vmem_shared>>) target(%dma_start3A_118 : memref<632x128xbf16, #tpu.memory_space<hbm>>) target_semaphore(%run_scoped3A : memref<!tpu.dma_semaphore, #tpu.memory_space<semaphore_mem>>)
      %dma_wait3A = arith.constant 0 : i32
      %dma_wait3A_121 = tpu.memref_slice %arg5[%arg0, %mul3A_112, %dma_wait3A] : memref<2x10112x128xbf16, #tpu.memory_space<hbm>> -> memref<1x632x128xbf16, #tpu.memory_space<hbm>>
      %dma_wait3A_122 = tpu.memref_squeeze %dma_wait3A_121 : memref<1x632x128xbf16, #tpu.memory_space<hbm>> -> memref<632x128xbf16, #tpu.memory_space<hbm>>
      %dma_wait3A_123 = arith.constant 0 : i32
      %dma_wait3A_124 = tpu.memref_slice %arg36[%mul3A_110, %dma_wait3A_123] : memref<10112x128xbf16, #tpu.memory_space<vmem_shared>> -> memref<632x128xbf16, #tpu.memory_space<vmem_shared>>
      tpu.wait_dma2 semaphore(%run_scoped3A : memref<!tpu.dma_semaphore, #tpu.memory_space<semaphore_mem>>) src(%dma_wait3A_124 : memref<632x128xbf16, #tpu.memory_space<vmem_shared>>) dst(%dma_wait3A_122 : memref<632x128xbf16, #tpu.memory_space<hbm>>)
      tpu.yield
    }) : () -> ()
    %mul3A_113 = arith.constant 632 : i32
    %mul3A_114 = arith.muli %arg1, %mul3A_113 : i32
    %mul3A_115 = arith.constant 632 : i32
    %mul3A_116 = arith.muli %arg1, %mul3A_115 : i32
    "tpu.region"() ({
      %run_scoped3A = tpu.sem_alloc : memref<!tpu.dma_semaphore, #tpu.memory_space<semaphore_mem>>
      %dma_start3A = arith.constant 0 : i32
      %dma_start3A_117 = tpu.memref_slice %arg6[%arg0, %mul3A_116, %dma_start3A] : memref<2x10112x16xf32, #tpu.memory_space<hbm>> -> memref<1x632x16xf32, #tpu.memory_space<hbm>>
      %dma_start3A_118 = tpu.memref_squeeze %dma_start3A_117 : memref<1x632x16xf32, #tpu.memory_space<hbm>> -> memref<632x16xf32, #tpu.memory_space<hbm>>
      %dma_start3A_119 = arith.constant 0 : i32
      %dma_start3A_120 = tpu.memref_slice %arg37[%mul3A_114, %dma_start3A_119] : memref<10112x16xf32, #tpu.memory_space<vmem_shared>> -> memref<632x16xf32, #tpu.memory_space<vmem_shared>>
      tpu.enqueue_dma source(%dma_start3A_120 : memref<632x16xf32, #tpu.memory_space<vmem_shared>>) target(%dma_start3A_118 : memref<632x16xf32, #tpu.memory_space<hbm>>) target_semaphore(%run_scoped3A : memref<!tpu.dma_semaphore, #tpu.memory_space<semaphore_mem>>)
      %dma_wait3A = arith.constant 0 : i32
      %dma_wait3A_121 = tpu.memref_slice %arg6[%arg0, %mul3A_116, %dma_wait3A] : memref<2x10112x16xf32, #tpu.memory_space<hbm>> -> memref<1x632x16xf32, #tpu.memory_space<hbm>>
      %dma_wait3A_122 = tpu.memref_squeeze %dma_wait3A_121 : memref<1x632x16xf32, #tpu.memory_space<hbm>> -> memref<632x16xf32, #tpu.memory_space<hbm>>
      %dma_wait3A_123 = arith.constant 0 : i32
      %dma_wait3A_124 = tpu.memref_slice %arg37[%mul3A_114, %dma_wait3A_123] : memref<10112x16xf32, #tpu.memory_space<vmem_shared>> -> memref<632x16xf32, #tpu.memory_space<vmem_shared>>
      tpu.wait_dma2 semaphore(%run_scoped3A : memref<!tpu.dma_semaphore, #tpu.memory_space<semaphore_mem>>) src(%dma_wait3A_124 : memref<632x16xf32, #tpu.memory_space<vmem_shared>>) dst(%dma_wait3A_122 : memref<632x16xf32, #tpu.memory_space<hbm>>)
      tpu.yield
    }) : () -> ()
    return
  }
}

#map = affine_map<(d0, d1) -> (0, 0)>
#map1 = affine_map<(d0, d1) -> (0, 0, 0)>
module attributes {stable_mosaic.version = 14 : i64} {
  func.func @body(%arg0: i32, %arg1: i32, %arg2: memref<10112x16xf32, #tpu.memory_space<hbm>>, %arg3: memref<2560x128xi32, #tpu.memory_space<hbm>>, %arg4: memref<2560x128xi32, #tpu.memory_space<hbm>>, %arg5: memref<2x10112x16xf32, #tpu.memory_space<hbm>>, %arg6: memref<120x128xi32, #tpu.memory_space<vmem>>, %arg7: memref<120x128xi32, #tpu.memory_space<vmem>>, %arg8: memref<128x16xf32, #tpu.memory_space<vmem>>, %arg9: memref<128x16xf32, #tpu.memory_space<vmem>>, %arg10: memref<128x16xf32, #tpu.memory_space<vmem>>, %arg11: memref<128x16xf32, #tpu.memory_space<vmem>>, %arg12: memref<128x16xf32, #tpu.memory_space<vmem>>, %arg13: memref<128x16xf32, #tpu.memory_space<vmem>>, %arg14: memref<128x16xf32, #tpu.memory_space<vmem>>, %arg15: memref<128x16xf32, #tpu.memory_space<vmem>>, %arg16: memref<!tpu.dma_semaphore, #tpu.memory_space<semaphore_mem>>, %arg17: memref<!tpu.dma_semaphore, #tpu.memory_space<semaphore_mem>>, %arg18: memref<!tpu.dma_semaphore, #tpu.memory_space<semaphore_mem>>, %arg19: memref<!tpu.dma_semaphore, #tpu.memory_space<semaphore_mem>>, %arg20: memref<!tpu.dma_semaphore, #tpu.memory_space<semaphore_mem>>, %arg21: memref<!tpu.dma_semaphore, #tpu.memory_space<semaphore_mem>>, %arg22: memref<!tpu.dma_semaphore, #tpu.memory_space<semaphore_mem>>, %arg23: memref<!tpu.dma_semaphore, #tpu.memory_space<semaphore_mem>>, %arg24: memref<!tpu.dma_semaphore, #tpu.memory_space<semaphore_mem>>, %arg25: memref<!tpu.dma_semaphore, #tpu.memory_space<semaphore_mem>>, %arg26: memref<!tpu.dma_semaphore, #tpu.memory_space<semaphore_mem>>, %arg27: memref<!tpu.dma_semaphore, #tpu.memory_space<semaphore_mem>>, %arg28: memref<!tpu.dma_semaphore, #tpu.memory_space<semaphore_mem>>, %arg29: memref<!tpu.dma_semaphore, #tpu.memory_space<semaphore_mem>>, %arg30: memref<!tpu.dma_semaphore, #tpu.memory_space<semaphore_mem>>, %arg31: memref<!tpu.dma_semaphore, #tpu.memory_space<semaphore_mem>>, %arg32: memref<10112x16xf32, #tpu.memory_space<vmem_shared>>) attributes {dimension_semantics = [#tpu.dimension_semantics<core_parallel>, #tpu.dimension_semantics<subcore_parallel>], iteration_bounds = array<i64: 2, 16>, scalar_prefetch = 0 : i64, scratch_operands = 27 : i64, tpu.core_type = #tpu.core_type<sc_vector_subcore>, window_params = [{transform_indices = #map}, {transform_indices = #map}, {transform_indices = #map}, {transform_indices = #map1}]} {
    %broadcast_in_dim3A = arith.constant 0.000000e+00 : f32
    %broadcast_in_dim3A_0 = vector.broadcast %broadcast_in_dim3A : f32 to vector<16xf32>
    %scan3A = arith.constant 0 : i32
    %scan3A_1 = arith.constant 128 : i32
    %scan3A_2 = arith.addi %scan3A, %scan3A_1 : i32
    %scan3A_3 = arith.constant 1 : i32
    scf.for %scan3A_35 = %scan3A to %scan3A_2 step %scan3A_3  : i32 {
      %swap3A = arith.index_cast %scan3A_35 : i32 to index
      %swap3A_36 = arith.constant 0 : index
      %swap3A_37 = tpu.vector_load %arg8[%swap3A, %swap3A_36] {strides = array<i32>} : memref<128x16xf32, #tpu.memory_space<vmem>>, vector<1x16xf32>,
      %swap3A_38 = vector.shape_cast %swap3A_37 : vector<1x16xf32> to vector<16xf32>
      %swap3A_39 = vector.shape_cast %broadcast_in_dim3A_0 : vector<16xf32> to vector<1x16xf32>
      tpu.vector_store %arg8[%swap3A, %swap3A_36], %swap3A_39 {strides = array<i32>} : memref<128x16xf32, #tpu.memory_space<vmem>>, vector<1x16xf32>,
    }
    %scan3A_4 = arith.constant 128 : i32
    %mul3A = arith.constant 632 : i32
    %mul3A_5 = arith.muli %arg1, %mul3A : i32
    %add3A = arith.constant 0 : i32
    %add3A_6 = arith.addi %mul3A_5, %add3A : i32
    "tpu.region"() ({
      %run_scoped3A = tpu.sem_alloc : memref<!tpu.dma_semaphore, #tpu.memory_space<semaphore_mem>>
      %dma_start3A = arith.constant 0 : i32
      %dma_start3A_35 = arith.constant 0 : i32
      %dma_start3A_36 = tpu.memref_slice %arg8[%dma_start3A, %dma_start3A_35] : memref<128x16xf32, #tpu.memory_space<vmem>> -> memref<128x16xf32, #tpu.memory_space<vmem>>
      %dma_start3A_37 = arith.constant 0 : i32
      %dma_start3A_38 = tpu.memref_slice %arg32[%add3A_6, %dma_start3A_37] : memref<10112x16xf32, #tpu.memory_space<vmem_shared>> -> memref<128x16xf32, #tpu.memory_space<vmem_shared>>
      %dma_start3A_39 = arith.constant 0 : i32
      %dma_start3A_40 = tpu.memref_slice %arg32[%add3A_6, %dma_start3A_39] : memref<10112x16xf32, #tpu.memory_space<vmem_shared>> -> memref<128x16xf32, #tpu.memory_space<vmem_shared>>
      %dma_start3A_41 = arith.constant 0 : i32
      %dma_start3A_42 = arith.constant 0 : i32
      %dma_start3A_43 = tpu.memref_slice %arg8[%dma_start3A_41, %dma_start3A_42] : memref<128x16xf32, #tpu.memory_space<vmem>> -> memref<128x16xf32, #tpu.memory_space<vmem>>
      tpu.enqueue_dma source(%dma_start3A_43 : memref<128x16xf32, #tpu.memory_space<vmem>>) target(%dma_start3A_40 : memref<128x16xf32, #tpu.memory_space<vmem_shared>>) target_semaphore(%run_scoped3A : memref<!tpu.dma_semaphore, #tpu.memory_space<semaphore_mem>>)
      %dma_wait3A = arith.constant 0 : i32
      %dma_wait3A_44 = arith.constant 0 : i32
      %dma_wait3A_45 = tpu.memref_slice %arg8[%dma_wait3A, %dma_wait3A_44] : memref<128x16xf32, #tpu.memory_space<vmem>> -> memref<128x16xf32, #tpu.memory_space<vmem>>
      %dma_wait3A_46 = arith.constant 0 : i32
      %dma_wait3A_47 = tpu.memref_slice %arg32[%add3A_6, %dma_wait3A_46] : memref<10112x16xf32, #tpu.memory_space<vmem_shared>> -> memref<128x16xf32, #tpu.memory_space<vmem_shared>>
      %dma_wait3A_48 = arith.constant 0 : i32
      %dma_wait3A_49 = tpu.memref_slice %arg32[%add3A_6, %dma_wait3A_48] : memref<10112x16xf32, #tpu.memory_space<vmem_shared>> -> memref<128x16xf32, #tpu.memory_space<vmem_shared>>
      %dma_wait3A_50 = arith.constant 0 : i32
      %dma_wait3A_51 = arith.constant 0 : i32
      %dma_wait3A_52 = tpu.memref_slice %arg8[%dma_wait3A_50, %dma_wait3A_51] : memref<128x16xf32, #tpu.memory_space<vmem>> -> memref<128x16xf32, #tpu.memory_space<vmem>>
      tpu.wait_dma2 semaphore(%run_scoped3A : memref<!tpu.dma_semaphore, #tpu.memory_space<semaphore_mem>>) src(%dma_wait3A_52 : memref<128x16xf32, #tpu.memory_space<vmem>>) dst(%dma_wait3A_49 : memref<128x16xf32, #tpu.memory_space<vmem_shared>>)
      tpu.yield
    }) : () -> ()
    %mul3A_7 = arith.constant 632 : i32
    %mul3A_8 = arith.muli %arg1, %mul3A_7 : i32
    %add3A_9 = arith.constant 128 : i32
    %add3A_10 = arith.addi %mul3A_8, %add3A_9 : i32
    "tpu.region"() ({
      %run_scoped3A = tpu.sem_alloc : memref<!tpu.dma_semaphore, #tpu.memory_space<semaphore_mem>>
      %dma_start3A = arith.constant 0 : i32
      %dma_start3A_35 = arith.constant 0 : i32
      %dma_start3A_36 = tpu.memref_slice %arg8[%dma_start3A, %dma_start3A_35] : memref<128x16xf32, #tpu.memory_space<vmem>> -> memref<128x16xf32, #tpu.memory_space<vmem>>
      %dma_start3A_37 = arith.constant 0 : i32
      %dma_start3A_38 = tpu.memref_slice %arg32[%add3A_10, %dma_start3A_37] : memref<10112x16xf32, #tpu.memory_space<vmem_shared>> -> memref<128x16xf32, #tpu.memory_space<vmem_shared>>
      %dma_start3A_39 = arith.constant 0 : i32
      %dma_start3A_40 = tpu.memref_slice %arg32[%add3A_10, %dma_start3A_39] : memref<10112x16xf32, #tpu.memory_space<vmem_shared>> -> memref<128x16xf32, #tpu.memory_space<vmem_shared>>
      %dma_start3A_41 = arith.constant 0 : i32
      %dma_start3A_42 = arith.constant 0 : i32
      %dma_start3A_43 = tpu.memref_slice %arg8[%dma_start3A_41, %dma_start3A_42] : memref<128x16xf32, #tpu.memory_space<vmem>> -> memref<128x16xf32, #tpu.memory_space<vmem>>
      tpu.enqueue_dma source(%dma_start3A_43 : memref<128x16xf32, #tpu.memory_space<vmem>>) target(%dma_start3A_40 : memref<128x16xf32, #tpu.memory_space<vmem_shared>>) target_semaphore(%run_scoped3A : memref<!tpu.dma_semaphore, #tpu.memory_space<semaphore_mem>>)
      %dma_wait3A = arith.constant 0 : i32
      %dma_wait3A_44 = arith.constant 0 : i32
      %dma_wait3A_45 = tpu.memref_slice %arg8[%dma_wait3A, %dma_wait3A_44] : memref<128x16xf32, #tpu.memory_space<vmem>> -> memref<128x16xf32, #tpu.memory_space<vmem>>
      %dma_wait3A_46 = arith.constant 0 : i32
      %dma_wait3A_47 = tpu.memref_slice %arg32[%add3A_10, %dma_wait3A_46] : memref<10112x16xf32, #tpu.memory_space<vmem_shared>> -> memref<128x16xf32, #tpu.memory_space<vmem_shared>>
      %dma_wait3A_48 = arith.constant 0 : i32
      %dma_wait3A_49 = tpu.memref_slice %arg32[%add3A_10, %dma_wait3A_48] : memref<10112x16xf32, #tpu.memory_space<vmem_shared>> -> memref<128x16xf32, #tpu.memory_space<vmem_shared>>
      %dma_wait3A_50 = arith.constant 0 : i32
      %dma_wait3A_51 = arith.constant 0 : i32
      %dma_wait3A_52 = tpu.memref_slice %arg8[%dma_wait3A_50, %dma_wait3A_51] : memref<128x16xf32, #tpu.memory_space<vmem>> -> memref<128x16xf32, #tpu.memory_space<vmem>>
      tpu.wait_dma2 semaphore(%run_scoped3A : memref<!tpu.dma_semaphore, #tpu.memory_space<semaphore_mem>>) src(%dma_wait3A_52 : memref<128x16xf32, #tpu.memory_space<vmem>>) dst(%dma_wait3A_49 : memref<128x16xf32, #tpu.memory_space<vmem_shared>>)
      tpu.yield
    }) : () -> ()
    %mul3A_11 = arith.constant 632 : i32
    %mul3A_12 = arith.muli %arg1, %mul3A_11 : i32
    %add3A_13 = arith.constant 256 : i32
    %add3A_14 = arith.addi %mul3A_12, %add3A_13 : i32
    "tpu.region"() ({
      %run_scoped3A = tpu.sem_alloc : memref<!tpu.dma_semaphore, #tpu.memory_space<semaphore_mem>>
      %dma_start3A = arith.constant 0 : i32
      %dma_start3A_35 = arith.constant 0 : i32
      %dma_start3A_36 = tpu.memref_slice %arg8[%dma_start3A, %dma_start3A_35] : memref<128x16xf32, #tpu.memory_space<vmem>> -> memref<128x16xf32, #tpu.memory_space<vmem>>
      %dma_start3A_37 = arith.constant 0 : i32
      %dma_start3A_38 = tpu.memref_slice %arg32[%add3A_14, %dma_start3A_37] : memref<10112x16xf32, #tpu.memory_space<vmem_shared>> -> memref<128x16xf32, #tpu.memory_space<vmem_shared>>
      %dma_start3A_39 = arith.constant 0 : i32
      %dma_start3A_40 = tpu.memref_slice %arg32[%add3A_14, %dma_start3A_39] : memref<10112x16xf32, #tpu.memory_space<vmem_shared>> -> memref<128x16xf32, #tpu.memory_space<vmem_shared>>
      %dma_start3A_41 = arith.constant 0 : i32
      %dma_start3A_42 = arith.constant 0 : i32
      %dma_start3A_43 = tpu.memref_slice %arg8[%dma_start3A_41, %dma_start3A_42] : memref<128x16xf32, #tpu.memory_space<vmem>> -> memref<128x16xf32, #tpu.memory_space<vmem>>
      tpu.enqueue_dma source(%dma_start3A_43 : memref<128x16xf32, #tpu.memory_space<vmem>>) target(%dma_start3A_40 : memref<128x16xf32, #tpu.memory_space<vmem_shared>>) target_semaphore(%run_scoped3A : memref<!tpu.dma_semaphore, #tpu.memory_space<semaphore_mem>>)
      %dma_wait3A = arith.constant 0 : i32
      %dma_wait3A_44 = arith.constant 0 : i32
      %dma_wait3A_45 = tpu.memref_slice %arg8[%dma_wait3A, %dma_wait3A_44] : memref<128x16xf32, #tpu.memory_space<vmem>> -> memref<128x16xf32, #tpu.memory_space<vmem>>
      %dma_wait3A_46 = arith.constant 0 : i32
      %dma_wait3A_47 = tpu.memref_slice %arg32[%add3A_14, %dma_wait3A_46] : memref<10112x16xf32, #tpu.memory_space<vmem_shared>> -> memref<128x16xf32, #tpu.memory_space<vmem_shared>>
      %dma_wait3A_48 = arith.constant 0 : i32
      %dma_wait3A_49 = tpu.memref_slice %arg32[%add3A_14, %dma_wait3A_48] : memref<10112x16xf32, #tpu.memory_space<vmem_shared>> -> memref<128x16xf32, #tpu.memory_space<vmem_shared>>
      %dma_wait3A_50 = arith.constant 0 : i32
      %dma_wait3A_51 = arith.constant 0 : i32
      %dma_wait3A_52 = tpu.memref_slice %arg8[%dma_wait3A_50, %dma_wait3A_51] : memref<128x16xf32, #tpu.memory_space<vmem>> -> memref<128x16xf32, #tpu.memory_space<vmem>>
      tpu.wait_dma2 semaphore(%run_scoped3A : memref<!tpu.dma_semaphore, #tpu.memory_space<semaphore_mem>>) src(%dma_wait3A_52 : memref<128x16xf32, #tpu.memory_space<vmem>>) dst(%dma_wait3A_49 : memref<128x16xf32, #tpu.memory_space<vmem_shared>>)
      tpu.yield
    }) : () -> ()
    %mul3A_15 = arith.constant 632 : i32
    %mul3A_16 = arith.muli %arg1, %mul3A_15 : i32
    %add3A_17 = arith.constant 384 : i32
    %add3A_18 = arith.addi %mul3A_16, %add3A_17 : i32
    "tpu.region"() ({
      %run_scoped3A = tpu.sem_alloc : memref<!tpu.dma_semaphore, #tpu.memory_space<semaphore_mem>>
      %dma_start3A = arith.constant 0 : i32
      %dma_start3A_35 = arith.constant 0 : i32
      %dma_start3A_36 = tpu.memref_slice %arg8[%dma_start3A, %dma_start3A_35] : memref<128x16xf32, #tpu.memory_space<vmem>> -> memref<128x16xf32, #tpu.memory_space<vmem>>
      %dma_start3A_37 = arith.constant 0 : i32
      %dma_start3A_38 = tpu.memref_slice %arg32[%add3A_18, %dma_start3A_37] : memref<10112x16xf32, #tpu.memory_space<vmem_shared>> -> memref<128x16xf32, #tpu.memory_space<vmem_shared>>
      %dma_start3A_39 = arith.constant 0 : i32
      %dma_start3A_40 = tpu.memref_slice %arg32[%add3A_18, %dma_start3A_39] : memref<10112x16xf32, #tpu.memory_space<vmem_shared>> -> memref<128x16xf32, #tpu.memory_space<vmem_shared>>
      %dma_start3A_41 = arith.constant 0 : i32
      %dma_start3A_42 = arith.constant 0 : i32
      %dma_start3A_43 = tpu.memref_slice %arg8[%dma_start3A_41, %dma_start3A_42] : memref<128x16xf32, #tpu.memory_space<vmem>> -> memref<128x16xf32, #tpu.memory_space<vmem>>
      tpu.enqueue_dma source(%dma_start3A_43 : memref<128x16xf32, #tpu.memory_space<vmem>>) target(%dma_start3A_40 : memref<128x16xf32, #tpu.memory_space<vmem_shared>>) target_semaphore(%run_scoped3A : memref<!tpu.dma_semaphore, #tpu.memory_space<semaphore_mem>>)
      %dma_wait3A = arith.constant 0 : i32
      %dma_wait3A_44 = arith.constant 0 : i32
      %dma_wait3A_45 = tpu.memref_slice %arg8[%dma_wait3A, %dma_wait3A_44] : memref<128x16xf32, #tpu.memory_space<vmem>> -> memref<128x16xf32, #tpu.memory_space<vmem>>
      %dma_wait3A_46 = arith.constant 0 : i32
      %dma_wait3A_47 = tpu.memref_slice %arg32[%add3A_18, %dma_wait3A_46] : memref<10112x16xf32, #tpu.memory_space<vmem_shared>> -> memref<128x16xf32, #tpu.memory_space<vmem_shared>>
      %dma_wait3A_48 = arith.constant 0 : i32
      %dma_wait3A_49 = tpu.memref_slice %arg32[%add3A_18, %dma_wait3A_48] : memref<10112x16xf32, #tpu.memory_space<vmem_shared>> -> memref<128x16xf32, #tpu.memory_space<vmem_shared>>
      %dma_wait3A_50 = arith.constant 0 : i32
      %dma_wait3A_51 = arith.constant 0 : i32
      %dma_wait3A_52 = tpu.memref_slice %arg8[%dma_wait3A_50, %dma_wait3A_51] : memref<128x16xf32, #tpu.memory_space<vmem>> -> memref<128x16xf32, #tpu.memory_space<vmem>>
      tpu.wait_dma2 semaphore(%run_scoped3A : memref<!tpu.dma_semaphore, #tpu.memory_space<semaphore_mem>>) src(%dma_wait3A_52 : memref<128x16xf32, #tpu.memory_space<vmem>>) dst(%dma_wait3A_49 : memref<128x16xf32, #tpu.memory_space<vmem_shared>>)
      tpu.yield
    }) : () -> ()
    %mul3A_19 = arith.constant 632 : i32
    %mul3A_20 = arith.muli %arg1, %mul3A_19 : i32
    %add3A_21 = arith.constant 512 : i32
    %add3A_22 = arith.addi %mul3A_20, %add3A_21 : i32
    "tpu.region"() ({
      %run_scoped3A = tpu.sem_alloc : memref<!tpu.dma_semaphore, #tpu.memory_space<semaphore_mem>>
      %dma_start3A = arith.constant 0 : i32
      %dma_start3A_35 = arith.constant 0 : i32
      %dma_start3A_36 = tpu.memref_slice %arg8[%dma_start3A, %dma_start3A_35] : memref<128x16xf32, #tpu.memory_space<vmem>> -> memref<120x16xf32, #tpu.memory_space<vmem>>
      %dma_start3A_37 = arith.constant 0 : i32
      %dma_start3A_38 = tpu.memref_slice %arg32[%add3A_22, %dma_start3A_37] : memref<10112x16xf32, #tpu.memory_space<vmem_shared>> -> memref<120x16xf32, #tpu.memory_space<vmem_shared>>
      %dma_start3A_39 = arith.constant 0 : i32
      %dma_start3A_40 = tpu.memref_slice %arg32[%add3A_22, %dma_start3A_39] : memref<10112x16xf32, #tpu.memory_space<vmem_shared>> -> memref<120x16xf32, #tpu.memory_space<vmem_shared>>
      %dma_start3A_41 = arith.constant 0 : i32
      %dma_start3A_42 = arith.constant 0 : i32
      %dma_start3A_43 = tpu.memref_slice %arg8[%dma_start3A_41, %dma_start3A_42] : memref<128x16xf32, #tpu.memory_space<vmem>> -> memref<120x16xf32, #tpu.memory_space<vmem>>
      tpu.enqueue_dma source(%dma_start3A_43 : memref<120x16xf32, #tpu.memory_space<vmem>>) target(%dma_start3A_40 : memref<120x16xf32, #tpu.memory_space<vmem_shared>>) target_semaphore(%run_scoped3A : memref<!tpu.dma_semaphore, #tpu.memory_space<semaphore_mem>>)
      %dma_wait3A = arith.constant 0 : i32
      %dma_wait3A_44 = arith.constant 0 : i32
      %dma_wait3A_45 = tpu.memref_slice %arg8[%dma_wait3A, %dma_wait3A_44] : memref<128x16xf32, #tpu.memory_space<vmem>> -> memref<120x16xf32, #tpu.memory_space<vmem>>
      %dma_wait3A_46 = arith.constant 0 : i32
      %dma_wait3A_47 = tpu.memref_slice %arg32[%add3A_22, %dma_wait3A_46] : memref<10112x16xf32, #tpu.memory_space<vmem_shared>> -> memref<120x16xf32, #tpu.memory_space<vmem_shared>>
      %dma_wait3A_48 = arith.constant 0 : i32
      %dma_wait3A_49 = tpu.memref_slice %arg32[%add3A_22, %dma_wait3A_48] : memref<10112x16xf32, #tpu.memory_space<vmem_shared>> -> memref<120x16xf32, #tpu.memory_space<vmem_shared>>
      %dma_wait3A_50 = arith.constant 0 : i32
      %dma_wait3A_51 = arith.constant 0 : i32
      %dma_wait3A_52 = tpu.memref_slice %arg8[%dma_wait3A_50, %dma_wait3A_51] : memref<128x16xf32, #tpu.memory_space<vmem>> -> memref<120x16xf32, #tpu.memory_space<vmem>>
      tpu.wait_dma2 semaphore(%run_scoped3A : memref<!tpu.dma_semaphore, #tpu.memory_space<semaphore_mem>>) src(%dma_wait3A_52 : memref<120x16xf32, #tpu.memory_space<vmem>>) dst(%dma_wait3A_49 : memref<120x16xf32, #tpu.memory_space<vmem_shared>>)
      tpu.yield
    }) : () -> ()
    %barrier3A = arith.constant 0 : index
    tpu.barrier barrier_id(%barrier3A)
    %eq3A = arith.constant 0 : i32
    %eq3A_23 = arith.cmpi eq, %arg0, %eq3A : i32
    %convert_element_type3A = arith.extui %eq3A_23 : i1 to i32
    %cond3A = arith.constant 0 : i32
    %cond3A_24 = arith.cmpi ne, %convert_element_type3A, %cond3A : i32
    scf.if %cond3A_24 {
      %mul3A_35 = arith.constant 120 : i32
      %mul3A_36 = arith.muli %arg1, %mul3A_35 : i32
      %add3A_37 = arith.constant 0 : i32
      %add3A_38 = arith.addi %mul3A_36, %add3A_37 : i32
      "tpu.region"() ({
        %run_scoped3A = tpu.sem_alloc : memref<!tpu.dma_semaphore, #tpu.memory_space<semaphore_mem>>
        %dma_start3A_118 = arith.constant 0 : i32
        %dma_start3A_119 = arith.constant 0 : i32
        %dma_start3A_120 = tpu.memref_slice %arg6[%dma_start3A_118, %dma_start3A_119] : memref<120x128xi32, #tpu.memory_space<vmem>> -> memref<120x128xi32, #tpu.memory_space<vmem>>
        %dma_start3A_121 = arith.constant 0 : i32
        %dma_start3A_122 = tpu.memref_slice %arg3[%add3A_38, %dma_start3A_121] : memref<2560x128xi32, #tpu.memory_space<hbm>> -> memref<120x128xi32, #tpu.memory_space<hbm>>
        %dma_start3A_123 = arith.constant 0 : i32
        %dma_start3A_124 = arith.constant 0 : i32
        %dma_start3A_125 = tpu.memref_slice %arg6[%dma_start3A_123, %dma_start3A_124] : memref<120x128xi32, #tpu.memory_space<vmem>> -> memref<120x128xi32, #tpu.memory_space<vmem>>
        %dma_start3A_126 = arith.constant 0 : i32
        %dma_start3A_127 = tpu.memref_slice %arg3[%add3A_38, %dma_start3A_126] : memref<2560x128xi32, #tpu.memory_space<hbm>> -> memref<120x128xi32, #tpu.memory_space<hbm>>
        tpu.enqueue_dma source(%dma_start3A_127 : memref<120x128xi32, #tpu.memory_space<hbm>>) target(%dma_start3A_125 : memref<120x128xi32, #tpu.memory_space<vmem>>) target_semaphore(%run_scoped3A : memref<!tpu.dma_semaphore, #tpu.memory_space<semaphore_mem>>)
        %dma_wait3A_128 = arith.constant 0 : i32
        %dma_wait3A_129 = arith.constant 0 : i32
        %dma_wait3A_130 = tpu.memref_slice %arg6[%dma_wait3A_128, %dma_wait3A_129] : memref<120x128xi32, #tpu.memory_space<vmem>> -> memref<120x128xi32, #tpu.memory_space<vmem>>
        %dma_wait3A_131 = arith.constant 0 : i32
        %dma_wait3A_132 = tpu.memref_slice %arg3[%add3A_38, %dma_wait3A_131] : memref<2560x128xi32, #tpu.memory_space<hbm>> -> memref<120x128xi32, #tpu.memory_space<hbm>>
        %dma_wait3A_133 = arith.constant 0 : i32
        %dma_wait3A_134 = arith.constant 0 : i32
        %dma_wait3A_135 = tpu.memref_slice %arg6[%dma_wait3A_133, %dma_wait3A_134] : memref<120x128xi32, #tpu.memory_space<vmem>> -> memref<120x128xi32, #tpu.memory_space<vmem>>
        %dma_wait3A_136 = arith.constant 0 : i32
        %dma_wait3A_137 = tpu.memref_slice %arg3[%add3A_38, %dma_wait3A_136] : memref<2560x128xi32, #tpu.memory_space<hbm>> -> memref<120x128xi32, #tpu.memory_space<hbm>>
        tpu.wait_dma2 semaphore(%run_scoped3A : memref<!tpu.dma_semaphore, #tpu.memory_space<semaphore_mem>>) src(%dma_wait3A_137 : memref<120x128xi32, #tpu.memory_space<hbm>>) dst(%dma_wait3A_135 : memref<120x128xi32, #tpu.memory_space<vmem>>)
        tpu.yield
      }) : () -> ()
      "tpu.region"() ({
        %run_scoped3A = tpu.sem_alloc : memref<!tpu.dma_semaphore, #tpu.memory_space<semaphore_mem>>
        %dma_start3A_118 = arith.constant 0 : i32
        %dma_start3A_119 = arith.constant 0 : i32
        %dma_start3A_120 = tpu.memref_slice %arg7[%dma_start3A_118, %dma_start3A_119] : memref<120x128xi32, #tpu.memory_space<vmem>> -> memref<120x128xi32, #tpu.memory_space<vmem>>
        %dma_start3A_121 = arith.constant 0 : i32
        %dma_start3A_122 = tpu.memref_slice %arg4[%add3A_38, %dma_start3A_121] : memref<2560x128xi32, #tpu.memory_space<hbm>> -> memref<120x128xi32, #tpu.memory_space<hbm>>
        %dma_start3A_123 = arith.constant 0 : i32
        %dma_start3A_124 = arith.constant 0 : i32
        %dma_start3A_125 = tpu.memref_slice %arg7[%dma_start3A_123, %dma_start3A_124] : memref<120x128xi32, #tpu.memory_space<vmem>> -> memref<120x128xi32, #tpu.memory_space<vmem>>
        %dma_start3A_126 = arith.constant 0 : i32
        %dma_start3A_127 = tpu.memref_slice %arg4[%add3A_38, %dma_start3A_126] : memref<2560x128xi32, #tpu.memory_space<hbm>> -> memref<120x128xi32, #tpu.memory_space<hbm>>
        tpu.enqueue_dma source(%dma_start3A_127 : memref<120x128xi32, #tpu.memory_space<hbm>>) target(%dma_start3A_125 : memref<120x128xi32, #tpu.memory_space<vmem>>) target_semaphore(%run_scoped3A : memref<!tpu.dma_semaphore, #tpu.memory_space<semaphore_mem>>)
        %dma_wait3A_128 = arith.constant 0 : i32
        %dma_wait3A_129 = arith.constant 0 : i32
        %dma_wait3A_130 = tpu.memref_slice %arg7[%dma_wait3A_128, %dma_wait3A_129] : memref<120x128xi32, #tpu.memory_space<vmem>> -> memref<120x128xi32, #tpu.memory_space<vmem>>
        %dma_wait3A_131 = arith.constant 0 : i32
        %dma_wait3A_132 = tpu.memref_slice %arg4[%add3A_38, %dma_wait3A_131] : memref<2560x128xi32, #tpu.memory_space<hbm>> -> memref<120x128xi32, #tpu.memory_space<hbm>>
        %dma_wait3A_133 = arith.constant 0 : i32
        %dma_wait3A_134 = arith.constant 0 : i32
        %dma_wait3A_135 = tpu.memref_slice %arg7[%dma_wait3A_133, %dma_wait3A_134] : memref<120x128xi32, #tpu.memory_space<vmem>> -> memref<120x128xi32, #tpu.memory_space<vmem>>
        %dma_wait3A_136 = arith.constant 0 : i32
        %dma_wait3A_137 = tpu.memref_slice %arg4[%add3A_38, %dma_wait3A_136] : memref<2560x128xi32, #tpu.memory_space<hbm>> -> memref<120x128xi32, #tpu.memory_space<hbm>>
        tpu.wait_dma2 semaphore(%run_scoped3A : memref<!tpu.dma_semaphore, #tpu.memory_space<semaphore_mem>>) src(%dma_wait3A_137 : memref<120x128xi32, #tpu.memory_space<hbm>>) dst(%dma_wait3A_135 : memref<120x128xi32, #tpu.memory_space<vmem>>)
        tpu.yield
      }) : () -> ()
      %dma_start3A = arith.constant 0 : i32
      %dma_start3A_39 = arith.constant 0 : i32
      %dma_start3A_40 = tpu.memref_slice %arg6[%dma_start3A, %dma_start3A_39] : memref<120x128xi32, #tpu.memory_space<vmem>> -> memref<1x128xi32, #tpu.memory_space<vmem>>
      %dma_start3A_41 = tpu.memref_squeeze %dma_start3A_40 : memref<1x128xi32, #tpu.memory_space<vmem>> -> memref<128xi32, #tpu.memory_space<vmem>>
      %dma_start3A_42 = arith.constant 0 : i32
      %dma_start3A_43 = arith.constant 0 : i32
      %dma_start3A_44 = tpu.memref_slice %arg2[%dma_start3A_42, %dma_start3A_43] : memref<10112x16xf32, #tpu.memory_space<hbm>> -> memref<10112x16xf32, #tpu.memory_space<hbm>>
      tpu.enqueue_indirect_dma source(%dma_start3A_44 : memref<10112x16xf32, #tpu.memory_space<hbm>>) target(%arg8 : memref<128x16xf32, #tpu.memory_space<vmem>>) offsets(%dma_start3A_41 : memref<128xi32, #tpu.memory_space<vmem>>) semaphore(%arg16 : memref<!tpu.dma_semaphore, #tpu.memory_space<semaphore_mem>>)
      %dma_start3A_45 = arith.constant 1 : i32
      %dma_start3A_46 = arith.constant 0 : i32
      %dma_start3A_47 = tpu.memref_slice %arg6[%dma_start3A_45, %dma_start3A_46] : memref<120x128xi32, #tpu.memory_space<vmem>> -> memref<1x128xi32, #tpu.memory_space<vmem>>
      %dma_start3A_48 = tpu.memref_squeeze %dma_start3A_47 : memref<1x128xi32, #tpu.memory_space<vmem>> -> memref<128xi32, #tpu.memory_space<vmem>>
      %dma_start3A_49 = arith.constant 0 : i32
      %dma_start3A_50 = arith.constant 0 : i32
      %dma_start3A_51 = tpu.memref_slice %arg2[%dma_start3A_49, %dma_start3A_50] : memref<10112x16xf32, #tpu.memory_space<hbm>> -> memref<10112x16xf32, #tpu.memory_space<hbm>>
      tpu.enqueue_indirect_dma source(%dma_start3A_51 : memref<10112x16xf32, #tpu.memory_space<hbm>>) target(%arg9 : memref<128x16xf32, #tpu.memory_space<vmem>>) offsets(%dma_start3A_48 : memref<128xi32, #tpu.memory_space<vmem>>) semaphore(%arg17 : memref<!tpu.dma_semaphore, #tpu.memory_space<semaphore_mem>>)
      %dma_start3A_52 = arith.constant 2 : i32
      %dma_start3A_53 = arith.constant 0 : i32
      %dma_start3A_54 = tpu.memref_slice %arg6[%dma_start3A_52, %dma_start3A_53] : memref<120x128xi32, #tpu.memory_space<vmem>> -> memref<1x128xi32, #tpu.memory_space<vmem>>
      %dma_start3A_55 = tpu.memref_squeeze %dma_start3A_54 : memref<1x128xi32, #tpu.memory_space<vmem>> -> memref<128xi32, #tpu.memory_space<vmem>>
      %dma_start3A_56 = arith.constant 0 : i32
      %dma_start3A_57 = arith.constant 0 : i32
      %dma_start3A_58 = tpu.memref_slice %arg2[%dma_start3A_56, %dma_start3A_57] : memref<10112x16xf32, #tpu.memory_space<hbm>> -> memref<10112x16xf32, #tpu.memory_space<hbm>>
      tpu.enqueue_indirect_dma source(%dma_start3A_58 : memref<10112x16xf32, #tpu.memory_space<hbm>>) target(%arg10 : memref<128x16xf32, #tpu.memory_space<vmem>>) offsets(%dma_start3A_55 : memref<128xi32, #tpu.memory_space<vmem>>) semaphore(%arg18 : memref<!tpu.dma_semaphore, #tpu.memory_space<semaphore_mem>>)
      %dma_start3A_59 = arith.constant 3 : i32
      %dma_start3A_60 = arith.constant 0 : i32
      %dma_start3A_61 = tpu.memref_slice %arg6[%dma_start3A_59, %dma_start3A_60] : memref<120x128xi32, #tpu.memory_space<vmem>> -> memref<1x128xi32, #tpu.memory_space<vmem>>
      %dma_start3A_62 = tpu.memref_squeeze %dma_start3A_61 : memref<1x128xi32, #tpu.memory_space<vmem>> -> memref<128xi32, #tpu.memory_space<vmem>>
      %dma_start3A_63 = arith.constant 0 : i32
      %dma_start3A_64 = arith.constant 0 : i32
      %dma_start3A_65 = tpu.memref_slice %arg2[%dma_start3A_63, %dma_start3A_64] : memref<10112x16xf32, #tpu.memory_space<hbm>> -> memref<10112x16xf32, #tpu.memory_space<hbm>>
      tpu.enqueue_indirect_dma source(%dma_start3A_65 : memref<10112x16xf32, #tpu.memory_space<hbm>>) target(%arg11 : memref<128x16xf32, #tpu.memory_space<vmem>>) offsets(%dma_start3A_62 : memref<128xi32, #tpu.memory_space<vmem>>) semaphore(%arg19 : memref<!tpu.dma_semaphore, #tpu.memory_space<semaphore_mem>>)
      %scan3A_66 = arith.constant 0 : i32
      %scan3A_67 = arith.constant 15 : i32
      %scan3A_68 = arith.addi %scan3A_66, %scan3A_67 : i32
      %scan3A_69 = arith.constant 1 : i32
      scf.for %scan3A_118 = %scan3A_66 to %scan3A_68 step %scan3A_69  : i32 {
        %mul3A_119 = arith.constant 8 : i32
        %mul3A_120 = arith.muli %scan3A_118, %mul3A_119 : i32
        %add3A_121 = arith.constant 0 : i32
        %add3A_122 = arith.addi %mul3A_120, %add3A_121 : i32
        %dma_wait3A_123 = arith.constant 0 : i32
        %dma_wait3A_124 = arith.constant 0 : i32
        %dma_wait3A_125 = tpu.memref_slice %arg2[%dma_wait3A_123, %dma_wait3A_124] : memref<10112x16xf32, #tpu.memory_space<hbm>> -> memref<128x16xf32, #tpu.memory_space<hbm>>
        %dma_wait3A_126 = arith.constant 0 : i32
        %dma_wait3A_127 = arith.constant 0 : i32
        %dma_wait3A_128 = tpu.memref_slice %arg2[%dma_wait3A_126, %dma_wait3A_127] : memref<10112x16xf32, #tpu.memory_space<hbm>> -> memref<128x16xf32, #tpu.memory_space<hbm>>
        tpu.wait_dma2 semaphore(%arg16 : memref<!tpu.dma_semaphore, #tpu.memory_space<semaphore_mem>>) src(%dma_wait3A_128 : memref<128x16xf32, #tpu.memory_space<hbm>>) dst(%arg8 : memref<128x16xf32, #tpu.memory_space<vmem>>)
        %dma_start3A_129 = arith.constant 0 : i32
        %dma_start3A_130 = tpu.memref_slice %arg7[%add3A_122, %dma_start3A_129] : memref<120x128xi32, #tpu.memory_space<vmem>> -> memref<1x128xi32, #tpu.memory_space<vmem>>
        %dma_start3A_131 = tpu.memref_squeeze %dma_start3A_130 : memref<1x128xi32, #tpu.memory_space<vmem>> -> memref<128xi32, #tpu.memory_space<vmem>>
        %dma_start3A_132 = arith.constant 0 : i32
        %dma_start3A_133 = arith.constant 0 : i32
        %dma_start3A_134 = tpu.memref_slice %arg32[%dma_start3A_132, %dma_start3A_133] : memref<10112x16xf32, #tpu.memory_space<vmem_shared>> -> memref<10112x16xf32, #tpu.memory_space<vmem_shared>>
        tpu.enqueue_indirect_dma source(%arg8 : memref<128x16xf32, #tpu.memory_space<vmem>>) target(%dma_start3A_134 : memref<10112x16xf32, #tpu.memory_space<vmem_shared>>) offsets(%dma_start3A_131 : memref<128xi32, #tpu.memory_space<vmem>>) semaphore(%arg24 : memref<!tpu.dma_semaphore, #tpu.memory_space<semaphore_mem>>) {add = true}
        %ge3A = arith.constant 4 : i32
        %ge3A_135 = arith.cmpi sge, %add3A_122, %ge3A : i32
        %add3A_136 = arith.constant 4 : i32
        %add3A_137 = arith.addi %add3A_122, %add3A_136 : i32
        %lt3A = arith.constant 120 : i32
        %lt3A_138 = arith.cmpi slt, %add3A_137, %lt3A : i32
        %and3A = arith.andi %ge3A_135, %lt3A_138 : i1
        %convert_element_type3A_139 = arith.extui %and3A : i1 to i32
        %cond3A_140 = arith.constant 0 : i32
        %cond3A_141 = arith.cmpi ne, %convert_element_type3A_139, %cond3A_140 : i32
        scf.if %cond3A_141 {
          %dma_wait3A_366 = arith.constant 0 : i32
          %dma_wait3A_367 = arith.constant 0 : i32
          %dma_wait3A_368 = tpu.memref_slice %arg32[%dma_wait3A_366, %dma_wait3A_367] : memref<10112x16xf32, #tpu.memory_space<vmem_shared>> -> memref<128x16xf32, #tpu.memory_space<vmem_shared>>
          %dma_wait3A_369 = arith.constant 0 : i32
          %dma_wait3A_370 = arith.constant 0 : i32
          %dma_wait3A_371 = tpu.memref_slice %arg32[%dma_wait3A_369, %dma_wait3A_370] : memref<10112x16xf32, #tpu.memory_space<vmem_shared>> -> memref<128x16xf32, #tpu.memory_space<vmem_shared>>
          tpu.wait_dma2 semaphore(%arg28 : memref<!tpu.dma_semaphore, #tpu.memory_space<semaphore_mem>>) src(%arg12 : memref<128x16xf32, #tpu.memory_space<vmem>>) dst(%dma_wait3A_371 : memref<128x16xf32, #tpu.memory_space<vmem_shared>>)
        } else {
        }
        %add3A_142 = arith.constant 4 : i32
        %add3A_143 = arith.addi %add3A_122, %add3A_142 : i32
        %lt3A_144 = arith.constant 120 : i32
        %lt3A_145 = arith.cmpi slt, %add3A_143, %lt3A_144 : i32
        %convert_element_type3A_146 = arith.extui %lt3A_145 : i1 to i32
        %cond3A_147 = arith.constant 0 : i32
        %cond3A_148 = arith.cmpi ne, %convert_element_type3A_146, %cond3A_147 : i32
        scf.if %cond3A_148 {
          %add3A_366 = arith.constant 4 : i32
          %add3A_367 = arith.addi %add3A_122, %add3A_366 : i32
          %dma_start3A_368 = arith.constant 0 : i32
          %dma_start3A_369 = tpu.memref_slice %arg6[%add3A_367, %dma_start3A_368] : memref<120x128xi32, #tpu.memory_space<vmem>> -> memref<1x128xi32, #tpu.memory_space<vmem>>
          %dma_start3A_370 = tpu.memref_squeeze %dma_start3A_369 : memref<1x128xi32, #tpu.memory_space<vmem>> -> memref<128xi32, #tpu.memory_space<vmem>>
          %dma_start3A_371 = arith.constant 0 : i32
          %dma_start3A_372 = arith.constant 0 : i32
          %dma_start3A_373 = tpu.memref_slice %arg2[%dma_start3A_371, %dma_start3A_372] : memref<10112x16xf32, #tpu.memory_space<hbm>> -> memref<10112x16xf32, #tpu.memory_space<hbm>>
          tpu.enqueue_indirect_dma source(%dma_start3A_373 : memref<10112x16xf32, #tpu.memory_space<hbm>>) target(%arg12 : memref<128x16xf32, #tpu.memory_space<vmem>>) offsets(%dma_start3A_370 : memref<128xi32, #tpu.memory_space<vmem>>) semaphore(%arg20 : memref<!tpu.dma_semaphore, #tpu.memory_space<semaphore_mem>>)
        } else {
        }
        %add3A_149 = arith.constant 1 : i32
        %add3A_150 = arith.addi %mul3A_120, %add3A_149 : i32
        %dma_wait3A_151 = arith.constant 0 : i32
        %dma_wait3A_152 = arith.constant 0 : i32
        %dma_wait3A_153 = tpu.memref_slice %arg2[%dma_wait3A_151, %dma_wait3A_152] : memref<10112x16xf32, #tpu.memory_space<hbm>> -> memref<128x16xf32, #tpu.memory_space<hbm>>
        %dma_wait3A_154 = arith.constant 0 : i32
        %dma_wait3A_155 = arith.constant 0 : i32
        %dma_wait3A_156 = tpu.memref_slice %arg2[%dma_wait3A_154, %dma_wait3A_155] : memref<10112x16xf32, #tpu.memory_space<hbm>> -> memref<128x16xf32, #tpu.memory_space<hbm>>
        tpu.wait_dma2 semaphore(%arg17 : memref<!tpu.dma_semaphore, #tpu.memory_space<semaphore_mem>>) src(%dma_wait3A_156 : memref<128x16xf32, #tpu.memory_space<hbm>>) dst(%arg9 : memref<128x16xf32, #tpu.memory_space<vmem>>)
        %dma_start3A_157 = arith.constant 0 : i32
        %dma_start3A_158 = tpu.memref_slice %arg7[%add3A_150, %dma_start3A_157] : memref<120x128xi32, #tpu.memory_space<vmem>> -> memref<1x128xi32, #tpu.memory_space<vmem>>
        %dma_start3A_159 = tpu.memref_squeeze %dma_start3A_158 : memref<1x128xi32, #tpu.memory_space<vmem>> -> memref<128xi32, #tpu.memory_space<vmem>>
        %dma_start3A_160 = arith.constant 0 : i32
        %dma_start3A_161 = arith.constant 0 : i32
        %dma_start3A_162 = tpu.memref_slice %arg32[%dma_start3A_160, %dma_start3A_161] : memref<10112x16xf32, #tpu.memory_space<vmem_shared>> -> memref<10112x16xf32, #tpu.memory_space<vmem_shared>>
        tpu.enqueue_indirect_dma source(%arg9 : memref<128x16xf32, #tpu.memory_space<vmem>>) target(%dma_start3A_162 : memref<10112x16xf32, #tpu.memory_space<vmem_shared>>) offsets(%dma_start3A_159 : memref<128xi32, #tpu.memory_space<vmem>>) semaphore(%arg25 : memref<!tpu.dma_semaphore, #tpu.memory_space<semaphore_mem>>) {add = true}
        %ge3A_163 = arith.constant 4 : i32
        %ge3A_164 = arith.cmpi sge, %add3A_150, %ge3A_163 : i32
        %add3A_165 = arith.constant 4 : i32
        %add3A_166 = arith.addi %add3A_150, %add3A_165 : i32
        %lt3A_167 = arith.constant 120 : i32
        %lt3A_168 = arith.cmpi slt, %add3A_166, %lt3A_167 : i32
        %and3A_169 = arith.andi %ge3A_164, %lt3A_168 : i1
        %convert_element_type3A_170 = arith.extui %and3A_169 : i1 to i32
        %cond3A_171 = arith.constant 0 : i32
        %cond3A_172 = arith.cmpi ne, %convert_element_type3A_170, %cond3A_171 : i32
        scf.if %cond3A_172 {
          %dma_wait3A_366 = arith.constant 0 : i32
          %dma_wait3A_367 = arith.constant 0 : i32
          %dma_wait3A_368 = tpu.memref_slice %arg32[%dma_wait3A_366, %dma_wait3A_367] : memref<10112x16xf32, #tpu.memory_space<vmem_shared>> -> memref<128x16xf32, #tpu.memory_space<vmem_shared>>
          %dma_wait3A_369 = arith.constant 0 : i32
          %dma_wait3A_370 = arith.constant 0 : i32
          %dma_wait3A_371 = tpu.memref_slice %arg32[%dma_wait3A_369, %dma_wait3A_370] : memref<10112x16xf32, #tpu.memory_space<vmem_shared>> -> memref<128x16xf32, #tpu.memory_space<vmem_shared>>
          tpu.wait_dma2 semaphore(%arg29 : memref<!tpu.dma_semaphore, #tpu.memory_space<semaphore_mem>>) src(%arg13 : memref<128x16xf32, #tpu.memory_space<vmem>>) dst(%dma_wait3A_371 : memref<128x16xf32, #tpu.memory_space<vmem_shared>>)
        } else {
        }
        %add3A_173 = arith.constant 4 : i32
        %add3A_174 = arith.addi %add3A_150, %add3A_173 : i32
        %lt3A_175 = arith.constant 120 : i32
        %lt3A_176 = arith.cmpi slt, %add3A_174, %lt3A_175 : i32
        %convert_element_type3A_177 = arith.extui %lt3A_176 : i1 to i32
        %cond3A_178 = arith.constant 0 : i32
        %cond3A_179 = arith.cmpi ne, %convert_element_type3A_177, %cond3A_178 : i32
        scf.if %cond3A_179 {
          %add3A_366 = arith.constant 4 : i32
          %add3A_367 = arith.addi %add3A_150, %add3A_366 : i32
          %dma_start3A_368 = arith.constant 0 : i32
          %dma_start3A_369 = tpu.memref_slice %arg6[%add3A_367, %dma_start3A_368] : memref<120x128xi32, #tpu.memory_space<vmem>> -> memref<1x128xi32, #tpu.memory_space<vmem>>
          %dma_start3A_370 = tpu.memref_squeeze %dma_start3A_369 : memref<1x128xi32, #tpu.memory_space<vmem>> -> memref<128xi32, #tpu.memory_space<vmem>>
          %dma_start3A_371 = arith.constant 0 : i32
          %dma_start3A_372 = arith.constant 0 : i32
          %dma_start3A_373 = tpu.memref_slice %arg2[%dma_start3A_371, %dma_start3A_372] : memref<10112x16xf32, #tpu.memory_space<hbm>> -> memref<10112x16xf32, #tpu.memory_space<hbm>>
          tpu.enqueue_indirect_dma source(%dma_start3A_373 : memref<10112x16xf32, #tpu.memory_space<hbm>>) target(%arg13 : memref<128x16xf32, #tpu.memory_space<vmem>>) offsets(%dma_start3A_370 : memref<128xi32, #tpu.memory_space<vmem>>) semaphore(%arg21 : memref<!tpu.dma_semaphore, #tpu.memory_space<semaphore_mem>>)
        } else {
        }
        %add3A_180 = arith.constant 2 : i32
        %add3A_181 = arith.addi %mul3A_120, %add3A_180 : i32
        %dma_wait3A_182 = arith.constant 0 : i32
        %dma_wait3A_183 = arith.constant 0 : i32
        %dma_wait3A_184 = tpu.memref_slice %arg2[%dma_wait3A_182, %dma_wait3A_183] : memref<10112x16xf32, #tpu.memory_space<hbm>> -> memref<128x16xf32, #tpu.memory_space<hbm>>
        %dma_wait3A_185 = arith.constant 0 : i32
        %dma_wait3A_186 = arith.constant 0 : i32
        %dma_wait3A_187 = tpu.memref_slice %arg2[%dma_wait3A_185, %dma_wait3A_186] : memref<10112x16xf32, #tpu.memory_space<hbm>> -> memref<128x16xf32, #tpu.memory_space<hbm>>
        tpu.wait_dma2 semaphore(%arg18 : memref<!tpu.dma_semaphore, #tpu.memory_space<semaphore_mem>>) src(%dma_wait3A_187 : memref<128x16xf32, #tpu.memory_space<hbm>>) dst(%arg10 : memref<128x16xf32, #tpu.memory_space<vmem>>)
        %dma_start3A_188 = arith.constant 0 : i32
        %dma_start3A_189 = tpu.memref_slice %arg7[%add3A_181, %dma_start3A_188] : memref<120x128xi32, #tpu.memory_space<vmem>> -> memref<1x128xi32, #tpu.memory_space<vmem>>
        %dma_start3A_190 = tpu.memref_squeeze %dma_start3A_189 : memref<1x128xi32, #tpu.memory_space<vmem>> -> memref<128xi32, #tpu.memory_space<vmem>>
        %dma_start3A_191 = arith.constant 0 : i32
        %dma_start3A_192 = arith.constant 0 : i32
        %dma_start3A_193 = tpu.memref_slice %arg32[%dma_start3A_191, %dma_start3A_192] : memref<10112x16xf32, #tpu.memory_space<vmem_shared>> -> memref<10112x16xf32, #tpu.memory_space<vmem_shared>>
        tpu.enqueue_indirect_dma source(%arg10 : memref<128x16xf32, #tpu.memory_space<vmem>>) target(%dma_start3A_193 : memref<10112x16xf32, #tpu.memory_space<vmem_shared>>) offsets(%dma_start3A_190 : memref<128xi32, #tpu.memory_space<vmem>>) semaphore(%arg26 : memref<!tpu.dma_semaphore, #tpu.memory_space<semaphore_mem>>) {add = true}
        %ge3A_194 = arith.constant 4 : i32
        %ge3A_195 = arith.cmpi sge, %add3A_181, %ge3A_194 : i32
        %add3A_196 = arith.constant 4 : i32
        %add3A_197 = arith.addi %add3A_181, %add3A_196 : i32
        %lt3A_198 = arith.constant 120 : i32
        %lt3A_199 = arith.cmpi slt, %add3A_197, %lt3A_198 : i32
        %and3A_200 = arith.andi %ge3A_195, %lt3A_199 : i1
        %convert_element_type3A_201 = arith.extui %and3A_200 : i1 to i32
        %cond3A_202 = arith.constant 0 : i32
        %cond3A_203 = arith.cmpi ne, %convert_element_type3A_201, %cond3A_202 : i32
        scf.if %cond3A_203 {
          %dma_wait3A_366 = arith.constant 0 : i32
          %dma_wait3A_367 = arith.constant 0 : i32
          %dma_wait3A_368 = tpu.memref_slice %arg32[%dma_wait3A_366, %dma_wait3A_367] : memref<10112x16xf32, #tpu.memory_space<vmem_shared>> -> memref<128x16xf32, #tpu.memory_space<vmem_shared>>
          %dma_wait3A_369 = arith.constant 0 : i32
          %dma_wait3A_370 = arith.constant 0 : i32
          %dma_wait3A_371 = tpu.memref_slice %arg32[%dma_wait3A_369, %dma_wait3A_370] : memref<10112x16xf32, #tpu.memory_space<vmem_shared>> -> memref<128x16xf32, #tpu.memory_space<vmem_shared>>
          tpu.wait_dma2 semaphore(%arg30 : memref<!tpu.dma_semaphore, #tpu.memory_space<semaphore_mem>>) src(%arg14 : memref<128x16xf32, #tpu.memory_space<vmem>>) dst(%dma_wait3A_371 : memref<128x16xf32, #tpu.memory_space<vmem_shared>>)
        } else {
        }
        %add3A_204 = arith.constant 4 : i32
        %add3A_205 = arith.addi %add3A_181, %add3A_204 : i32
        %lt3A_206 = arith.constant 120 : i32
        %lt3A_207 = arith.cmpi slt, %add3A_205, %lt3A_206 : i32
        %convert_element_type3A_208 = arith.extui %lt3A_207 : i1 to i32
        %cond3A_209 = arith.constant 0 : i32
        %cond3A_210 = arith.cmpi ne, %convert_element_type3A_208, %cond3A_209 : i32
        scf.if %cond3A_210 {
          %add3A_366 = arith.constant 4 : i32
          %add3A_367 = arith.addi %add3A_181, %add3A_366 : i32
          %dma_start3A_368 = arith.constant 0 : i32
          %dma_start3A_369 = tpu.memref_slice %arg6[%add3A_367, %dma_start3A_368] : memref<120x128xi32, #tpu.memory_space<vmem>> -> memref<1x128xi32, #tpu.memory_space<vmem>>
          %dma_start3A_370 = tpu.memref_squeeze %dma_start3A_369 : memref<1x128xi32, #tpu.memory_space<vmem>> -> memref<128xi32, #tpu.memory_space<vmem>>
          %dma_start3A_371 = arith.constant 0 : i32
          %dma_start3A_372 = arith.constant 0 : i32
          %dma_start3A_373 = tpu.memref_slice %arg2[%dma_start3A_371, %dma_start3A_372] : memref<10112x16xf32, #tpu.memory_space<hbm>> -> memref<10112x16xf32, #tpu.memory_space<hbm>>
          tpu.enqueue_indirect_dma source(%dma_start3A_373 : memref<10112x16xf32, #tpu.memory_space<hbm>>) target(%arg14 : memref<128x16xf32, #tpu.memory_space<vmem>>) offsets(%dma_start3A_370 : memref<128xi32, #tpu.memory_space<vmem>>) semaphore(%arg22 : memref<!tpu.dma_semaphore, #tpu.memory_space<semaphore_mem>>)
        } else {
        }
        %add3A_211 = arith.constant 3 : i32
        %add3A_212 = arith.addi %mul3A_120, %add3A_211 : i32
        %dma_wait3A_213 = arith.constant 0 : i32
        %dma_wait3A_214 = arith.constant 0 : i32
        %dma_wait3A_215 = tpu.memref_slice %arg2[%dma_wait3A_213, %dma_wait3A_214] : memref<10112x16xf32, #tpu.memory_space<hbm>> -> memref<128x16xf32, #tpu.memory_space<hbm>>
        %dma_wait3A_216 = arith.constant 0 : i32
        %dma_wait3A_217 = arith.constant 0 : i32
        %dma_wait3A_218 = tpu.memref_slice %arg2[%dma_wait3A_216, %dma_wait3A_217] : memref<10112x16xf32, #tpu.memory_space<hbm>> -> memref<128x16xf32, #tpu.memory_space<hbm>>
        tpu.wait_dma2 semaphore(%arg19 : memref<!tpu.dma_semaphore, #tpu.memory_space<semaphore_mem>>) src(%dma_wait3A_218 : memref<128x16xf32, #tpu.memory_space<hbm>>) dst(%arg11 : memref<128x16xf32, #tpu.memory_space<vmem>>)
        %dma_start3A_219 = arith.constant 0 : i32
        %dma_start3A_220 = tpu.memref_slice %arg7[%add3A_212, %dma_start3A_219] : memref<120x128xi32, #tpu.memory_space<vmem>> -> memref<1x128xi32, #tpu.memory_space<vmem>>
        %dma_start3A_221 = tpu.memref_squeeze %dma_start3A_220 : memref<1x128xi32, #tpu.memory_space<vmem>> -> memref<128xi32, #tpu.memory_space<vmem>>
        %dma_start3A_222 = arith.constant 0 : i32
        %dma_start3A_223 = arith.constant 0 : i32
        %dma_start3A_224 = tpu.memref_slice %arg32[%dma_start3A_222, %dma_start3A_223] : memref<10112x16xf32, #tpu.memory_space<vmem_shared>> -> memref<10112x16xf32, #tpu.memory_space<vmem_shared>>
        tpu.enqueue_indirect_dma source(%arg11 : memref<128x16xf32, #tpu.memory_space<vmem>>) target(%dma_start3A_224 : memref<10112x16xf32, #tpu.memory_space<vmem_shared>>) offsets(%dma_start3A_221 : memref<128xi32, #tpu.memory_space<vmem>>) semaphore(%arg27 : memref<!tpu.dma_semaphore, #tpu.memory_space<semaphore_mem>>) {add = true}
        %ge3A_225 = arith.constant 4 : i32
        %ge3A_226 = arith.cmpi sge, %add3A_212, %ge3A_225 : i32
        %add3A_227 = arith.constant 4 : i32
        %add3A_228 = arith.addi %add3A_212, %add3A_227 : i32
        %lt3A_229 = arith.constant 120 : i32
        %lt3A_230 = arith.cmpi slt, %add3A_228, %lt3A_229 : i32
        %and3A_231 = arith.andi %ge3A_226, %lt3A_230 : i1
        %convert_element_type3A_232 = arith.extui %and3A_231 : i1 to i32
        %cond3A_233 = arith.constant 0 : i32
        %cond3A_234 = arith.cmpi ne, %convert_element_type3A_232, %cond3A_233 : i32
        scf.if %cond3A_234 {
          %dma_wait3A_366 = arith.constant 0 : i32
          %dma_wait3A_367 = arith.constant 0 : i32
          %dma_wait3A_368 = tpu.memref_slice %arg32[%dma_wait3A_366, %dma_wait3A_367] : memref<10112x16xf32, #tpu.memory_space<vmem_shared>> -> memref<128x16xf32, #tpu.memory_space<vmem_shared>>
          %dma_wait3A_369 = arith.constant 0 : i32
          %dma_wait3A_370 = arith.constant 0 : i32
          %dma_wait3A_371 = tpu.memref_slice %arg32[%dma_wait3A_369, %dma_wait3A_370] : memref<10112x16xf32, #tpu.memory_space<vmem_shared>> -> memref<128x16xf32, #tpu.memory_space<vmem_shared>>
          tpu.wait_dma2 semaphore(%arg31 : memref<!tpu.dma_semaphore, #tpu.memory_space<semaphore_mem>>) src(%arg15 : memref<128x16xf32, #tpu.memory_space<vmem>>) dst(%dma_wait3A_371 : memref<128x16xf32, #tpu.memory_space<vmem_shared>>)
        } else {
        }
        %add3A_235 = arith.constant 4 : i32
        %add3A_236 = arith.addi %add3A_212, %add3A_235 : i32
        %lt3A_237 = arith.constant 120 : i32
        %lt3A_238 = arith.cmpi slt, %add3A_236, %lt3A_237 : i32
        %convert_element_type3A_239 = arith.extui %lt3A_238 : i1 to i32
        %cond3A_240 = arith.constant 0 : i32
        %cond3A_241 = arith.cmpi ne, %convert_element_type3A_239, %cond3A_240 : i32
        scf.if %cond3A_241 {
          %add3A_366 = arith.constant 4 : i32
          %add3A_367 = arith.addi %add3A_212, %add3A_366 : i32
          %dma_start3A_368 = arith.constant 0 : i32
          %dma_start3A_369 = tpu.memref_slice %arg6[%add3A_367, %dma_start3A_368] : memref<120x128xi32, #tpu.memory_space<vmem>> -> memref<1x128xi32, #tpu.memory_space<vmem>>
          %dma_start3A_370 = tpu.memref_squeeze %dma_start3A_369 : memref<1x128xi32, #tpu.memory_space<vmem>> -> memref<128xi32, #tpu.memory_space<vmem>>
          %dma_start3A_371 = arith.constant 0 : i32
          %dma_start3A_372 = arith.constant 0 : i32
          %dma_start3A_373 = tpu.memref_slice %arg2[%dma_start3A_371, %dma_start3A_372] : memref<10112x16xf32, #tpu.memory_space<hbm>> -> memref<10112x16xf32, #tpu.memory_space<hbm>>
          tpu.enqueue_indirect_dma source(%dma_start3A_373 : memref<10112x16xf32, #tpu.memory_space<hbm>>) target(%arg15 : memref<128x16xf32, #tpu.memory_space<vmem>>) offsets(%dma_start3A_370 : memref<128xi32, #tpu.memory_space<vmem>>) semaphore(%arg23 : memref<!tpu.dma_semaphore, #tpu.memory_space<semaphore_mem>>)
        } else {
        }
        %add3A_242 = arith.constant 4 : i32
        %add3A_243 = arith.addi %mul3A_120, %add3A_242 : i32
        %dma_wait3A_244 = arith.constant 0 : i32
        %dma_wait3A_245 = arith.constant 0 : i32
        %dma_wait3A_246 = tpu.memref_slice %arg2[%dma_wait3A_244, %dma_wait3A_245] : memref<10112x16xf32, #tpu.memory_space<hbm>> -> memref<128x16xf32, #tpu.memory_space<hbm>>
        %dma_wait3A_247 = arith.constant 0 : i32
        %dma_wait3A_248 = arith.constant 0 : i32
        %dma_wait3A_249 = tpu.memref_slice %arg2[%dma_wait3A_247, %dma_wait3A_248] : memref<10112x16xf32, #tpu.memory_space<hbm>> -> memref<128x16xf32, #tpu.memory_space<hbm>>
        tpu.wait_dma2 semaphore(%arg20 : memref<!tpu.dma_semaphore, #tpu.memory_space<semaphore_mem>>) src(%dma_wait3A_249 : memref<128x16xf32, #tpu.memory_space<hbm>>) dst(%arg12 : memref<128x16xf32, #tpu.memory_space<vmem>>)
        %dma_start3A_250 = arith.constant 0 : i32
        %dma_start3A_251 = tpu.memref_slice %arg7[%add3A_243, %dma_start3A_250] : memref<120x128xi32, #tpu.memory_space<vmem>> -> memref<1x128xi32, #tpu.memory_space<vmem>>
        %dma_start3A_252 = tpu.memref_squeeze %dma_start3A_251 : memref<1x128xi32, #tpu.memory_space<vmem>> -> memref<128xi32, #tpu.memory_space<vmem>>
        %dma_start3A_253 = arith.constant 0 : i32
        %dma_start3A_254 = arith.constant 0 : i32
        %dma_start3A_255 = tpu.memref_slice %arg32[%dma_start3A_253, %dma_start3A_254] : memref<10112x16xf32, #tpu.memory_space<vmem_shared>> -> memref<10112x16xf32, #tpu.memory_space<vmem_shared>>
        tpu.enqueue_indirect_dma source(%arg12 : memref<128x16xf32, #tpu.memory_space<vmem>>) target(%dma_start3A_255 : memref<10112x16xf32, #tpu.memory_space<vmem_shared>>) offsets(%dma_start3A_252 : memref<128xi32, #tpu.memory_space<vmem>>) semaphore(%arg28 : memref<!tpu.dma_semaphore, #tpu.memory_space<semaphore_mem>>) {add = true}
        %ge3A_256 = arith.constant 4 : i32
        %ge3A_257 = arith.cmpi sge, %add3A_243, %ge3A_256 : i32
        %add3A_258 = arith.constant 4 : i32
        %add3A_259 = arith.addi %add3A_243, %add3A_258 : i32
        %lt3A_260 = arith.constant 120 : i32
        %lt3A_261 = arith.cmpi slt, %add3A_259, %lt3A_260 : i32
        %and3A_262 = arith.andi %ge3A_257, %lt3A_261 : i1
        %convert_element_type3A_263 = arith.extui %and3A_262 : i1 to i32
        %cond3A_264 = arith.constant 0 : i32
        %cond3A_265 = arith.cmpi ne, %convert_element_type3A_263, %cond3A_264 : i32
        scf.if %cond3A_265 {
          %dma_wait3A_366 = arith.constant 0 : i32
          %dma_wait3A_367 = arith.constant 0 : i32
          %dma_wait3A_368 = tpu.memref_slice %arg32[%dma_wait3A_366, %dma_wait3A_367] : memref<10112x16xf32, #tpu.memory_space<vmem_shared>> -> memref<128x16xf32, #tpu.memory_space<vmem_shared>>
          %dma_wait3A_369 = arith.constant 0 : i32
          %dma_wait3A_370 = arith.constant 0 : i32
          %dma_wait3A_371 = tpu.memref_slice %arg32[%dma_wait3A_369, %dma_wait3A_370] : memref<10112x16xf32, #tpu.memory_space<vmem_shared>> -> memref<128x16xf32, #tpu.memory_space<vmem_shared>>
          tpu.wait_dma2 semaphore(%arg24 : memref<!tpu.dma_semaphore, #tpu.memory_space<semaphore_mem>>) src(%arg8 : memref<128x16xf32, #tpu.memory_space<vmem>>) dst(%dma_wait3A_371 : memref<128x16xf32, #tpu.memory_space<vmem_shared>>)
        } else {
        }
        %add3A_266 = arith.constant 4 : i32
        %add3A_267 = arith.addi %add3A_243, %add3A_266 : i32
        %lt3A_268 = arith.constant 120 : i32
        %lt3A_269 = arith.cmpi slt, %add3A_267, %lt3A_268 : i32
        %convert_element_type3A_270 = arith.extui %lt3A_269 : i1 to i32
        %cond3A_271 = arith.constant 0 : i32
        %cond3A_272 = arith.cmpi ne, %convert_element_type3A_270, %cond3A_271 : i32
        scf.if %cond3A_272 {
          %add3A_366 = arith.constant 4 : i32
          %add3A_367 = arith.addi %add3A_243, %add3A_366 : i32
          %dma_start3A_368 = arith.constant 0 : i32
          %dma_start3A_369 = tpu.memref_slice %arg6[%add3A_367, %dma_start3A_368] : memref<120x128xi32, #tpu.memory_space<vmem>> -> memref<1x128xi32, #tpu.memory_space<vmem>>
          %dma_start3A_370 = tpu.memref_squeeze %dma_start3A_369 : memref<1x128xi32, #tpu.memory_space<vmem>> -> memref<128xi32, #tpu.memory_space<vmem>>
          %dma_start3A_371 = arith.constant 0 : i32
          %dma_start3A_372 = arith.constant 0 : i32
          %dma_start3A_373 = tpu.memref_slice %arg2[%dma_start3A_371, %dma_start3A_372] : memref<10112x16xf32, #tpu.memory_space<hbm>> -> memref<10112x16xf32, #tpu.memory_space<hbm>>
          tpu.enqueue_indirect_dma source(%dma_start3A_373 : memref<10112x16xf32, #tpu.memory_space<hbm>>) target(%arg8 : memref<128x16xf32, #tpu.memory_space<vmem>>) offsets(%dma_start3A_370 : memref<128xi32, #tpu.memory_space<vmem>>) semaphore(%arg16 : memref<!tpu.dma_semaphore, #tpu.memory_space<semaphore_mem>>)
        } else {
        }
        %add3A_273 = arith.constant 5 : i32
        %add3A_274 = arith.addi %mul3A_120, %add3A_273 : i32
        %dma_wait3A_275 = arith.constant 0 : i32
        %dma_wait3A_276 = arith.constant 0 : i32
        %dma_wait3A_277 = tpu.memref_slice %arg2[%dma_wait3A_275, %dma_wait3A_276] : memref<10112x16xf32, #tpu.memory_space<hbm>> -> memref<128x16xf32, #tpu.memory_space<hbm>>
        %dma_wait3A_278 = arith.constant 0 : i32
        %dma_wait3A_279 = arith.constant 0 : i32
        %dma_wait3A_280 = tpu.memref_slice %arg2[%dma_wait3A_278, %dma_wait3A_279] : memref<10112x16xf32, #tpu.memory_space<hbm>> -> memref<128x16xf32, #tpu.memory_space<hbm>>
        tpu.wait_dma2 semaphore(%arg21 : memref<!tpu.dma_semaphore, #tpu.memory_space<semaphore_mem>>) src(%dma_wait3A_280 : memref<128x16xf32, #tpu.memory_space<hbm>>) dst(%arg13 : memref<128x16xf32, #tpu.memory_space<vmem>>)
        %dma_start3A_281 = arith.constant 0 : i32
        %dma_start3A_282 = tpu.memref_slice %arg7[%add3A_274, %dma_start3A_281] : memref<120x128xi32, #tpu.memory_space<vmem>> -> memref<1x128xi32, #tpu.memory_space<vmem>>
        %dma_start3A_283 = tpu.memref_squeeze %dma_start3A_282 : memref<1x128xi32, #tpu.memory_space<vmem>> -> memref<128xi32, #tpu.memory_space<vmem>>
        %dma_start3A_284 = arith.constant 0 : i32
        %dma_start3A_285 = arith.constant 0 : i32
        %dma_start3A_286 = tpu.memref_slice %arg32[%dma_start3A_284, %dma_start3A_285] : memref<10112x16xf32, #tpu.memory_space<vmem_shared>> -> memref<10112x16xf32, #tpu.memory_space<vmem_shared>>
        tpu.enqueue_indirect_dma source(%arg13 : memref<128x16xf32, #tpu.memory_space<vmem>>) target(%dma_start3A_286 : memref<10112x16xf32, #tpu.memory_space<vmem_shared>>) offsets(%dma_start3A_283 : memref<128xi32, #tpu.memory_space<vmem>>) semaphore(%arg29 : memref<!tpu.dma_semaphore, #tpu.memory_space<semaphore_mem>>) {add = true}
        %ge3A_287 = arith.constant 4 : i32
        %ge3A_288 = arith.cmpi sge, %add3A_274, %ge3A_287 : i32
        %add3A_289 = arith.constant 4 : i32
        %add3A_290 = arith.addi %add3A_274, %add3A_289 : i32
        %lt3A_291 = arith.constant 120 : i32
        %lt3A_292 = arith.cmpi slt, %add3A_290, %lt3A_291 : i32
        %and3A_293 = arith.andi %ge3A_288, %lt3A_292 : i1
        %convert_element_type3A_294 = arith.extui %and3A_293 : i1 to i32
        %cond3A_295 = arith.constant 0 : i32
        %cond3A_296 = arith.cmpi ne, %convert_element_type3A_294, %cond3A_295 : i32
        scf.if %cond3A_296 {
          %dma_wait3A_366 = arith.constant 0 : i32
          %dma_wait3A_367 = arith.constant 0 : i32
          %dma_wait3A_368 = tpu.memref_slice %arg32[%dma_wait3A_366, %dma_wait3A_367] : memref<10112x16xf32, #tpu.memory_space<vmem_shared>> -> memref<128x16xf32, #tpu.memory_space<vmem_shared>>
          %dma_wait3A_369 = arith.constant 0 : i32
          %dma_wait3A_370 = arith.constant 0 : i32
          %dma_wait3A_371 = tpu.memref_slice %arg32[%dma_wait3A_369, %dma_wait3A_370] : memref<10112x16xf32, #tpu.memory_space<vmem_shared>> -> memref<128x16xf32, #tpu.memory_space<vmem_shared>>
          tpu.wait_dma2 semaphore(%arg25 : memref<!tpu.dma_semaphore, #tpu.memory_space<semaphore_mem>>) src(%arg9 : memref<128x16xf32, #tpu.memory_space<vmem>>) dst(%dma_wait3A_371 : memref<128x16xf32, #tpu.memory_space<vmem_shared>>)
        } else {
        }
        %add3A_297 = arith.constant 4 : i32
        %add3A_298 = arith.addi %add3A_274, %add3A_297 : i32
        %lt3A_299 = arith.constant 120 : i32
        %lt3A_300 = arith.cmpi slt, %add3A_298, %lt3A_299 : i32
        %convert_element_type3A_301 = arith.extui %lt3A_300 : i1 to i32
        %cond3A_302 = arith.constant 0 : i32
        %cond3A_303 = arith.cmpi ne, %convert_element_type3A_301, %cond3A_302 : i32
        scf.if %cond3A_303 {
          %add3A_366 = arith.constant 4 : i32
          %add3A_367 = arith.addi %add3A_274, %add3A_366 : i32
          %dma_start3A_368 = arith.constant 0 : i32
          %dma_start3A_369 = tpu.memref_slice %arg6[%add3A_367, %dma_start3A_368] : memref<120x128xi32, #tpu.memory_space<vmem>> -> memref<1x128xi32, #tpu.memory_space<vmem>>
          %dma_start3A_370 = tpu.memref_squeeze %dma_start3A_369 : memref<1x128xi32, #tpu.memory_space<vmem>> -> memref<128xi32, #tpu.memory_space<vmem>>
          %dma_start3A_371 = arith.constant 0 : i32
          %dma_start3A_372 = arith.constant 0 : i32
          %dma_start3A_373 = tpu.memref_slice %arg2[%dma_start3A_371, %dma_start3A_372] : memref<10112x16xf32, #tpu.memory_space<hbm>> -> memref<10112x16xf32, #tpu.memory_space<hbm>>
          tpu.enqueue_indirect_dma source(%dma_start3A_373 : memref<10112x16xf32, #tpu.memory_space<hbm>>) target(%arg9 : memref<128x16xf32, #tpu.memory_space<vmem>>) offsets(%dma_start3A_370 : memref<128xi32, #tpu.memory_space<vmem>>) semaphore(%arg17 : memref<!tpu.dma_semaphore, #tpu.memory_space<semaphore_mem>>)
        } else {
        }
        %add3A_304 = arith.constant 6 : i32
        %add3A_305 = arith.addi %mul3A_120, %add3A_304 : i32
        %dma_wait3A_306 = arith.constant 0 : i32
        %dma_wait3A_307 = arith.constant 0 : i32
        %dma_wait3A_308 = tpu.memref_slice %arg2[%dma_wait3A_306, %dma_wait3A_307] : memref<10112x16xf32, #tpu.memory_space<hbm>> -> memref<128x16xf32, #tpu.memory_space<hbm>>
        %dma_wait3A_309 = arith.constant 0 : i32
        %dma_wait3A_310 = arith.constant 0 : i32
        %dma_wait3A_311 = tpu.memref_slice %arg2[%dma_wait3A_309, %dma_wait3A_310] : memref<10112x16xf32, #tpu.memory_space<hbm>> -> memref<128x16xf32, #tpu.memory_space<hbm>>
        tpu.wait_dma2 semaphore(%arg22 : memref<!tpu.dma_semaphore, #tpu.memory_space<semaphore_mem>>) src(%dma_wait3A_311 : memref<128x16xf32, #tpu.memory_space<hbm>>) dst(%arg14 : memref<128x16xf32, #tpu.memory_space<vmem>>)
        %dma_start3A_312 = arith.constant 0 : i32
        %dma_start3A_313 = tpu.memref_slice %arg7[%add3A_305, %dma_start3A_312] : memref<120x128xi32, #tpu.memory_space<vmem>> -> memref<1x128xi32, #tpu.memory_space<vmem>>
        %dma_start3A_314 = tpu.memref_squeeze %dma_start3A_313 : memref<1x128xi32, #tpu.memory_space<vmem>> -> memref<128xi32, #tpu.memory_space<vmem>>
        %dma_start3A_315 = arith.constant 0 : i32
        %dma_start3A_316 = arith.constant 0 : i32
        %dma_start3A_317 = tpu.memref_slice %arg32[%dma_start3A_315, %dma_start3A_316] : memref<10112x16xf32, #tpu.memory_space<vmem_shared>> -> memref<10112x16xf32, #tpu.memory_space<vmem_shared>>
        tpu.enqueue_indirect_dma source(%arg14 : memref<128x16xf32, #tpu.memory_space<vmem>>) target(%dma_start3A_317 : memref<10112x16xf32, #tpu.memory_space<vmem_shared>>) offsets(%dma_start3A_314 : memref<128xi32, #tpu.memory_space<vmem>>) semaphore(%arg30 : memref<!tpu.dma_semaphore, #tpu.memory_space<semaphore_mem>>) {add = true}
        %ge3A_318 = arith.constant 4 : i32
        %ge3A_319 = arith.cmpi sge, %add3A_305, %ge3A_318 : i32
        %add3A_320 = arith.constant 4 : i32
        %add3A_321 = arith.addi %add3A_305, %add3A_320 : i32
        %lt3A_322 = arith.constant 120 : i32
        %lt3A_323 = arith.cmpi slt, %add3A_321, %lt3A_322 : i32
        %and3A_324 = arith.andi %ge3A_319, %lt3A_323 : i1
        %convert_element_type3A_325 = arith.extui %and3A_324 : i1 to i32
        %cond3A_326 = arith.constant 0 : i32
        %cond3A_327 = arith.cmpi ne, %convert_element_type3A_325, %cond3A_326 : i32
        scf.if %cond3A_327 {
          %dma_wait3A_366 = arith.constant 0 : i32
          %dma_wait3A_367 = arith.constant 0 : i32
          %dma_wait3A_368 = tpu.memref_slice %arg32[%dma_wait3A_366, %dma_wait3A_367] : memref<10112x16xf32, #tpu.memory_space<vmem_shared>> -> memref<128x16xf32, #tpu.memory_space<vmem_shared>>
          %dma_wait3A_369 = arith.constant 0 : i32
          %dma_wait3A_370 = arith.constant 0 : i32
          %dma_wait3A_371 = tpu.memref_slice %arg32[%dma_wait3A_369, %dma_wait3A_370] : memref<10112x16xf32, #tpu.memory_space<vmem_shared>> -> memref<128x16xf32, #tpu.memory_space<vmem_shared>>
          tpu.wait_dma2 semaphore(%arg26 : memref<!tpu.dma_semaphore, #tpu.memory_space<semaphore_mem>>) src(%arg10 : memref<128x16xf32, #tpu.memory_space<vmem>>) dst(%dma_wait3A_371 : memref<128x16xf32, #tpu.memory_space<vmem_shared>>)
        } else {
        }
        %add3A_328 = arith.constant 4 : i32
        %add3A_329 = arith.addi %add3A_305, %add3A_328 : i32
        %lt3A_330 = arith.constant 120 : i32
        %lt3A_331 = arith.cmpi slt, %add3A_329, %lt3A_330 : i32
        %convert_element_type3A_332 = arith.extui %lt3A_331 : i1 to i32
        %cond3A_333 = arith.constant 0 : i32
        %cond3A_334 = arith.cmpi ne, %convert_element_type3A_332, %cond3A_333 : i32
        scf.if %cond3A_334 {
          %add3A_366 = arith.constant 4 : i32
          %add3A_367 = arith.addi %add3A_305, %add3A_366 : i32
          %dma_start3A_368 = arith.constant 0 : i32
          %dma_start3A_369 = tpu.memref_slice %arg6[%add3A_367, %dma_start3A_368] : memref<120x128xi32, #tpu.memory_space<vmem>> -> memref<1x128xi32, #tpu.memory_space<vmem>>
          %dma_start3A_370 = tpu.memref_squeeze %dma_start3A_369 : memref<1x128xi32, #tpu.memory_space<vmem>> -> memref<128xi32, #tpu.memory_space<vmem>>
          %dma_start3A_371 = arith.constant 0 : i32
          %dma_start3A_372 = arith.constant 0 : i32
          %dma_start3A_373 = tpu.memref_slice %arg2[%dma_start3A_371, %dma_start3A_372] : memref<10112x16xf32, #tpu.memory_space<hbm>> -> memref<10112x16xf32, #tpu.memory_space<hbm>>
          tpu.enqueue_indirect_dma source(%dma_start3A_373 : memref<10112x16xf32, #tpu.memory_space<hbm>>) target(%arg10 : memref<128x16xf32, #tpu.memory_space<vmem>>) offsets(%dma_start3A_370 : memref<128xi32, #tpu.memory_space<vmem>>) semaphore(%arg18 : memref<!tpu.dma_semaphore, #tpu.memory_space<semaphore_mem>>)
        } else {
        }
        %add3A_335 = arith.constant 7 : i32
        %add3A_336 = arith.addi %mul3A_120, %add3A_335 : i32
        %dma_wait3A_337 = arith.constant 0 : i32
        %dma_wait3A_338 = arith.constant 0 : i32
        %dma_wait3A_339 = tpu.memref_slice %arg2[%dma_wait3A_337, %dma_wait3A_338] : memref<10112x16xf32, #tpu.memory_space<hbm>> -> memref<128x16xf32, #tpu.memory_space<hbm>>
        %dma_wait3A_340 = arith.constant 0 : i32
        %dma_wait3A_341 = arith.constant 0 : i32
        %dma_wait3A_342 = tpu.memref_slice %arg2[%dma_wait3A_340, %dma_wait3A_341] : memref<10112x16xf32, #tpu.memory_space<hbm>> -> memref<128x16xf32, #tpu.memory_space<hbm>>
        tpu.wait_dma2 semaphore(%arg23 : memref<!tpu.dma_semaphore, #tpu.memory_space<semaphore_mem>>) src(%dma_wait3A_342 : memref<128x16xf32, #tpu.memory_space<hbm>>) dst(%arg15 : memref<128x16xf32, #tpu.memory_space<vmem>>)
        %dma_start3A_343 = arith.constant 0 : i32
        %dma_start3A_344 = tpu.memref_slice %arg7[%add3A_336, %dma_start3A_343] : memref<120x128xi32, #tpu.memory_space<vmem>> -> memref<1x128xi32, #tpu.memory_space<vmem>>
        %dma_start3A_345 = tpu.memref_squeeze %dma_start3A_344 : memref<1x128xi32, #tpu.memory_space<vmem>> -> memref<128xi32, #tpu.memory_space<vmem>>
        %dma_start3A_346 = arith.constant 0 : i32
        %dma_start3A_347 = arith.constant 0 : i32
        %dma_start3A_348 = tpu.memref_slice %arg32[%dma_start3A_346, %dma_start3A_347] : memref<10112x16xf32, #tpu.memory_space<vmem_shared>> -> memref<10112x16xf32, #tpu.memory_space<vmem_shared>>
        tpu.enqueue_indirect_dma source(%arg15 : memref<128x16xf32, #tpu.memory_space<vmem>>) target(%dma_start3A_348 : memref<10112x16xf32, #tpu.memory_space<vmem_shared>>) offsets(%dma_start3A_345 : memref<128xi32, #tpu.memory_space<vmem>>) semaphore(%arg31 : memref<!tpu.dma_semaphore, #tpu.memory_space<semaphore_mem>>) {add = true}
        %ge3A_349 = arith.constant 4 : i32
        %ge3A_350 = arith.cmpi sge, %add3A_336, %ge3A_349 : i32
        %add3A_351 = arith.constant 4 : i32
        %add3A_352 = arith.addi %add3A_336, %add3A_351 : i32
        %lt3A_353 = arith.constant 120 : i32
        %lt3A_354 = arith.cmpi slt, %add3A_352, %lt3A_353 : i32
        %and3A_355 = arith.andi %ge3A_350, %lt3A_354 : i1
        %convert_element_type3A_356 = arith.extui %and3A_355 : i1 to i32
        %cond3A_357 = arith.constant 0 : i32
        %cond3A_358 = arith.cmpi ne, %convert_element_type3A_356, %cond3A_357 : i32
        scf.if %cond3A_358 {
          %dma_wait3A_366 = arith.constant 0 : i32
          %dma_wait3A_367 = arith.constant 0 : i32
          %dma_wait3A_368 = tpu.memref_slice %arg32[%dma_wait3A_366, %dma_wait3A_367] : memref<10112x16xf32, #tpu.memory_space<vmem_shared>> -> memref<128x16xf32, #tpu.memory_space<vmem_shared>>
          %dma_wait3A_369 = arith.constant 0 : i32
          %dma_wait3A_370 = arith.constant 0 : i32
          %dma_wait3A_371 = tpu.memref_slice %arg32[%dma_wait3A_369, %dma_wait3A_370] : memref<10112x16xf32, #tpu.memory_space<vmem_shared>> -> memref<128x16xf32, #tpu.memory_space<vmem_shared>>
          tpu.wait_dma2 semaphore(%arg27 : memref<!tpu.dma_semaphore, #tpu.memory_space<semaphore_mem>>) src(%arg11 : memref<128x16xf32, #tpu.memory_space<vmem>>) dst(%dma_wait3A_371 : memref<128x16xf32, #tpu.memory_space<vmem_shared>>)
        } else {
        }
        %add3A_359 = arith.constant 4 : i32
        %add3A_360 = arith.addi %add3A_336, %add3A_359 : i32
        %lt3A_361 = arith.constant 120 : i32
        %lt3A_362 = arith.cmpi slt, %add3A_360, %lt3A_361 : i32
        %convert_element_type3A_363 = arith.extui %lt3A_362 : i1 to i32
        %cond3A_364 = arith.constant 0 : i32
        %cond3A_365 = arith.cmpi ne, %convert_element_type3A_363, %cond3A_364 : i32
        scf.if %cond3A_365 {
          %add3A_366 = arith.constant 4 : i32
          %add3A_367 = arith.addi %add3A_336, %add3A_366 : i32
          %dma_start3A_368 = arith.constant 0 : i32
          %dma_start3A_369 = tpu.memref_slice %arg6[%add3A_367, %dma_start3A_368] : memref<120x128xi32, #tpu.memory_space<vmem>> -> memref<1x128xi32, #tpu.memory_space<vmem>>
          %dma_start3A_370 = tpu.memref_squeeze %dma_start3A_369 : memref<1x128xi32, #tpu.memory_space<vmem>> -> memref<128xi32, #tpu.memory_space<vmem>>
          %dma_start3A_371 = arith.constant 0 : i32
          %dma_start3A_372 = arith.constant 0 : i32
          %dma_start3A_373 = tpu.memref_slice %arg2[%dma_start3A_371, %dma_start3A_372] : memref<10112x16xf32, #tpu.memory_space<hbm>> -> memref<10112x16xf32, #tpu.memory_space<hbm>>
          tpu.enqueue_indirect_dma source(%dma_start3A_373 : memref<10112x16xf32, #tpu.memory_space<hbm>>) target(%arg11 : memref<128x16xf32, #tpu.memory_space<vmem>>) offsets(%dma_start3A_370 : memref<128xi32, #tpu.memory_space<vmem>>) semaphore(%arg19 : memref<!tpu.dma_semaphore, #tpu.memory_space<semaphore_mem>>)
        } else {
        }
      }
      %scan3A_70 = arith.constant 15 : i32
      %dma_wait3A = arith.constant 0 : i32
      %dma_wait3A_71 = arith.constant 0 : i32
      %dma_wait3A_72 = tpu.memref_slice %arg32[%dma_wait3A, %dma_wait3A_71] : memref<10112x16xf32, #tpu.memory_space<vmem_shared>> -> memref<128x16xf32, #tpu.memory_space<vmem_shared>>
      %dma_wait3A_73 = arith.constant 0 : i32
      %dma_wait3A_74 = arith.constant 0 : i32
      %dma_wait3A_75 = tpu.memref_slice %arg32[%dma_wait3A_73, %dma_wait3A_74] : memref<10112x16xf32, #tpu.memory_space<vmem_shared>> -> memref<128x16xf32, #tpu.memory_space<vmem_shared>>
      tpu.wait_dma2 semaphore(%arg24 : memref<!tpu.dma_semaphore, #tpu.memory_space<semaphore_mem>>) src(%arg8 : memref<128x16xf32, #tpu.memory_space<vmem>>) dst(%dma_wait3A_75 : memref<128x16xf32, #tpu.memory_space<vmem_shared>>)
      %dma_wait3A_76 = arith.constant 0 : i32
      %dma_wait3A_77 = arith.constant 0 : i32
      %dma_wait3A_78 = tpu.memref_slice %arg32[%dma_wait3A_76, %dma_wait3A_77] : memref<10112x16xf32, #tpu.memory_space<vmem_shared>> -> memref<128x16xf32, #tpu.memory_space<vmem_shared>>
      %dma_wait3A_79 = arith.constant 0 : i32
      %dma_wait3A_80 = arith.constant 0 : i32
      %dma_wait3A_81 = tpu.memref_slice %arg32[%dma_wait3A_79, %dma_wait3A_80] : memref<10112x16xf32, #tpu.memory_space<vmem_shared>> -> memref<128x16xf32, #tpu.memory_space<vmem_shared>>
      tpu.wait_dma2 semaphore(%arg25 : memref<!tpu.dma_semaphore, #tpu.memory_space<semaphore_mem>>) src(%arg9 : memref<128x16xf32, #tpu.memory_space<vmem>>) dst(%dma_wait3A_81 : memref<128x16xf32, #tpu.memory_space<vmem_shared>>)
      %dma_wait3A_82 = arith.constant 0 : i32
      %dma_wait3A_83 = arith.constant 0 : i32
      %dma_wait3A_84 = tpu.memref_slice %arg32[%dma_wait3A_82, %dma_wait3A_83] : memref<10112x16xf32, #tpu.memory_space<vmem_shared>> -> memref<128x16xf32, #tpu.memory_space<vmem_shared>>
      %dma_wait3A_85 = arith.constant 0 : i32
      %dma_wait3A_86 = arith.constant 0 : i32
      %dma_wait3A_87 = tpu.memref_slice %arg32[%dma_wait3A_85, %dma_wait3A_86] : memref<10112x16xf32, #tpu.memory_space<vmem_shared>> -> memref<128x16xf32, #tpu.memory_space<vmem_shared>>
      tpu.wait_dma2 semaphore(%arg26 : memref<!tpu.dma_semaphore, #tpu.memory_space<semaphore_mem>>) src(%arg10 : memref<128x16xf32, #tpu.memory_space<vmem>>) dst(%dma_wait3A_87 : memref<128x16xf32, #tpu.memory_space<vmem_shared>>)
      %dma_wait3A_88 = arith.constant 0 : i32
      %dma_wait3A_89 = arith.constant 0 : i32
      %dma_wait3A_90 = tpu.memref_slice %arg32[%dma_wait3A_88, %dma_wait3A_89] : memref<10112x16xf32, #tpu.memory_space<vmem_shared>> -> memref<128x16xf32, #tpu.memory_space<vmem_shared>>
      %dma_wait3A_91 = arith.constant 0 : i32
      %dma_wait3A_92 = arith.constant 0 : i32
      %dma_wait3A_93 = tpu.memref_slice %arg32[%dma_wait3A_91, %dma_wait3A_92] : memref<10112x16xf32, #tpu.memory_space<vmem_shared>> -> memref<128x16xf32, #tpu.memory_space<vmem_shared>>
      tpu.wait_dma2 semaphore(%arg27 : memref<!tpu.dma_semaphore, #tpu.memory_space<semaphore_mem>>) src(%arg11 : memref<128x16xf32, #tpu.memory_space<vmem>>) dst(%dma_wait3A_93 : memref<128x16xf32, #tpu.memory_space<vmem_shared>>)
      %dma_wait3A_94 = arith.constant 0 : i32
      %dma_wait3A_95 = arith.constant 0 : i32
      %dma_wait3A_96 = tpu.memref_slice %arg32[%dma_wait3A_94, %dma_wait3A_95] : memref<10112x16xf32, #tpu.memory_space<vmem_shared>> -> memref<128x16xf32, #tpu.memory_space<vmem_shared>>
      %dma_wait3A_97 = arith.constant 0 : i32
      %dma_wait3A_98 = arith.constant 0 : i32
      %dma_wait3A_99 = tpu.memref_slice %arg32[%dma_wait3A_97, %dma_wait3A_98] : memref<10112x16xf32, #tpu.memory_space<vmem_shared>> -> memref<128x16xf32, #tpu.memory_space<vmem_shared>>
      tpu.wait_dma2 semaphore(%arg28 : memref<!tpu.dma_semaphore, #tpu.memory_space<semaphore_mem>>) src(%arg12 : memref<128x16xf32, #tpu.memory_space<vmem>>) dst(%dma_wait3A_99 : memref<128x16xf32, #tpu.memory_space<vmem_shared>>)
      %dma_wait3A_100 = arith.constant 0 : i32
      %dma_wait3A_101 = arith.constant 0 : i32
      %dma_wait3A_102 = tpu.memref_slice %arg32[%dma_wait3A_100, %dma_wait3A_101] : memref<10112x16xf32, #tpu.memory_space<vmem_shared>> -> memref<128x16xf32, #tpu.memory_space<vmem_shared>>
      %dma_wait3A_103 = arith.constant 0 : i32
      %dma_wait3A_104 = arith.constant 0 : i32
      %dma_wait3A_105 = tpu.memref_slice %arg32[%dma_wait3A_103, %dma_wait3A_104] : memref<10112x16xf32, #tpu.memory_space<vmem_shared>> -> memref<128x16xf32, #tpu.memory_space<vmem_shared>>
      tpu.wait_dma2 semaphore(%arg29 : memref<!tpu.dma_semaphore, #tpu.memory_space<semaphore_mem>>) src(%arg13 : memref<128x16xf32, #tpu.memory_space<vmem>>) dst(%dma_wait3A_105 : memref<128x16xf32, #tpu.memory_space<vmem_shared>>)
      %dma_wait3A_106 = arith.constant 0 : i32
      %dma_wait3A_107 = arith.constant 0 : i32
      %dma_wait3A_108 = tpu.memref_slice %arg32[%dma_wait3A_106, %dma_wait3A_107] : memref<10112x16xf32, #tpu.memory_space<vmem_shared>> -> memref<128x16xf32, #tpu.memory_space<vmem_shared>>
      %dma_wait3A_109 = arith.constant 0 : i32
      %dma_wait3A_110 = arith.constant 0 : i32
      %dma_wait3A_111 = tpu.memref_slice %arg32[%dma_wait3A_109, %dma_wait3A_110] : memref<10112x16xf32, #tpu.memory_space<vmem_shared>> -> memref<128x16xf32, #tpu.memory_space<vmem_shared>>
      tpu.wait_dma2 semaphore(%arg30 : memref<!tpu.dma_semaphore, #tpu.memory_space<semaphore_mem>>) src(%arg14 : memref<128x16xf32, #tpu.memory_space<vmem>>) dst(%dma_wait3A_111 : memref<128x16xf32, #tpu.memory_space<vmem_shared>>)
      %dma_wait3A_112 = arith.constant 0 : i32
      %dma_wait3A_113 = arith.constant 0 : i32
      %dma_wait3A_114 = tpu.memref_slice %arg32[%dma_wait3A_112, %dma_wait3A_113] : memref<10112x16xf32, #tpu.memory_space<vmem_shared>> -> memref<128x16xf32, #tpu.memory_space<vmem_shared>>
      %dma_wait3A_115 = arith.constant 0 : i32
      %dma_wait3A_116 = arith.constant 0 : i32
      %dma_wait3A_117 = tpu.memref_slice %arg32[%dma_wait3A_115, %dma_wait3A_116] : memref<10112x16xf32, #tpu.memory_space<vmem_shared>> -> memref<128x16xf32, #tpu.memory_space<vmem_shared>>
      tpu.wait_dma2 semaphore(%arg31 : memref<!tpu.dma_semaphore, #tpu.memory_space<semaphore_mem>>) src(%arg15 : memref<128x16xf32, #tpu.memory_space<vmem>>) dst(%dma_wait3A_117 : memref<128x16xf32, #tpu.memory_space<vmem_shared>>)
    } else {
    }
    %eq3A_25 = arith.constant 1 : i32
    %eq3A_26 = arith.cmpi eq, %arg0, %eq3A_25 : i32
    %convert_element_type3A_27 = arith.extui %eq3A_26 : i1 to i32
    %cond3A_28 = arith.constant 0 : i32
    %cond3A_29 = arith.cmpi ne, %convert_element_type3A_27, %cond3A_28 : i32
    scf.if %cond3A_29 {
      %mul3A_35 = arith.constant 40 : i32
      %mul3A_36 = arith.muli %arg1, %mul3A_35 : i32
      %add3A_37 = arith.constant 1920 : i32
      %add3A_38 = arith.addi %add3A_37, %mul3A_36 : i32
      %add3A_39 = arith.constant 0 : i32
      %add3A_40 = arith.addi %add3A_38, %add3A_39 : i32
      "tpu.region"() ({
        %run_scoped3A = tpu.sem_alloc : memref<!tpu.dma_semaphore, #tpu.memory_space<semaphore_mem>>
        %dma_start3A_120 = arith.constant 0 : i32
        %dma_start3A_121 = arith.constant 0 : i32
        %dma_start3A_122 = tpu.memref_slice %arg6[%dma_start3A_120, %dma_start3A_121] : memref<120x128xi32, #tpu.memory_space<vmem>> -> memref<40x128xi32, #tpu.memory_space<vmem>>
        %dma_start3A_123 = arith.constant 0 : i32
        %dma_start3A_124 = tpu.memref_slice %arg3[%add3A_40, %dma_start3A_123] : memref<2560x128xi32, #tpu.memory_space<hbm>> -> memref<40x128xi32, #tpu.memory_space<hbm>>
        %dma_start3A_125 = arith.constant 0 : i32
        %dma_start3A_126 = arith.constant 0 : i32
        %dma_start3A_127 = tpu.memref_slice %arg6[%dma_start3A_125, %dma_start3A_126] : memref<120x128xi32, #tpu.memory_space<vmem>> -> memref<40x128xi32, #tpu.memory_space<vmem>>
        %dma_start3A_128 = arith.constant 0 : i32
        %dma_start3A_129 = tpu.memref_slice %arg3[%add3A_40, %dma_start3A_128] : memref<2560x128xi32, #tpu.memory_space<hbm>> -> memref<40x128xi32, #tpu.memory_space<hbm>>
        tpu.enqueue_dma source(%dma_start3A_129 : memref<40x128xi32, #tpu.memory_space<hbm>>) target(%dma_start3A_127 : memref<40x128xi32, #tpu.memory_space<vmem>>) target_semaphore(%run_scoped3A : memref<!tpu.dma_semaphore, #tpu.memory_space<semaphore_mem>>)
        %dma_wait3A_130 = arith.constant 0 : i32
        %dma_wait3A_131 = arith.constant 0 : i32
        %dma_wait3A_132 = tpu.memref_slice %arg6[%dma_wait3A_130, %dma_wait3A_131] : memref<120x128xi32, #tpu.memory_space<vmem>> -> memref<40x128xi32, #tpu.memory_space<vmem>>
        %dma_wait3A_133 = arith.constant 0 : i32
        %dma_wait3A_134 = tpu.memref_slice %arg3[%add3A_40, %dma_wait3A_133] : memref<2560x128xi32, #tpu.memory_space<hbm>> -> memref<40x128xi32, #tpu.memory_space<hbm>>
        %dma_wait3A_135 = arith.constant 0 : i32
        %dma_wait3A_136 = arith.constant 0 : i32
        %dma_wait3A_137 = tpu.memref_slice %arg6[%dma_wait3A_135, %dma_wait3A_136] : memref<120x128xi32, #tpu.memory_space<vmem>> -> memref<40x128xi32, #tpu.memory_space<vmem>>
        %dma_wait3A_138 = arith.constant 0 : i32
        %dma_wait3A_139 = tpu.memref_slice %arg3[%add3A_40, %dma_wait3A_138] : memref<2560x128xi32, #tpu.memory_space<hbm>> -> memref<40x128xi32, #tpu.memory_space<hbm>>
        tpu.wait_dma2 semaphore(%run_scoped3A : memref<!tpu.dma_semaphore, #tpu.memory_space<semaphore_mem>>) src(%dma_wait3A_139 : memref<40x128xi32, #tpu.memory_space<hbm>>) dst(%dma_wait3A_137 : memref<40x128xi32, #tpu.memory_space<vmem>>)
        tpu.yield
      }) : () -> ()
      "tpu.region"() ({
        %run_scoped3A = tpu.sem_alloc : memref<!tpu.dma_semaphore, #tpu.memory_space<semaphore_mem>>
        %dma_start3A_120 = arith.constant 0 : i32
        %dma_start3A_121 = arith.constant 0 : i32
        %dma_start3A_122 = tpu.memref_slice %arg7[%dma_start3A_120, %dma_start3A_121] : memref<120x128xi32, #tpu.memory_space<vmem>> -> memref<40x128xi32, #tpu.memory_space<vmem>>
        %dma_start3A_123 = arith.constant 0 : i32
        %dma_start3A_124 = tpu.memref_slice %arg4[%add3A_40, %dma_start3A_123] : memref<2560x128xi32, #tpu.memory_space<hbm>> -> memref<40x128xi32, #tpu.memory_space<hbm>>
        %dma_start3A_125 = arith.constant 0 : i32
        %dma_start3A_126 = arith.constant 0 : i32
        %dma_start3A_127 = tpu.memref_slice %arg7[%dma_start3A_125, %dma_start3A_126] : memref<120x128xi32, #tpu.memory_space<vmem>> -> memref<40x128xi32, #tpu.memory_space<vmem>>
        %dma_start3A_128 = arith.constant 0 : i32
        %dma_start3A_129 = tpu.memref_slice %arg4[%add3A_40, %dma_start3A_128] : memref<2560x128xi32, #tpu.memory_space<hbm>> -> memref<40x128xi32, #tpu.memory_space<hbm>>
        tpu.enqueue_dma source(%dma_start3A_129 : memref<40x128xi32, #tpu.memory_space<hbm>>) target(%dma_start3A_127 : memref<40x128xi32, #tpu.memory_space<vmem>>) target_semaphore(%run_scoped3A : memref<!tpu.dma_semaphore, #tpu.memory_space<semaphore_mem>>)
        %dma_wait3A_130 = arith.constant 0 : i32
        %dma_wait3A_131 = arith.constant 0 : i32
        %dma_wait3A_132 = tpu.memref_slice %arg7[%dma_wait3A_130, %dma_wait3A_131] : memref<120x128xi32, #tpu.memory_space<vmem>> -> memref<40x128xi32, #tpu.memory_space<vmem>>
        %dma_wait3A_133 = arith.constant 0 : i32
        %dma_wait3A_134 = tpu.memref_slice %arg4[%add3A_40, %dma_wait3A_133] : memref<2560x128xi32, #tpu.memory_space<hbm>> -> memref<40x128xi32, #tpu.memory_space<hbm>>
        %dma_wait3A_135 = arith.constant 0 : i32
        %dma_wait3A_136 = arith.constant 0 : i32
        %dma_wait3A_137 = tpu.memref_slice %arg7[%dma_wait3A_135, %dma_wait3A_136] : memref<120x128xi32, #tpu.memory_space<vmem>> -> memref<40x128xi32, #tpu.memory_space<vmem>>
        %dma_wait3A_138 = arith.constant 0 : i32
        %dma_wait3A_139 = tpu.memref_slice %arg4[%add3A_40, %dma_wait3A_138] : memref<2560x128xi32, #tpu.memory_space<hbm>> -> memref<40x128xi32, #tpu.memory_space<hbm>>
        tpu.wait_dma2 semaphore(%run_scoped3A : memref<!tpu.dma_semaphore, #tpu.memory_space<semaphore_mem>>) src(%dma_wait3A_139 : memref<40x128xi32, #tpu.memory_space<hbm>>) dst(%dma_wait3A_137 : memref<40x128xi32, #tpu.memory_space<vmem>>)
        tpu.yield
      }) : () -> ()
      %dma_start3A = arith.constant 0 : i32
      %dma_start3A_41 = arith.constant 0 : i32
      %dma_start3A_42 = tpu.memref_slice %arg6[%dma_start3A, %dma_start3A_41] : memref<120x128xi32, #tpu.memory_space<vmem>> -> memref<1x128xi32, #tpu.memory_space<vmem>>
      %dma_start3A_43 = tpu.memref_squeeze %dma_start3A_42 : memref<1x128xi32, #tpu.memory_space<vmem>> -> memref<128xi32, #tpu.memory_space<vmem>>
      %dma_start3A_44 = arith.constant 0 : i32
      %dma_start3A_45 = arith.constant 0 : i32
      %dma_start3A_46 = tpu.memref_slice %arg2[%dma_start3A_44, %dma_start3A_45] : memref<10112x16xf32, #tpu.memory_space<hbm>> -> memref<10112x16xf32, #tpu.memory_space<hbm>>
      tpu.enqueue_indirect_dma source(%dma_start3A_46 : memref<10112x16xf32, #tpu.memory_space<hbm>>) target(%arg8 : memref<128x16xf32, #tpu.memory_space<vmem>>) offsets(%dma_start3A_43 : memref<128xi32, #tpu.memory_space<vmem>>) semaphore(%arg16 : memref<!tpu.dma_semaphore, #tpu.memory_space<semaphore_mem>>)
      %dma_start3A_47 = arith.constant 1 : i32
      %dma_start3A_48 = arith.constant 0 : i32
      %dma_start3A_49 = tpu.memref_slice %arg6[%dma_start3A_47, %dma_start3A_48] : memref<120x128xi32, #tpu.memory_space<vmem>> -> memref<1x128xi32, #tpu.memory_space<vmem>>
      %dma_start3A_50 = tpu.memref_squeeze %dma_start3A_49 : memref<1x128xi32, #tpu.memory_space<vmem>> -> memref<128xi32, #tpu.memory_space<vmem>>
      %dma_start3A_51 = arith.constant 0 : i32
      %dma_start3A_52 = arith.constant 0 : i32
      %dma_start3A_53 = tpu.memref_slice %arg2[%dma_start3A_51, %dma_start3A_52] : memref<10112x16xf32, #tpu.memory_space<hbm>> -> memref<10112x16xf32, #tpu.memory_space<hbm>>
      tpu.enqueue_indirect_dma source(%dma_start3A_53 : memref<10112x16xf32, #tpu.memory_space<hbm>>) target(%arg9 : memref<128x16xf32, #tpu.memory_space<vmem>>) offsets(%dma_start3A_50 : memref<128xi32, #tpu.memory_space<vmem>>) semaphore(%arg17 : memref<!tpu.dma_semaphore, #tpu.memory_space<semaphore_mem>>)
      %dma_start3A_54 = arith.constant 2 : i32
      %dma_start3A_55 = arith.constant 0 : i32
      %dma_start3A_56 = tpu.memref_slice %arg6[%dma_start3A_54, %dma_start3A_55] : memref<120x128xi32, #tpu.memory_space<vmem>> -> memref<1x128xi32, #tpu.memory_space<vmem>>
      %dma_start3A_57 = tpu.memref_squeeze %dma_start3A_56 : memref<1x128xi32, #tpu.memory_space<vmem>> -> memref<128xi32, #tpu.memory_space<vmem>>
      %dma_start3A_58 = arith.constant 0 : i32
      %dma_start3A_59 = arith.constant 0 : i32
      %dma_start3A_60 = tpu.memref_slice %arg2[%dma_start3A_58, %dma_start3A_59] : memref<10112x16xf32, #tpu.memory_space<hbm>> -> memref<10112x16xf32, #tpu.memory_space<hbm>>
      tpu.enqueue_indirect_dma source(%dma_start3A_60 : memref<10112x16xf32, #tpu.memory_space<hbm>>) target(%arg10 : memref<128x16xf32, #tpu.memory_space<vmem>>) offsets(%dma_start3A_57 : memref<128xi32, #tpu.memory_space<vmem>>) semaphore(%arg18 : memref<!tpu.dma_semaphore, #tpu.memory_space<semaphore_mem>>)
      %dma_start3A_61 = arith.constant 3 : i32
      %dma_start3A_62 = arith.constant 0 : i32
      %dma_start3A_63 = tpu.memref_slice %arg6[%dma_start3A_61, %dma_start3A_62] : memref<120x128xi32, #tpu.memory_space<vmem>> -> memref<1x128xi32, #tpu.memory_space<vmem>>
      %dma_start3A_64 = tpu.memref_squeeze %dma_start3A_63 : memref<1x128xi32, #tpu.memory_space<vmem>> -> memref<128xi32, #tpu.memory_space<vmem>>
      %dma_start3A_65 = arith.constant 0 : i32
      %dma_start3A_66 = arith.constant 0 : i32
      %dma_start3A_67 = tpu.memref_slice %arg2[%dma_start3A_65, %dma_start3A_66] : memref<10112x16xf32, #tpu.memory_space<hbm>> -> memref<10112x16xf32, #tpu.memory_space<hbm>>
      tpu.enqueue_indirect_dma source(%dma_start3A_67 : memref<10112x16xf32, #tpu.memory_space<hbm>>) target(%arg11 : memref<128x16xf32, #tpu.memory_space<vmem>>) offsets(%dma_start3A_64 : memref<128xi32, #tpu.memory_space<vmem>>) semaphore(%arg19 : memref<!tpu.dma_semaphore, #tpu.memory_space<semaphore_mem>>)
      %scan3A_68 = arith.constant 0 : i32
      %scan3A_69 = arith.constant 5 : i32
      %scan3A_70 = arith.addi %scan3A_68, %scan3A_69 : i32
      %scan3A_71 = arith.constant 1 : i32
      scf.for %scan3A_120 = %scan3A_68 to %scan3A_70 step %scan3A_71  : i32 {
        %mul3A_121 = arith.constant 8 : i32
        %mul3A_122 = arith.muli %scan3A_120, %mul3A_121 : i32
        %add3A_123 = arith.constant 0 : i32
        %add3A_124 = arith.addi %mul3A_122, %add3A_123 : i32
        %dma_wait3A_125 = arith.constant 0 : i32
        %dma_wait3A_126 = arith.constant 0 : i32
        %dma_wait3A_127 = tpu.memref_slice %arg2[%dma_wait3A_125, %dma_wait3A_126] : memref<10112x16xf32, #tpu.memory_space<hbm>> -> memref<128x16xf32, #tpu.memory_space<hbm>>
        %dma_wait3A_128 = arith.constant 0 : i32
        %dma_wait3A_129 = arith.constant 0 : i32
        %dma_wait3A_130 = tpu.memref_slice %arg2[%dma_wait3A_128, %dma_wait3A_129] : memref<10112x16xf32, #tpu.memory_space<hbm>> -> memref<128x16xf32, #tpu.memory_space<hbm>>
        tpu.wait_dma2 semaphore(%arg16 : memref<!tpu.dma_semaphore, #tpu.memory_space<semaphore_mem>>) src(%dma_wait3A_130 : memref<128x16xf32, #tpu.memory_space<hbm>>) dst(%arg8 : memref<128x16xf32, #tpu.memory_space<vmem>>)
        %dma_start3A_131 = arith.constant 0 : i32
        %dma_start3A_132 = tpu.memref_slice %arg7[%add3A_124, %dma_start3A_131] : memref<120x128xi32, #tpu.memory_space<vmem>> -> memref<1x128xi32, #tpu.memory_space<vmem>>
        %dma_start3A_133 = tpu.memref_squeeze %dma_start3A_132 : memref<1x128xi32, #tpu.memory_space<vmem>> -> memref<128xi32, #tpu.memory_space<vmem>>
        %dma_start3A_134 = arith.constant 0 : i32
        %dma_start3A_135 = arith.constant 0 : i32
        %dma_start3A_136 = tpu.memref_slice %arg32[%dma_start3A_134, %dma_start3A_135] : memref<10112x16xf32, #tpu.memory_space<vmem_shared>> -> memref<10112x16xf32, #tpu.memory_space<vmem_shared>>
        tpu.enqueue_indirect_dma source(%arg8 : memref<128x16xf32, #tpu.memory_space<vmem>>) target(%dma_start3A_136 : memref<10112x16xf32, #tpu.memory_space<vmem_shared>>) offsets(%dma_start3A_133 : memref<128xi32, #tpu.memory_space<vmem>>) semaphore(%arg24 : memref<!tpu.dma_semaphore, #tpu.memory_space<semaphore_mem>>) {add = true}
        %ge3A = arith.constant 4 : i32
        %ge3A_137 = arith.cmpi sge, %add3A_124, %ge3A : i32
        %add3A_138 = arith.constant 4 : i32
        %add3A_139 = arith.addi %add3A_124, %add3A_138 : i32
        %lt3A = arith.constant 40 : i32
        %lt3A_140 = arith.cmpi slt, %add3A_139, %lt3A : i32
        %and3A = arith.andi %ge3A_137, %lt3A_140 : i1
        %convert_element_type3A_141 = arith.extui %and3A : i1 to i32
        %cond3A_142 = arith.constant 0 : i32
        %cond3A_143 = arith.cmpi ne, %convert_element_type3A_141, %cond3A_142 : i32
        scf.if %cond3A_143 {
          %dma_wait3A_368 = arith.constant 0 : i32
          %dma_wait3A_369 = arith.constant 0 : i32
          %dma_wait3A_370 = tpu.memref_slice %arg32[%dma_wait3A_368, %dma_wait3A_369] : memref<10112x16xf32, #tpu.memory_space<vmem_shared>> -> memref<128x16xf32, #tpu.memory_space<vmem_shared>>
          %dma_wait3A_371 = arith.constant 0 : i32
          %dma_wait3A_372 = arith.constant 0 : i32
          %dma_wait3A_373 = tpu.memref_slice %arg32[%dma_wait3A_371, %dma_wait3A_372] : memref<10112x16xf32, #tpu.memory_space<vmem_shared>> -> memref<128x16xf32, #tpu.memory_space<vmem_shared>>
          tpu.wait_dma2 semaphore(%arg28 : memref<!tpu.dma_semaphore, #tpu.memory_space<semaphore_mem>>) src(%arg12 : memref<128x16xf32, #tpu.memory_space<vmem>>) dst(%dma_wait3A_373 : memref<128x16xf32, #tpu.memory_space<vmem_shared>>)
        } else {
        }
        %add3A_144 = arith.constant 4 : i32
        %add3A_145 = arith.addi %add3A_124, %add3A_144 : i32
        %lt3A_146 = arith.constant 40 : i32
        %lt3A_147 = arith.cmpi slt, %add3A_145, %lt3A_146 : i32
        %convert_element_type3A_148 = arith.extui %lt3A_147 : i1 to i32
        %cond3A_149 = arith.constant 0 : i32
        %cond3A_150 = arith.cmpi ne, %convert_element_type3A_148, %cond3A_149 : i32
        scf.if %cond3A_150 {
          %add3A_368 = arith.constant 4 : i32
          %add3A_369 = arith.addi %add3A_124, %add3A_368 : i32
          %dma_start3A_370 = arith.constant 0 : i32
          %dma_start3A_371 = tpu.memref_slice %arg6[%add3A_369, %dma_start3A_370] : memref<120x128xi32, #tpu.memory_space<vmem>> -> memref<1x128xi32, #tpu.memory_space<vmem>>
          %dma_start3A_372 = tpu.memref_squeeze %dma_start3A_371 : memref<1x128xi32, #tpu.memory_space<vmem>> -> memref<128xi32, #tpu.memory_space<vmem>>
          %dma_start3A_373 = arith.constant 0 : i32
          %dma_start3A_374 = arith.constant 0 : i32
          %dma_start3A_375 = tpu.memref_slice %arg2[%dma_start3A_373, %dma_start3A_374] : memref<10112x16xf32, #tpu.memory_space<hbm>> -> memref<10112x16xf32, #tpu.memory_space<hbm>>
          tpu.enqueue_indirect_dma source(%dma_start3A_375 : memref<10112x16xf32, #tpu.memory_space<hbm>>) target(%arg12 : memref<128x16xf32, #tpu.memory_space<vmem>>) offsets(%dma_start3A_372 : memref<128xi32, #tpu.memory_space<vmem>>) semaphore(%arg20 : memref<!tpu.dma_semaphore, #tpu.memory_space<semaphore_mem>>)
        } else {
        }
        %add3A_151 = arith.constant 1 : i32
        %add3A_152 = arith.addi %mul3A_122, %add3A_151 : i32
        %dma_wait3A_153 = arith.constant 0 : i32
        %dma_wait3A_154 = arith.constant 0 : i32
        %dma_wait3A_155 = tpu.memref_slice %arg2[%dma_wait3A_153, %dma_wait3A_154] : memref<10112x16xf32, #tpu.memory_space<hbm>> -> memref<128x16xf32, #tpu.memory_space<hbm>>
        %dma_wait3A_156 = arith.constant 0 : i32
        %dma_wait3A_157 = arith.constant 0 : i32
        %dma_wait3A_158 = tpu.memref_slice %arg2[%dma_wait3A_156, %dma_wait3A_157] : memref<10112x16xf32, #tpu.memory_space<hbm>> -> memref<128x16xf32, #tpu.memory_space<hbm>>
        tpu.wait_dma2 semaphore(%arg17 : memref<!tpu.dma_semaphore, #tpu.memory_space<semaphore_mem>>) src(%dma_wait3A_158 : memref<128x16xf32, #tpu.memory_space<hbm>>) dst(%arg9 : memref<128x16xf32, #tpu.memory_space<vmem>>)
        %dma_start3A_159 = arith.constant 0 : i32
        %dma_start3A_160 = tpu.memref_slice %arg7[%add3A_152, %dma_start3A_159] : memref<120x128xi32, #tpu.memory_space<vmem>> -> memref<1x128xi32, #tpu.memory_space<vmem>>
        %dma_start3A_161 = tpu.memref_squeeze %dma_start3A_160 : memref<1x128xi32, #tpu.memory_space<vmem>> -> memref<128xi32, #tpu.memory_space<vmem>>
        %dma_start3A_162 = arith.constant 0 : i32
        %dma_start3A_163 = arith.constant 0 : i32
        %dma_start3A_164 = tpu.memref_slice %arg32[%dma_start3A_162, %dma_start3A_163] : memref<10112x16xf32, #tpu.memory_space<vmem_shared>> -> memref<10112x16xf32, #tpu.memory_space<vmem_shared>>
        tpu.enqueue_indirect_dma source(%arg9 : memref<128x16xf32, #tpu.memory_space<vmem>>) target(%dma_start3A_164 : memref<10112x16xf32, #tpu.memory_space<vmem_shared>>) offsets(%dma_start3A_161 : memref<128xi32, #tpu.memory_space<vmem>>) semaphore(%arg25 : memref<!tpu.dma_semaphore, #tpu.memory_space<semaphore_mem>>) {add = true}
        %ge3A_165 = arith.constant 4 : i32
        %ge3A_166 = arith.cmpi sge, %add3A_152, %ge3A_165 : i32
        %add3A_167 = arith.constant 4 : i32
        %add3A_168 = arith.addi %add3A_152, %add3A_167 : i32
        %lt3A_169 = arith.constant 40 : i32
        %lt3A_170 = arith.cmpi slt, %add3A_168, %lt3A_169 : i32
        %and3A_171 = arith.andi %ge3A_166, %lt3A_170 : i1
        %convert_element_type3A_172 = arith.extui %and3A_171 : i1 to i32
        %cond3A_173 = arith.constant 0 : i32
        %cond3A_174 = arith.cmpi ne, %convert_element_type3A_172, %cond3A_173 : i32
        scf.if %cond3A_174 {
          %dma_wait3A_368 = arith.constant 0 : i32
          %dma_wait3A_369 = arith.constant 0 : i32
          %dma_wait3A_370 = tpu.memref_slice %arg32[%dma_wait3A_368, %dma_wait3A_369] : memref<10112x16xf32, #tpu.memory_space<vmem_shared>> -> memref<128x16xf32, #tpu.memory_space<vmem_shared>>
          %dma_wait3A_371 = arith.constant 0 : i32
          %dma_wait3A_372 = arith.constant 0 : i32
          %dma_wait3A_373 = tpu.memref_slice %arg32[%dma_wait3A_371, %dma_wait3A_372] : memref<10112x16xf32, #tpu.memory_space<vmem_shared>> -> memref<128x16xf32, #tpu.memory_space<vmem_shared>>
          tpu.wait_dma2 semaphore(%arg29 : memref<!tpu.dma_semaphore, #tpu.memory_space<semaphore_mem>>) src(%arg13 : memref<128x16xf32, #tpu.memory_space<vmem>>) dst(%dma_wait3A_373 : memref<128x16xf32, #tpu.memory_space<vmem_shared>>)
        } else {
        }
        %add3A_175 = arith.constant 4 : i32
        %add3A_176 = arith.addi %add3A_152, %add3A_175 : i32
        %lt3A_177 = arith.constant 40 : i32
        %lt3A_178 = arith.cmpi slt, %add3A_176, %lt3A_177 : i32
        %convert_element_type3A_179 = arith.extui %lt3A_178 : i1 to i32
        %cond3A_180 = arith.constant 0 : i32
        %cond3A_181 = arith.cmpi ne, %convert_element_type3A_179, %cond3A_180 : i32
        scf.if %cond3A_181 {
          %add3A_368 = arith.constant 4 : i32
          %add3A_369 = arith.addi %add3A_152, %add3A_368 : i32
          %dma_start3A_370 = arith.constant 0 : i32
          %dma_start3A_371 = tpu.memref_slice %arg6[%add3A_369, %dma_start3A_370] : memref<120x128xi32, #tpu.memory_space<vmem>> -> memref<1x128xi32, #tpu.memory_space<vmem>>
          %dma_start3A_372 = tpu.memref_squeeze %dma_start3A_371 : memref<1x128xi32, #tpu.memory_space<vmem>> -> memref<128xi32, #tpu.memory_space<vmem>>
          %dma_start3A_373 = arith.constant 0 : i32
          %dma_start3A_374 = arith.constant 0 : i32
          %dma_start3A_375 = tpu.memref_slice %arg2[%dma_start3A_373, %dma_start3A_374] : memref<10112x16xf32, #tpu.memory_space<hbm>> -> memref<10112x16xf32, #tpu.memory_space<hbm>>
          tpu.enqueue_indirect_dma source(%dma_start3A_375 : memref<10112x16xf32, #tpu.memory_space<hbm>>) target(%arg13 : memref<128x16xf32, #tpu.memory_space<vmem>>) offsets(%dma_start3A_372 : memref<128xi32, #tpu.memory_space<vmem>>) semaphore(%arg21 : memref<!tpu.dma_semaphore, #tpu.memory_space<semaphore_mem>>)
        } else {
        }
        %add3A_182 = arith.constant 2 : i32
        %add3A_183 = arith.addi %mul3A_122, %add3A_182 : i32
        %dma_wait3A_184 = arith.constant 0 : i32
        %dma_wait3A_185 = arith.constant 0 : i32
        %dma_wait3A_186 = tpu.memref_slice %arg2[%dma_wait3A_184, %dma_wait3A_185] : memref<10112x16xf32, #tpu.memory_space<hbm>> -> memref<128x16xf32, #tpu.memory_space<hbm>>
        %dma_wait3A_187 = arith.constant 0 : i32
        %dma_wait3A_188 = arith.constant 0 : i32
        %dma_wait3A_189 = tpu.memref_slice %arg2[%dma_wait3A_187, %dma_wait3A_188] : memref<10112x16xf32, #tpu.memory_space<hbm>> -> memref<128x16xf32, #tpu.memory_space<hbm>>
        tpu.wait_dma2 semaphore(%arg18 : memref<!tpu.dma_semaphore, #tpu.memory_space<semaphore_mem>>) src(%dma_wait3A_189 : memref<128x16xf32, #tpu.memory_space<hbm>>) dst(%arg10 : memref<128x16xf32, #tpu.memory_space<vmem>>)
        %dma_start3A_190 = arith.constant 0 : i32
        %dma_start3A_191 = tpu.memref_slice %arg7[%add3A_183, %dma_start3A_190] : memref<120x128xi32, #tpu.memory_space<vmem>> -> memref<1x128xi32, #tpu.memory_space<vmem>>
        %dma_start3A_192 = tpu.memref_squeeze %dma_start3A_191 : memref<1x128xi32, #tpu.memory_space<vmem>> -> memref<128xi32, #tpu.memory_space<vmem>>
        %dma_start3A_193 = arith.constant 0 : i32
        %dma_start3A_194 = arith.constant 0 : i32
        %dma_start3A_195 = tpu.memref_slice %arg32[%dma_start3A_193, %dma_start3A_194] : memref<10112x16xf32, #tpu.memory_space<vmem_shared>> -> memref<10112x16xf32, #tpu.memory_space<vmem_shared>>
        tpu.enqueue_indirect_dma source(%arg10 : memref<128x16xf32, #tpu.memory_space<vmem>>) target(%dma_start3A_195 : memref<10112x16xf32, #tpu.memory_space<vmem_shared>>) offsets(%dma_start3A_192 : memref<128xi32, #tpu.memory_space<vmem>>) semaphore(%arg26 : memref<!tpu.dma_semaphore, #tpu.memory_space<semaphore_mem>>) {add = true}
        %ge3A_196 = arith.constant 4 : i32
        %ge3A_197 = arith.cmpi sge, %add3A_183, %ge3A_196 : i32
        %add3A_198 = arith.constant 4 : i32
        %add3A_199 = arith.addi %add3A_183, %add3A_198 : i32
        %lt3A_200 = arith.constant 40 : i32
        %lt3A_201 = arith.cmpi slt, %add3A_199, %lt3A_200 : i32
        %and3A_202 = arith.andi %ge3A_197, %lt3A_201 : i1
        %convert_element_type3A_203 = arith.extui %and3A_202 : i1 to i32
        %cond3A_204 = arith.constant 0 : i32
        %cond3A_205 = arith.cmpi ne, %convert_element_type3A_203, %cond3A_204 : i32
        scf.if %cond3A_205 {
          %dma_wait3A_368 = arith.constant 0 : i32
          %dma_wait3A_369 = arith.constant 0 : i32
          %dma_wait3A_370 = tpu.memref_slice %arg32[%dma_wait3A_368, %dma_wait3A_369] : memref<10112x16xf32, #tpu.memory_space<vmem_shared>> -> memref<128x16xf32, #tpu.memory_space<vmem_shared>>
          %dma_wait3A_371 = arith.constant 0 : i32
          %dma_wait3A_372 = arith.constant 0 : i32
          %dma_wait3A_373 = tpu.memref_slice %arg32[%dma_wait3A_371, %dma_wait3A_372] : memref<10112x16xf32, #tpu.memory_space<vmem_shared>> -> memref<128x16xf32, #tpu.memory_space<vmem_shared>>
          tpu.wait_dma2 semaphore(%arg30 : memref<!tpu.dma_semaphore, #tpu.memory_space<semaphore_mem>>) src(%arg14 : memref<128x16xf32, #tpu.memory_space<vmem>>) dst(%dma_wait3A_373 : memref<128x16xf32, #tpu.memory_space<vmem_shared>>)
        } else {
        }
        %add3A_206 = arith.constant 4 : i32
        %add3A_207 = arith.addi %add3A_183, %add3A_206 : i32
        %lt3A_208 = arith.constant 40 : i32
        %lt3A_209 = arith.cmpi slt, %add3A_207, %lt3A_208 : i32
        %convert_element_type3A_210 = arith.extui %lt3A_209 : i1 to i32
        %cond3A_211 = arith.constant 0 : i32
        %cond3A_212 = arith.cmpi ne, %convert_element_type3A_210, %cond3A_211 : i32
        scf.if %cond3A_212 {
          %add3A_368 = arith.constant 4 : i32
          %add3A_369 = arith.addi %add3A_183, %add3A_368 : i32
          %dma_start3A_370 = arith.constant 0 : i32
          %dma_start3A_371 = tpu.memref_slice %arg6[%add3A_369, %dma_start3A_370] : memref<120x128xi32, #tpu.memory_space<vmem>> -> memref<1x128xi32, #tpu.memory_space<vmem>>
          %dma_start3A_372 = tpu.memref_squeeze %dma_start3A_371 : memref<1x128xi32, #tpu.memory_space<vmem>> -> memref<128xi32, #tpu.memory_space<vmem>>
          %dma_start3A_373 = arith.constant 0 : i32
          %dma_start3A_374 = arith.constant 0 : i32
          %dma_start3A_375 = tpu.memref_slice %arg2[%dma_start3A_373, %dma_start3A_374] : memref<10112x16xf32, #tpu.memory_space<hbm>> -> memref<10112x16xf32, #tpu.memory_space<hbm>>
          tpu.enqueue_indirect_dma source(%dma_start3A_375 : memref<10112x16xf32, #tpu.memory_space<hbm>>) target(%arg14 : memref<128x16xf32, #tpu.memory_space<vmem>>) offsets(%dma_start3A_372 : memref<128xi32, #tpu.memory_space<vmem>>) semaphore(%arg22 : memref<!tpu.dma_semaphore, #tpu.memory_space<semaphore_mem>>)
        } else {
        }
        %add3A_213 = arith.constant 3 : i32
        %add3A_214 = arith.addi %mul3A_122, %add3A_213 : i32
        %dma_wait3A_215 = arith.constant 0 : i32
        %dma_wait3A_216 = arith.constant 0 : i32
        %dma_wait3A_217 = tpu.memref_slice %arg2[%dma_wait3A_215, %dma_wait3A_216] : memref<10112x16xf32, #tpu.memory_space<hbm>> -> memref<128x16xf32, #tpu.memory_space<hbm>>
        %dma_wait3A_218 = arith.constant 0 : i32
        %dma_wait3A_219 = arith.constant 0 : i32
        %dma_wait3A_220 = tpu.memref_slice %arg2[%dma_wait3A_218, %dma_wait3A_219] : memref<10112x16xf32, #tpu.memory_space<hbm>> -> memref<128x16xf32, #tpu.memory_space<hbm>>
        tpu.wait_dma2 semaphore(%arg19 : memref<!tpu.dma_semaphore, #tpu.memory_space<semaphore_mem>>) src(%dma_wait3A_220 : memref<128x16xf32, #tpu.memory_space<hbm>>) dst(%arg11 : memref<128x16xf32, #tpu.memory_space<vmem>>)
        %dma_start3A_221 = arith.constant 0 : i32
        %dma_start3A_222 = tpu.memref_slice %arg7[%add3A_214, %dma_start3A_221] : memref<120x128xi32, #tpu.memory_space<vmem>> -> memref<1x128xi32, #tpu.memory_space<vmem>>
        %dma_start3A_223 = tpu.memref_squeeze %dma_start3A_222 : memref<1x128xi32, #tpu.memory_space<vmem>> -> memref<128xi32, #tpu.memory_space<vmem>>
        %dma_start3A_224 = arith.constant 0 : i32
        %dma_start3A_225 = arith.constant 0 : i32
        %dma_start3A_226 = tpu.memref_slice %arg32[%dma_start3A_224, %dma_start3A_225] : memref<10112x16xf32, #tpu.memory_space<vmem_shared>> -> memref<10112x16xf32, #tpu.memory_space<vmem_shared>>
        tpu.enqueue_indirect_dma source(%arg11 : memref<128x16xf32, #tpu.memory_space<vmem>>) target(%dma_start3A_226 : memref<10112x16xf32, #tpu.memory_space<vmem_shared>>) offsets(%dma_start3A_223 : memref<128xi32, #tpu.memory_space<vmem>>) semaphore(%arg27 : memref<!tpu.dma_semaphore, #tpu.memory_space<semaphore_mem>>) {add = true}
        %ge3A_227 = arith.constant 4 : i32
        %ge3A_228 = arith.cmpi sge, %add3A_214, %ge3A_227 : i32
        %add3A_229 = arith.constant 4 : i32
        %add3A_230 = arith.addi %add3A_214, %add3A_229 : i32
        %lt3A_231 = arith.constant 40 : i32
        %lt3A_232 = arith.cmpi slt, %add3A_230, %lt3A_231 : i32
        %and3A_233 = arith.andi %ge3A_228, %lt3A_232 : i1
        %convert_element_type3A_234 = arith.extui %and3A_233 : i1 to i32
        %cond3A_235 = arith.constant 0 : i32
        %cond3A_236 = arith.cmpi ne, %convert_element_type3A_234, %cond3A_235 : i32
        scf.if %cond3A_236 {
          %dma_wait3A_368 = arith.constant 0 : i32
          %dma_wait3A_369 = arith.constant 0 : i32
          %dma_wait3A_370 = tpu.memref_slice %arg32[%dma_wait3A_368, %dma_wait3A_369] : memref<10112x16xf32, #tpu.memory_space<vmem_shared>> -> memref<128x16xf32, #tpu.memory_space<vmem_shared>>
          %dma_wait3A_371 = arith.constant 0 : i32
          %dma_wait3A_372 = arith.constant 0 : i32
          %dma_wait3A_373 = tpu.memref_slice %arg32[%dma_wait3A_371, %dma_wait3A_372] : memref<10112x16xf32, #tpu.memory_space<vmem_shared>> -> memref<128x16xf32, #tpu.memory_space<vmem_shared>>
          tpu.wait_dma2 semaphore(%arg31 : memref<!tpu.dma_semaphore, #tpu.memory_space<semaphore_mem>>) src(%arg15 : memref<128x16xf32, #tpu.memory_space<vmem>>) dst(%dma_wait3A_373 : memref<128x16xf32, #tpu.memory_space<vmem_shared>>)
        } else {
        }
        %add3A_237 = arith.constant 4 : i32
        %add3A_238 = arith.addi %add3A_214, %add3A_237 : i32
        %lt3A_239 = arith.constant 40 : i32
        %lt3A_240 = arith.cmpi slt, %add3A_238, %lt3A_239 : i32
        %convert_element_type3A_241 = arith.extui %lt3A_240 : i1 to i32
        %cond3A_242 = arith.constant 0 : i32
        %cond3A_243 = arith.cmpi ne, %convert_element_type3A_241, %cond3A_242 : i32
        scf.if %cond3A_243 {
          %add3A_368 = arith.constant 4 : i32
          %add3A_369 = arith.addi %add3A_214, %add3A_368 : i32
          %dma_start3A_370 = arith.constant 0 : i32
          %dma_start3A_371 = tpu.memref_slice %arg6[%add3A_369, %dma_start3A_370] : memref<120x128xi32, #tpu.memory_space<vmem>> -> memref<1x128xi32, #tpu.memory_space<vmem>>
          %dma_start3A_372 = tpu.memref_squeeze %dma_start3A_371 : memref<1x128xi32, #tpu.memory_space<vmem>> -> memref<128xi32, #tpu.memory_space<vmem>>
          %dma_start3A_373 = arith.constant 0 : i32
          %dma_start3A_374 = arith.constant 0 : i32
          %dma_start3A_375 = tpu.memref_slice %arg2[%dma_start3A_373, %dma_start3A_374] : memref<10112x16xf32, #tpu.memory_space<hbm>> -> memref<10112x16xf32, #tpu.memory_space<hbm>>
          tpu.enqueue_indirect_dma source(%dma_start3A_375 : memref<10112x16xf32, #tpu.memory_space<hbm>>) target(%arg15 : memref<128x16xf32, #tpu.memory_space<vmem>>) offsets(%dma_start3A_372 : memref<128xi32, #tpu.memory_space<vmem>>) semaphore(%arg23 : memref<!tpu.dma_semaphore, #tpu.memory_space<semaphore_mem>>)
        } else {
        }
        %add3A_244 = arith.constant 4 : i32
        %add3A_245 = arith.addi %mul3A_122, %add3A_244 : i32
        %dma_wait3A_246 = arith.constant 0 : i32
        %dma_wait3A_247 = arith.constant 0 : i32
        %dma_wait3A_248 = tpu.memref_slice %arg2[%dma_wait3A_246, %dma_wait3A_247] : memref<10112x16xf32, #tpu.memory_space<hbm>> -> memref<128x16xf32, #tpu.memory_space<hbm>>
        %dma_wait3A_249 = arith.constant 0 : i32
        %dma_wait3A_250 = arith.constant 0 : i32
        %dma_wait3A_251 = tpu.memref_slice %arg2[%dma_wait3A_249, %dma_wait3A_250] : memref<10112x16xf32, #tpu.memory_space<hbm>> -> memref<128x16xf32, #tpu.memory_space<hbm>>
        tpu.wait_dma2 semaphore(%arg20 : memref<!tpu.dma_semaphore, #tpu.memory_space<semaphore_mem>>) src(%dma_wait3A_251 : memref<128x16xf32, #tpu.memory_space<hbm>>) dst(%arg12 : memref<128x16xf32, #tpu.memory_space<vmem>>)
        %dma_start3A_252 = arith.constant 0 : i32
        %dma_start3A_253 = tpu.memref_slice %arg7[%add3A_245, %dma_start3A_252] : memref<120x128xi32, #tpu.memory_space<vmem>> -> memref<1x128xi32, #tpu.memory_space<vmem>>
        %dma_start3A_254 = tpu.memref_squeeze %dma_start3A_253 : memref<1x128xi32, #tpu.memory_space<vmem>> -> memref<128xi32, #tpu.memory_space<vmem>>
        %dma_start3A_255 = arith.constant 0 : i32
        %dma_start3A_256 = arith.constant 0 : i32
        %dma_start3A_257 = tpu.memref_slice %arg32[%dma_start3A_255, %dma_start3A_256] : memref<10112x16xf32, #tpu.memory_space<vmem_shared>> -> memref<10112x16xf32, #tpu.memory_space<vmem_shared>>
        tpu.enqueue_indirect_dma source(%arg12 : memref<128x16xf32, #tpu.memory_space<vmem>>) target(%dma_start3A_257 : memref<10112x16xf32, #tpu.memory_space<vmem_shared>>) offsets(%dma_start3A_254 : memref<128xi32, #tpu.memory_space<vmem>>) semaphore(%arg28 : memref<!tpu.dma_semaphore, #tpu.memory_space<semaphore_mem>>) {add = true}
        %ge3A_258 = arith.constant 4 : i32
        %ge3A_259 = arith.cmpi sge, %add3A_245, %ge3A_258 : i32
        %add3A_260 = arith.constant 4 : i32
        %add3A_261 = arith.addi %add3A_245, %add3A_260 : i32
        %lt3A_262 = arith.constant 40 : i32
        %lt3A_263 = arith.cmpi slt, %add3A_261, %lt3A_262 : i32
        %and3A_264 = arith.andi %ge3A_259, %lt3A_263 : i1
        %convert_element_type3A_265 = arith.extui %and3A_264 : i1 to i32
        %cond3A_266 = arith.constant 0 : i32
        %cond3A_267 = arith.cmpi ne, %convert_element_type3A_265, %cond3A_266 : i32
        scf.if %cond3A_267 {
          %dma_wait3A_368 = arith.constant 0 : i32
          %dma_wait3A_369 = arith.constant 0 : i32
          %dma_wait3A_370 = tpu.memref_slice %arg32[%dma_wait3A_368, %dma_wait3A_369] : memref<10112x16xf32, #tpu.memory_space<vmem_shared>> -> memref<128x16xf32, #tpu.memory_space<vmem_shared>>
          %dma_wait3A_371 = arith.constant 0 : i32
          %dma_wait3A_372 = arith.constant 0 : i32
          %dma_wait3A_373 = tpu.memref_slice %arg32[%dma_wait3A_371, %dma_wait3A_372] : memref<10112x16xf32, #tpu.memory_space<vmem_shared>> -> memref<128x16xf32, #tpu.memory_space<vmem_shared>>
          tpu.wait_dma2 semaphore(%arg24 : memref<!tpu.dma_semaphore, #tpu.memory_space<semaphore_mem>>) src(%arg8 : memref<128x16xf32, #tpu.memory_space<vmem>>) dst(%dma_wait3A_373 : memref<128x16xf32, #tpu.memory_space<vmem_shared>>)
        } else {
        }
        %add3A_268 = arith.constant 4 : i32
        %add3A_269 = arith.addi %add3A_245, %add3A_268 : i32
        %lt3A_270 = arith.constant 40 : i32
        %lt3A_271 = arith.cmpi slt, %add3A_269, %lt3A_270 : i32
        %convert_element_type3A_272 = arith.extui %lt3A_271 : i1 to i32
        %cond3A_273 = arith.constant 0 : i32
        %cond3A_274 = arith.cmpi ne, %convert_element_type3A_272, %cond3A_273 : i32
        scf.if %cond3A_274 {
          %add3A_368 = arith.constant 4 : i32
          %add3A_369 = arith.addi %add3A_245, %add3A_368 : i32
          %dma_start3A_370 = arith.constant 0 : i32
          %dma_start3A_371 = tpu.memref_slice %arg6[%add3A_369, %dma_start3A_370] : memref<120x128xi32, #tpu.memory_space<vmem>> -> memref<1x128xi32, #tpu.memory_space<vmem>>
          %dma_start3A_372 = tpu.memref_squeeze %dma_start3A_371 : memref<1x128xi32, #tpu.memory_space<vmem>> -> memref<128xi32, #tpu.memory_space<vmem>>
          %dma_start3A_373 = arith.constant 0 : i32
          %dma_start3A_374 = arith.constant 0 : i32
          %dma_start3A_375 = tpu.memref_slice %arg2[%dma_start3A_373, %dma_start3A_374] : memref<10112x16xf32, #tpu.memory_space<hbm>> -> memref<10112x16xf32, #tpu.memory_space<hbm>>
          tpu.enqueue_indirect_dma source(%dma_start3A_375 : memref<10112x16xf32, #tpu.memory_space<hbm>>) target(%arg8 : memref<128x16xf32, #tpu.memory_space<vmem>>) offsets(%dma_start3A_372 : memref<128xi32, #tpu.memory_space<vmem>>) semaphore(%arg16 : memref<!tpu.dma_semaphore, #tpu.memory_space<semaphore_mem>>)
        } else {
        }
        %add3A_275 = arith.constant 5 : i32
        %add3A_276 = arith.addi %mul3A_122, %add3A_275 : i32
        %dma_wait3A_277 = arith.constant 0 : i32
        %dma_wait3A_278 = arith.constant 0 : i32
        %dma_wait3A_279 = tpu.memref_slice %arg2[%dma_wait3A_277, %dma_wait3A_278] : memref<10112x16xf32, #tpu.memory_space<hbm>> -> memref<128x16xf32, #tpu.memory_space<hbm>>
        %dma_wait3A_280 = arith.constant 0 : i32
        %dma_wait3A_281 = arith.constant 0 : i32
        %dma_wait3A_282 = tpu.memref_slice %arg2[%dma_wait3A_280, %dma_wait3A_281] : memref<10112x16xf32, #tpu.memory_space<hbm>> -> memref<128x16xf32, #tpu.memory_space<hbm>>
        tpu.wait_dma2 semaphore(%arg21 : memref<!tpu.dma_semaphore, #tpu.memory_space<semaphore_mem>>) src(%dma_wait3A_282 : memref<128x16xf32, #tpu.memory_space<hbm>>) dst(%arg13 : memref<128x16xf32, #tpu.memory_space<vmem>>)
        %dma_start3A_283 = arith.constant 0 : i32
        %dma_start3A_284 = tpu.memref_slice %arg7[%add3A_276, %dma_start3A_283] : memref<120x128xi32, #tpu.memory_space<vmem>> -> memref<1x128xi32, #tpu.memory_space<vmem>>
        %dma_start3A_285 = tpu.memref_squeeze %dma_start3A_284 : memref<1x128xi32, #tpu.memory_space<vmem>> -> memref<128xi32, #tpu.memory_space<vmem>>
        %dma_start3A_286 = arith.constant 0 : i32
        %dma_start3A_287 = arith.constant 0 : i32
        %dma_start3A_288 = tpu.memref_slice %arg32[%dma_start3A_286, %dma_start3A_287] : memref<10112x16xf32, #tpu.memory_space<vmem_shared>> -> memref<10112x16xf32, #tpu.memory_space<vmem_shared>>
        tpu.enqueue_indirect_dma source(%arg13 : memref<128x16xf32, #tpu.memory_space<vmem>>) target(%dma_start3A_288 : memref<10112x16xf32, #tpu.memory_space<vmem_shared>>) offsets(%dma_start3A_285 : memref<128xi32, #tpu.memory_space<vmem>>) semaphore(%arg29 : memref<!tpu.dma_semaphore, #tpu.memory_space<semaphore_mem>>) {add = true}
        %ge3A_289 = arith.constant 4 : i32
        %ge3A_290 = arith.cmpi sge, %add3A_276, %ge3A_289 : i32
        %add3A_291 = arith.constant 4 : i32
        %add3A_292 = arith.addi %add3A_276, %add3A_291 : i32
        %lt3A_293 = arith.constant 40 : i32
        %lt3A_294 = arith.cmpi slt, %add3A_292, %lt3A_293 : i32
        %and3A_295 = arith.andi %ge3A_290, %lt3A_294 : i1
        %convert_element_type3A_296 = arith.extui %and3A_295 : i1 to i32
        %cond3A_297 = arith.constant 0 : i32
        %cond3A_298 = arith.cmpi ne, %convert_element_type3A_296, %cond3A_297 : i32
        scf.if %cond3A_298 {
          %dma_wait3A_368 = arith.constant 0 : i32
          %dma_wait3A_369 = arith.constant 0 : i32
          %dma_wait3A_370 = tpu.memref_slice %arg32[%dma_wait3A_368, %dma_wait3A_369] : memref<10112x16xf32, #tpu.memory_space<vmem_shared>> -> memref<128x16xf32, #tpu.memory_space<vmem_shared>>
          %dma_wait3A_371 = arith.constant 0 : i32
          %dma_wait3A_372 = arith.constant 0 : i32
          %dma_wait3A_373 = tpu.memref_slice %arg32[%dma_wait3A_371, %dma_wait3A_372] : memref<10112x16xf32, #tpu.memory_space<vmem_shared>> -> memref<128x16xf32, #tpu.memory_space<vmem_shared>>
          tpu.wait_dma2 semaphore(%arg25 : memref<!tpu.dma_semaphore, #tpu.memory_space<semaphore_mem>>) src(%arg9 : memref<128x16xf32, #tpu.memory_space<vmem>>) dst(%dma_wait3A_373 : memref<128x16xf32, #tpu.memory_space<vmem_shared>>)
        } else {
        }
        %add3A_299 = arith.constant 4 : i32
        %add3A_300 = arith.addi %add3A_276, %add3A_299 : i32
        %lt3A_301 = arith.constant 40 : i32
        %lt3A_302 = arith.cmpi slt, %add3A_300, %lt3A_301 : i32
        %convert_element_type3A_303 = arith.extui %lt3A_302 : i1 to i32
        %cond3A_304 = arith.constant 0 : i32
        %cond3A_305 = arith.cmpi ne, %convert_element_type3A_303, %cond3A_304 : i32
        scf.if %cond3A_305 {
          %add3A_368 = arith.constant 4 : i32
          %add3A_369 = arith.addi %add3A_276, %add3A_368 : i32
          %dma_start3A_370 = arith.constant 0 : i32
          %dma_start3A_371 = tpu.memref_slice %arg6[%add3A_369, %dma_start3A_370] : memref<120x128xi32, #tpu.memory_space<vmem>> -> memref<1x128xi32, #tpu.memory_space<vmem>>
          %dma_start3A_372 = tpu.memref_squeeze %dma_start3A_371 : memref<1x128xi32, #tpu.memory_space<vmem>> -> memref<128xi32, #tpu.memory_space<vmem>>
          %dma_start3A_373 = arith.constant 0 : i32
          %dma_start3A_374 = arith.constant 0 : i32
          %dma_start3A_375 = tpu.memref_slice %arg2[%dma_start3A_373, %dma_start3A_374] : memref<10112x16xf32, #tpu.memory_space<hbm>> -> memref<10112x16xf32, #tpu.memory_space<hbm>>
          tpu.enqueue_indirect_dma source(%dma_start3A_375 : memref<10112x16xf32, #tpu.memory_space<hbm>>) target(%arg9 : memref<128x16xf32, #tpu.memory_space<vmem>>) offsets(%dma_start3A_372 : memref<128xi32, #tpu.memory_space<vmem>>) semaphore(%arg17 : memref<!tpu.dma_semaphore, #tpu.memory_space<semaphore_mem>>)
        } else {
        }
        %add3A_306 = arith.constant 6 : i32
        %add3A_307 = arith.addi %mul3A_122, %add3A_306 : i32
        %dma_wait3A_308 = arith.constant 0 : i32
        %dma_wait3A_309 = arith.constant 0 : i32
        %dma_wait3A_310 = tpu.memref_slice %arg2[%dma_wait3A_308, %dma_wait3A_309] : memref<10112x16xf32, #tpu.memory_space<hbm>> -> memref<128x16xf32, #tpu.memory_space<hbm>>
        %dma_wait3A_311 = arith.constant 0 : i32
        %dma_wait3A_312 = arith.constant 0 : i32
        %dma_wait3A_313 = tpu.memref_slice %arg2[%dma_wait3A_311, %dma_wait3A_312] : memref<10112x16xf32, #tpu.memory_space<hbm>> -> memref<128x16xf32, #tpu.memory_space<hbm>>
        tpu.wait_dma2 semaphore(%arg22 : memref<!tpu.dma_semaphore, #tpu.memory_space<semaphore_mem>>) src(%dma_wait3A_313 : memref<128x16xf32, #tpu.memory_space<hbm>>) dst(%arg14 : memref<128x16xf32, #tpu.memory_space<vmem>>)
        %dma_start3A_314 = arith.constant 0 : i32
        %dma_start3A_315 = tpu.memref_slice %arg7[%add3A_307, %dma_start3A_314] : memref<120x128xi32, #tpu.memory_space<vmem>> -> memref<1x128xi32, #tpu.memory_space<vmem>>
        %dma_start3A_316 = tpu.memref_squeeze %dma_start3A_315 : memref<1x128xi32, #tpu.memory_space<vmem>> -> memref<128xi32, #tpu.memory_space<vmem>>
        %dma_start3A_317 = arith.constant 0 : i32
        %dma_start3A_318 = arith.constant 0 : i32
        %dma_start3A_319 = tpu.memref_slice %arg32[%dma_start3A_317, %dma_start3A_318] : memref<10112x16xf32, #tpu.memory_space<vmem_shared>> -> memref<10112x16xf32, #tpu.memory_space<vmem_shared>>
        tpu.enqueue_indirect_dma source(%arg14 : memref<128x16xf32, #tpu.memory_space<vmem>>) target(%dma_start3A_319 : memref<10112x16xf32, #tpu.memory_space<vmem_shared>>) offsets(%dma_start3A_316 : memref<128xi32, #tpu.memory_space<vmem>>) semaphore(%arg30 : memref<!tpu.dma_semaphore, #tpu.memory_space<semaphore_mem>>) {add = true}
        %ge3A_320 = arith.constant 4 : i32
        %ge3A_321 = arith.cmpi sge, %add3A_307, %ge3A_320 : i32
        %add3A_322 = arith.constant 4 : i32
        %add3A_323 = arith.addi %add3A_307, %add3A_322 : i32
        %lt3A_324 = arith.constant 40 : i32
        %lt3A_325 = arith.cmpi slt, %add3A_323, %lt3A_324 : i32
        %and3A_326 = arith.andi %ge3A_321, %lt3A_325 : i1
        %convert_element_type3A_327 = arith.extui %and3A_326 : i1 to i32
        %cond3A_328 = arith.constant 0 : i32
        %cond3A_329 = arith.cmpi ne, %convert_element_type3A_327, %cond3A_328 : i32
        scf.if %cond3A_329 {
          %dma_wait3A_368 = arith.constant 0 : i32
          %dma_wait3A_369 = arith.constant 0 : i32
          %dma_wait3A_370 = tpu.memref_slice %arg32[%dma_wait3A_368, %dma_wait3A_369] : memref<10112x16xf32, #tpu.memory_space<vmem_shared>> -> memref<128x16xf32, #tpu.memory_space<vmem_shared>>
          %dma_wait3A_371 = arith.constant 0 : i32
          %dma_wait3A_372 = arith.constant 0 : i32
          %dma_wait3A_373 = tpu.memref_slice %arg32[%dma_wait3A_371, %dma_wait3A_372] : memref<10112x16xf32, #tpu.memory_space<vmem_shared>> -> memref<128x16xf32, #tpu.memory_space<vmem_shared>>
          tpu.wait_dma2 semaphore(%arg26 : memref<!tpu.dma_semaphore, #tpu.memory_space<semaphore_mem>>) src(%arg10 : memref<128x16xf32, #tpu.memory_space<vmem>>) dst(%dma_wait3A_373 : memref<128x16xf32, #tpu.memory_space<vmem_shared>>)
        } else {
        }
        %add3A_330 = arith.constant 4 : i32
        %add3A_331 = arith.addi %add3A_307, %add3A_330 : i32
        %lt3A_332 = arith.constant 40 : i32
        %lt3A_333 = arith.cmpi slt, %add3A_331, %lt3A_332 : i32
        %convert_element_type3A_334 = arith.extui %lt3A_333 : i1 to i32
        %cond3A_335 = arith.constant 0 : i32
        %cond3A_336 = arith.cmpi ne, %convert_element_type3A_334, %cond3A_335 : i32
        scf.if %cond3A_336 {
          %add3A_368 = arith.constant 4 : i32
          %add3A_369 = arith.addi %add3A_307, %add3A_368 : i32
          %dma_start3A_370 = arith.constant 0 : i32
          %dma_start3A_371 = tpu.memref_slice %arg6[%add3A_369, %dma_start3A_370] : memref<120x128xi32, #tpu.memory_space<vmem>> -> memref<1x128xi32, #tpu.memory_space<vmem>>
          %dma_start3A_372 = tpu.memref_squeeze %dma_start3A_371 : memref<1x128xi32, #tpu.memory_space<vmem>> -> memref<128xi32, #tpu.memory_space<vmem>>
          %dma_start3A_373 = arith.constant 0 : i32
          %dma_start3A_374 = arith.constant 0 : i32
          %dma_start3A_375 = tpu.memref_slice %arg2[%dma_start3A_373, %dma_start3A_374] : memref<10112x16xf32, #tpu.memory_space<hbm>> -> memref<10112x16xf32, #tpu.memory_space<hbm>>
          tpu.enqueue_indirect_dma source(%dma_start3A_375 : memref<10112x16xf32, #tpu.memory_space<hbm>>) target(%arg10 : memref<128x16xf32, #tpu.memory_space<vmem>>) offsets(%dma_start3A_372 : memref<128xi32, #tpu.memory_space<vmem>>) semaphore(%arg18 : memref<!tpu.dma_semaphore, #tpu.memory_space<semaphore_mem>>)
        } else {
        }
        %add3A_337 = arith.constant 7 : i32
        %add3A_338 = arith.addi %mul3A_122, %add3A_337 : i32
        %dma_wait3A_339 = arith.constant 0 : i32
        %dma_wait3A_340 = arith.constant 0 : i32
        %dma_wait3A_341 = tpu.memref_slice %arg2[%dma_wait3A_339, %dma_wait3A_340] : memref<10112x16xf32, #tpu.memory_space<hbm>> -> memref<128x16xf32, #tpu.memory_space<hbm>>
        %dma_wait3A_342 = arith.constant 0 : i32
        %dma_wait3A_343 = arith.constant 0 : i32
        %dma_wait3A_344 = tpu.memref_slice %arg2[%dma_wait3A_342, %dma_wait3A_343] : memref<10112x16xf32, #tpu.memory_space<hbm>> -> memref<128x16xf32, #tpu.memory_space<hbm>>
        tpu.wait_dma2 semaphore(%arg23 : memref<!tpu.dma_semaphore, #tpu.memory_space<semaphore_mem>>) src(%dma_wait3A_344 : memref<128x16xf32, #tpu.memory_space<hbm>>) dst(%arg15 : memref<128x16xf32, #tpu.memory_space<vmem>>)
        %dma_start3A_345 = arith.constant 0 : i32
        %dma_start3A_346 = tpu.memref_slice %arg7[%add3A_338, %dma_start3A_345] : memref<120x128xi32, #tpu.memory_space<vmem>> -> memref<1x128xi32, #tpu.memory_space<vmem>>
        %dma_start3A_347 = tpu.memref_squeeze %dma_start3A_346 : memref<1x128xi32, #tpu.memory_space<vmem>> -> memref<128xi32, #tpu.memory_space<vmem>>
        %dma_start3A_348 = arith.constant 0 : i32
        %dma_start3A_349 = arith.constant 0 : i32
        %dma_start3A_350 = tpu.memref_slice %arg32[%dma_start3A_348, %dma_start3A_349] : memref<10112x16xf32, #tpu.memory_space<vmem_shared>> -> memref<10112x16xf32, #tpu.memory_space<vmem_shared>>
        tpu.enqueue_indirect_dma source(%arg15 : memref<128x16xf32, #tpu.memory_space<vmem>>) target(%dma_start3A_350 : memref<10112x16xf32, #tpu.memory_space<vmem_shared>>) offsets(%dma_start3A_347 : memref<128xi32, #tpu.memory_space<vmem>>) semaphore(%arg31 : memref<!tpu.dma_semaphore, #tpu.memory_space<semaphore_mem>>) {add = true}
        %ge3A_351 = arith.constant 4 : i32
        %ge3A_352 = arith.cmpi sge, %add3A_338, %ge3A_351 : i32
        %add3A_353 = arith.constant 4 : i32
        %add3A_354 = arith.addi %add3A_338, %add3A_353 : i32
        %lt3A_355 = arith.constant 40 : i32
        %lt3A_356 = arith.cmpi slt, %add3A_354, %lt3A_355 : i32
        %and3A_357 = arith.andi %ge3A_352, %lt3A_356 : i1
        %convert_element_type3A_358 = arith.extui %and3A_357 : i1 to i32
        %cond3A_359 = arith.constant 0 : i32
        %cond3A_360 = arith.cmpi ne, %convert_element_type3A_358, %cond3A_359 : i32
        scf.if %cond3A_360 {
          %dma_wait3A_368 = arith.constant 0 : i32
          %dma_wait3A_369 = arith.constant 0 : i32
          %dma_wait3A_370 = tpu.memref_slice %arg32[%dma_wait3A_368, %dma_wait3A_369] : memref<10112x16xf32, #tpu.memory_space<vmem_shared>> -> memref<128x16xf32, #tpu.memory_space<vmem_shared>>
          %dma_wait3A_371 = arith.constant 0 : i32
          %dma_wait3A_372 = arith.constant 0 : i32
          %dma_wait3A_373 = tpu.memref_slice %arg32[%dma_wait3A_371, %dma_wait3A_372] : memref<10112x16xf32, #tpu.memory_space<vmem_shared>> -> memref<128x16xf32, #tpu.memory_space<vmem_shared>>
          tpu.wait_dma2 semaphore(%arg27 : memref<!tpu.dma_semaphore, #tpu.memory_space<semaphore_mem>>) src(%arg11 : memref<128x16xf32, #tpu.memory_space<vmem>>) dst(%dma_wait3A_373 : memref<128x16xf32, #tpu.memory_space<vmem_shared>>)
        } else {
        }
        %add3A_361 = arith.constant 4 : i32
        %add3A_362 = arith.addi %add3A_338, %add3A_361 : i32
        %lt3A_363 = arith.constant 40 : i32
        %lt3A_364 = arith.cmpi slt, %add3A_362, %lt3A_363 : i32
        %convert_element_type3A_365 = arith.extui %lt3A_364 : i1 to i32
        %cond3A_366 = arith.constant 0 : i32
        %cond3A_367 = arith.cmpi ne, %convert_element_type3A_365, %cond3A_366 : i32
        scf.if %cond3A_367 {
          %add3A_368 = arith.constant 4 : i32
          %add3A_369 = arith.addi %add3A_338, %add3A_368 : i32
          %dma_start3A_370 = arith.constant 0 : i32
          %dma_start3A_371 = tpu.memref_slice %arg6[%add3A_369, %dma_start3A_370] : memref<120x128xi32, #tpu.memory_space<vmem>> -> memref<1x128xi32, #tpu.memory_space<vmem>>
          %dma_start3A_372 = tpu.memref_squeeze %dma_start3A_371 : memref<1x128xi32, #tpu.memory_space<vmem>> -> memref<128xi32, #tpu.memory_space<vmem>>
          %dma_start3A_373 = arith.constant 0 : i32
          %dma_start3A_374 = arith.constant 0 : i32
          %dma_start3A_375 = tpu.memref_slice %arg2[%dma_start3A_373, %dma_start3A_374] : memref<10112x16xf32, #tpu.memory_space<hbm>> -> memref<10112x16xf32, #tpu.memory_space<hbm>>
          tpu.enqueue_indirect_dma source(%dma_start3A_375 : memref<10112x16xf32, #tpu.memory_space<hbm>>) target(%arg11 : memref<128x16xf32, #tpu.memory_space<vmem>>) offsets(%dma_start3A_372 : memref<128xi32, #tpu.memory_space<vmem>>) semaphore(%arg19 : memref<!tpu.dma_semaphore, #tpu.memory_space<semaphore_mem>>)
        } else {
        }
      }
      %scan3A_72 = arith.constant 5 : i32
      %dma_wait3A = arith.constant 0 : i32
      %dma_wait3A_73 = arith.constant 0 : i32
      %dma_wait3A_74 = tpu.memref_slice %arg32[%dma_wait3A, %dma_wait3A_73] : memref<10112x16xf32, #tpu.memory_space<vmem_shared>> -> memref<128x16xf32, #tpu.memory_space<vmem_shared>>
      %dma_wait3A_75 = arith.constant 0 : i32
      %dma_wait3A_76 = arith.constant 0 : i32
      %dma_wait3A_77 = tpu.memref_slice %arg32[%dma_wait3A_75, %dma_wait3A_76] : memref<10112x16xf32, #tpu.memory_space<vmem_shared>> -> memref<128x16xf32, #tpu.memory_space<vmem_shared>>
      tpu.wait_dma2 semaphore(%arg24 : memref<!tpu.dma_semaphore, #tpu.memory_space<semaphore_mem>>) src(%arg8 : memref<128x16xf32, #tpu.memory_space<vmem>>) dst(%dma_wait3A_77 : memref<128x16xf32, #tpu.memory_space<vmem_shared>>)
      %dma_wait3A_78 = arith.constant 0 : i32
      %dma_wait3A_79 = arith.constant 0 : i32
      %dma_wait3A_80 = tpu.memref_slice %arg32[%dma_wait3A_78, %dma_wait3A_79] : memref<10112x16xf32, #tpu.memory_space<vmem_shared>> -> memref<128x16xf32, #tpu.memory_space<vmem_shared>>
      %dma_wait3A_81 = arith.constant 0 : i32
      %dma_wait3A_82 = arith.constant 0 : i32
      %dma_wait3A_83 = tpu.memref_slice %arg32[%dma_wait3A_81, %dma_wait3A_82] : memref<10112x16xf32, #tpu.memory_space<vmem_shared>> -> memref<128x16xf32, #tpu.memory_space<vmem_shared>>
      tpu.wait_dma2 semaphore(%arg25 : memref<!tpu.dma_semaphore, #tpu.memory_space<semaphore_mem>>) src(%arg9 : memref<128x16xf32, #tpu.memory_space<vmem>>) dst(%dma_wait3A_83 : memref<128x16xf32, #tpu.memory_space<vmem_shared>>)
      %dma_wait3A_84 = arith.constant 0 : i32
      %dma_wait3A_85 = arith.constant 0 : i32
      %dma_wait3A_86 = tpu.memref_slice %arg32[%dma_wait3A_84, %dma_wait3A_85] : memref<10112x16xf32, #tpu.memory_space<vmem_shared>> -> memref<128x16xf32, #tpu.memory_space<vmem_shared>>
      %dma_wait3A_87 = arith.constant 0 : i32
      %dma_wait3A_88 = arith.constant 0 : i32
      %dma_wait3A_89 = tpu.memref_slice %arg32[%dma_wait3A_87, %dma_wait3A_88] : memref<10112x16xf32, #tpu.memory_space<vmem_shared>> -> memref<128x16xf32, #tpu.memory_space<vmem_shared>>
      tpu.wait_dma2 semaphore(%arg26 : memref<!tpu.dma_semaphore, #tpu.memory_space<semaphore_mem>>) src(%arg10 : memref<128x16xf32, #tpu.memory_space<vmem>>) dst(%dma_wait3A_89 : memref<128x16xf32, #tpu.memory_space<vmem_shared>>)
      %dma_wait3A_90 = arith.constant 0 : i32
      %dma_wait3A_91 = arith.constant 0 : i32
      %dma_wait3A_92 = tpu.memref_slice %arg32[%dma_wait3A_90, %dma_wait3A_91] : memref<10112x16xf32, #tpu.memory_space<vmem_shared>> -> memref<128x16xf32, #tpu.memory_space<vmem_shared>>
      %dma_wait3A_93 = arith.constant 0 : i32
      %dma_wait3A_94 = arith.constant 0 : i32
      %dma_wait3A_95 = tpu.memref_slice %arg32[%dma_wait3A_93, %dma_wait3A_94] : memref<10112x16xf32, #tpu.memory_space<vmem_shared>> -> memref<128x16xf32, #tpu.memory_space<vmem_shared>>
      tpu.wait_dma2 semaphore(%arg27 : memref<!tpu.dma_semaphore, #tpu.memory_space<semaphore_mem>>) src(%arg11 : memref<128x16xf32, #tpu.memory_space<vmem>>) dst(%dma_wait3A_95 : memref<128x16xf32, #tpu.memory_space<vmem_shared>>)
      %dma_wait3A_96 = arith.constant 0 : i32
      %dma_wait3A_97 = arith.constant 0 : i32
      %dma_wait3A_98 = tpu.memref_slice %arg32[%dma_wait3A_96, %dma_wait3A_97] : memref<10112x16xf32, #tpu.memory_space<vmem_shared>> -> memref<128x16xf32, #tpu.memory_space<vmem_shared>>
      %dma_wait3A_99 = arith.constant 0 : i32
      %dma_wait3A_100 = arith.constant 0 : i32
      %dma_wait3A_101 = tpu.memref_slice %arg32[%dma_wait3A_99, %dma_wait3A_100] : memref<10112x16xf32, #tpu.memory_space<vmem_shared>> -> memref<128x16xf32, #tpu.memory_space<vmem_shared>>
      tpu.wait_dma2 semaphore(%arg28 : memref<!tpu.dma_semaphore, #tpu.memory_space<semaphore_mem>>) src(%arg12 : memref<128x16xf32, #tpu.memory_space<vmem>>) dst(%dma_wait3A_101 : memref<128x16xf32, #tpu.memory_space<vmem_shared>>)
      %dma_wait3A_102 = arith.constant 0 : i32
      %dma_wait3A_103 = arith.constant 0 : i32
      %dma_wait3A_104 = tpu.memref_slice %arg32[%dma_wait3A_102, %dma_wait3A_103] : memref<10112x16xf32, #tpu.memory_space<vmem_shared>> -> memref<128x16xf32, #tpu.memory_space<vmem_shared>>
      %dma_wait3A_105 = arith.constant 0 : i32
      %dma_wait3A_106 = arith.constant 0 : i32
      %dma_wait3A_107 = tpu.memref_slice %arg32[%dma_wait3A_105, %dma_wait3A_106] : memref<10112x16xf32, #tpu.memory_space<vmem_shared>> -> memref<128x16xf32, #tpu.memory_space<vmem_shared>>
      tpu.wait_dma2 semaphore(%arg29 : memref<!tpu.dma_semaphore, #tpu.memory_space<semaphore_mem>>) src(%arg13 : memref<128x16xf32, #tpu.memory_space<vmem>>) dst(%dma_wait3A_107 : memref<128x16xf32, #tpu.memory_space<vmem_shared>>)
      %dma_wait3A_108 = arith.constant 0 : i32
      %dma_wait3A_109 = arith.constant 0 : i32
      %dma_wait3A_110 = tpu.memref_slice %arg32[%dma_wait3A_108, %dma_wait3A_109] : memref<10112x16xf32, #tpu.memory_space<vmem_shared>> -> memref<128x16xf32, #tpu.memory_space<vmem_shared>>
      %dma_wait3A_111 = arith.constant 0 : i32
      %dma_wait3A_112 = arith.constant 0 : i32
      %dma_wait3A_113 = tpu.memref_slice %arg32[%dma_wait3A_111, %dma_wait3A_112] : memref<10112x16xf32, #tpu.memory_space<vmem_shared>> -> memref<128x16xf32, #tpu.memory_space<vmem_shared>>
      tpu.wait_dma2 semaphore(%arg30 : memref<!tpu.dma_semaphore, #tpu.memory_space<semaphore_mem>>) src(%arg14 : memref<128x16xf32, #tpu.memory_space<vmem>>) dst(%dma_wait3A_113 : memref<128x16xf32, #tpu.memory_space<vmem_shared>>)
      %dma_wait3A_114 = arith.constant 0 : i32
      %dma_wait3A_115 = arith.constant 0 : i32
      %dma_wait3A_116 = tpu.memref_slice %arg32[%dma_wait3A_114, %dma_wait3A_115] : memref<10112x16xf32, #tpu.memory_space<vmem_shared>> -> memref<128x16xf32, #tpu.memory_space<vmem_shared>>
      %dma_wait3A_117 = arith.constant 0 : i32
      %dma_wait3A_118 = arith.constant 0 : i32
      %dma_wait3A_119 = tpu.memref_slice %arg32[%dma_wait3A_117, %dma_wait3A_118] : memref<10112x16xf32, #tpu.memory_space<vmem_shared>> -> memref<128x16xf32, #tpu.memory_space<vmem_shared>>
      tpu.wait_dma2 semaphore(%arg31 : memref<!tpu.dma_semaphore, #tpu.memory_space<semaphore_mem>>) src(%arg15 : memref<128x16xf32, #tpu.memory_space<vmem>>) dst(%dma_wait3A_119 : memref<128x16xf32, #tpu.memory_space<vmem_shared>>)
    } else {
    }
    %barrier3A_30 = arith.constant 0 : index
    tpu.barrier barrier_id(%barrier3A_30)
    %mul3A_31 = arith.constant 632 : i32
    %mul3A_32 = arith.muli %arg1, %mul3A_31 : i32
    %mul3A_33 = arith.constant 632 : i32
    %mul3A_34 = arith.muli %arg1, %mul3A_33 : i32
    "tpu.region"() ({
      %run_scoped3A = tpu.sem_alloc : memref<!tpu.dma_semaphore, #tpu.memory_space<semaphore_mem>>
      %dma_start3A = arith.constant 0 : i32
      %dma_start3A_35 = tpu.memref_slice %arg5[%arg0, %mul3A_34, %dma_start3A] : memref<2x10112x16xf32, #tpu.memory_space<hbm>> -> memref<1x632x16xf32, #tpu.memory_space<hbm>>
      %dma_start3A_36 = tpu.memref_squeeze %dma_start3A_35 : memref<1x632x16xf32, #tpu.memory_space<hbm>> -> memref<632x16xf32, #tpu.memory_space<hbm>>
      %dma_start3A_37 = arith.constant 0 : i32
      %dma_start3A_38 = tpu.memref_slice %arg32[%mul3A_32, %dma_start3A_37] : memref<10112x16xf32, #tpu.memory_space<vmem_shared>> -> memref<632x16xf32, #tpu.memory_space<vmem_shared>>
      tpu.enqueue_dma source(%dma_start3A_38 : memref<632x16xf32, #tpu.memory_space<vmem_shared>>) target(%dma_start3A_36 : memref<632x16xf32, #tpu.memory_space<hbm>>) target_semaphore(%run_scoped3A : memref<!tpu.dma_semaphore, #tpu.memory_space<semaphore_mem>>)
      %dma_wait3A = arith.constant 0 : i32
      %dma_wait3A_39 = tpu.memref_slice %arg5[%arg0, %mul3A_34, %dma_wait3A] : memref<2x10112x16xf32, #tpu.memory_space<hbm>> -> memref<1x632x16xf32, #tpu.memory_space<hbm>>
      %dma_wait3A_40 = tpu.memref_squeeze %dma_wait3A_39 : memref<1x632x16xf32, #tpu.memory_space<hbm>> -> memref<632x16xf32, #tpu.memory_space<hbm>>
      %dma_wait3A_41 = arith.constant 0 : i32
      %dma_wait3A_42 = tpu.memref_slice %arg32[%mul3A_32, %dma_wait3A_41] : memref<10112x16xf32, #tpu.memory_space<vmem_shared>> -> memref<632x16xf32, #tpu.memory_space<vmem_shared>>
      tpu.wait_dma2 semaphore(%run_scoped3A : memref<!tpu.dma_semaphore, #tpu.memory_space<semaphore_mem>>) src(%dma_wait3A_42 : memref<632x16xf32, #tpu.memory_space<vmem_shared>>) dst(%dma_wait3A_40 : memref<632x16xf32, #tpu.memory_space<hbm>>)
      tpu.yield
    }) : () -> ()
    return
  }
}

module attributes {stable_mosaic.version = 14 : i64} {
  func.func @_layer1_body(%arg0: i32, %arg1: memref<2x632x128xbf16, #tpu.memory_space<vmem>>, %arg2: memref<2x632x16xf32, #tpu.memory_space<vmem>>, %arg3: memref<632x128xf32, #tpu.memory_space<vmem>>, %arg4: memref<128x128xf32, #tpu.memory_space<vmem>>, %arg5: memref<128x128xf32, #tpu.memory_space<vmem>>, %arg6: memref<1x128xf32, #tpu.memory_space<vmem>>, %arg7: memref<128x16xf32, #tpu.memory_space<vmem>>, %arg8: memref<1x16xf32, #tpu.memory_space<vmem>>, %arg9: memref<632x128xf32, #tpu.memory_space<vmem>>, %arg10: memref<632x16xf32, #tpu.memory_space<vmem>>) attributes {dimension_semantics = [#tpu.dimension_semantics<arbitrary>], iteration_bounds = array<i64: 16>, scalar_prefetch = 0 : i64, scratch_operands = 0 : i64, tpu.core_type = #tpu.core_type<tc>, window_params = [{transform_indices = @transform_0, window_bounds = array<i64: 2, 632, 128>}, {transform_indices = @transform_1, window_bounds = array<i64: 2, 632, 16>}, {transform_indices = @transform_2, window_bounds = array<i64: 632, 128>}, {pipeline_mode = #tpu.pipeline_mode<synchronous>, transform_indices = @transform_3, window_bounds = array<i64: 128, 128>}, {pipeline_mode = #tpu.pipeline_mode<synchronous>, transform_indices = @transform_4, window_bounds = array<i64: 128, 128>}, {pipeline_mode = #tpu.pipeline_mode<synchronous>, transform_indices = @transform_5, window_bounds = array<i64: 1, 128>}, {pipeline_mode = #tpu.pipeline_mode<synchronous>, transform_indices = @transform_6, window_bounds = array<i64: 128, 16>}, {pipeline_mode = #tpu.pipeline_mode<synchronous>, transform_indices = @transform_7, window_bounds = array<i64: 1, 16>}, {transform_indices = @transform_8, window_bounds = array<i64: 632, 128>}, {transform_indices = @transform_9, window_bounds = array<i64: 632, 16>}]} {
    %get3A = arith.constant 0 : index
    %get3A_0 = arith.constant 0 : index
    %get3A_1 = arith.constant 0 : index
    %get3A_2 = vector.load %arg2[%get3A, %get3A_0, %get3A_1] : memref<2x632x16xf32, #tpu.memory_space<vmem>>, vector<1x632x1xf32>
    %get3A_3 = vector.shape_cast %get3A_2 : vector<1x632x1xf32> to vector<632x1xf32>
    %get3A_4 = arith.constant 1 : index
    %get3A_5 = arith.constant 0 : index
    %get3A_6 = arith.constant 0 : index
    %get3A_7 = vector.load %arg2[%get3A_4, %get3A_5, %get3A_6] : memref<2x632x16xf32, #tpu.memory_space<vmem>>, vector<1x632x1xf32>
    %get3A_8 = vector.shape_cast %get3A_7 : vector<1x632x1xf32> to vector<632x1xf32>
    %add3A = arith.addf %get3A_3, %get3A_8 : vector<632x1xf32>
    %max3A = arith.constant 1.000000e+00 : f32
    %max3A_9 = vector.broadcast %max3A : f32 to vector<632x1xf32>
    %max3A_10 = arith.maximumf %add3A, %max3A_9 : vector<632x1xf32>
    %get3A_11 = arith.constant 0 : index
    %get3A_12 = arith.constant 0 : index
    %get3A_13 = arith.constant 0 : index
    %get3A_14 = vector.load %arg1[%get3A_11, %get3A_12, %get3A_13] : memref<2x632x128xbf16, #tpu.memory_space<vmem>>, vector<1x632x128xbf16>
    %get3A_15 = vector.shape_cast %get3A_14 : vector<1x632x128xbf16> to vector<632x128xbf16>
    %convert_element_type3A = arith.extf %get3A_15 : vector<632x128xbf16> to vector<632x128xf32>
    %get3A_16 = arith.constant 1 : index
    %get3A_17 = arith.constant 0 : index
    %get3A_18 = arith.constant 0 : index
    %get3A_19 = vector.load %arg1[%get3A_16, %get3A_17, %get3A_18] : memref<2x632x128xbf16, #tpu.memory_space<vmem>>, vector<1x632x128xbf16>
    %get3A_20 = vector.shape_cast %get3A_19 : vector<1x632x128xbf16> to vector<632x128xbf16>
    %convert_element_type3A_21 = arith.extf %get3A_20 : vector<632x128xbf16> to vector<632x128xf32>
    %add3A_22 = arith.addf %convert_element_type3A, %convert_element_type3A_21 : vector<632x128xf32>
    %div3A = vector.broadcast %max3A_10 : vector<632x1xf32> to vector<632x128xf32>
    %div3A_23 = arith.divf %add3A_22, %div3A : vector<632x128xf32>
    %get3A_24 = arith.constant 0 : index
    %get3A_25 = arith.constant 0 : index
    %get3A_26 = vector.load %arg4[%get3A_24, %get3A_25] : memref<128x128xf32, #tpu.memory_space<vmem>>, vector<128x128xf32>
    %dot_general3A = arith.constant dense<0.000000e+00> : vector<632x128xf32>
    %dot_general3A_27 = tpu.matmul %div3A_23, %get3A_26, %dot_general3A {dimension_numbers = #tpu.dot_dimension_numbers<[1], [0], [0], [1], [0, 0, 1, 1], [], []>, transpose_lhs_hint = false} : vector<632x128xf32>, vector<128x128xf32>, vector<632x128xf32> -> vector<632x128xf32>
    %get3A_28 = arith.constant 0 : index
    %get3A_29 = arith.constant 0 : index
    %get3A_30 = vector.load %arg3[%get3A_28, %get3A_29] : memref<632x128xf32, #tpu.memory_space<vmem>>, vector<632x128xf32>
    %get3A_31 = arith.constant 0 : index
    %get3A_32 = arith.constant 0 : index
    %get3A_33 = vector.load %arg5[%get3A_31, %get3A_32] : memref<128x128xf32, #tpu.memory_space<vmem>>, vector<128x128xf32>
    %dot_general3A_34 = arith.constant dense<0.000000e+00> : vector<632x128xf32>
    %dot_general3A_35 = tpu.matmul %get3A_30, %get3A_33, %dot_general3A_34 {dimension_numbers = #tpu.dot_dimension_numbers<[1], [0], [0], [1], [0, 0, 1, 1], [], []>, transpose_lhs_hint = false} : vector<632x128xf32>, vector<128x128xf32>, vector<632x128xf32> -> vector<632x128xf32>
    %add3A_36 = arith.addf %dot_general3A_27, %dot_general3A_35 : vector<632x128xf32>
    %get3A_37 = arith.constant 0 : index
    %get3A_38 = arith.constant 0 : index
    %get3A_39 = vector.load %arg6[%get3A_37, %get3A_38] : memref<1x128xf32, #tpu.memory_space<vmem>>, vector<1x128xf32>
    %add3A_40 = vector.broadcast %get3A_39 : vector<1x128xf32> to vector<632x128xf32>
    %add3A_41 = arith.addf %add3A_36, %add3A_40 : vector<632x128xf32>
    %max3A_42 = arith.constant 0.000000e+00 : f32
    %max3A_43 = vector.broadcast %max3A_42 : f32 to vector<632x128xf32>
    %max3A_44 = arith.maximumf %add3A_41, %max3A_43 : vector<632x128xf32>
    %swap3A = arith.constant 0 : index
    %swap3A_45 = arith.constant 0 : index
    %swap3A_46 = vector.load %arg9[%swap3A, %swap3A_45] : memref<632x128xf32, #tpu.memory_space<vmem>>, vector<632x128xf32>
    tpu.vector_store %arg9[%swap3A, %swap3A_45], %max3A_44 {strides = array<i32>} : memref<632x128xf32, #tpu.memory_space<vmem>>, vector<632x128xf32>,
    %mul3A = arith.constant 632 : i32
    %mul3A_47 = arith.muli %arg0, %mul3A : i32
    %iota3A = tpu.iota {dimensions = array<i32: 0>} : vector<632x1xi32>
    %add3A_48 = vector.broadcast %mul3A_47 : i32 to vector<632x1xi32>
    %add3A_49 = arith.addi %add3A_48, %iota3A : vector<632x1xi32>
    %lt3A = arith.constant 10000 : i32
    %lt3A_50 = vector.broadcast %lt3A : i32 to vector<632x1xi32>
    %lt3A_51 = arith.cmpi slt, %add3A_49, %lt3A_50 : vector<632x1xi32>
    %get3A_52 = arith.constant 0 : index
    %get3A_53 = arith.constant 0 : index
    %get3A_54 = vector.load %arg7[%get3A_52, %get3A_53] : memref<128x16xf32, #tpu.memory_space<vmem>>, vector<128x16xf32>
    %dot_general3A_55 = arith.constant dense<0.000000e+00> : vector<632x16xf32>
    %dot_general3A_56 = tpu.matmul %max3A_44, %get3A_54, %dot_general3A_55 {dimension_numbers = #tpu.dot_dimension_numbers<[1], [0], [0], [1], [0, 0, 1, 1], [], []>, transpose_lhs_hint = false} : vector<632x128xf32>, vector<128x16xf32>, vector<632x16xf32> -> vector<632x16xf32>
    %get3A_57 = arith.constant 0 : index
    %get3A_58 = arith.constant 0 : index
    %get3A_59 = vector.load %arg8[%get3A_57, %get3A_58] : memref<1x16xf32, #tpu.memory_space<vmem>>, vector<1x16xf32>
    %add3A_60 = vector.broadcast %get3A_59 : vector<1x16xf32> to vector<632x16xf32>
    %add3A_61 = arith.addf %dot_general3A_56, %add3A_60 : vector<632x16xf32>
    %jit3A = arith.constant 0.000000e+00 : f32
    %broadcast_in_dim3A = vector.shape_cast %lt3A_51 : vector<632x1xi1> to vector<632x1xi1>
    %broadcast_in_dim3A_62 = vector.broadcast %broadcast_in_dim3A : vector<632x1xi1> to vector<632x16xi1>
    %broadcast_in_dim3A_63 = vector.broadcast %jit3A : f32 to vector<632x16xf32>
    %select_n3A = arith.select %broadcast_in_dim3A_62, %add3A_61, %broadcast_in_dim3A_63 : vector<632x16xi1>, vector<632x16xf32>
    %swap3A_64 = arith.constant 0 : index
    %swap3A_65 = arith.constant 0 : index
    %swap3A_66 = vector.load %arg10[%swap3A_64, %swap3A_65] : memref<632x16xf32, #tpu.memory_space<vmem>>, vector<632x16xf32>
    tpu.vector_store %arg10[%swap3A_64, %swap3A_65], %select_n3A {strides = array<i32>} : memref<632x16xf32, #tpu.memory_space<vmem>>, vector<632x16xf32>,
    return
  }
  func.func @transform_0(%arg0: i32) -> (i32, i32, i32) {
    %c0_i32 = arith.constant 0 : i32
    %c0_i32_0 = arith.constant 0 : i32
    %c0_i32_1 = arith.constant 0 : i32
    return %c0_i32, %arg0, %c0_i32_0 : i32, i32, i32
  }
  func.func @transform_1(%arg0: i32) -> (i32, i32, i32) {
    %c0_i32 = arith.constant 0 : i32
    %c0_i32_0 = arith.constant 0 : i32
    %c0_i32_1 = arith.constant 0 : i32
    return %c0_i32, %arg0, %c0_i32_0 : i32, i32, i32
  }
  func.func @transform_2(%arg0: i32) -> (i32, i32) {
    %c0_i32 = arith.constant 0 : i32
    %c0_i32_0 = arith.constant 0 : i32
    return %arg0, %c0_i32 : i32, i32
  }
  func.func @transform_3(%arg0: i32) -> (i32, i32) {
    %c0_i32 = arith.constant 0 : i32
    %c0_i32_0 = arith.constant 0 : i32
    %c0_i32_1 = arith.constant 0 : i32
    return %c0_i32, %c0_i32_0 : i32, i32
  }
  func.func @transform_4(%arg0: i32) -> (i32, i32) {
    %c0_i32 = arith.constant 0 : i32
    %c0_i32_0 = arith.constant 0 : i32
    %c0_i32_1 = arith.constant 0 : i32
    return %c0_i32, %c0_i32_0 : i32, i32
  }
  func.func @transform_5(%arg0: i32) -> (i32, i32) {
    %c0_i32 = arith.constant 0 : i32
    %c0_i32_0 = arith.constant 0 : i32
    %c0_i32_1 = arith.constant 0 : i32
    return %c0_i32, %c0_i32_0 : i32, i32
  }
  func.func @transform_6(%arg0: i32) -> (i32, i32) {
    %c0_i32 = arith.constant 0 : i32
    %c0_i32_0 = arith.constant 0 : i32
    %c0_i32_1 = arith.constant 0 : i32
    return %c0_i32, %c0_i32_0 : i32, i32
  }
  func.func @transform_7(%arg0: i32) -> (i32, i32) {
    %c0_i32 = arith.constant 0 : i32
    %c0_i32_0 = arith.constant 0 : i32
    %c0_i32_1 = arith.constant 0 : i32
    return %c0_i32, %c0_i32_0 : i32, i32
  }
  func.func @transform_8(%arg0: i32) -> (i32, i32) {
    %c0_i32 = arith.constant 0 : i32
    %c0_i32_0 = arith.constant 0 : i32
    return %arg0, %c0_i32 : i32, i32
  }
  func.func @transform_9(%arg0: i32) -> (i32, i32) {
    %c0_i32 = arith.constant 0 : i32
    %c0_i32_0 = arith.constant 0 : i32
    return %arg0, %c0_i32 : i32, i32
  }
}

module attributes {stable_mosaic.version = 14 : i64} {
  func.func @_head_body(%arg0: i32, %arg1: memref<2x1000x16xf32, #tpu.memory_space<vmem>>, %arg2: memref<1000x128xf32, #tpu.memory_space<vmem>>, %arg3: memref<1000x32xf32, #tpu.memory_space<vmem>>, %arg4: memref<128x8xf32, #tpu.memory_space<vmem>>, %arg5: memref<32x8xf32, #tpu.memory_space<vmem>>, %arg6: memref<1x8xf32, #tpu.memory_space<vmem>>, %arg7: memref<1000x8xf32, #tpu.memory_space<vmem>>) attributes {dimension_semantics = [#tpu.dimension_semantics<arbitrary>], iteration_bounds = array<i64: 10>, scalar_prefetch = 0 : i64, scratch_operands = 0 : i64, tpu.core_type = #tpu.core_type<tc>, window_params = [{transform_indices = @transform_0, window_bounds = array<i64: 2, 1000, 16>}, {transform_indices = @transform_1, window_bounds = array<i64: 1000, 128>}, {transform_indices = @transform_2, window_bounds = array<i64: 1000, 32>}, {pipeline_mode = #tpu.pipeline_mode<synchronous>, transform_indices = @transform_3, window_bounds = array<i64: 128, 8>}, {pipeline_mode = #tpu.pipeline_mode<synchronous>, transform_indices = @transform_4, window_bounds = array<i64: 32, 8>}, {pipeline_mode = #tpu.pipeline_mode<synchronous>, transform_indices = @transform_5, window_bounds = array<i64: 1, 8>}, {transform_indices = @transform_6, window_bounds = array<i64: 1000, 8>}]} {
    %get3A = arith.constant 0 : index
    %get3A_0 = arith.constant 0 : index
    %get3A_1 = arith.constant 0 : index
    %get3A_2 = vector.load %arg1[%get3A, %get3A_0, %get3A_1] : memref<2x1000x16xf32, #tpu.memory_space<vmem>>, vector<1x1000x16xf32>
    %get3A_3 = vector.shape_cast %get3A_2 : vector<1x1000x16xf32> to vector<1000x16xf32>
    %get3A_4 = arith.constant 1 : index
    %get3A_5 = arith.constant 0 : index
    %get3A_6 = arith.constant 0 : index
    %get3A_7 = vector.load %arg1[%get3A_4, %get3A_5, %get3A_6] : memref<2x1000x16xf32, #tpu.memory_space<vmem>>, vector<1x1000x16xf32>
    %get3A_8 = vector.shape_cast %get3A_7 : vector<1x1000x16xf32> to vector<1000x16xf32>
    %add3A = arith.addf %get3A_3, %get3A_8 : vector<1000x16xf32>
    %slice3A = vector.extract_strided_slice %add3A {offsets = [0, 8], sizes = [1000, 1], strides = [1, 1]} : vector<1000x16xf32> to vector<1000x1xf32>
    %max3A = arith.constant 1.000000e+00 : f32
    %max3A_9 = vector.broadcast %max3A : f32 to vector<1000x1xf32>
    %max3A_10 = arith.maximumf %slice3A, %max3A_9 : vector<1000x1xf32>
    %slice3A_11 = vector.extract_strided_slice %add3A {offsets = [0, 0], sizes = [1000, 8], strides = [1, 1]} : vector<1000x16xf32> to vector<1000x8xf32>
    %div3A = vector.broadcast %max3A_10 : vector<1000x1xf32> to vector<1000x8xf32>
    %div3A_12 = arith.divf %slice3A_11, %div3A : vector<1000x8xf32>
    %get3A_13 = arith.constant 0 : index
    %get3A_14 = arith.constant 0 : index
    %get3A_15 = vector.load %arg2[%get3A_13, %get3A_14] : memref<1000x128xf32, #tpu.memory_space<vmem>>, vector<1000x128xf32>
    %get3A_16 = arith.constant 0 : index
    %get3A_17 = arith.constant 0 : index
    %get3A_18 = vector.load %arg4[%get3A_16, %get3A_17] : memref<128x8xf32, #tpu.memory_space<vmem>>, vector<128x8xf32>
    %dot_general3A = arith.constant dense<0.000000e+00> : vector<1000x8xf32>
    %dot_general3A_19 = tpu.matmul %get3A_15, %get3A_18, %dot_general3A {dimension_numbers = #tpu.dot_dimension_numbers<[1], [0], [0], [1], [0, 0, 1, 1], [], []>, transpose_lhs_hint = false} : vector<1000x128xf32>, vector<128x8xf32>, vector<1000x8xf32> -> vector<1000x8xf32>
    %add3A_20 = arith.addf %div3A_12, %dot_general3A_19 : vector<1000x8xf32>
    %get3A_21 = arith.constant 0 : index
    %get3A_22 = arith.constant 0 : index
    %get3A_23 = vector.load %arg3[%get3A_21, %get3A_22] : memref<1000x32xf32, #tpu.memory_space<vmem>>, vector<1000x32xf32>
    %get3A_24 = arith.constant 0 : index
    %get3A_25 = arith.constant 0 : index
    %get3A_26 = vector.load %arg5[%get3A_24, %get3A_25] : memref<32x8xf32, #tpu.memory_space<vmem>>, vector<32x8xf32>
    %dot_general3A_27 = arith.constant dense<0.000000e+00> : vector<1000x8xf32>
    %dot_general3A_28 = tpu.matmul %get3A_23, %get3A_26, %dot_general3A_27 {dimension_numbers = #tpu.dot_dimension_numbers<[1], [0], [0], [1], [0, 0, 1, 1], [], []>, transpose_lhs_hint = false} : vector<1000x32xf32>, vector<32x8xf32>, vector<1000x8xf32> -> vector<1000x8xf32>
    %add3A_29 = arith.addf %add3A_20, %dot_general3A_28 : vector<1000x8xf32>
    %get3A_30 = arith.constant 0 : index
    %get3A_31 = arith.constant 0 : index
    %get3A_32 = vector.load %arg6[%get3A_30, %get3A_31] : memref<1x8xf32, #tpu.memory_space<vmem>>, vector<1x8xf32>
    %add3A_33 = vector.broadcast %get3A_32 : vector<1x8xf32> to vector<1000x8xf32>
    %add3A_34 = arith.addf %add3A_29, %add3A_33 : vector<1000x8xf32>
    %swap3A = arith.constant 0 : index
    %swap3A_35 = arith.constant 0 : index
    %swap3A_36 = vector.load %arg7[%swap3A, %swap3A_35] : memref<1000x8xf32, #tpu.memory_space<vmem>>, vector<1000x8xf32>
    tpu.vector_store %arg7[%swap3A, %swap3A_35], %add3A_34 {strides = array<i32>} : memref<1000x8xf32, #tpu.memory_space<vmem>>, vector<1000x8xf32>,
    return
  }
  func.func @transform_0(%arg0: i32) -> (i32, i32, i32) {
    %c0_i32 = arith.constant 0 : i32
    %c0_i32_0 = arith.constant 0 : i32
    %c0_i32_1 = arith.constant 0 : i32
    return %c0_i32, %arg0, %c0_i32_0 : i32, i32, i32
  }
  func.func @transform_1(%arg0: i32) -> (i32, i32) {
    %c0_i32 = arith.constant 0 : i32
    %c0_i32_0 = arith.constant 0 : i32
    return %arg0, %c0_i32 : i32, i32
  }
  func.func @transform_2(%arg0: i32) -> (i32, i32) {
    %c0_i32 = arith.constant 0 : i32
    %c0_i32_0 = arith.constant 0 : i32
    return %arg0, %c0_i32 : i32, i32
  }
  func.func @transform_3(%arg0: i32) -> (i32, i32) {
    %c0_i32 = arith.constant 0 : i32
    %c0_i32_0 = arith.constant 0 : i32
    %c0_i32_1 = arith.constant 0 : i32
    return %c0_i32, %c0_i32_0 : i32, i32
  }
  func.func @transform_4(%arg0: i32) -> (i32, i32) {
    %c0_i32 = arith.constant 0 : i32
    %c0_i32_0 = arith.constant 0 : i32
    %c0_i32_1 = arith.constant 0 : i32
    return %c0_i32, %c0_i32_0 : i32, i32
  }
  func.func @transform_5(%arg0: i32) -> (i32, i32) {
    %c0_i32 = arith.constant 0 : i32
    %c0_i32_0 = arith.constant 0 : i32
    %c0_i32_1 = arith.constant 0 : i32
    return %c0_i32, %c0_i32_0 : i32, i32
  }
  func.func @transform_6(%arg0: i32) -> (i32, i32) {
    %c0_i32 = arith.constant 0 : i32
    %c0_i32_0 = arith.constant 0 : i32
    return %arg0, %c0_i32 : i32, i32
  }
}

</mosaic_0001>

<sc_bundles>
// kernel: kernel.6.cloned.1.call-start
scs
__scs_entry_jumppad:
0x0: {  	(pc) =	sbr.rel $0x88, $3  }
0x1: {  	(tag) =	ssettag $0x0;
	lr =	simm.s32 $0x1  }
0x2: {  	[smem:$0x3F93] =	sst lr;
	_ =	strace $0xD0000000  }
0x3: {  	_ = 	snop  }
0x4: {  	_ = 	snop  }
0x5: {  	_ = 	snop  }
0x6: {  	_ = 	snop  }
0x7: {  	_ = 	snop  }
__scs_overlays_trampoline_lowered:
0x8: {  	[smem:$0x3FA2] =	sst s0  }
0x9: {  	[smem:$0x3FA3] =	sst s1  }
0xa: {  	[smem:$0x3FA4] =	sst s2  }
0xb: {  	[smem:$0x3FA5] =	sst s3  }
0xc: {  	[smem:$0x3FA6] =	sst s4  }
0xd: {  	[smem:$0x3FA7] =	sst s5  }
0xe: {  	[smem:$0x3FA8] =	sst s6  }
0xf: {  	[smem:$0x3FA9] =	sst s7  }
0x10: {  	[smem:$0x3FAA] =	sst s8  }
0x11: {  	[smem:$0x3FAB] =	sst s9;
	s0 =	simm.s32 @!p0 $0x0  }
0x12: {  	s1 =	sld [smem:$0x3F91];
	s0 =	simm.s32 @p0 $0x1  }
0x13: {  	[smem:$0x3FAC] =	sst s0;
	s0 =	simm.s32 @!p1 $0x0  }
0x14: {  	s2 =	sld [smem:$0x3F90];
	s0 =	simm.s32 @p1 $0x1  }
0x15: {  	[smem:$0x3FAD] =	sst s0;
	s0 =	simm.s32 @!p2 $0x0  }
0x16: {  	s3 =	sld [smem:$0x3FDB];
	s0 =	simm.s32 @p2 $0x1  }
0x17: {  	s4 =	simm.s32 $0x1BF5;
	[smem:$0x3FAF] =	sst s0  }
0x18: {  	s0 =	sld [smem:$0x3F92];
	_ =	swait.ge [sflag:s4], $0x0  }
0x19: {  	s7 =	sld [smem:$0x3F93]  }
0x1a: {  	s8 =	sadd.s32 $0xFFFFE003, lr  }
0x1b: {  	s9 =	sadd.s32 $0xFFFFFEF7, lr;
	s5 =	simm.s32 $0xFFFFFFFF;
	p2 =	slt.u32 s8, $0xFFFFF086  }
0x1c: {  	p1 =	slt.u32 s9, $0xF7A;
	s5 =	simm.s32 @!p2 $0x0  }
0x1d: {  	s5 =	simm.s32 @p1 $0x1;
	p0 =	seq.s32 s7, s2  }
0x1e: {  	s7 =	smul.u32 @!p0 $0xF7A, s2;
	p2 =	seq.s32 @!p0 s5, $0x0  }
0x1f: {  	s9 =	smul.u32 $0xF7A, s1;
	s8 =	simm.s32 @!p0 $0x1BF5;
	p2 =	por !p2, p0  }
0x20: {  	[sflag:s8] =	ssyncset.s32 @!p0 $0xFFFFF086;
	s6 =	sadd.s32 @!p0 s3, s7;
	s7 =	simm.s32 @!p0 $0x108  }
0x21: {  	s3 =	sadd.s32 s3, s9;
	s6 =	sadd.s32 @!p0 $0x88, s6;
	s7 =	simm.s32 @p2 $0x1082  }
0x22: {  	[simem:s7], [sflag:s8] =	dma.local @!p0 [hbm:s6], $0xF7A  }
0x23: {  	s9 =	sor.u32 $0xD0000000, s2;
	s6 =	simm.s32 $0x108;
	_ =	swait.ge @!p0 [sflag:s8], $0x0  }
0x24: {  	s3 =	sadd.s32 $0x88, s3;
	s6 =	simm.s32 @!p1 $0x1082;
	[sflag:s4] =	ssyncset.s32 $0xFFFFF086  }
0x25: {  	[simem:s6], [sflag:s4] =	dma.local [hbm:s3], $0xF7A  }
0x26: {  	[smem:$0x3F93] =	sst s1;
	(tag) =	ssettag s2;
	_ =	strace s9  }
0x27: {  	s1 =	sld [smem:$0x3FA3]  }
0x28: {  	s2 =	sld [smem:$0x3FA4]  }
0x29: {  	s4 =	sld [smem:$0x3FA6]  }
0x2a: {  	p0 =	seq.s32 s5, $0x0;
	s5 =	sld [smem:$0x3FA7]  }
0x2b: {  	s6 =	sld [smem:$0x3FA8]  }
0x2c: {  	s7 =	sld [smem:$0x3FA9]  }
0x2d: {  	s3 =	simm.s32 $0x108;
	s8 =	sld [smem:$0x3FAA]  }
0x2e: {  	s3 =	simm.s32 @!p0 $0x1082;
	s9 =	sld [smem:$0x3FAB]  }
0x2f: {  	lr =	sadd.s32 s0, s3;
	s0 =	sld [smem:$0x3FA2]  }
0x30: {  	s3 =	sld [smem:$0x3FA5]  }
0x31: {  	[smem:$0x3FAE] =	sst s10  }
0x32: {  	s10 =	sld [smem:$0x3FAC];
	_ =	sdelay $0x3  }
0x33: {  	p0 =	seq.s32 s10, $0x1;
	s10 =	sld [smem:$0x3FAE];
	_ =	sdelay $0x3  }
0x34: {  	[smem:$0x3FAE] =	sst s10  }
0x35: {  	s10 =	sld [smem:$0x3FAD];
	_ =	sdelay $0x3  }
0x36: {  	p1 =	seq.s32 s10, $0x1;
	s10 =	sld [smem:$0x3FAE];
	_ =	sdelay $0x3  }
0x37: {  	[smem:$0x3FAE] =	sst s10  }
0x38: {  	s10 =	sld [smem:$0x3FAF]  }
0x39: {  	_ = 	snop;
	(pc) =	sbr.ind lr, $3  }
0x3a: {  	_ = 	snop  }
0x3b: {  	_ = 	snop  }
0x3c: {  	p2 =	seq.s32 s10, $0x1;
	s10 =	sld [smem:$0x3FAE]  }
0x3d: {  	_ =	shalt  }
0x3e: {  	_ =	shalt  }
0x3f: {  	_ =	shalt  }
0x40: {  	_ =	shalt  }
0x41: {  	_ =	shalt  }
0x42: {  	_ =	shalt  }
0x43: {  	_ =	shalt  }
0x44: {  	_ =	shalt  }
0x45: {  	_ =	shalt  }
0x46: {  	_ =	shalt  }
0x47: {  	_ =	shalt  }
0x48: {  	_ =	shalt  }
0x49: {  	_ =	shalt  }
0x4a: {  	_ =	shalt  }
0x4b: {  	_ =	shalt  }
0x4c: {  	_ =	shalt  }
0x4d: {  	_ =	shalt  }
0x4e: {  	_ =	shalt  }
0x4f: {  	_ =	shalt  }
0x50: {  	_ =	shalt  }
0x51: {  	_ =	shalt  }
0x52: {  	_ =	shalt  }
0x53: {  	_ =	shalt  }
0x54: {  	_ =	shalt  }
0x55: {  	_ =	shalt  }
0x56: {  	_ =	shalt  }
0x57: {  	_ =	shalt  }
0x58: {  	_ =	shalt  }
0x59: {  	_ =	shalt  }
0x5a: {  	_ =	shalt  }
0x5b: {  	_ =	shalt  }
0x5c: {  	_ =	shalt  }
0x5d: {  	_ =	shalt  }
0x5e: {  	_ =	shalt  }
0x5f: {  	_ =	shalt  }
0x60: {  	_ =	shalt  }
0x61: {  	_ =	shalt  }
0x62: {  	_ =	shalt  }
0x63: {  	_ =	shalt  }
0x64: {  	_ =	shalt  }
0x65: {  	_ =	shalt  }
0x66: {  	_ =	shalt  }
0x67: {  	_ =	shalt  }
0x68: {  	_ =	shalt  }
0x69: {  	_ =	shalt  }
0x6a: {  	_ =	shalt  }
0x6b: {  	_ =	shalt  }
0x6c: {  	_ =	shalt  }
0x6d: {  	_ =	shalt  }
0x6e: {  	_ =	shalt  }
0x6f: {  	_ =	shalt  }
0x70: {  	_ =	shalt  }
0x71: {  	_ =	shalt  }
0x72: {  	_ =	shalt  }
0x73: {  	_ =	shalt  }
0x74: {  	_ =	shalt  }
0x75: {  	_ =	shalt  }
0x76: {  	_ =	shalt  }
0x77: {  	_ =	shalt  }
0x78: {  	_ =	shalt  }
0x79: {  	_ =	shalt  }
0x7a: {  	_ =	shalt  }
0x7b: {  	_ =	shalt  }
0x7c: {  	_ =	shalt  }
0x7d: {  	_ =	shalt  }
0x7e: {  	_ =	shalt  }
0x7f: {  	_ =	shalt  }
0x80: {  	_ =	shalt  }
0x81: {  	_ =	shalt  }
0x82: {  	_ =	shalt  }
0x83: {  	_ =	shalt  }
0x84: {  	_ =	shalt  }
0x85: {  	_ =	shalt  }
0x86: {  	_ =	shalt  }
0x87: {  	_ =	shalt  }
.Lfunc_end0:
.L_simem_size_0:
called_computation_lowered:
.L_overlay_start_0:
0x88: {  	s2 =	sld [smem:$0x3FD9]  }
0x89: {  	s3 =	sld [smem:$0x3FFE];
	_ =	sdelay $0x1  }
0x8a: {  	s1 =	srdreg.scid  }
0x8b: {  	s0 =	sand.u32 $0x1, s1  }
0x8c: {  	s16 =	sshll.u32 s0, $0xA;
	s2 =	sadd.s32 s3, s2  }
0x8d: {  	s2 =	sadd.s32 s2, s16  }
0x8e: {  	[smem:$0x3FBA] =	sst s2  }
0x8f: {  	_ = 	snop  }
0x90: {  	(tm) =	ssettm $0x1  }
0x91: {  	s17 =	sld [smem:$0x3FFB];
	_ =	sdelay $0x3  }
0x92: {  	_ =	strace s17  }
0x93: {  	s2 =	sld [smem:$0x3FFC];
	_ =	sdelay $0x3  }
0x94: {  	_ =	strace s2  }
0x95: {  	s2 =	sld [smem:$0x3FFD];
	_ =	sdelay $0x3  }
0x96: {  	_ =	strace s2  }
0x97: {  	_ =	strace $0x8FFFFFFF  }
0x98: {  	s18 =	sld [smem:$0x3FDB];
	_ =	sdelay $0x1  }
0x99: {  	s19 =	simm.s32 $_scs_section_size  }
0x9a: {  	s4 =	simm.s32 $_size__tile_overlayer_lowered;
	s5 =	simm.s32 $_tile_overlayer_lowered  }
0x9b: {  	s22 =	simm.s32 $0x1BFF;
	s21 =	sshll.u32 s5, $0x1;
	s2 =	sadd.s32 s19, s18  }
0x9c: {  	s6 =	simm.s32 $0x0;
	s20 =	sshll.u32 s4, $0x1;
	s4 =	sadd.s32 s21, s2  }
0x9d: {  	[timem:s6], [sflag:s22] =	dma.local [hbm:s4], s20  }
0x9e: {  	_ =	swait.ge [sflag:s22], s20  }
0x9f: {  	s3 =	ssub.s32 $0x0, s20;
	[sflag:s22] =	ssyncset.done $0x0  }
0xa0: {  	[sflag:s22] =	ssyncadd.s32 s3;
	_ =	sdelay $0x1  }
0xa1: {  	s23 =	simm.s32 $0x1B8B  }
0xa2: {  	_ =	swait.ge [sflag:s23], $0x1  }
0xa3: {  	[sflag:s23] =	ssyncset.done $0x0  }
0xa4: {  	s25 =	simm.s32 $0x1B8E;
	s24 =	sld [smem:$0x3FFE];
	[sflag:s23] =	ssyncadd.s32 $0xFFFFFFFF  }
0xa5: {  	s26 =	simm.s32 $execute0_lowered;
	[smem:$0x3FD2] =	sst s25  }
0xa6: {  	s4 =	sshll.u32 s26, $0x1;
	_ =	strace $0x80000046;
	[dreg:$0x1] =	wrdreg $0xFFFFFFFF  }
0xa7: {  	s28 =	simm.s32 $_size_execute0_lowered;
	s2 =	sadd.s32 s2, s4;
	[dreg:$0x0] =	wrdreg $0x0  }
0xa8: {  	s4 =	sshll.u32 s28, $0x1;
	[dreg:$0x2] =	wrdreg s2  }
0xa9: {  	[dreg:$0x3] =	wrdreg s4  }
0xaa: {  	[dreg:$0x4] =	wrdreg $0xC0  }
0xab: {  	_ =	task [dreg:s6], $0x5FFFF  }
0xac: {  	[dreg:$0x1] =	wrdreg $0xFFFFFFFF  }
0xad: {  	[dreg:$0x0] =	wrdreg $0x60  }
0xae: {  	[dreg:$0x2] =	wrdreg s24  }
0xaf: {  	[dreg:$0x3] =	wrdreg $0xCC000  }
0xb0: {  	[dreg:$0x4] =	wrdreg $0x16A000  }
0xb1: {  	[dreg:$0x5] =	wrdreg $0x9  }
0xb2: {  	_ =	task.clear_ibuf [dreg:s6], $0x6FFFF;
	_ =	strace $0x90000046  }
0xb3: {  	s29 =	simm.s32 $0x9;
	_ =	strace $0x80000048  }
0xb4: {  	_ =	swait.ge [sflag:s29], $0x1  }
0xb5: {  	[sflag:s29] =	ssyncadd.s32 $0xFFFFFFFF  }
0xb6: {  	_ =	strace $0x90000048  }
0xb7: {  	_ =	sfence  }
0xb8: {  	s30 =	sld [smem:$0x0];
	_ =	sdelay $0x2  }
0xb9: {  	s31 =	sshll.u32 s1, $0xD;
	s1 =	sshrl.u32 s1, $0x2  }
0xba: {  	s3 =	sand.u32 $0x4000, s31;
	s1 =	sadd.s32 s1, s30  }
0xbb: {  	s0 =	sor.u32 s3, s0;
	s1 =	sshll.u32 s1, $0x11  }
0xbc: {  	s0 =	sor.u32 s1, s0  }
0xbd: {  	s0 =	sadd.s32 $0x8F2B, s0  }
0xbe: {  	[sflag:s0] =	ssyncadd.remote.s32 $0x1  }
0xbf: {  	_ =	sfence.sel $0xFFFF  }
0xc0: {  	[dreg:$0x0] =	wrdreg $0xFFFFFFFF;
	(pc) =	sbr.abs _section_cstart, $3  }
0xc1: {  	[dreg:$0x1] =	wrdreg $0xFFFFFFFF  }
0xc2: {  	_ =	task.clear_ibuf [dreg:s6], $0x2FFFF;
	_ =	strace $0x9FFFFFFF  }
0xc3: {  	(tm) =	ssettm $0x7FFFFFFF  }
tec
execute0_lowered:
.L_overlay_start_1:
0x0: {  	(tag) =	ssettag $0x1  }
0x1: {  	s1 =	rddreg [dreg:$0x0]  }
0x2: {  	s2 =	rddreg [dreg:$0x1]  }
0x3: {  	s0 =	srdreg.scid;
	s15 =	stileid.u32  }
0x4: {  	s3 =	rddreg [dreg:$0x2];
	s4 =	simm.s32 $0x0;
	s6 =	smul.u32 $0x13C00, s15  }
0x5: {  	s28 =	simm.s32 $0x7;
	s29 =	simm.s32 $0x8;
	s8 =	smul.u32 $0x2780, s15  }
0x6: {  	s30 =	simm.s32 $0x11;
	s7 =	sand.u32 $0x1, s0;
	s13 =	smul.u32 $0x278, s15  }
0x7: {  	[smem:$0x7FF] =	sst s4;
	s5 =	sadd.s32 $0x1400, s1;
	s31 =	smul.u32 $0x880, s15  }
0x8: {  	s10 =	sadd.s32 $0x1EE00, s1;
	s11 =	sadd.s32 $0x14E00, s1;
	s16 =	smul.u32 $0x4400, s15  }
0x9: {  	s0 =	smul.u32 $0x13C000, s7;
	_ =	strace $0x80000047;
	s12 =	ssub.s32 $0x2, s7  }
0xa: {  	s9 =	smul.u32 $0x27800, s7;
	p0 =	seq.s32 s7, $0x1;
	s17 =	sshrl.u32 s12, $0x1  }
0xb: {  	s14 =	sshrl.u32 s6, $0x1;
	s18 =	sadd.s32 $0x40, s13;
	s21 =	sadd.s32 $0x80, s13  }
0xc: {  	s26 =	sadd.s32 $0xC0, s13;
	s0 =	sadd.s32 s6, s0;
	s9 =	sadd.s32 s8, s9  }
0xd: {  	s6 =	ssub.s32 s12, s17;
	s19 =	sadd.s32 s14, s2;
	s8 =	sadd.s32 s8, s3  }
0xe: {  	s20 =	sshll.u32 s18, $0x6;
	s22 =	sshll.u32 s18, $0x4;
	s23 =	sshll.u32 s21, $0x6  }
0xf: {  	s25 =	sshll.u32 s21, $0x4;
	s14 =	sshll.u32 s26, $0x6;
	s17 =	smul.u32 $0xC00, s15  }
0x10: {  	s18 =	sadd.s32 $0x100, s13;
	s21 =	sadd.s32 s10, s31;
	[dreg:$0x5] =	wrdreg s8  }
0x11: {  	s0 =	sshrl.u32 s0, $0x4;
	s9 =	sshrl.u32 s9, $0x3;
	[dreg:$0xc] =	wrdreg s21  }
0x12: {  	s8 =	sadd.s32 s20, s2;
	s24 =	sadd.s32 s23, s2;
	[dreg:$0x4] =	wrdreg s19  }
0x13: {  	s12 =	sadd.s32 s14, s2;
	s20 =	sshrl.u32 s16, $0x3;
	[dreg:$0x6] =	wrdreg s8  }
0x14: {  	s14 =	sadd.s32 $0x180, s13;
	s0 =	sadd.s32 s0, s1;
	[dreg:$0x8] =	wrdreg s24  }
0x15: {  	s1 =	sadd.s32 s9, s1;
	s8 =	sadd.s32 s22, s3;
	[dreg:$0xa] =	wrdreg s12  }
0x16: {  	s7 =	sadd.s32 $0x440, s20;
	s9 =	sadd.s32 s11, s31;
	s31 =	sadd.s32 $0x140, s13  }
0x17: {  	s15 =	sshll.u32 s14, $0x6;
	s20 =	sadd.s32 $0x200, s13;
	[dreg:$0x7] =	wrdreg s8  }
0x18: {  	s8 =	sadd.s32 s25, s3;
	[dreg:$0xd] =	wrdreg s9;
	s22 =	sadd.s32 s10, s7  }
0x19: {  	s7 =	sadd.s32 s11, s7;
	s25 =	sshll.u32 s18, $0x6;
	s12 =	sshll.u32 s31, $0x4  }
0x1a: {  	s21 =	sshll.u32 s20, $0x6;
	s0 =	sadd.s32 $0x28E00, s0;
	[dreg:$0x9] =	wrdreg s8  }
0x1b: {  	s9 =	simm.s32 $0x6400;
	s8 =	sshll.u32 s26, $0x4;
	[dreg:$0xe] =	wrdreg s22  }
0x1c: {  	[dreg:$0xf] =	wrdreg s7;
	s26 =	sshll.u32 s18, $0x4;
	s7 =	sadd.s32 s25, s2  }
0x1d: {  	s22 =	sshll.u32 s20, $0x4;
	[dreg:$0x1e] =	wrdreg s0;
	s8 =	sadd.s32 s8, s3  }
0x1e: {  	s0 =	simm.s32 $0x40;
	[dreg:$0xb] =	wrdreg s8;
	s8 =	sshrl.u32 s17, $0x3  }
0x1f: {  	s20 =	simm.s32 $0x2;
	s17 =	sadd.s32 $0x1C0, s13;
	s8 =	sadd.s32 $0x8800, s8  }
0x20: {  	[dreg:$0x12] =	wrdreg s7;
	s18 =	sshll.u32 s17, $0x6;
	s23 =	sadd.s32 s10, s8  }
0x21: {  	s24 =	sadd.s32 s11, s8;
	s10 =	sadd.s32 s26, s3;
	s11 =	sshll.u32 s31, $0x6  }
0x22: {  	s8 =	sshll.u32 s14, $0x4;
	s26 =	sadd.s32 $0x50600, s1;
	[dreg:$0x10] =	wrdreg s23  }
0x23: {  	s31 =	smax.u32 s6, $0x1;
	s1 =	simm.s32 $0xB;
	[dreg:$0x11] =	wrdreg s24  }
0x24: {  	s14 =	simm.s32 $0xC;
	[dreg:$0x13] =	wrdreg s10;
	s7 =	sadd.s32 s11, s2  }
0x25: {  	s16 =	sadd.s32 s8, s3;
	s8 =	sadd.s32 s18, s2;
	[dreg:$0x1f] =	wrdreg s26  }
0x26: {  	s23 =	sadd.s32 $0x240, s13;
	[smem:$0x7FD] =	sst s31;
	s18 =	simm.s32 $0x12  }
0x27: {  	s10 =	simm.s32 $0x7400;
	s11 =	simm.s32 $0x1;
	[dreg:$0x14] =	wrdreg s7  }
0x28: {  	s13 =	simm.s32 $0x8400;
	s26 =	simm.s32 $0x5;
	[dreg:$0x17] =	wrdreg s16  }
0x29: {  	s7 =	sadd.s32 s12, s3;
	[dreg:$0x18] =	wrdreg s8;
	s24 =	sshll.u32 s23, $0x6  }
0x2a: {  	s8 =	sshll.u32 s23, $0x4;
	s12 =	simm.s32 $0xC400;
	s23 =	simm.s32 $0xA400  }
0x2b: {  	[dreg:$0x15] =	wrdreg s7;
	s7 =	sadd.s32 s15, s2;
	s25 =	sadd.s32 s8, s3  }
0x2c: {  	s8 =	simm.s32 $0x5400;
	[dreg:$0x16] =	wrdreg s7;
	s7 =	sshll.u32 s17, $0x4  }
.Ltmp0:
0x2d: {  	[dreg:$0x1d] =	wrdreg s25;
	s7 =	sadd.s32 s7, s3;
	(pc) =	sbr.rel .LBB2_1-.Ltmp0, $4  }
0x2e: {  	s17 =	simm.s32 $0x4400;
	[dreg:$0x19] =	wrdreg s7;
	s7 =	sadd.s32 s21, s2  }
0x2f: {  	s25 =	simm.s32 $0xB400;
	[dreg:$0x1a] =	wrdreg s7;
	s7 =	sadd.s32 s22, s3  }
0x30: {  	v0 =	vimm.f32 $0.0e+00;
	vm0 =	vcmask $0x300;
	s21 =	simm.s32 $0x9400;
	[dreg:$0x1b] =	wrdreg s7;
	s7 =	sadd.s32 s24, s2  }
0x31: {  	v1 =	vimm.bf16 $0.0e+00;
	v2 =	vsel vm0, $0x3F800000, v0;
	s22 =	simm.s32 $0x3;
	s24 =	simm.s32 $0x4;
	[dreg:$0x1c] =	wrdreg s7  }
.LBB2_18:
0x32: {  	[sflag:s30] =	ssyncadd.s32 $0xFFFFFC00;
	s19 =	rddreg [dreg:$0x4]  }
.LBB2_25:
0x33: {  	s6 =	stileid.u32  }
0x34: {  	[bflag:$0x0] =	sbarrier.arrive $0xFFFF;
	s6 =	sshll.u32 s6, $0x6  }
0x35: {  	s7 =	sshrl.u32 s19, $0x3;
	s15 =	rddreg [dreg:$0x1e];
	s6 =	sor.u32 $0x1C12, s6  }
0x36: {  	[hbm:s15], [sflag:s6] =	dma.local [spmem:s7], $0x13C0  }
0x37: {  	_ =	swait.ge [sflag:s18], $0x13C0  }
0x38: {  	[sflag:s18] =	ssyncset.done $0x0;
	s15 =	rddreg [dreg:$0x5]  }
0x39: {  	s16 =	rddreg [dreg:$0x1f];
	[sflag:s18] =	ssyncadd.s32 $0xFFFFEC40;
	s7 =	sshrl.u32 s15, $0x3  }
0x3a: {  	[hbm:s16], [sflag:s6] =	dma.local [spmem:s7], $0x4F0  }
0x3b: {  	_ =	swait.ge [sflag:s18], $0x4F0  }
0x3c: {  	s31 =	sld [smem:$0x7FD];
	_ =	sdelay $0x1  }
0x3d: {  	s4 =	sadd.s32 $0x1, s4  }
0x3e: {  	p1 =	sne.s32 s4, s31  }
.Ltmp1:
0x3f: {  	_ = 	snop;
	(pc) =	sbr.rel @!p1 .LBB2_26-.Ltmp1, $3  }
0x40: {  	_ =	sdelay $0x1  }
0x41: {  	[sflag:s18] =	ssyncset.done $0x0  }
0x42: {  	[sflag:s18] =	ssyncadd.s32 $0xFFFFFB10  }
.LBB2_1:
0x43: {  	s31 =	simm.s32 $0x100;
	s15 =	simm.s32 $0x0  }
.LBB2_2:
0x44: {  	p1 =	sne.s32 s31, $0x3F00;
	[tilespmem:s15+$0x4430] =	vst v1;
	s16 =	smov.u32 s31;
	s31 =	sadd.s32 $0x100, s31  }
.Ltmp2:
0x45: {  	[tilespmem:s15+$0x4420] =	vst v1;
	(pc) =	sbr.rel @p1 .LBB2_2-.Ltmp2, $3  }
0x46: {  	[tilespmem:s15+$0x4400] =	vst v1  }
0x47: {  	[tilespmem:s15+$0x4410] =	vst v1;
	_ =	sdelay $0x1  }
0x48: {  	s15 =	sshra.s32 s16, $0x2  }
0x49: {  	[tilespmem:s15+$0x4430] =	vst v1  }
0x4a: {  	[tilespmem:s15+$0x4420] =	vst v1  }
0x4b: {  	[tilespmem:s15+$0x4400] =	vst v1  }
0x4c: {  	[tilespmem:s15+$0x4410] =	vst v1;
	s15 =	simm.s32 $0x40;
	s16 =	simm.s32 $0x0  }
.LBB2_4:
0x4d: {  	p1 =	sne.s32 s15, $0xFC0;
	[tilespmem:s16+$0xC800] =	vst v0;
	s16 =	smov.u32 s15;
	s15 =	sadd.s32 $0x40, s15  }
.Ltmp3:
0x4e: {  	(pc) =	sbr.rel @p1 .LBB2_4-.Ltmp3, $2  }
0x4f: {  	_ =	sdelay $0x2  }
0x50: {  	s16 =	sshra.s32 s16, $0x2  }
0x51: {  	[tilespmem:s16+$0xC800] =	vst v0;
	s15 =	simm.s32 $0x40;
	s16 =	simm.s32 $0x0  }
.LBB2_6:
0x52: {  	p1 =	sne.s32 s15, $0xFC0;
	[tilespmem:s16+$0xC400] =	vst v2;
	s16 =	smov.u32 s15;
	s15 =	sadd.s32 $0x40, s15  }
.Ltmp4:
0x53: {  	(pc) =	sbr.rel @p1 .LBB2_6-.Ltmp4, $2  }
0x54: {  	_ =	sdelay $0x2  }
0x55: {  	s16 =	sshra.s32 s16, $0x2  }
0x56: {  	[tilespmem:s16+$0xC400] =	vst v2  }
0x57: {  	[spmem:s19] =	stream.linear.scatter [tilespmem:s17], [sflag:$0x12], $0x1000, $0x38;
	[tilespmem:$0x19180] =	vst v63  }
0x58: {  	_ =	swait.ge [sflag:s18], $0x1000  }
0x59: {  	[sflag:s18] =	ssyncset.done $0x0  }
0x5a: {  	s7 =	simm.s32 $0xC800;
	s6 =	rddreg [dreg:$0x5];
	[sflag:s18] =	ssyncadd.s32 $0xFFFFF000  }
0x5b: {  	[spmem:s6] =	stream.linear.scatter [tilespmem:s7], [sflag:$0x12], $0x400, $0x38;
	[tilespmem:$0x19180] =	vst v63  }
0x5c: {  	_ =	swait.ge [sflag:s18], $0x400  }
0x5d: {  	[sflag:s18] =	ssyncset.done $0x0  }
0x5e: {  	s15 =	rddreg [dreg:$0x6];
	[sflag:s18] =	ssyncadd.s32 $0xFFFFFC00  }
0x5f: {  	[spmem:s15] =	stream.linear.scatter [tilespmem:s17], [sflag:$0x12], $0x1000, $0x38;
	[tilespmem:$0x19180] =	vst v63  }
0x60: {  	_ =	swait.ge [sflag:s18], $0x1000  }
0x61: {  	[sflag:s18] =	ssyncset.done $0x0  }
0x62: {  	s16 =	rddreg [dreg:$0x7];
	[sflag:s18] =	ssyncadd.s32 $0xFFFFF000  }
0x63: {  	[spmem:s16] =	stream.linear.scatter [tilespmem:s7], [sflag:$0x12], $0x400, $0x38;
	[tilespmem:$0x19180] =	vst v63  }
0x64: {  	_ =	swait.ge [sflag:s18], $0x400  }
0x65: {  	[sflag:s18] =	ssyncset.done $0x0  }
0x66: {  	s19 =	rddreg [dreg:$0x8];
	[sflag:s18] =	ssyncadd.s32 $0xFFFFFC00  }
0x67: {  	[spmem:s19] =	stream.linear.scatter [tilespmem:s17], [sflag:$0x12], $0x1000, $0x38;
	[tilespmem:$0x19180] =	vst v63  }
0x68: {  	_ =	swait.ge [sflag:s18], $0x1000  }
0x69: {  	[sflag:s18] =	ssyncset.done $0x0  }
0x6a: {  	s15 =	rddreg [dreg:$0x9];
	[sflag:s18] =	ssyncadd.s32 $0xFFFFF000  }
0x6b: {  	[spmem:s15] =	stream.linear.scatter [tilespmem:s7], [sflag:$0x12], $0x400, $0x38;
	[tilespmem:$0x19180] =	vst v63  }
0x6c: {  	_ =	swait.ge [sflag:s18], $0x400  }
0x6d: {  	[sflag:s18] =	ssyncset.done $0x0  }
0x6e: {  	s16 =	rddreg [dreg:$0xa];
	[sflag:s18] =	ssyncadd.s32 $0xFFFFFC00  }
0x6f: {  	[spmem:s16] =	stream.linear.scatter [tilespmem:s17], [sflag:$0x12], $0x1000, $0x38;
	[tilespmem:$0x19180] =	vst v63  }
0x70: {  	_ =	swait.ge [sflag:s18], $0x1000  }
0x71: {  	[sflag:s18] =	ssyncset.done $0x0  }
0x72: {  	s19 =	rddreg [dreg:$0xb];
	[sflag:s18] =	ssyncadd.s32 $0xFFFFF000  }
0x73: {  	[spmem:s19] =	stream.linear.scatter [tilespmem:s7], [sflag:$0x12], $0x400, $0x38;
	[tilespmem:$0x19180] =	vst v63  }
0x74: {  	_ =	swait.ge [sflag:s18], $0x400  }
0x75: {  	[sflag:s18] =	ssyncset.done $0x0  }
0x76: {  	s15 =	rddreg [dreg:$0x12];
	[sflag:s18] =	ssyncadd.s32 $0xFFFFFC00  }
0x77: {  	[spmem:s15] =	stream.linear.scatter [tilespmem:s17], [sflag:$0x12], $0x1000, $0x38;
	[tilespmem:$0x19180] =	vst v63  }
0x78: {  	_ =	swait.ge [sflag:s18], $0x1000  }
0x79: {  	[sflag:s18] =	ssyncset.done $0x0  }
0x7a: {  	s16 =	rddreg [dreg:$0x13];
	[sflag:s18] =	ssyncadd.s32 $0xFFFFF000  }
0x7b: {  	[spmem:s16] =	stream.linear.scatter [tilespmem:s7], [sflag:$0x12], $0x400, $0x38;
	[tilespmem:$0x19180] =	vst v63  }
0x7c: {  	_ =	swait.ge [sflag:s18], $0x400  }
0x7d: {  	[sflag:s18] =	ssyncset.done $0x0  }
0x7e: {  	s19 =	rddreg [dreg:$0x14];
	[sflag:s18] =	ssyncadd.s32 $0xFFFFFC00  }
0x7f: {  	[spmem:s19] =	stream.linear.scatter [tilespmem:s17], [sflag:$0x12], $0x1000, $0x38;
	[tilespmem:$0x19180] =	vst v63  }
0x80: {  	_ =	swait.ge [sflag:s18], $0x1000  }
0x81: {  	[sflag:s18] =	ssyncset.done $0x0  }
0x82: {  	s15 =	rddreg [dreg:$0x15];
	[sflag:s18] =	ssyncadd.s32 $0xFFFFF000  }
0x83: {  	[spmem:s15] =	stream.linear.scatter [tilespmem:s7], [sflag:$0x12], $0x400, $0x38;
	[tilespmem:$0x19180] =	vst v63  }
0x84: {  	_ =	swait.ge [sflag:s18], $0x400  }
0x85: {  	[sflag:s18] =	ssyncset.done $0x0  }
0x86: {  	s16 =	rddreg [dreg:$0x16];
	[sflag:s18] =	ssyncadd.s32 $0xFFFFFC00  }
0x87: {  	[spmem:s16] =	stream.linear.scatter [tilespmem:s17], [sflag:$0x12], $0x1000, $0x38;
	[tilespmem:$0x19180] =	vst v63  }
0x88: {  	_ =	swait.ge [sflag:s18], $0x1000  }
0x89: {  	[sflag:s18] =	ssyncset.done $0x0  }
0x8a: {  	s19 =	rddreg [dreg:$0x17];
	[sflag:s18] =	ssyncadd.s32 $0xFFFFF000  }
0x8b: {  	[spmem:s19] =	stream.linear.scatter [tilespmem:s7], [sflag:$0x12], $0x400, $0x38;
	[tilespmem:$0x19180] =	vst v63  }
0x8c: {  	_ =	swait.ge [sflag:s18], $0x400  }
0x8d: {  	[sflag:s18] =	ssyncset.done $0x0  }
0x8e: {  	s15 =	rddreg [dreg:$0x18];
	[sflag:s18] =	ssyncadd.s32 $0xFFFFFC00  }
0x8f: {  	[spmem:s15] =	stream.linear.scatter [tilespmem:s17], [sflag:$0x12], $0x1000, $0x38;
	[tilespmem:$0x19180] =	vst v63  }
0x90: {  	_ =	swait.ge [sflag:s18], $0x1000  }
0x91: {  	[sflag:s18] =	ssyncset.done $0x0  }
0x92: {  	s16 =	rddreg [dreg:$0x19];
	[sflag:s18] =	ssyncadd.s32 $0xFFFFF000  }
0x93: {  	[spmem:s16] =	stream.linear.scatter [tilespmem:s7], [sflag:$0x12], $0x400, $0x38;
	[tilespmem:$0x19180] =	vst v63  }
0x94: {  	_ =	swait.ge [sflag:s18], $0x400  }
0x95: {  	[sflag:s18] =	ssyncset.done $0x0  }
0x96: {  	s19 =	rddreg [dreg:$0x1a];
	[sflag:s18] =	ssyncadd.s32 $0xFFFFFC00  }
0x97: {  	[spmem:s19] =	stream.linear.scatter [tilespmem:s17], [sflag:$0x12], $0x1000, $0x38;
	[tilespmem:$0x19180] =	vst v63  }
0x98: {  	_ =	swait.ge [sflag:s18], $0x1000  }
0x99: {  	[sflag:s18] =	ssyncset.done $0x0  }
0x9a: {  	s15 =	rddreg [dreg:$0x1b];
	[sflag:s18] =	ssyncadd.s32 $0xFFFFF000  }
0x9b: {  	[spmem:s15] =	stream.linear.scatter [tilespmem:s7], [sflag:$0x12], $0x400, $0x38;
	[tilespmem:$0x19180] =	vst v63  }
0x9c: {  	_ =	swait.ge [sflag:s18], $0x400  }
0x9d: {  	[sflag:s18] =	ssyncset.done $0x0  }
0x9e: {  	s16 =	rddreg [dreg:$0x1c];
	[sflag:s18] =	ssyncadd.s32 $0xFFFFFC00  }
0x9f: {  	[spmem:s16] =	stream.linear.scatter [tilespmem:s17], [sflag:$0x12], $0xE00, $0x38;
	[tilespmem:$0x19180] =	vst v63  }
0xa0: {  	_ =	swait.ge [sflag:s18], $0xE00  }
0xa1: {  	[sflag:s18] =	ssyncset.done $0x0  }
0xa2: {  	s19 =	rddreg [dreg:$0x1d];
	[sflag:s18] =	ssyncadd.s32 $0xFFFFF200  }
0xa3: {  	[spmem:s19] =	stream.linear.scatter [tilespmem:s7], [sflag:$0x12], $0x380, $0x38;
	[tilespmem:$0x19180] =	vst v63  }
.Ltmp5:
0xa4: {  	_ =	swait.ge [sflag:s18], $0x380;
	(pc) =	sbr.rel @!p0 .LBB2_8-.Ltmp5, $4  }
0xa5: {  	[sflag:s18] =	ssyncset.done $0x0  }
0xa6: {  	[sflag:s18] =	ssyncadd.s32 $0xFFFFFC80  }
0xa7: {  	[bflag:$0x0] =	sbarrier.arrive $0xFFFF  }
0xa8: {  	s31 =	simm.s32 $0x0  }
0xa9: {  	s6 =	rddreg [dreg:$0x10]  }
0xaa: {  	[tilespmem:s31], [sflag:$0x12] =	stream.linear.gather [hbm4b:s6+s31], $0xC00, $0x38;
	[tilespmem:$0x19180] =	vst v63  }
0xab: {  	_ =	swait.ge [sflag:s18], $0xC00  }
0xac: {  	[sflag:s18] =	ssyncset.done $0x0  }
0xad: {  	s7 =	simm.s32 $0x2200;
	s15 =	rddreg [dreg:$0x11];
	[sflag:s18] =	ssyncadd.s32 $0xFFFFF400  }
0xae: {  	[tilespmem:s7], [sflag:$0x12] =	stream.linear.gather [hbm4b:s15+s31], $0xC00, $0x38;
	[tilespmem:$0x19180] =	vst v63  }
0xaf: {  	_ =	swait.ge [sflag:s18], $0xC00  }
0xb0: {  	[sflag:s18] =	ssyncset.done $0x0  }
0xb1: {  	[sflag:s18] =	ssyncadd.s32 $0xFFFFF400  }
0xb2: {  	[tilespmem:s17], [sflag:$0x1] =	stream.indirect.gather [hbm4b:s5+s0], $0x40, s31, s0, $0xb8;
	[tilespmem:$0x19180] =	vst v63  }
0xb3: {  	_ = 	snop  }
0xb4: {  	[tilespmem:s8], [sflag:$0x2] =	stream.indirect.gather [hbm4b:s5+s0], $0x40, s0, s0, $0xb8;
	[tilespmem:$0x19180] =	vst v63  }
0xb5: {  	s16 =	simm.s32 $0x80  }
0xb6: {  	[tilespmem:s9], [sflag:$0x3] =	stream.indirect.gather [hbm4b:s5+s0], $0x40, s16, s0, $0xb8;
	[tilespmem:$0x19180] =	vst v63  }
0xb7: {  	s19 =	simm.s32 $0xC0  }
0xb8: {  	[tilespmem:s10], [sflag:$0x4] =	stream.indirect.gather [hbm4b:s5+s0], $0x40, s19, s0, $0xb8;
	[tilespmem:$0x19180] =	vst v63  }
.LBB2_20:
0xb9: {  	_ =	swait.ge [sflag:s11], $0x1000  }
0xba: {  	s15 =	sshra.s32 s31, $0x2;
	[sflag:s11] =	ssyncset.done $0x0  }
0xbb: {  	s6 =	sadd.s32 $0x2200, s15;
	[sflag:s11] =	ssyncadd.s32 $0xFFFFF000  }
0xbc: {  	[spmem:s2] =	stream.indirect.scatter.add.bf16 [tilespmem:s17], [sflag:$0x9], $0x40, s6, s0, $0xb8;
	[tilespmem:$0x19180] =	vst v63  }
0xbd: {  	p1 =	seq.s32 s31, $0x0  }
0xbe: {  	[spmem:s3] =	stream.indirect.scatter.add.f32 [tilespmem:s12], [sflag:$0x11], $0x10, s6, s0, $0xb8;
	[tilespmem:$0x19180] =	vst v63  }
0xbf: {  	s6 =	simm.s32 @!p1 $0xD  }
0xc0: {  	_ =	swait.ge @!p1 [sflag:s6], $0x1000  }
0xc1: {  	[sflag:s6] =	ssyncset.done @!p1 $0x0  }
0xc2: {  	s7 =	sadd.s32 $0x100, s15;
	[sflag:s6] =	ssyncadd.s32 @!p1 $0xFFFFF000  }
0xc3: {  	[tilespmem:s13], [sflag:$0x5] =	stream.indirect.gather [hbm4b:s5+s0], $0x40, s7, s0, $0xb8;
	[tilespmem:$0x19180] =	vst v63  }
0xc4: {  	_ =	swait.ge [sflag:s20], $0x1000  }
0xc5: {  	[sflag:s20] =	ssyncset.done $0x0  }
0xc6: {  	s16 =	sadd.s32 $0x2240, s15;
	[sflag:s20] =	ssyncadd.s32 $0xFFFFF000  }
0xc7: {  	[spmem:s2] =	stream.indirect.scatter.add.bf16 [tilespmem:s8], [sflag:$0xA], $0x40, s16, s0, $0xb8;
	[tilespmem:$0x19180] =	vst v63  }
0xc8: {  	s6 =	simm.s32 @!p1 $0xE  }
0xc9: {  	[spmem:s3] =	stream.indirect.scatter.add.f32 [tilespmem:s12], [sflag:$0x11], $0x10, s16, s0, $0xb8;
	[tilespmem:$0x19180] =	vst v63  }
0xca: {  	_ =	swait.ge @!p1 [sflag:s6], $0x1000  }
0xcb: {  	[sflag:s6] =	ssyncset.done @!p1 $0x0  }
0xcc: {  	s19 =	sadd.s32 $0x140, s15;
	[sflag:s6] =	ssyncadd.s32 @!p1 $0xFFFFF000  }
0xcd: {  	[tilespmem:s21], [sflag:$0x6] =	stream.indirect.gather [hbm4b:s5+s0], $0x40, s19, s0, $0xb8;
	[tilespmem:$0x19180] =	vst v63  }
0xce: {  	_ =	swait.ge [sflag:s22], $0x1000  }
0xcf: {  	[sflag:s22] =	ssyncset.done $0x0  }
0xd0: {  	s7 =	sadd.s32 $0x2280, s15;
	[sflag:s22] =	ssyncadd.s32 $0xFFFFF000  }
0xd1: {  	[spmem:s2] =	stream.indirect.scatter.add.bf16 [tilespmem:s9], [sflag:$0xB], $0x40, s7, s0, $0xb8;
	[tilespmem:$0x19180] =	vst v63  }
0xd2: {  	s6 =	simm.s32 @!p1 $0xF  }
0xd3: {  	[spmem:s3] =	stream.indirect.scatter.add.f32 [tilespmem:s12], [sflag:$0x11], $0x10, s7, s0, $0xb8;
	[tilespmem:$0x19180] =	vst v63  }
0xd4: {  	_ =	swait.ge @!p1 [sflag:s6], $0x1000  }
0xd5: {  	[sflag:s6] =	ssyncset.done @!p1 $0x0  }
0xd6: {  	s16 =	sadd.s32 $0x180, s15;
	[sflag:s6] =	ssyncadd.s32 @!p1 $0xFFFFF000  }
0xd7: {  	[tilespmem:s23], [sflag:$0x7] =	stream.indirect.gather [hbm4b:s5+s0], $0x40, s16, s0, $0xb8;
	[tilespmem:$0x19180] =	vst v63  }
0xd8: {  	_ =	swait.ge [sflag:s24], $0x1000  }
0xd9: {  	[sflag:s24] =	ssyncset.done $0x0  }
0xda: {  	s19 =	sadd.s32 $0x22C0, s15;
	[sflag:s24] =	ssyncadd.s32 $0xFFFFF000  }
0xdb: {  	[spmem:s2] =	stream.indirect.scatter.add.bf16 [tilespmem:s10], [sflag:$0xC], $0x40, s19, s0, $0xb8;
	[tilespmem:$0x19180] =	vst v63  }
0xdc: {  	s6 =	simm.s32 @!p1 $0x10  }
0xdd: {  	[spmem:s3] =	stream.indirect.scatter.add.f32 [tilespmem:s12], [sflag:$0x11], $0x10, s19, s0, $0xb8;
	[tilespmem:$0x19180] =	vst v63  }
0xde: {  	_ =	swait.ge @!p1 [sflag:s6], $0x1000  }
0xdf: {  	[sflag:s6] =	ssyncset.done @!p1 $0x0  }
0xe0: {  	s7 =	sadd.s32 $0x1C0, s15;
	[sflag:s6] =	ssyncadd.s32 @!p1 $0xFFFFF000  }
0xe1: {  	[tilespmem:s25], [sflag:$0x8] =	stream.indirect.gather [hbm4b:s5+s0], $0x40, s7, s0, $0xb8;
	[tilespmem:$0x19180] =	vst v63  }
0xe2: {  	_ =	swait.ge [sflag:s26], $0x1000  }
0xe3: {  	[sflag:s26] =	ssyncset.done $0x0  }
0xe4: {  	s16 =	sadd.s32 $0x2300, s15;
	p1 =	seq.s32 s31, $0x2800;
	[sflag:s26] =	ssyncadd.s32 $0xFFFFF000  }
0xe5: {  	[spmem:s2] =	stream.indirect.scatter.add.bf16 [tilespmem:s13], [sflag:$0xD], $0x40, s16, s0, $0xb8;
	[tilespmem:$0x19180] =	vst v63  }
0xe6: {  	s6 =	simm.s32 @p1 $0x6  }
0xe7: {  	[spmem:s3] =	stream.indirect.scatter.add.f32 [tilespmem:s12], [sflag:$0x11], $0x10, s16, s0, $0xb8;
	[tilespmem:$0x19180] =	vst v63  }
0xe8: {  	_ =	swait.ge @p1 [sflag:s6], $0x1000  }
0xe9: {  	[sflag:s6] =	ssyncset.done @p1 $0x0  }
0xea: {  	[sflag:s6] =	ssyncadd.s32 @p1 $0xFFFFF000;
	s6 =	sshra.s32 @p1 s31, $0x2  }
0xeb: {  	s7 =	simm.s32 @p1 $0x40;
	s16 =	simm.s32 @p1 $0x9400;
	s6 =	sadd.s32 @p1 $0x2340, s6  }
0xec: {  	[spmem:s2] =	stream.indirect.scatter.add.bf16 @p1 [tilespmem:s16], [sflag:$0xE], $0x40, s6, s7, $0xb8;
	[tilespmem:$0x19180] =	vst v63  }
0xed: {  	s16 =	simm.s32 @p1 $0xC400  }
0xee: {  	[spmem:s3] =	stream.indirect.scatter.add.f32 @p1 [tilespmem:s16], [sflag:$0x11], $0x10, s6, s7, $0xb8;
	[tilespmem:$0x19180] =	vst v63  }
0xef: {  	s6 =	simm.s32 @!p1 $0x9  }
0xf0: {  	_ =	swait.ge @!p1 [sflag:s6], $0x1000  }
0xf1: {  	[sflag:s6] =	ssyncset.done @!p1 $0x0  }
0xf2: {  	[sflag:s6] =	ssyncadd.s32 @!p1 $0xFFFFF000;
	s6 =	sshra.s32 @!p1 s31, $0x2  }
0xf3: {  	s19 =	simm.s32 @!p1 $0x4400;
	s16 =	simm.s32 @!p1 $0x40;
	s7 =	sadd.s32 @!p1 $0x200, s6  }
0xf4: {  	[tilespmem:s19], [sflag:$0x1] =	stream.indirect.gather @!p1 [hbm4b:s5+s16], $0x40, s7, s16, $0xb8;
	[tilespmem:$0x19180] =	vst v63  }
0xf5: {  	s7 =	simm.s32 @!p1 $0x6  }
0xf6: {  	_ =	swait.ge @!p1 [sflag:s7], $0x1000  }
0xf7: {  	[sflag:s7] =	ssyncset.done @!p1 $0x0  }
0xf8: {  	s19 =	simm.s32 @!p1 $0x9400;
	[sflag:s7] =	ssyncadd.s32 @!p1 $0xFFFFF000;
	s7 =	sadd.s32 @!p1 $0x2340, s6  }
0xf9: {  	[spmem:s2] =	stream.indirect.scatter.add.bf16 @!p1 [tilespmem:s19], [sflag:$0xE], $0x40, s7, s16, $0xb8;
	[tilespmem:$0x19180] =	vst v63  }
0xfa: {  	s19 =	simm.s32 @!p1 $0xC400  }
0xfb: {  	[spmem:s3] =	stream.indirect.scatter.add.f32 @!p1 [tilespmem:s19], [sflag:$0x11], $0x10, s7, s16, $0xb8;
	[tilespmem:$0x19180] =	vst v63  }
0xfc: {  	s7 =	simm.s32 @!p1 $0xA  }
0xfd: {  	_ =	swait.ge @!p1 [sflag:s7], $0x1000  }
0xfe: {  	[sflag:s7] =	ssyncset.done @!p1 $0x0  }
0xff: {  	s6 =	sadd.s32 @!p1 $0x240, s6;
	[sflag:s7] =	ssyncadd.s32 @!p1 $0xFFFFF000;
	s7 =	simm.s32 @!p1 $0x5400  }
0x100: {  	[tilespmem:s7], [sflag:$0x2] =	stream.indirect.gather @!p1 [hbm4b:s5+s16], $0x40, s6, s16, $0xb8;
	[tilespmem:$0x19180] =	vst v63  }
0x101: {  	_ =	swait.ge [sflag:s28], $0x1000  }
.Ltmp6:
0x102: {  	[sflag:s28] =	ssyncset.done $0x0;
	(pc) =	sbr.rel @p1 .LBB2_22-.Ltmp6, $4  }
0x103: {  	s19 =	sadd.s32 $0x2380, s15;
	[sflag:s28] =	ssyncadd.s32 $0xFFFFF000  }
0x104: {  	[spmem:s2] =	stream.indirect.scatter.add.bf16 [tilespmem:s23], [sflag:$0xF], $0x40, s19, s0, $0xb8;
	[tilespmem:$0x19180] =	vst v63  }
0x105: {  	s16 =	sadd.s32 $0x23C0, s15  }
0x106: {  	[spmem:s3] =	stream.indirect.scatter.add.f32 [tilespmem:s12], [sflag:$0x11], $0x10, s19, s0, $0xb8;
	[tilespmem:$0x19180] =	vst v63  }
0x107: {  	_ =	swait.ge [sflag:s1], $0x1000  }
0x108: {  	[sflag:s1] =	ssyncset.done $0x0  }
0x109: {  	s6 =	sadd.s32 $0x280, s15;
	[sflag:s1] =	ssyncadd.s32 $0xFFFFF000  }
0x10a: {  	[tilespmem:s9], [sflag:$0x3] =	stream.indirect.gather [hbm4b:s5+s0], $0x40, s6, s0, $0xb8;
	[tilespmem:$0x19180] =	vst v63  }
0x10b: {  	_ =	swait.ge [sflag:s29], $0x1000  }
0x10c: {  	[sflag:s29] =	ssyncset.done $0x0  }
0x10d: {  	[sflag:s29] =	ssyncadd.s32 $0xFFFFF000  }
0x10e: {  	[spmem:s2] =	stream.indirect.scatter.add.bf16 [tilespmem:s25], [sflag:$0x10], $0x40, s16, s0, $0xb8;
	[tilespmem:$0x19180] =	vst v63  }
0x10f: {  	_ = 	snop  }
0x110: {  	[spmem:s3] =	stream.indirect.scatter.add.f32 [tilespmem:s12], [sflag:$0x11], $0x10, s16, s0, $0xb8;
	[tilespmem:$0x19180] =	vst v63  }
.Ltmp7:
0x111: {  	_ = 	snop;
	(pc) =	sbr.rel .LBB2_20-.Ltmp7, $4  }
0x112: {  	_ =	swait.ge [sflag:s14], $0x1000  }
0x113: {  	[sflag:s14] =	ssyncset.done $0x0  }
0x114: {  	s19 =	sadd.s32 $0x2C0, s15;
	s31 =	sadd.s32 $0x800, s31;
	[sflag:s14] =	ssyncadd.s32 $0xFFFFF000  }
0x115: {  	[tilespmem:s10], [sflag:$0x4] =	stream.indirect.gather [hbm4b:s5+s0], $0x40, s19, s0, $0xb8;
	[tilespmem:$0x19180] =	vst v63  }
.LBB2_8:
0x116: {  	s6 =	rddreg [dreg:$0xc]  }
0x117: {  	[tilespmem:s31], [sflag:$0x12] =	stream.linear.gather [hbm4b:s6+s31], $0x2200, $0x38;
	[tilespmem:$0x19180] =	vst v63  }
0x118: {  	_ =	swait.ge [sflag:s18], $0x2200  }
0x119: {  	[sflag:s18] =	ssyncset.done $0x0  }
0x11a: {  	s7 =	simm.s32 $0x2200;
	s15 =	rddreg [dreg:$0xd];
	[sflag:s18] =	ssyncadd.s32 $0xFFFFDE00  }
0x11b: {  	[tilespmem:s7], [sflag:$0x12] =	stream.linear.gather [hbm4b:s15+s31], $0x2200, $0x38;
	[tilespmem:$0x19180] =	vst v63  }
0x11c: {  	_ =	swait.ge [sflag:s18], $0x2200  }
0x11d: {  	[sflag:s18] =	ssyncset.done $0x0  }
0x11e: {  	[sflag:s18] =	ssyncadd.s32 $0xFFFFDE00  }
0x11f: {  	[tilespmem:s17], [sflag:$0x1] =	stream.indirect.gather [hbm4b:s5+s0], $0x40, s31, s0, $0xb8;
	[tilespmem:$0x19180] =	vst v63  }
0x120: {  	_ = 	snop  }
0x121: {  	[tilespmem:s8], [sflag:$0x2] =	stream.indirect.gather [hbm4b:s5+s0], $0x40, s0, s0, $0xb8;
	[tilespmem:$0x19180] =	vst v63  }
0x122: {  	s16 =	simm.s32 $0x80  }
0x123: {  	[tilespmem:s9], [sflag:$0x3] =	stream.indirect.gather [hbm4b:s5+s0], $0x40, s16, s0, $0xb8;
	[tilespmem:$0x19180] =	vst v63  }
0x124: {  	s19 =	simm.s32 $0xC0  }
0x125: {  	[tilespmem:s10], [sflag:$0x4] =	stream.indirect.gather [hbm4b:s5+s0], $0x40, s19, s0, $0xb8;
	[tilespmem:$0x19180] =	vst v63  }
.LBB2_9:
0x126: {  	_ =	swait.ge [sflag:s11], $0x1000  }
0x127: {  	s15 =	sshra.s32 s31, $0x2;
	[sflag:s11] =	ssyncset.done $0x0  }
0x128: {  	s16 =	sadd.s32 $0x2200, s15;
	[sflag:s11] =	ssyncadd.s32 $0xFFFFF000  }
0x129: {  	[spmem:s2] =	stream.indirect.scatter.add.bf16 [tilespmem:s17], [sflag:$0x9], $0x40, s16, s0, $0xb8;
	[tilespmem:$0x19180] =	vst v63  }
0x12a: {  	p1 =	seq.s32 s31, $0x0  }
0x12b: {  	[spmem:s3] =	stream.indirect.scatter.add.f32 [tilespmem:s12], [sflag:$0x11], $0x10, s16, s0, $0xb8;
	[tilespmem:$0x19180] =	vst v63  }
0x12c: {  	s16 =	simm.s32 @!p1 $0xD  }
0x12d: {  	_ =	swait.ge @!p1 [sflag:s16], $0x1000  }
0x12e: {  	[sflag:s16] =	ssyncset.done @!p1 $0x0  }
0x12f: {  	s6 =	sadd.s32 $0x100, s15;
	[sflag:s16] =	ssyncadd.s32 @!p1 $0xFFFFF000  }
0x130: {  	[tilespmem:s13], [sflag:$0x5] =	stream.indirect.gather [hbm4b:s5+s0], $0x40, s6, s0, $0xb8;
	[tilespmem:$0x19180] =	vst v63  }
0x131: {  	_ =	swait.ge [sflag:s20], $0x1000  }
0x132: {  	[sflag:s20] =	ssyncset.done $0x0  }
0x133: {  	s7 =	sadd.s32 $0x2240, s15;
	[sflag:s20] =	ssyncadd.s32 $0xFFFFF000  }
0x134: {  	[spmem:s2] =	stream.indirect.scatter.add.bf16 [tilespmem:s8], [sflag:$0xA], $0x40, s7, s0, $0xb8;
	[tilespmem:$0x19180] =	vst v63  }
0x135: {  	s16 =	simm.s32 @!p1 $0xE  }
0x136: {  	[spmem:s3] =	stream.indirect.scatter.add.f32 [tilespmem:s12], [sflag:$0x11], $0x10, s7, s0, $0xb8;
	[tilespmem:$0x19180] =	vst v63  }
0x137: {  	_ =	swait.ge @!p1 [sflag:s16], $0x1000  }
0x138: {  	[sflag:s16] =	ssyncset.done @!p1 $0x0  }
0x139: {  	s19 =	sadd.s32 $0x140, s15;
	[sflag:s16] =	ssyncadd.s32 @!p1 $0xFFFFF000  }
0x13a: {  	[tilespmem:s21], [sflag:$0x6] =	stream.indirect.gather [hbm4b:s5+s0], $0x40, s19, s0, $0xb8;
	[tilespmem:$0x19180] =	vst v63  }
0x13b: {  	_ =	swait.ge [sflag:s22], $0x1000  }
0x13c: {  	[sflag:s22] =	ssyncset.done $0x0  }
0x13d: {  	s6 =	sadd.s32 $0x2280, s15;
	[sflag:s22] =	ssyncadd.s32 $0xFFFFF000  }
0x13e: {  	[spmem:s2] =	stream.indirect.scatter.add.bf16 [tilespmem:s9], [sflag:$0xB], $0x40, s6, s0, $0xb8;
	[tilespmem:$0x19180] =	vst v63  }
0x13f: {  	s16 =	simm.s32 @!p1 $0xF  }
0x140: {  	[spmem:s3] =	stream.indirect.scatter.add.f32 [tilespmem:s12], [sflag:$0x11], $0x10, s6, s0, $0xb8;
	[tilespmem:$0x19180] =	vst v63  }
0x141: {  	_ =	swait.ge @!p1 [sflag:s16], $0x1000  }
0x142: {  	[sflag:s16] =	ssyncset.done @!p1 $0x0  }
0x143: {  	s7 =	sadd.s32 $0x180, s15;
	[sflag:s16] =	ssyncadd.s32 @!p1 $0xFFFFF000  }
0x144: {  	[tilespmem:s23], [sflag:$0x7] =	stream.indirect.gather [hbm4b:s5+s0], $0x40, s7, s0, $0xb8;
	[tilespmem:$0x19180] =	vst v63  }
0x145: {  	_ =	swait.ge [sflag:s24], $0x1000  }
0x146: {  	[sflag:s24] =	ssyncset.done $0x0  }
0x147: {  	s19 =	sadd.s32 $0x22C0, s15;
	[sflag:s24] =	ssyncadd.s32 $0xFFFFF000  }
0x148: {  	[spmem:s2] =	stream.indirect.scatter.add.bf16 [tilespmem:s10], [sflag:$0xC], $0x40, s19, s0, $0xb8;
	[tilespmem:$0x19180] =	vst v63  }
0x149: {  	s16 =	simm.s32 @!p1 $0x10  }
0x14a: {  	[spmem:s3] =	stream.indirect.scatter.add.f32 [tilespmem:s12], [sflag:$0x11], $0x10, s19, s0, $0xb8;
	[tilespmem:$0x19180] =	vst v63  }
0x14b: {  	_ =	swait.ge @!p1 [sflag:s16], $0x1000  }
0x14c: {  	[sflag:s16] =	ssyncset.done @!p1 $0x0  }
0x14d: {  	s6 =	sadd.s32 $0x1C0, s15;
	[sflag:s16] =	ssyncadd.s32 @!p1 $0xFFFFF000  }
0x14e: {  	[tilespmem:s25], [sflag:$0x8] =	stream.indirect.gather [hbm4b:s5+s0], $0x40, s6, s0, $0xb8;
	[tilespmem:$0x19180] =	vst v63  }
0x14f: {  	_ =	swait.ge [sflag:s26], $0x1000  }
0x150: {  	[sflag:s26] =	ssyncset.done $0x0  }
0x151: {  	s7 =	sadd.s32 $0x2300, s15;
	p1 =	seq.s32 s31, $0x8000;
	[sflag:s26] =	ssyncadd.s32 $0xFFFFF000  }
0x152: {  	[spmem:s2] =	stream.indirect.scatter.add.bf16 [tilespmem:s13], [sflag:$0xD], $0x40, s7, s0, $0xb8;
	[tilespmem:$0x19180] =	vst v63  }
0x153: {  	s16 =	simm.s32 @p1 $0x6  }
0x154: {  	[spmem:s3] =	stream.indirect.scatter.add.f32 [tilespmem:s12], [sflag:$0x11], $0x10, s7, s0, $0xb8;
	[tilespmem:$0x19180] =	vst v63  }
0x155: {  	_ =	swait.ge @p1 [sflag:s16], $0x1000  }
0x156: {  	[sflag:s16] =	ssyncset.done @p1 $0x0  }
0x157: {  	[sflag:s16] =	ssyncadd.s32 @p1 $0xFFFFF000;
	s16 =	sshra.s32 @p1 s31, $0x2  }
0x158: {  	s6 =	simm.s32 @p1 $0x40;
	s7 =	simm.s32 @p1 $0x9400;
	s16 =	sadd.s32 @p1 $0x2340, s16  }
0x159: {  	[spmem:s2] =	stream.indirect.scatter.add.bf16 @p1 [tilespmem:s7], [sflag:$0xE], $0x40, s16, s6, $0xb8;
	[tilespmem:$0x19180] =	vst v63  }
0x15a: {  	s7 =	simm.s32 @p1 $0xC400  }
0x15b: {  	[spmem:s3] =	stream.indirect.scatter.add.f32 @p1 [tilespmem:s7], [sflag:$0x11], $0x10, s16, s6, $0xb8;
	[tilespmem:$0x19180] =	vst v63  }
0x15c: {  	s6 =	simm.s32 @!p1 $0x9  }
0x15d: {  	_ =	swait.ge @!p1 [sflag:s6], $0x1000  }
0x15e: {  	[sflag:s6] =	ssyncset.done @!p1 $0x0  }
0x15f: {  	[sflag:s6] =	ssyncadd.s32 @!p1 $0xFFFFF000;
	s6 =	sshra.s32 @!p1 s31, $0x2  }
0x160: {  	s19 =	simm.s32 @!p1 $0x4400;
	s16 =	simm.s32 @!p1 $0x40;
	s7 =	sadd.s32 @!p1 $0x200, s6  }
0x161: {  	[tilespmem:s19], [sflag:$0x1] =	stream.indirect.gather @!p1 [hbm4b:s5+s16], $0x40, s7, s16, $0xb8;
	[tilespmem:$0x19180] =	vst v63  }
0x162: {  	s7 =	simm.s32 @!p1 $0x6  }
0x163: {  	_ =	swait.ge @!p1 [sflag:s7], $0x1000  }
0x164: {  	[sflag:s7] =	ssyncset.done @!p1 $0x0  }
0x165: {  	s19 =	simm.s32 @!p1 $0x9400;
	[sflag:s7] =	ssyncadd.s32 @!p1 $0xFFFFF000;
	s7 =	sadd.s32 @!p1 $0x2340, s6  }
0x166: {  	[spmem:s2] =	stream.indirect.scatter.add.bf16 @!p1 [tilespmem:s19], [sflag:$0xE], $0x40, s7, s16, $0xb8;
	[tilespmem:$0x19180] =	vst v63  }
0x167: {  	s19 =	simm.s32 @!p1 $0xC400  }
0x168: {  	[spmem:s3] =	stream.indirect.scatter.add.f32 @!p1 [tilespmem:s19], [sflag:$0x11], $0x10, s7, s16, $0xb8;
	[tilespmem:$0x19180] =	vst v63  }
0x169: {  	s7 =	simm.s32 @!p1 $0xA  }
0x16a: {  	_ =	swait.ge @!p1 [sflag:s7], $0x1000  }
0x16b: {  	[sflag:s7] =	ssyncset.done @!p1 $0x0  }
0x16c: {  	s6 =	sadd.s32 @!p1 $0x240, s6;
	[sflag:s7] =	ssyncadd.s32 @!p1 $0xFFFFF000;
	s7 =	simm.s32 @!p1 $0x5400  }
0x16d: {  	[tilespmem:s7], [sflag:$0x2] =	stream.indirect.gather @!p1 [hbm4b:s5+s16], $0x40, s6, s16, $0xb8;
	[tilespmem:$0x19180] =	vst v63  }
0x16e: {  	_ =	swait.ge [sflag:s28], $0x1000  }
.Ltmp8:
0x16f: {  	[sflag:s28] =	ssyncset.done $0x0;
	(pc) =	sbr.rel @p1 .LBB2_11-.Ltmp8, $4  }
0x170: {  	s19 =	sadd.s32 $0x2380, s15;
	[sflag:s28] =	ssyncadd.s32 $0xFFFFF000  }
0x171: {  	[spmem:s2] =	stream.indirect.scatter.add.bf16 [tilespmem:s23], [sflag:$0xF], $0x40, s19, s0, $0xb8;
	[tilespmem:$0x19180] =	vst v63  }
0x172: {  	s16 =	sadd.s32 $0x23C0, s15  }
0x173: {  	[spmem:s3] =	stream.indirect.scatter.add.f32 [tilespmem:s12], [sflag:$0x11], $0x10, s19, s0, $0xb8;
	[tilespmem:$0x19180] =	vst v63  }
0x174: {  	_ =	swait.ge [sflag:s1], $0x1000  }
0x175: {  	[sflag:s1] =	ssyncset.done $0x0  }
0x176: {  	s6 =	sadd.s32 $0x280, s15;
	[sflag:s1] =	ssyncadd.s32 $0xFFFFF000  }
0x177: {  	[tilespmem:s9], [sflag:$0x3] =	stream.indirect.gather [hbm4b:s5+s0], $0x40, s6, s0, $0xb8;
	[tilespmem:$0x19180] =	vst v63  }
0x178: {  	_ =	swait.ge [sflag:s29], $0x1000  }
0x179: {  	[sflag:s29] =	ssyncset.done $0x0  }
0x17a: {  	[sflag:s29] =	ssyncadd.s32 $0xFFFFF000  }
0x17b: {  	[spmem:s2] =	stream.indirect.scatter.add.bf16 [tilespmem:s25], [sflag:$0x10], $0x40, s16, s0, $0xb8;
	[tilespmem:$0x19180] =	vst v63  }
0x17c: {  	_ = 	snop  }
0x17d: {  	[spmem:s3] =	stream.indirect.scatter.add.f32 [tilespmem:s12], [sflag:$0x11], $0x10, s16, s0, $0xb8;
	[tilespmem:$0x19180] =	vst v63  }
.Ltmp9:
0x17e: {  	_ = 	snop;
	(pc) =	sbr.rel .LBB2_9-.Ltmp9, $4  }
0x17f: {  	_ =	swait.ge [sflag:s14], $0x1000  }
0x180: {  	[sflag:s14] =	ssyncset.done $0x0  }
0x181: {  	s19 =	sadd.s32 $0x2C0, s15;
	s31 =	sadd.s32 $0x800, s31;
	[sflag:s14] =	ssyncadd.s32 $0xFFFFF000  }
0x182: {  	[tilespmem:s10], [sflag:$0x4] =	stream.indirect.gather [hbm4b:s5+s0], $0x40, s19, s0, $0xb8;
	[tilespmem:$0x19180] =	vst v63  }
.LBB2_22:
0x183: {  	_ =	swait.ge [sflag:s29], $0x1000  }
0x184: {  	[sflag:s29] =	ssyncset.done $0x0  }
0x185: {  	[sflag:s29] =	ssyncadd.s32 $0xFFFFF000  }
0x186: {  	[spmem:s2] =	stream.indirect.scatter.add.bf16 [tilespmem:s25], [sflag:$0x10], $0x40, s16, s0, $0xb8;
	[tilespmem:$0x19180] =	vst v63  }
0x187: {  	s6 =	simm.s32 $0x9  }
0x188: {  	[spmem:s3] =	stream.indirect.scatter.add.f32 [tilespmem:s12], [sflag:$0x11], $0x10, s16, s0, $0xb8;
	[tilespmem:$0x19180] =	vst v63  }
0x189: {  	_ =	swait.ge [sflag:s6], $0x1000  }
0x18a: {  	[sflag:s6] =	ssyncset.done $0x0  }
0x18b: {  	s7 =	simm.s32 $0xA;
	[sflag:s6] =	ssyncadd.s32 $0xFFFFF000  }
0x18c: {  	_ =	swait.ge [sflag:s7], $0x1000  }
0x18d: {  	[sflag:s7] =	ssyncset.done $0x0  }
0x18e: {  	[sflag:s7] =	ssyncadd.s32 $0xFFFFF000  }
0x18f: {  	_ =	swait.ge [sflag:s1], $0x1000  }
0x190: {  	[sflag:s1] =	ssyncset.done $0x0  }
0x191: {  	[sflag:s1] =	ssyncadd.s32 $0xFFFFF000  }
0x192: {  	_ =	swait.ge [sflag:s14], $0x1000  }
0x193: {  	[sflag:s14] =	ssyncset.done $0x0  }
0x194: {  	s15 =	simm.s32 $0xD;
	[sflag:s14] =	ssyncadd.s32 $0xFFFFF000  }
0x195: {  	_ =	swait.ge [sflag:s15], $0x1000  }
0x196: {  	[sflag:s15] =	ssyncset.done $0x0  }
0x197: {  	s16 =	simm.s32 $0xE;
	[sflag:s15] =	ssyncadd.s32 $0xFFFFF000  }
0x198: {  	_ =	swait.ge [sflag:s16], $0x1000  }
0x199: {  	[sflag:s16] =	ssyncset.done $0x0  }
0x19a: {  	s19 =	simm.s32 $0xF;
	[sflag:s16] =	ssyncadd.s32 $0xFFFFF000  }
0x19b: {  	_ =	swait.ge [sflag:s19], $0x1000  }
0x19c: {  	[sflag:s19] =	ssyncset.done $0x0  }
0x19d: {  	s31 =	simm.s32 $0x10;
	[sflag:s19] =	ssyncadd.s32 $0xFFFFF000  }
0x19e: {  	_ =	swait.ge [sflag:s31], $0x1000  }
0x19f: {  	[sflag:s31] =	ssyncset.done $0x0  }
0x1a0: {  	[sflag:s31] =	ssyncadd.s32 $0xFFFFF000  }
0x1a1: {  	_ =	swait.ge [sflag:s30], $0x400  }
0x1a2: {  	s15 =	simm.s32 $0x2F;
	[sflag:s30] =	ssyncset.done $0x0;
	s19 =	rddreg [dreg:$0x4]  }
.LBB2_23:
0x1a3: {  	p1 =	sne.s32 s15, $0x1;
	s15 =	sadd.s32 $0xFFFFFFFF, s15;
	[sflag:s30] =	ssyncadd.s32 $0xFFFFFC00  }
.Ltmp10:
0x1a4: {  	(pc) =	sbr.rel @p1 .LBB2_23-.Ltmp10, $3  }
0x1a5: {  	_ =	sdelay $0x1  }
0x1a6: {  	_ =	swait.ge [sflag:s30], $0x400  }
0x1a7: {  	[sflag:s30] =	ssyncset.done $0x0  }
.Ltmp11:
0x1a8: {  	(pc) =	sbr.rel .LBB2_25-.Ltmp11, $2  }
0x1a9: {  	_ =	sdelay $0x2  }
0x1aa: {  	[sflag:s30] =	ssyncadd.s32 $0xFFFFFC00  }
.LBB2_11:
0x1ab: {  	_ =	swait.ge [sflag:s29], $0x1000  }
0x1ac: {  	[sflag:s29] =	ssyncset.done $0x0  }
0x1ad: {  	[sflag:s29] =	ssyncadd.s32 $0xFFFFF000  }
0x1ae: {  	[spmem:s2] =	stream.indirect.scatter.add.bf16 [tilespmem:s25], [sflag:$0x10], $0x40, s16, s0, $0xb8;
	[tilespmem:$0x19180] =	vst v63  }
0x1af: {  	s6 =	simm.s32 $0x9  }
0x1b0: {  	[spmem:s3] =	stream.indirect.scatter.add.f32 [tilespmem:s12], [sflag:$0x11], $0x10, s16, s0, $0xb8;
	[tilespmem:$0x19180] =	vst v63  }
0x1b1: {  	_ =	swait.ge [sflag:s6], $0x1000  }
0x1b2: {  	[sflag:s6] =	ssyncset.done $0x0  }
0x1b3: {  	s7 =	simm.s32 $0xA;
	[sflag:s6] =	ssyncadd.s32 $0xFFFFF000  }
0x1b4: {  	_ =	swait.ge [sflag:s7], $0x1000  }
0x1b5: {  	[sflag:s7] =	ssyncset.done $0x0  }
0x1b6: {  	[sflag:s7] =	ssyncadd.s32 $0xFFFFF000  }
0x1b7: {  	_ =	swait.ge [sflag:s1], $0x1000  }
0x1b8: {  	[sflag:s1] =	ssyncset.done $0x0  }
0x1b9: {  	[sflag:s1] =	ssyncadd.s32 $0xFFFFF000  }
0x1ba: {  	_ =	swait.ge [sflag:s14], $0x1000  }
0x1bb: {  	[sflag:s14] =	ssyncset.done $0x0  }
0x1bc: {  	s15 =	simm.s32 $0xD;
	[sflag:s14] =	ssyncadd.s32 $0xFFFFF000  }
0x1bd: {  	_ =	swait.ge [sflag:s15], $0x1000  }
0x1be: {  	[sflag:s15] =	ssyncset.done $0x0  }
0x1bf: {  	s16 =	simm.s32 $0xE;
	[sflag:s15] =	ssyncadd.s32 $0xFFFFF000  }
0x1c0: {  	_ =	swait.ge [sflag:s16], $0x1000  }
0x1c1: {  	[sflag:s16] =	ssyncset.done $0x0  }
0x1c2: {  	s19 =	simm.s32 $0xF;
	[sflag:s16] =	ssyncadd.s32 $0xFFFFF000  }
0x1c3: {  	_ =	swait.ge [sflag:s19], $0x1000  }
0x1c4: {  	[sflag:s19] =	ssyncset.done $0x0  }
0x1c5: {  	s31 =	simm.s32 $0x10;
	[sflag:s19] =	ssyncadd.s32 $0xFFFFF000  }
0x1c6: {  	_ =	swait.ge [sflag:s31], $0x1000  }
0x1c7: {  	[sflag:s31] =	ssyncset.done $0x0  }
0x1c8: {  	[sflag:s31] =	ssyncadd.s32 $0xFFFFF000  }
0x1c9: {  	_ =	swait.ge [sflag:s30], $0x400  }
0x1ca: {  	s15 =	simm.s32 $0x87;
	[sflag:s30] =	ssyncset.done $0x0  }
.LBB2_12:
0x1cb: {  	p1 =	sne.s32 s15, $0x1;
	s15 =	sadd.s32 $0xFFFFFFFF, s15;
	[sflag:s30] =	ssyncadd.s32 $0xFFFFFC00  }
.Ltmp12:
0x1cc: {  	(pc) =	sbr.rel @p1 .LBB2_12-.Ltmp12, $3  }
0x1cd: {  	_ =	sdelay $0x1  }
0x1ce: {  	_ =	swait.ge [sflag:s30], $0x400  }
0x1cf: {  	[sflag:s30] =	ssyncset.done $0x0  }
0x1d0: {  	[sflag:s30] =	ssyncadd.s32 $0xFFFFFC00;
	s31 =	simm.s32 $0x0;
	s6 =	rddreg [dreg:$0xe]  }
0x1d1: {  	[tilespmem:s31], [sflag:$0x12] =	stream.linear.gather [hbm4b:s6+s31], $0x2200, $0x38;
	[tilespmem:$0x19180] =	vst v63  }
0x1d2: {  	_ =	swait.ge [sflag:s18], $0x2200  }
0x1d3: {  	[sflag:s18] =	ssyncset.done $0x0  }
0x1d4: {  	s7 =	simm.s32 $0x2200;
	s15 =	rddreg [dreg:$0xf];
	[sflag:s18] =	ssyncadd.s32 $0xFFFFDE00  }
0x1d5: {  	[tilespmem:s7], [sflag:$0x12] =	stream.linear.gather [hbm4b:s15+s31], $0x2200, $0x38;
	[tilespmem:$0x19180] =	vst v63  }
0x1d6: {  	_ =	swait.ge [sflag:s18], $0x2200  }
0x1d7: {  	[sflag:s18] =	ssyncset.done $0x0  }
0x1d8: {  	[sflag:s18] =	ssyncadd.s32 $0xFFFFDE00  }
0x1d9: {  	[tilespmem:s17], [sflag:$0x1] =	stream.indirect.gather [hbm4b:s5+s0], $0x40, s31, s0, $0xb8;
	[tilespmem:$0x19180] =	vst v63  }
0x1da: {  	_ = 	snop  }
0x1db: {  	[tilespmem:s8], [sflag:$0x2] =	stream.indirect.gather [hbm4b:s5+s0], $0x40, s0, s0, $0xb8;
	[tilespmem:$0x19180] =	vst v63  }
0x1dc: {  	s16 =	simm.s32 $0x80  }
0x1dd: {  	[tilespmem:s9], [sflag:$0x3] =	stream.indirect.gather [hbm4b:s5+s0], $0x40, s16, s0, $0xb8;
	[tilespmem:$0x19180] =	vst v63  }
0x1de: {  	s19 =	simm.s32 $0xC0  }
0x1df: {  	[tilespmem:s10], [sflag:$0x4] =	stream.indirect.gather [hbm4b:s5+s0], $0x40, s19, s0, $0xb8;
	[tilespmem:$0x19180] =	vst v63  }
.LBB2_14:
0x1e0: {  	_ =	swait.ge [sflag:s11], $0x1000  }
0x1e1: {  	s15 =	sshra.s32 s31, $0x2;
	[sflag:s11] =	ssyncset.done $0x0  }
0x1e2: {  	s6 =	sadd.s32 $0x2200, s15;
	[sflag:s11] =	ssyncadd.s32 $0xFFFFF000  }
0x1e3: {  	[spmem:s2] =	stream.indirect.scatter.add.bf16 [tilespmem:s17], [sflag:$0x9], $0x40, s6, s0, $0xb8;
	[tilespmem:$0x19180] =	vst v63  }
0x1e4: {  	p1 =	seq.s32 s31, $0x0  }
0x1e5: {  	[spmem:s3] =	stream.indirect.scatter.add.f32 [tilespmem:s12], [sflag:$0x11], $0x10, s6, s0, $0xb8;
	[tilespmem:$0x19180] =	vst v63  }
0x1e6: {  	s6 =	simm.s32 @!p1 $0xD  }
0x1e7: {  	_ =	swait.ge @!p1 [sflag:s6], $0x1000  }
0x1e8: {  	[sflag:s6] =	ssyncset.done @!p1 $0x0  }
0x1e9: {  	s7 =	sadd.s32 $0x100, s15;
	[sflag:s6] =	ssyncadd.s32 @!p1 $0xFFFFF000  }
0x1ea: {  	[tilespmem:s13], [sflag:$0x5] =	stream.indirect.gather [hbm4b:s5+s0], $0x40, s7, s0, $0xb8;
	[tilespmem:$0x19180] =	vst v63  }
0x1eb: {  	_ =	swait.ge [sflag:s20], $0x1000  }
0x1ec: {  	[sflag:s20] =	ssyncset.done $0x0  }
0x1ed: {  	s16 =	sadd.s32 $0x2240, s15;
	[sflag:s20] =	ssyncadd.s32 $0xFFFFF000  }
0x1ee: {  	[spmem:s2] =	stream.indirect.scatter.add.bf16 [tilespmem:s8], [sflag:$0xA], $0x40, s16, s0, $0xb8;
	[tilespmem:$0x19180] =	vst v63  }
0x1ef: {  	s6 =	simm.s32 @!p1 $0xE  }
0x1f0: {  	[spmem:s3] =	stream.indirect.scatter.add.f32 [tilespmem:s12], [sflag:$0x11], $0x10, s16, s0, $0xb8;
	[tilespmem:$0x19180] =	vst v63  }
0x1f1: {  	_ =	swait.ge @!p1 [sflag:s6], $0x1000  }
0x1f2: {  	[sflag:s6] =	ssyncset.done @!p1 $0x0  }
0x1f3: {  	s19 =	sadd.s32 $0x140, s15;
	[sflag:s6] =	ssyncadd.s32 @!p1 $0xFFFFF000  }
0x1f4: {  	[tilespmem:s21], [sflag:$0x6] =	stream.indirect.gather [hbm4b:s5+s0], $0x40, s19, s0, $0xb8;
	[tilespmem:$0x19180] =	vst v63  }
0x1f5: {  	_ =	swait.ge [sflag:s22], $0x1000  }
0x1f6: {  	[sflag:s22] =	ssyncset.done $0x0  }
0x1f7: {  	s7 =	sadd.s32 $0x2280, s15;
	[sflag:s22] =	ssyncadd.s32 $0xFFFFF000  }
0x1f8: {  	[spmem:s2] =	stream.indirect.scatter.add.bf16 [tilespmem:s9], [sflag:$0xB], $0x40, s7, s0, $0xb8;
	[tilespmem:$0x19180] =	vst v63  }
0x1f9: {  	s6 =	simm.s32 @!p1 $0xF  }
0x1fa: {  	[spmem:s3] =	stream.indirect.scatter.add.f32 [tilespmem:s12], [sflag:$0x11], $0x10, s7, s0, $0xb8;
	[tilespmem:$0x19180] =	vst v63  }
0x1fb: {  	_ =	swait.ge @!p1 [sflag:s6], $0x1000  }
0x1fc: {  	[sflag:s6] =	ssyncset.done @!p1 $0x0  }
0x1fd: {  	s16 =	sadd.s32 $0x180, s15;
	[sflag:s6] =	ssyncadd.s32 @!p1 $0xFFFFF000  }
0x1fe: {  	[tilespmem:s23], [sflag:$0x7] =	stream.indirect.gather [hbm4b:s5+s0], $0x40, s16, s0, $0xb8;
	[tilespmem:$0x19180] =	vst v63  }
0x1ff: {  	_ =	swait.ge [sflag:s24], $0x1000  }
0x200: {  	[sflag:s24] =	ssyncset.done $0x0  }
0x201: {  	s19 =	sadd.s32 $0x22C0, s15;
	[sflag:s24] =	ssyncadd.s32 $0xFFFFF000  }
0x202: {  	[spmem:s2] =	stream.indirect.scatter.add.bf16 [tilespmem:s10], [sflag:$0xC], $0x40, s19, s0, $0xb8;
	[tilespmem:$0x19180] =	vst v63  }
0x203: {  	s6 =	simm.s32 @!p1 $0x10  }
0x204: {  	[spmem:s3] =	stream.indirect.scatter.add.f32 [tilespmem:s12], [sflag:$0x11], $0x10, s19, s0, $0xb8;
	[tilespmem:$0x19180] =	vst v63  }
0x205: {  	_ =	swait.ge @!p1 [sflag:s6], $0x1000  }
0x206: {  	[sflag:s6] =	ssyncset.done @!p1 $0x0  }
0x207: {  	s7 =	sadd.s32 $0x1C0, s15;
	[sflag:s6] =	ssyncadd.s32 @!p1 $0xFFFFF000  }
0x208: {  	[tilespmem:s25], [sflag:$0x8] =	stream.indirect.gather [hbm4b:s5+s0], $0x40, s7, s0, $0xb8;
	[tilespmem:$0x19180] =	vst v63  }
0x209: {  	_ =	swait.ge [sflag:s26], $0x1000  }
0x20a: {  	[sflag:s26] =	ssyncset.done $0x0  }
0x20b: {  	s16 =	sadd.s32 $0x2300, s15;
	p1 =	seq.s32 s31, $0x8000;
	[sflag:s26] =	ssyncadd.s32 $0xFFFFF000  }
0x20c: {  	[spmem:s2] =	stream.indirect.scatter.add.bf16 [tilespmem:s13], [sflag:$0xD], $0x40, s16, s0, $0xb8;
	[tilespmem:$0x19180] =	vst v63  }
0x20d: {  	s6 =	simm.s32 @p1 $0x6  }
0x20e: {  	[spmem:s3] =	stream.indirect.scatter.add.f32 [tilespmem:s12], [sflag:$0x11], $0x10, s16, s0, $0xb8;
	[tilespmem:$0x19180] =	vst v63  }
0x20f: {  	_ =	swait.ge @p1 [sflag:s6], $0x1000  }
0x210: {  	[sflag:s6] =	ssyncset.done @p1 $0x0  }
0x211: {  	[sflag:s6] =	ssyncadd.s32 @p1 $0xFFFFF000;
	s6 =	sshra.s32 @p1 s31, $0x2  }
0x212: {  	s7 =	simm.s32 @p1 $0x40;
	s16 =	simm.s32 @p1 $0x9400;
	s6 =	sadd.s32 @p1 $0x2340, s6  }
0x213: {  	[spmem:s2] =	stream.indirect.scatter.add.bf16 @p1 [tilespmem:s16], [sflag:$0xE], $0x40, s6, s7, $0xb8;
	[tilespmem:$0x19180] =	vst v63  }
0x214: {  	s16 =	simm.s32 @p1 $0xC400  }
0x215: {  	[spmem:s3] =	stream.indirect.scatter.add.f32 @p1 [tilespmem:s16], [sflag:$0x11], $0x10, s6, s7, $0xb8;
	[tilespmem:$0x19180] =	vst v63  }
0x216: {  	s6 =	simm.s32 @!p1 $0x9  }
0x217: {  	_ =	swait.ge @!p1 [sflag:s6], $0x1000  }
0x218: {  	[sflag:s6] =	ssyncset.done @!p1 $0x0  }
0x219: {  	[sflag:s6] =	ssyncadd.s32 @!p1 $0xFFFFF000;
	s6 =	sshra.s32 @!p1 s31, $0x2  }
0x21a: {  	s19 =	simm.s32 @!p1 $0x4400;
	s16 =	simm.s32 @!p1 $0x40;
	s7 =	sadd.s32 @!p1 $0x200, s6  }
0x21b: {  	[tilespmem:s19], [sflag:$0x1] =	stream.indirect.gather @!p1 [hbm4b:s5+s16], $0x40, s7, s16, $0xb8;
	[tilespmem:$0x19180] =	vst v63  }
0x21c: {  	s7 =	simm.s32 @!p1 $0x6  }
0x21d: {  	_ =	swait.ge @!p1 [sflag:s7], $0x1000  }
0x21e: {  	[sflag:s7] =	ssyncset.done @!p1 $0x0  }
0x21f: {  	s19 =	simm.s32 @!p1 $0x9400;
	[sflag:s7] =	ssyncadd.s32 @!p1 $0xFFFFF000;
	s7 =	sadd.s32 @!p1 $0x2340, s6  }
0x220: {  	[spmem:s2] =	stream.indirect.scatter.add.bf16 @!p1 [tilespmem:s19], [sflag:$0xE], $0x40, s7, s16, $0xb8;
	[tilespmem:$0x19180] =	vst v63  }
0x221: {  	s19 =	simm.s32 @!p1 $0xC400  }
0x222: {  	[spmem:s3] =	stream.indirect.scatter.add.f32 @!p1 [tilespmem:s19], [sflag:$0x11], $0x10, s7, s16, $0xb8;
	[tilespmem:$0x19180] =	vst v63  }
0x223: {  	s7 =	simm.s32 @!p1 $0xA  }
0x224: {  	_ =	swait.ge @!p1 [sflag:s7], $0x1000  }
0x225: {  	[sflag:s7] =	ssyncset.done @!p1 $0x0  }
0x226: {  	s6 =	sadd.s32 @!p1 $0x240, s6;
	[sflag:s7] =	ssyncadd.s32 @!p1 $0xFFFFF000;
	s7 =	simm.s32 @!p1 $0x5400  }
0x227: {  	[tilespmem:s7], [sflag:$0x2] =	stream.indirect.gather @!p1 [hbm4b:s5+s16], $0x40, s6, s16, $0xb8;
	[tilespmem:$0x19180] =	vst v63  }
0x228: {  	_ =	swait.ge [sflag:s28], $0x1000  }
.Ltmp13:
0x229: {  	[sflag:s28] =	ssyncset.done $0x0;
	(pc) =	sbr.rel @p1 .LBB2_16-.Ltmp13, $4  }
0x22a: {  	s19 =	sadd.s32 $0x2380, s15;
	[sflag:s28] =	ssyncadd.s32 $0xFFFFF000  }
0x22b: {  	[spmem:s2] =	stream.indirect.scatter.add.bf16 [tilespmem:s23], [sflag:$0xF], $0x40, s19, s0, $0xb8;
	[tilespmem:$0x19180] =	vst v63  }
0x22c: {  	s16 =	sadd.s32 $0x23C0, s15  }
0x22d: {  	[spmem:s3] =	stream.indirect.scatter.add.f32 [tilespmem:s12], [sflag:$0x11], $0x10, s19, s0, $0xb8;
	[tilespmem:$0x19180] =	vst v63  }
0x22e: {  	_ =	swait.ge [sflag:s1], $0x1000  }
0x22f: {  	[sflag:s1] =	ssyncset.done $0x0  }
0x230: {  	s6 =	sadd.s32 $0x280, s15;
	[sflag:s1] =	ssyncadd.s32 $0xFFFFF000  }
0x231: {  	[tilespmem:s9], [sflag:$0x3] =	stream.indirect.gather [hbm4b:s5+s0], $0x40, s6, s0, $0xb8;
	[tilespmem:$0x19180] =	vst v63  }
0x232: {  	_ =	swait.ge [sflag:s29], $0x1000  }
0x233: {  	[sflag:s29] =	ssyncset.done $0x0  }
0x234: {  	[sflag:s29] =	ssyncadd.s32 $0xFFFFF000  }
0x235: {  	[spmem:s2] =	stream.indirect.scatter.add.bf16 [tilespmem:s25], [sflag:$0x10], $0x40, s16, s0, $0xb8;
	[tilespmem:$0x19180] =	vst v63  }
0x236: {  	_ = 	snop  }
0x237: {  	[spmem:s3] =	stream.indirect.scatter.add.f32 [tilespmem:s12], [sflag:$0x11], $0x10, s16, s0, $0xb8;
	[tilespmem:$0x19180] =	vst v63  }
.Ltmp14:
0x238: {  	_ = 	snop;
	(pc) =	sbr.rel .LBB2_14-.Ltmp14, $4  }
0x239: {  	_ =	swait.ge [sflag:s14], $0x1000  }
0x23a: {  	[sflag:s14] =	ssyncset.done $0x0  }
0x23b: {  	s19 =	sadd.s32 $0x2C0, s15;
	s31 =	sadd.s32 $0x800, s31;
	[sflag:s14] =	ssyncadd.s32 $0xFFFFF000  }
0x23c: {  	[tilespmem:s10], [sflag:$0x4] =	stream.indirect.gather [hbm4b:s5+s0], $0x40, s19, s0, $0xb8;
	[tilespmem:$0x19180] =	vst v63  }
.LBB2_16:
0x23d: {  	_ =	swait.ge [sflag:s29], $0x1000  }
0x23e: {  	[sflag:s29] =	ssyncset.done $0x0  }
0x23f: {  	[sflag:s29] =	ssyncadd.s32 $0xFFFFF000  }
0x240: {  	[spmem:s2] =	stream.indirect.scatter.add.bf16 [tilespmem:s25], [sflag:$0x10], $0x40, s16, s0, $0xb8;
	[tilespmem:$0x19180] =	vst v63  }
0x241: {  	s6 =	simm.s32 $0x9  }
0x242: {  	[spmem:s3] =	stream.indirect.scatter.add.f32 [tilespmem:s12], [sflag:$0x11], $0x10, s16, s0, $0xb8;
	[tilespmem:$0x19180] =	vst v63  }
0x243: {  	_ =	swait.ge [sflag:s6], $0x1000  }
0x244: {  	[sflag:s6] =	ssyncset.done $0x0  }
0x245: {  	s7 =	simm.s32 $0xA;
	[sflag:s6] =	ssyncadd.s32 $0xFFFFF000  }
0x246: {  	_ =	swait.ge [sflag:s7], $0x1000  }
0x247: {  	[sflag:s7] =	ssyncset.done $0x0  }
0x248: {  	[sflag:s7] =	ssyncadd.s32 $0xFFFFF000  }
0x249: {  	_ =	swait.ge [sflag:s1], $0x1000  }
0x24a: {  	[sflag:s1] =	ssyncset.done $0x0  }
0x24b: {  	[sflag:s1] =	ssyncadd.s32 $0xFFFFF000  }
0x24c: {  	_ =	swait.ge [sflag:s14], $0x1000  }
0x24d: {  	[sflag:s14] =	ssyncset.done $0x0  }
0x24e: {  	s15 =	simm.s32 $0xD;
	[sflag:s14] =	ssyncadd.s32 $0xFFFFF000  }
0x24f: {  	_ =	swait.ge [sflag:s15], $0x1000  }
0x250: {  	[sflag:s15] =	ssyncset.done $0x0  }
0x251: {  	s16 =	simm.s32 $0xE;
	[sflag:s15] =	ssyncadd.s32 $0xFFFFF000  }
0x252: {  	_ =	swait.ge [sflag:s16], $0x1000  }
0x253: {  	[sflag:s16] =	ssyncset.done $0x0  }
0x254: {  	s19 =	simm.s32 $0xF;
	[sflag:s16] =	ssyncadd.s32 $0xFFFFF000  }
0x255: {  	_ =	swait.ge [sflag:s19], $0x1000  }
0x256: {  	[sflag:s19] =	ssyncset.done $0x0  }
0x257: {  	s31 =	simm.s32 $0x10;
	[sflag:s19] =	ssyncadd.s32 $0xFFFFF000  }
0x258: {  	_ =	swait.ge [sflag:s31], $0x1000  }
0x259: {  	[sflag:s31] =	ssyncset.done $0x0  }
0x25a: {  	[sflag:s31] =	ssyncadd.s32 $0xFFFFF000  }
0x25b: {  	_ =	swait.ge [sflag:s30], $0x400  }
0x25c: {  	s15 =	simm.s32 $0x87;
	[sflag:s30] =	ssyncset.done $0x0  }
.LBB2_17:
0x25d: {  	p1 =	seq.s32 s15, $0x1;
	s15 =	sadd.s32 $0xFFFFFFFF, s15;
	[sflag:s30] =	ssyncadd.s32 $0xFFFFFC00  }
.Ltmp15:
0x25e: {  	(pc) =	sbr.rel @!p1 .LBB2_17-.Ltmp15, $3  }
0x25f: {  	_ =	sdelay $0x1  }
0x260: {  	_ =	swait.ge [sflag:s30], $0x400  }
0x261: {  	[sflag:s30] =	ssyncset.done $0x0  }
.Ltmp16:
0x262: {  	_ = 	snop;
	(pc) =	sbr.rel .LBB2_18-.Ltmp16, $1  }
0x263: {  	_ =	sdelay $0x3  }
.LBB2_26:
0x264: {  	_ =	sfence.sel $0x180000  }
0x265: {  	[bflag:$0x0] =	sbarrier.arrive $0xFFFF  }
0x266: {  	_ =	strace $0x90000047  }
0x267: {  	s0 =	stileid.u32;
	[bflag:$0x2] =	sbarrier.arrive $0xFFFF  }
0x268: {  	p0 =	sne.s32 s0, $0x0;
	s0 =	rddreg [dreg:$0x3]  }
0x269: {  	s0 =	sadd.s32 @!p0 $0x100000, s0  }
0x26a: {  	[sflag:s0] =	ssyncadd.tile.s32 @!p0 $0x1;
	_ =	shalt  }
.Lfunc_end2:
_tile_overlayer_lowered:
.L_overlay_start_2:
0x26b: {  	(tag) =	ssettag $0x2  }
0x26c: {  	s0 =	rddreg [dreg:$0x0];
	s2 =	stileid.u32  }
0x26d: {  	s1 =	rddreg [dreg:$0x1];
	p0 =	sne.s32 s2, $0x0  }
0x26e: {  	s3 =	rddreg [dreg:$0x2];
	[bflag:$0x3] =	sbarrier.arrive $0xFFFF;
	s2 =	simm.s32 @!p0 $0x1C12  }
0x26f: {  	[timem:s3], [sflag:s2] =	dma.local @!p0 [hbm:s0], s1  }
0x270: {  	s0 =	simm.s32 @!p0 $0x12  }
0x271: {  	_ =	swait.ge @!p0 [sflag:s0], s1  }
0x272: {  	s1 =	ssub.s32 @!p0 $0x0, s1;
	[sflag:s0] =	ssyncset.done @!p0 $0x0  }
0x273: {  	[sflag:s0] =	ssyncadd.s32 @!p0 s1  }
0x274: {  	[bflag:$0x3] =	sbarrier.arrive $0xFFFF  }
0x275: {  	_ =	shalt  }

// kernel: kernel.9.cloned.1.call-start
scs
__scs_entry_jumppad:
0x0: {  	(pc) =	sbr.rel $0x88, $3  }
0x1: {  	(tag) =	ssettag $0x0;
	lr =	simm.s32 $0x1  }
0x2: {  	[smem:$0x3F93] =	sst lr;
	_ =	strace $0xD0000000  }
0x3: {  	_ = 	snop  }
0x4: {  	_ = 	snop  }
0x5: {  	_ = 	snop  }
0x6: {  	_ = 	snop  }
0x7: {  	_ = 	snop  }
__scs_overlays_trampoline_lowered:
0x8: {  	[smem:$0x3FA2] =	sst s0  }
0x9: {  	[smem:$0x3FA3] =	sst s1  }
0xa: {  	[smem:$0x3FA4] =	sst s2  }
0xb: {  	[smem:$0x3FA5] =	sst s3  }
0xc: {  	[smem:$0x3FA6] =	sst s4  }
0xd: {  	[smem:$0x3FA7] =	sst s5  }
0xe: {  	[smem:$0x3FA8] =	sst s6  }
0xf: {  	[smem:$0x3FA9] =	sst s7  }
0x10: {  	[smem:$0x3FAA] =	sst s8  }
0x11: {  	[smem:$0x3FAB] =	sst s9;
	s0 =	simm.s32 @!p0 $0x0  }
0x12: {  	s1 =	sld [smem:$0x3F91];
	s0 =	simm.s32 @p0 $0x1  }
0x13: {  	[smem:$0x3FAC] =	sst s0;
	s0 =	simm.s32 @!p1 $0x0  }
0x14: {  	s2 =	sld [smem:$0x3F90];
	s0 =	simm.s32 @p1 $0x1  }
0x15: {  	[smem:$0x3FAD] =	sst s0;
	s0 =	simm.s32 @!p2 $0x0  }
0x16: {  	s3 =	sld [smem:$0x3FDB];
	s0 =	simm.s32 @p2 $0x1  }
0x17: {  	s4 =	simm.s32 $0x1BF5;
	[smem:$0x3FAF] =	sst s0  }
0x18: {  	s0 =	sld [smem:$0x3F92];
	_ =	swait.ge [sflag:s4], $0x0  }
0x19: {  	s7 =	sld [smem:$0x3F93]  }
0x1a: {  	s8 =	sadd.s32 $0xFFFFE003, lr  }
0x1b: {  	s9 =	sadd.s32 $0xFFFFFEF7, lr;
	s5 =	simm.s32 $0xFFFFFFFF;
	p2 =	slt.u32 s8, $0xFFFFF086  }
0x1c: {  	p1 =	slt.u32 s9, $0xF7A;
	s5 =	simm.s32 @!p2 $0x0  }
0x1d: {  	s5 =	simm.s32 @p1 $0x1;
	p0 =	seq.s32 s7, s2  }
0x1e: {  	s7 =	smul.u32 @!p0 $0xF7A, s2;
	p2 =	seq.s32 @!p0 s5, $0x0  }
0x1f: {  	s9 =	smul.u32 $0xF7A, s1;
	s8 =	simm.s32 @!p0 $0x1BF5;
	p2 =	por !p2, p0  }
0x20: {  	[sflag:s8] =	ssyncset.s32 @!p0 $0xFFFFF086;
	s6 =	sadd.s32 @!p0 s3, s7;
	s7 =	simm.s32 @!p0 $0x108  }
0x21: {  	s3 =	sadd.s32 s3, s9;
	s6 =	sadd.s32 @!p0 $0x88, s6;
	s7 =	simm.s32 @p2 $0x1082  }
0x22: {  	[simem:s7], [sflag:s8] =	dma.local @!p0 [hbm:s6], $0xF7A  }
0x23: {  	s9 =	sor.u32 $0xD0000000, s2;
	s6 =	simm.s32 $0x108;
	_ =	swait.ge @!p0 [sflag:s8], $0x0  }
0x24: {  	s3 =	sadd.s32 $0x88, s3;
	s6 =	simm.s32 @!p1 $0x1082;
	[sflag:s4] =	ssyncset.s32 $0xFFFFF086  }
0x25: {  	[simem:s6], [sflag:s4] =	dma.local [hbm:s3], $0xF7A  }
0x26: {  	[smem:$0x3F93] =	sst s1;
	(tag) =	ssettag s2;
	_ =	strace s9  }
0x27: {  	s1 =	sld [smem:$0x3FA3]  }
0x28: {  	s2 =	sld [smem:$0x3FA4]  }
0x29: {  	s4 =	sld [smem:$0x3FA6]  }
0x2a: {  	p0 =	seq.s32 s5, $0x0;
	s5 =	sld [smem:$0x3FA7]  }
0x2b: {  	s6 =	sld [smem:$0x3FA8]  }
0x2c: {  	s7 =	sld [smem:$0x3FA9]  }
0x2d: {  	s3 =	simm.s32 $0x108;
	s8 =	sld [smem:$0x3FAA]  }
0x2e: {  	s3 =	simm.s32 @!p0 $0x1082;
	s9 =	sld [smem:$0x3FAB]  }
0x2f: {  	lr =	sadd.s32 s0, s3;
	s0 =	sld [smem:$0x3FA2]  }
0x30: {  	s3 =	sld [smem:$0x3FA5]  }
0x31: {  	[smem:$0x3FAE] =	sst s10  }
0x32: {  	s10 =	sld [smem:$0x3FAC];
	_ =	sdelay $0x3  }
0x33: {  	p0 =	seq.s32 s10, $0x1;
	s10 =	sld [smem:$0x3FAE];
	_ =	sdelay $0x3  }
0x34: {  	[smem:$0x3FAE] =	sst s10  }
0x35: {  	s10 =	sld [smem:$0x3FAD];
	_ =	sdelay $0x3  }
0x36: {  	p1 =	seq.s32 s10, $0x1;
	s10 =	sld [smem:$0x3FAE];
	_ =	sdelay $0x3  }
0x37: {  	[smem:$0x3FAE] =	sst s10  }
0x38: {  	s10 =	sld [smem:$0x3FAF]  }
0x39: {  	_ = 	snop;
	(pc) =	sbr.ind lr, $3  }
0x3a: {  	_ = 	snop  }
0x3b: {  	_ = 	snop  }
0x3c: {  	p2 =	seq.s32 s10, $0x1;
	s10 =	sld [smem:$0x3FAE]  }
0x3d: {  	_ =	shalt  }
0x3e: {  	_ =	shalt  }
0x3f: {  	_ =	shalt  }
0x40: {  	_ =	shalt  }
0x41: {  	_ =	shalt  }
0x42: {  	_ =	shalt  }
0x43: {  	_ =	shalt  }
0x44: {  	_ =	shalt  }
0x45: {  	_ =	shalt  }
0x46: {  	_ =	shalt  }
0x47: {  	_ =	shalt  }
0x48: {  	_ =	shalt  }
0x49: {  	_ =	shalt  }
0x4a: {  	_ =	shalt  }
0x4b: {  	_ =	shalt  }
0x4c: {  	_ =	shalt  }
0x4d: {  	_ =	shalt  }
0x4e: {  	_ =	shalt  }
0x4f: {  	_ =	shalt  }
0x50: {  	_ =	shalt  }
0x51: {  	_ =	shalt  }
0x52: {  	_ =	shalt  }
0x53: {  	_ =	shalt  }
0x54: {  	_ =	shalt  }
0x55: {  	_ =	shalt  }
0x56: {  	_ =	shalt  }
0x57: {  	_ =	shalt  }
0x58: {  	_ =	shalt  }
0x59: {  	_ =	shalt  }
0x5a: {  	_ =	shalt  }
0x5b: {  	_ =	shalt  }
0x5c: {  	_ =	shalt  }
0x5d: {  	_ =	shalt  }
0x5e: {  	_ =	shalt  }
0x5f: {  	_ =	shalt  }
0x60: {  	_ =	shalt  }
0x61: {  	_ =	shalt  }
0x62: {  	_ =	shalt  }
0x63: {  	_ =	shalt  }
0x64: {  	_ =	shalt  }
0x65: {  	_ =	shalt  }
0x66: {  	_ =	shalt  }
0x67: {  	_ =	shalt  }
0x68: {  	_ =	shalt  }
0x69: {  	_ =	shalt  }
0x6a: {  	_ =	shalt  }
0x6b: {  	_ =	shalt  }
0x6c: {  	_ =	shalt  }
0x6d: {  	_ =	shalt  }
0x6e: {  	_ =	shalt  }
0x6f: {  	_ =	shalt  }
0x70: {  	_ =	shalt  }
0x71: {  	_ =	shalt  }
0x72: {  	_ =	shalt  }
0x73: {  	_ =	shalt  }
0x74: {  	_ =	shalt  }
0x75: {  	_ =	shalt  }
0x76: {  	_ =	shalt  }
0x77: {  	_ =	shalt  }
0x78: {  	_ =	shalt  }
0x79: {  	_ =	shalt  }
0x7a: {  	_ =	shalt  }
0x7b: {  	_ =	shalt  }
0x7c: {  	_ =	shalt  }
0x7d: {  	_ =	shalt  }
0x7e: {  	_ =	shalt  }
0x7f: {  	_ =	shalt  }
0x80: {  	_ =	shalt  }
0x81: {  	_ =	shalt  }
0x82: {  	_ =	shalt  }
0x83: {  	_ =	shalt  }
0x84: {  	_ =	shalt  }
0x85: {  	_ =	shalt  }
0x86: {  	_ =	shalt  }
0x87: {  	_ =	shalt  }
.Lfunc_end0:
.L_simem_size_0:
called_computation.1_lowered:
.L_overlay_start_0:
0x88: {  	s2 =	sld [smem:$0x3FD9]  }
0x89: {  	s3 =	sld [smem:$0x3FFE];
	_ =	sdelay $0x1  }
0x8a: {  	s1 =	srdreg.scid  }
0x8b: {  	s0 =	sand.u32 $0x1, s1  }
0x8c: {  	s16 =	sshll.u32 s0, $0xA;
	s2 =	sadd.s32 s3, s2  }
0x8d: {  	s2 =	sadd.s32 s2, s16  }
0x8e: {  	[smem:$0x3FBA] =	sst s2  }
0x8f: {  	_ = 	snop  }
0x90: {  	(tm) =	ssettm $0x1  }
0x91: {  	s17 =	sld [smem:$0x3FFB];
	_ =	sdelay $0x3  }
0x92: {  	_ =	strace s17  }
0x93: {  	s2 =	sld [smem:$0x3FFC];
	_ =	sdelay $0x3  }
0x94: {  	_ =	strace s2  }
0x95: {  	s2 =	sld [smem:$0x3FFD];
	_ =	sdelay $0x3  }
0x96: {  	_ =	strace s2  }
0x97: {  	_ =	strace $0x8FFFFFFF  }
0x98: {  	s18 =	sld [smem:$0x3FDB];
	_ =	sdelay $0x1  }
0x99: {  	s19 =	simm.s32 $_scs_section_size  }
0x9a: {  	s4 =	simm.s32 $_size__tile_overlayer_lowered;
	s5 =	simm.s32 $_tile_overlayer_lowered  }
0x9b: {  	s22 =	simm.s32 $0x1BFF;
	s21 =	sshll.u32 s5, $0x1;
	s2 =	sadd.s32 s19, s18  }
0x9c: {  	s6 =	simm.s32 $0x0;
	s20 =	sshll.u32 s4, $0x1;
	s4 =	sadd.s32 s21, s2  }
0x9d: {  	[timem:s6], [sflag:s22] =	dma.local [hbm:s4], s20  }
0x9e: {  	_ =	swait.ge [sflag:s22], s20  }
0x9f: {  	s3 =	ssub.s32 $0x0, s20;
	[sflag:s22] =	ssyncset.done $0x0  }
0xa0: {  	[sflag:s22] =	ssyncadd.s32 s3;
	_ =	sdelay $0x1  }
0xa1: {  	s23 =	simm.s32 $0x1B8B  }
0xa2: {  	_ =	swait.ge [sflag:s23], $0x1  }
0xa3: {  	[sflag:s23] =	ssyncset.done $0x0  }
0xa4: {  	s25 =	simm.s32 $0x1B8E;
	s24 =	sld [smem:$0x3FFE];
	[sflag:s23] =	ssyncadd.s32 $0xFFFFFFFF  }
0xa5: {  	s26 =	simm.s32 $execute0_lowered;
	[smem:$0x3FD2] =	sst s25  }
0xa6: {  	s4 =	sshll.u32 s26, $0x1;
	_ =	strace $0x80000049;
	[dreg:$0x1] =	wrdreg $0xFFFFFFFF  }
0xa7: {  	s28 =	simm.s32 $_size_execute0_lowered;
	s2 =	sadd.s32 s2, s4;
	[dreg:$0x0] =	wrdreg $0x0  }
0xa8: {  	s4 =	sshll.u32 s28, $0x1;
	[dreg:$0x2] =	wrdreg s2  }
0xa9: {  	[dreg:$0x3] =	wrdreg s4  }
0xaa: {  	[dreg:$0x4] =	wrdreg $0xC0  }
0xab: {  	_ =	task [dreg:s6], $0x5FFFF  }
0xac: {  	[dreg:$0x1] =	wrdreg $0xFFFFFFFF  }
0xad: {  	[dreg:$0x0] =	wrdreg $0x60  }
0xae: {  	[dreg:$0x2] =	wrdreg s24  }
0xaf: {  	[dreg:$0x3] =	wrdreg $0xB8000  }
0xb0: {  	[dreg:$0x4] =	wrdreg $0x9  }
0xb1: {  	_ =	task.clear_ibuf [dreg:s6], $0x5FFFF;
	_ =	strace $0x90000049  }
0xb2: {  	s29 =	simm.s32 $0x9;
	_ =	strace $0x8000004B  }
0xb3: {  	_ =	swait.ge [sflag:s29], $0x1  }
0xb4: {  	[sflag:s29] =	ssyncadd.s32 $0xFFFFFFFF  }
0xb5: {  	_ =	strace $0x9000004B  }
0xb6: {  	_ =	sfence  }
0xb7: {  	s30 =	sld [smem:$0x0];
	_ =	sdelay $0x2  }
0xb8: {  	s31 =	sshll.u32 s1, $0xD;
	s1 =	sshrl.u32 s1, $0x2  }
0xb9: {  	s3 =	sand.u32 $0x4000, s31;
	s1 =	sadd.s32 s1, s30  }
0xba: {  	s0 =	sor.u32 s3, s0;
	s1 =	sshll.u32 s1, $0x11  }
0xbb: {  	s0 =	sor.u32 s1, s0  }
0xbc: {  	s0 =	sadd.s32 $0x8F2B, s0  }
0xbd: {  	[sflag:s0] =	ssyncadd.remote.s32 $0x1  }
0xbe: {  	_ =	sfence.sel $0xFFFF  }
0xbf: {  	[dreg:$0x0] =	wrdreg $0xFFFFFFFF;
	(pc) =	sbr.abs _section_cstart, $3  }
0xc0: {  	[dreg:$0x1] =	wrdreg $0xFFFFFFFF  }
0xc1: {  	_ =	task.clear_ibuf [dreg:s6], $0x2FFFF;
	_ =	strace $0x9FFFFFFF  }
0xc2: {  	(tm) =	ssettm $0x7FFFFFFF  }
0xc3: {  	_ =	shalt  }
tec
execute0_lowered:
.L_overlay_start_1:
0x0: {  	(tag) =	ssettag $0x1  }
0x1: {  	s0 =	rddreg [dreg:$0x0]  }
0x2: {  	s2 =	rddreg [dreg:$0x1]  }
0x3: {  	s1 =	srdreg.scid;
	s12 =	stileid.u32  }
0x4: {  	s3 =	simm.s32 $0x0;
	s28 =	simm.s32 $0x2;
	s29 =	simm.s32 $0xA000  }
0x5: {  	s30 =	simm.s32 $0x3;
	s31 =	simm.s32 $0xA800;
	s5 =	smul.u32 $0x2780, s12  }
0x6: {  	s1 =	sand.u32 $0x1, s1;
	[smem:$0x7FF] =	sst s3;
	s9 =	smul.u32 $0x9E00, s12  }
0x7: {  	s4 =	sadd.s32 $0x1400, s0;
	s7 =	sadd.s32 $0x64600, s0;
	s17 =	smul.u32 $0x1400, s12  }
0x8: {  	s10 =	sadd.s32 $0x5A600, s0;
	s20 =	smul.u32 $0x780, s12;
	s12 =	simm.s32 $0xC  }
0x9: {  	s6 =	smul.u32 $0x27800, s1;
	_ =	strace $0x8000004A;
	s8 =	ssub.s32 $0x2, s1  }
0xa: {  	p0 =	seq.s32 s1, $0x1;
	s11 =	sshrl.u32 s8, $0x1;
	s16 =	sshrl.u32 s9, $0x2  }
0xb: {  	s22 =	sshrl.u32 s17, $0x3;
	s23 =	sadd.s32 s7, s20;
	s25 =	sadd.s32 s10, s20  }
0xc: {  	s17 =	simm.s32 $0x11;
	s20 =	simm.s32 $0x8000;
	s9 =	simm.s32 $0x10  }
0xd: {  	s6 =	sadd.s32 s5, s6;
	s15 =	ssub.s32 s8, s11;
	s5 =	sadd.s32 s5, s2  }
0xe: {  	s8 =	sadd.s32 s16, s2;
	[dreg:$0x7] =	wrdreg s23;
	s24 =	sadd.s32 $0x7800, s22  }
0xf: {  	[dreg:$0x8] =	wrdreg s25;
	s16 =	simm.s32 $0x7800;
	s22 =	simm.s32 $0x8800  }
0x10: {  	s25 =	simm.s32 $0x1;
	s11 =	simm.s32 $0xB;
	s18 =	sadd.s32 $0x800, s8  }
0x11: {  	s23 =	simm.s32 $0x8;
	s19 =	sadd.s32 $0x1000, s8;
	[dreg:$0x3] =	wrdreg s18  }
0x12: {  	s6 =	sshrl.u32 s6, $0x3;
	s21 =	sadd.s32 $0x1800, s8;
	[dreg:$0x4] =	wrdreg s19  }
0x13: {  	s8 =	sadd.s32 $0x2000, s8;
	s7 =	sadd.s32 s7, s24;
	[dreg:$0x5] =	wrdreg s21  }
0x14: {  	s1 =	sadd.s32 s10, s24;
	s26 =	smax.u32 s15, $0x1;
	[dreg:$0x6] =	wrdreg s8  }
.Ltmp0:
0x15: {  	s24 =	simm.s32 $0x9000;
	[dreg:$0x9] =	wrdreg s7;
	(pc) =	sbr.rel .LBB2_1-.Ltmp0, $4  }
0x16: {  	s10 =	simm.s32 $0x5;
	s0 =	sadd.s32 s6, s0;
	[dreg:$0xa] =	wrdreg s1  }
0x17: {  	[dreg:$0xc] =	wrdreg s26;
	s19 =	simm.s32 $0x80;
	s26 =	simm.s32 $0x9800  }
0x18: {  	s18 =	simm.s32 $0xB000;
	s21 =	simm.s32 $0x7;
	s0 =	sadd.s32 $0x6400, s0  }
0x19: {  	v0 =	vimm.f32 $0.0e+00;
	s8 =	simm.s32 $0xF;
	[dreg:$0xb] =	wrdreg s0;
	s0 =	simm.s32 $0x4  }
.LBB2_11:
0x1a: {  	s14 =	sadd.s32 $0xE00, s14  }
.LBB2_12:
0x1b: {  	_ =	swait.ge [sflag:s23], $0x800  }
0x1c: {  	s1 =	sshra.s32 s14, $0x2;
	[sflag:s23] =	ssyncset.done $0x0  }
0x1d: {  	s15 =	simm.s32 $0x9;
	s1 =	sadd.s32 $0x3C00, s1;
	[sflag:s23] =	ssyncadd.s32 $0xFFFFF800  }
0x1e: {  	[spmem:s2] =	stream.indirect.scatter.add.f32 [tilespmem:s18], [sflag:$0x10], $0x10, s1, s19, $0xb8;
	[tilespmem:$0xDF80] =	vst v63  }
0x1f: {  	_ =	swait.ge [sflag:s15], $0x800  }
0x20: {  	[sflag:s15] =	ssyncset.done $0x0  }
0x21: {  	s6 =	simm.s32 $0xA;
	[sflag:s15] =	ssyncadd.s32 $0xFFFFF800  }
0x22: {  	_ =	swait.ge [sflag:s6], $0x800  }
0x23: {  	[sflag:s6] =	ssyncset.done $0x0  }
0x24: {  	[sflag:s6] =	ssyncadd.s32 $0xFFFFF800  }
0x25: {  	_ =	swait.ge [sflag:s11], $0x800  }
0x26: {  	[sflag:s11] =	ssyncset.done $0x0  }
0x27: {  	[sflag:s11] =	ssyncadd.s32 $0xFFFFF800  }
0x28: {  	_ =	swait.ge [sflag:s12], $0x800  }
0x29: {  	[sflag:s12] =	ssyncset.done $0x0  }
0x2a: {  	s7 =	simm.s32 $0xD;
	[sflag:s12] =	ssyncadd.s32 $0xFFFFF800  }
0x2b: {  	_ =	swait.ge [sflag:s7], $0x800  }
0x2c: {  	[sflag:s7] =	ssyncset.done $0x0  }
0x2d: {  	s13 =	simm.s32 $0xE;
	[sflag:s7] =	ssyncadd.s32 $0xFFFFF800  }
0x2e: {  	_ =	swait.ge [sflag:s13], $0x800  }
0x2f: {  	[sflag:s13] =	ssyncset.done $0x0  }
0x30: {  	[sflag:s13] =	ssyncadd.s32 $0xFFFFF800  }
0x31: {  	_ =	swait.ge [sflag:s8], $0x800  }
0x32: {  	[sflag:s8] =	ssyncset.done $0x0  }
0x33: {  	[sflag:s8] =	ssyncadd.s32 $0xFFFFF800  }
0x34: {  	_ =	swait.ge [sflag:s9], $0x800  }
0x35: {  	[sflag:s9] =	ssyncset.done $0x0  }
0x36: {  	s14 =	stileid.u32;
	[sflag:s9] =	ssyncadd.s32 $0xFFFFF800  }
0x37: {  	s1 =	sshll.u32 s14, $0x6;
	[bflag:$0x0] =	sbarrier.arrive $0xFFFF  }
0x38: {  	s1 =	sor.u32 $0x1C11, s1;
	s6 =	sshrl.u32 s5, $0x3;
	s7 =	rddreg [dreg:$0xb]  }
0x39: {  	[hbm:s7], [sflag:s1] =	dma.local [spmem:s6], $0x4F0  }
0x3a: {  	_ =	swait.ge [sflag:s17], $0x4F0  }
0x3b: {  	s3 =	sadd.s32 $0x1, s3;
	s15 =	rddreg [dreg:$0xc]  }
0x3c: {  	p1 =	sne.s32 s3, s15  }
.Ltmp1:
0x3d: {  	_ = 	snop;
	(pc) =	sbr.rel @!p1 .LBB2_13-.Ltmp1, $3  }
0x3e: {  	_ =	sdelay $0x1  }
0x3f: {  	[sflag:s17] =	ssyncset.done $0x0  }
0x40: {  	[sflag:s17] =	ssyncadd.s32 $0xFFFFFB10  }
.LBB2_1:
0x41: {  	s14 =	simm.s32 $0x40;
	s15 =	simm.s32 $0x0  }
.LBB2_2:
0x42: {  	p1 =	sne.s32 s14, $0x1FC0;
	[tilespmem:s15+$0x7800] =	vst v0;
	s15 =	smov.u32 s14;
	s14 =	sadd.s32 $0x40, s14  }
.Ltmp2:
0x43: {  	(pc) =	sbr.rel @p1 .LBB2_2-.Ltmp2, $2  }
0x44: {  	_ =	sdelay $0x2  }
0x45: {  	s15 =	sshra.s32 s15, $0x2  }
0x46: {  	[tilespmem:s15+$0x7800] =	vst v0  }
0x47: {  	[spmem:s5] =	stream.linear.scatter [tilespmem:s16], [sflag:$0x11], $0x800, $0x38;
	[tilespmem:$0xDF80] =	vst v63  }
0x48: {  	_ =	swait.ge [sflag:s17], $0x800  }
0x49: {  	[sflag:s17] =	ssyncset.done $0x0  }
0x4a: {  	s1 =	rddreg [dreg:$0x3];
	[sflag:s17] =	ssyncadd.s32 $0xFFFFF800  }
0x4b: {  	[spmem:s1] =	stream.linear.scatter [tilespmem:s16], [sflag:$0x11], $0x800, $0x38;
	[tilespmem:$0xDF80] =	vst v63  }
0x4c: {  	_ =	swait.ge [sflag:s17], $0x800  }
0x4d: {  	[sflag:s17] =	ssyncset.done $0x0  }
0x4e: {  	s13 =	rddreg [dreg:$0x4];
	[sflag:s17] =	ssyncadd.s32 $0xFFFFF800  }
0x4f: {  	[spmem:s13] =	stream.linear.scatter [tilespmem:s16], [sflag:$0x11], $0x800, $0x38;
	[tilespmem:$0xDF80] =	vst v63  }
0x50: {  	_ =	swait.ge [sflag:s17], $0x800  }
0x51: {  	[sflag:s17] =	ssyncset.done $0x0  }
0x52: {  	s14 =	rddreg [dreg:$0x5];
	[sflag:s17] =	ssyncadd.s32 $0xFFFFF800  }
0x53: {  	[spmem:s14] =	stream.linear.scatter [tilespmem:s16], [sflag:$0x11], $0x800, $0x38;
	[tilespmem:$0xDF80] =	vst v63  }
0x54: {  	_ =	swait.ge [sflag:s17], $0x800  }
0x55: {  	[sflag:s17] =	ssyncset.done $0x0  }
0x56: {  	s15 =	rddreg [dreg:$0x6];
	[sflag:s17] =	ssyncadd.s32 $0xFFFFF800  }
0x57: {  	[spmem:s15] =	stream.linear.scatter [tilespmem:s16], [sflag:$0x11], $0x780, $0x38;
	[tilespmem:$0xDF80] =	vst v63  }
.Ltmp3:
0x58: {  	_ =	swait.ge [sflag:s17], $0x780;
	(pc) =	sbr.rel @!p0 .LBB2_4-.Ltmp3, $4  }
0x59: {  	[sflag:s17] =	ssyncset.done $0x0  }
0x5a: {  	[sflag:s17] =	ssyncadd.s32 $0xFFFFF880  }
0x5b: {  	[bflag:$0x0] =	sbarrier.arrive $0xFFFF  }
0x5c: {  	s14 =	simm.s32 $0x0  }
0x5d: {  	s1 =	rddreg [dreg:$0x9]  }
0x5e: {  	[tilespmem:s14], [sflag:$0x11] =	stream.linear.gather [hbm4b:s1+s14], $0x1400, $0x38;
	[tilespmem:$0xDF80] =	vst v63  }
0x5f: {  	_ =	swait.ge [sflag:s17], $0x1400  }
0x60: {  	[sflag:s17] =	ssyncset.done $0x0  }
0x61: {  	s6 =	simm.s32 $0x3C00;
	s7 =	rddreg [dreg:$0xa];
	[sflag:s17] =	ssyncadd.s32 $0xFFFFEC00  }
0x62: {  	[tilespmem:s6], [sflag:$0x11] =	stream.linear.gather [hbm4b:s7+s14], $0x1400, $0x38;
	[tilespmem:$0xDF80] =	vst v63  }
0x63: {  	_ =	swait.ge [sflag:s17], $0x1400  }
0x64: {  	[sflag:s17] =	ssyncset.done $0x0  }
0x65: {  	[sflag:s17] =	ssyncadd.s32 $0xFFFFEC00  }
0x66: {  	[tilespmem:s16], [sflag:$0x1] =	stream.indirect.gather [hbm4b:s4+s19], $0x10, s14, s19, $0xb8;
	[tilespmem:$0xDF80] =	vst v63  }
0x67: {  	_ = 	snop  }
0x68: {  	[tilespmem:s20], [sflag:$0x2] =	stream.indirect.gather [hbm4b:s4+s19], $0x10, s19, s19, $0xb8;
	[tilespmem:$0xDF80] =	vst v63  }
0x69: {  	s13 =	simm.s32 $0x100  }
0x6a: {  	[tilespmem:s22], [sflag:$0x3] =	stream.indirect.gather [hbm4b:s4+s19], $0x10, s13, s19, $0xb8;
	[tilespmem:$0xDF80] =	vst v63  }
0x6b: {  	s15 =	simm.s32 $0x180  }
0x6c: {  	[tilespmem:s24], [sflag:$0x4] =	stream.indirect.gather [hbm4b:s4+s19], $0x10, s15, s19, $0xb8;
	[tilespmem:$0xDF80] =	vst v63  }
.LBB2_8:
0x6d: {  	_ =	swait.ge [sflag:s25], $0x800  }
0x6e: {  	s15 =	sshra.s32 s14, $0x2;
	[sflag:s25] =	ssyncset.done $0x0  }
0x6f: {  	p1 =	seq.s32 s14, $0x0;
	s1 =	sadd.s32 $0x3C00, s15;
	[sflag:s25] =	ssyncadd.s32 $0xFFFFF800  }
0x70: {  	[spmem:s2] =	stream.indirect.scatter.add.f32 [tilespmem:s16], [sflag:$0x9], $0x10, s1, s19, $0xb8;
	[tilespmem:$0xDF80] =	vst v63  }
0x71: {  	s1 =	simm.s32 @!p1 $0xD  }
0x72: {  	_ =	swait.ge @!p1 [sflag:s1], $0x800  }
0x73: {  	[sflag:s1] =	ssyncset.done @!p1 $0x0  }
0x74: {  	s6 =	sadd.s32 $0x200, s15;
	[sflag:s1] =	ssyncadd.s32 @!p1 $0xFFFFF800  }
0x75: {  	[tilespmem:s26], [sflag:$0x5] =	stream.indirect.gather [hbm4b:s4+s19], $0x10, s6, s19, $0xb8;
	[tilespmem:$0xDF80] =	vst v63  }
0x76: {  	_ =	swait.ge [sflag:s28], $0x800  }
0x77: {  	[sflag:s28] =	ssyncset.done $0x0  }
0x78: {  	s7 =	sadd.s32 $0x3C80, s15;
	s1 =	simm.s32 @!p1 $0xE;
	[sflag:s28] =	ssyncadd.s32 $0xFFFFF800  }
0x79: {  	[spmem:s2] =	stream.indirect.scatter.add.f32 [tilespmem:s20], [sflag:$0xA], $0x10, s7, s19, $0xb8;
	[tilespmem:$0xDF80] =	vst v63  }
0x7a: {  	_ =	swait.ge @!p1 [sflag:s1], $0x800  }
0x7b: {  	[sflag:s1] =	ssyncset.done @!p1 $0x0  }
0x7c: {  	s13 =	sadd.s32 $0x280, s15;
	[sflag:s1] =	ssyncadd.s32 @!p1 $0xFFFFF800  }
0x7d: {  	[tilespmem:s29], [sflag:$0x6] =	stream.indirect.gather [hbm4b:s4+s19], $0x10, s13, s19, $0xb8;
	[tilespmem:$0xDF80] =	vst v63  }
0x7e: {  	_ =	swait.ge [sflag:s30], $0x800  }
0x7f: {  	[sflag:s30] =	ssyncset.done $0x0  }
0x80: {  	s6 =	sadd.s32 $0x3D00, s15;
	s1 =	simm.s32 @!p1 $0xF;
	[sflag:s30] =	ssyncadd.s32 $0xFFFFF800  }
0x81: {  	[spmem:s2] =	stream.indirect.scatter.add.f32 [tilespmem:s22], [sflag:$0xB], $0x10, s6, s19, $0xb8;
	[tilespmem:$0xDF80] =	vst v63  }
0x82: {  	_ =	swait.ge @!p1 [sflag:s1], $0x800  }
0x83: {  	[sflag:s1] =	ssyncset.done @!p1 $0x0  }
0x84: {  	s7 =	sadd.s32 $0x300, s15;
	[sflag:s1] =	ssyncadd.s32 @!p1 $0xFFFFF800  }
0x85: {  	[tilespmem:s31], [sflag:$0x7] =	stream.indirect.gather [hbm4b:s4+s19], $0x10, s7, s19, $0xb8;
	[tilespmem:$0xDF80] =	vst v63  }
0x86: {  	_ =	swait.ge [sflag:s0], $0x800  }
0x87: {  	[sflag:s0] =	ssyncset.done $0x0  }
0x88: {  	s13 =	sadd.s32 $0x3D80, s15;
	s1 =	simm.s32 @!p1 $0x10;
	[sflag:s0] =	ssyncadd.s32 $0xFFFFF800  }
0x89: {  	[spmem:s2] =	stream.indirect.scatter.add.f32 [tilespmem:s24], [sflag:$0xC], $0x10, s13, s19, $0xb8;
	[tilespmem:$0xDF80] =	vst v63  }
0x8a: {  	_ =	swait.ge @!p1 [sflag:s1], $0x800  }
0x8b: {  	[sflag:s1] =	ssyncset.done @!p1 $0x0  }
0x8c: {  	s6 =	sadd.s32 $0x380, s15;
	[sflag:s1] =	ssyncadd.s32 @!p1 $0xFFFFF800  }
0x8d: {  	[tilespmem:s18], [sflag:$0x8] =	stream.indirect.gather [hbm4b:s4+s19], $0x10, s6, s19, $0xb8;
	[tilespmem:$0xDF80] =	vst v63  }
0x8e: {  	_ =	swait.ge [sflag:s10], $0x800  }
0x8f: {  	p1 =	seq.s32 s14, $0x4000;
	[sflag:s10] =	ssyncset.done $0x0  }
0x90: {  	s7 =	sadd.s32 $0x3E00, s15;
	s1 =	simm.s32 @p1 $0x6;
	[sflag:s10] =	ssyncadd.s32 $0xFFFFF800  }
0x91: {  	[spmem:s2] =	stream.indirect.scatter.add.f32 [tilespmem:s26], [sflag:$0xD], $0x10, s7, s19, $0xb8;
	[tilespmem:$0xDF80] =	vst v63  }
0x92: {  	_ =	swait.ge @p1 [sflag:s1], $0x800  }
0x93: {  	[sflag:s1] =	ssyncset.done @p1 $0x0  }
0x94: {  	[sflag:s1] =	ssyncadd.s32 @p1 $0xFFFFF800;
	s1 =	sshra.s32 @p1 s14, $0x2  }
0x95: {  	s6 =	simm.s32 @p1 $0x80;
	s7 =	simm.s32 @p1 $0xA000;
	s1 =	sadd.s32 @p1 $0x3E80, s1  }
0x96: {  	[spmem:s2] =	stream.indirect.scatter.add.f32 @p1 [tilespmem:s7], [sflag:$0xE], $0x10, s1, s6, $0xb8;
	[tilespmem:$0xDF80] =	vst v63  }
0x97: {  	s1 =	simm.s32 @!p1 $0x9  }
0x98: {  	_ =	swait.ge @!p1 [sflag:s1], $0x800  }
0x99: {  	[sflag:s1] =	ssyncset.done @!p1 $0x0  }
0x9a: {  	[sflag:s1] =	ssyncadd.s32 @!p1 $0xFFFFF800;
	s1 =	sshra.s32 @!p1 s14, $0x2  }
0x9b: {  	s13 =	simm.s32 @!p1 $0x7800;
	s7 =	simm.s32 @!p1 $0x80;
	s6 =	sadd.s32 @!p1 $0x400, s1  }
0x9c: {  	[tilespmem:s13], [sflag:$0x1] =	stream.indirect.gather @!p1 [hbm4b:s4+s7], $0x10, s6, s7, $0xb8;
	[tilespmem:$0xDF80] =	vst v63  }
0x9d: {  	s6 =	simm.s32 @!p1 $0x6  }
0x9e: {  	_ =	swait.ge @!p1 [sflag:s6], $0x800  }
0x9f: {  	[sflag:s6] =	ssyncset.done @!p1 $0x0  }
0xa0: {  	s13 =	simm.s32 @!p1 $0xA000;
	[sflag:s6] =	ssyncadd.s32 @!p1 $0xFFFFF800;
	s6 =	sadd.s32 @!p1 $0x3E80, s1  }
0xa1: {  	[spmem:s2] =	stream.indirect.scatter.add.f32 @!p1 [tilespmem:s13], [sflag:$0xE], $0x10, s6, s7, $0xb8;
	[tilespmem:$0xDF80] =	vst v63  }
0xa2: {  	s6 =	simm.s32 @!p1 $0xA  }
0xa3: {  	_ =	swait.ge @!p1 [sflag:s6], $0x800  }
0xa4: {  	[sflag:s6] =	ssyncset.done @!p1 $0x0  }
0xa5: {  	s1 =	sadd.s32 @!p1 $0x480, s1;
	[sflag:s6] =	ssyncadd.s32 @!p1 $0xFFFFF800;
	s6 =	simm.s32 @!p1 $0x8000  }
0xa6: {  	[tilespmem:s6], [sflag:$0x2] =	stream.indirect.gather @!p1 [hbm4b:s4+s7], $0x10, s1, s7, $0xb8;
	[tilespmem:$0xDF80] =	vst v63  }
.Ltmp4:
0xa7: {  	_ = 	snop;
	(pc) =	sbr.rel @p1 .LBB2_10-.Ltmp4, $4  }
0xa8: {  	_ =	swait.ge [sflag:s21], $0x800  }
0xa9: {  	[sflag:s21] =	ssyncset.done $0x0  }
0xaa: {  	s13 =	sadd.s32 $0x3F00, s15;
	[sflag:s21] =	ssyncadd.s32 $0xFFFFF800  }
0xab: {  	[spmem:s2] =	stream.indirect.scatter.add.f32 [tilespmem:s31], [sflag:$0xF], $0x10, s13, s19, $0xb8;
	[tilespmem:$0xDF80] =	vst v63  }
0xac: {  	_ =	swait.ge [sflag:s11], $0x800  }
0xad: {  	[sflag:s11] =	ssyncset.done $0x0  }
0xae: {  	s1 =	sadd.s32 $0x500, s15;
	[sflag:s11] =	ssyncadd.s32 $0xFFFFF800  }
0xaf: {  	[tilespmem:s22], [sflag:$0x3] =	stream.indirect.gather [hbm4b:s4+s19], $0x10, s1, s19, $0xb8;
	[tilespmem:$0xDF80] =	vst v63  }
0xb0: {  	_ =	swait.ge [sflag:s23], $0x800  }
0xb1: {  	[sflag:s23] =	ssyncset.done $0x0  }
0xb2: {  	s13 =	sadd.s32 $0x3F80, s15;
	[sflag:s23] =	ssyncadd.s32 $0xFFFFF800  }
0xb3: {  	[spmem:s2] =	stream.indirect.scatter.add.f32 [tilespmem:s18], [sflag:$0x10], $0x10, s13, s19, $0xb8;
	[tilespmem:$0xDF80] =	vst v63  }
.Ltmp5:
0xb4: {  	_ = 	snop;
	(pc) =	sbr.rel .LBB2_8-.Ltmp5, $4  }
0xb5: {  	_ =	swait.ge [sflag:s12], $0x800  }
0xb6: {  	[sflag:s12] =	ssyncset.done $0x0  }
0xb7: {  	s15 =	sadd.s32 $0x580, s15;
	s14 =	sadd.s32 $0x1000, s14;
	[sflag:s12] =	ssyncadd.s32 $0xFFFFF800  }
0xb8: {  	[tilespmem:s24], [sflag:$0x4] =	stream.indirect.gather [hbm4b:s4+s19], $0x10, s15, s19, $0xb8;
	[tilespmem:$0xDF80] =	vst v63  }
.LBB2_4:
0xb9: {  	s1 =	rddreg [dreg:$0x7]  }
0xba: {  	[tilespmem:s14], [sflag:$0x11] =	stream.linear.gather [hbm4b:s1+s14], $0x3C00, $0x38;
	[tilespmem:$0xDF80] =	vst v63  }
0xbb: {  	_ =	swait.ge [sflag:s17], $0x3C00  }
0xbc: {  	[sflag:s17] =	ssyncset.done $0x0  }
0xbd: {  	s6 =	simm.s32 $0x3C00;
	s7 =	rddreg [dreg:$0x8];
	[sflag:s17] =	ssyncadd.s32 $0xFFFFC400  }
0xbe: {  	[tilespmem:s6], [sflag:$0x11] =	stream.linear.gather [hbm4b:s7+s14], $0x3C00, $0x38;
	[tilespmem:$0xDF80] =	vst v63  }
0xbf: {  	_ =	swait.ge [sflag:s17], $0x3C00  }
0xc0: {  	[sflag:s17] =	ssyncset.done $0x0  }
0xc1: {  	[sflag:s17] =	ssyncadd.s32 $0xFFFFC400  }
0xc2: {  	[tilespmem:s16], [sflag:$0x1] =	stream.indirect.gather [hbm4b:s4+s19], $0x10, s14, s19, $0xb8;
	[tilespmem:$0xDF80] =	vst v63  }
0xc3: {  	_ = 	snop  }
0xc4: {  	[tilespmem:s20], [sflag:$0x2] =	stream.indirect.gather [hbm4b:s4+s19], $0x10, s19, s19, $0xb8;
	[tilespmem:$0xDF80] =	vst v63  }
0xc5: {  	s13 =	simm.s32 $0x100  }
0xc6: {  	[tilespmem:s22], [sflag:$0x3] =	stream.indirect.gather [hbm4b:s4+s19], $0x10, s13, s19, $0xb8;
	[tilespmem:$0xDF80] =	vst v63  }
0xc7: {  	s15 =	simm.s32 $0x180  }
0xc8: {  	[tilespmem:s24], [sflag:$0x4] =	stream.indirect.gather [hbm4b:s4+s19], $0x10, s15, s19, $0xb8;
	[tilespmem:$0xDF80] =	vst v63  }
.LBB2_5:
0xc9: {  	_ =	swait.ge [sflag:s25], $0x800  }
0xca: {  	s15 =	sshra.s32 s14, $0x2;
	[sflag:s25] =	ssyncset.done $0x0  }
0xcb: {  	p1 =	seq.s32 s14, $0x0;
	s13 =	sadd.s32 $0x3C00, s15;
	[sflag:s25] =	ssyncadd.s32 $0xFFFFF800  }
0xcc: {  	[spmem:s2] =	stream.indirect.scatter.add.f32 [tilespmem:s16], [sflag:$0x9], $0x10, s13, s19, $0xb8;
	[tilespmem:$0xDF80] =	vst v63  }
0xcd: {  	s13 =	simm.s32 @!p1 $0xD  }
0xce: {  	_ =	swait.ge @!p1 [sflag:s13], $0x800  }
0xcf: {  	[sflag:s13] =	ssyncset.done @!p1 $0x0  }
0xd0: {  	s6 =	sadd.s32 $0x200, s15;
	[sflag:s13] =	ssyncadd.s32 @!p1 $0xFFFFF800  }
0xd1: {  	[tilespmem:s26], [sflag:$0x5] =	stream.indirect.gather [hbm4b:s4+s19], $0x10, s6, s19, $0xb8;
	[tilespmem:$0xDF80] =	vst v63  }
0xd2: {  	_ =	swait.ge [sflag:s28], $0x800  }
0xd3: {  	[sflag:s28] =	ssyncset.done $0x0  }
0xd4: {  	s7 =	sadd.s32 $0x3C80, s15;
	s13 =	simm.s32 @!p1 $0xE;
	[sflag:s28] =	ssyncadd.s32 $0xFFFFF800  }
0xd5: {  	[spmem:s2] =	stream.indirect.scatter.add.f32 [tilespmem:s20], [sflag:$0xA], $0x10, s7, s19, $0xb8;
	[tilespmem:$0xDF80] =	vst v63  }
0xd6: {  	_ =	swait.ge @!p1 [sflag:s13], $0x800  }
0xd7: {  	[sflag:s13] =	ssyncset.done @!p1 $0x0  }
0xd8: {  	s1 =	sadd.s32 $0x280, s15;
	[sflag:s13] =	ssyncadd.s32 @!p1 $0xFFFFF800  }
0xd9: {  	[tilespmem:s29], [sflag:$0x6] =	stream.indirect.gather [hbm4b:s4+s19], $0x10, s1, s19, $0xb8;
	[tilespmem:$0xDF80] =	vst v63  }
0xda: {  	_ =	swait.ge [sflag:s30], $0x800  }
0xdb: {  	[sflag:s30] =	ssyncset.done $0x0  }
0xdc: {  	s6 =	sadd.s32 $0x3D00, s15;
	s13 =	simm.s32 @!p1 $0xF;
	[sflag:s30] =	ssyncadd.s32 $0xFFFFF800  }
0xdd: {  	[spmem:s2] =	stream.indirect.scatter.add.f32 [tilespmem:s22], [sflag:$0xB], $0x10, s6, s19, $0xb8;
	[tilespmem:$0xDF80] =	vst v63  }
0xde: {  	_ =	swait.ge @!p1 [sflag:s13], $0x800  }
0xdf: {  	[sflag:s13] =	ssyncset.done @!p1 $0x0  }
0xe0: {  	s7 =	sadd.s32 $0x300, s15;
	[sflag:s13] =	ssyncadd.s32 @!p1 $0xFFFFF800  }
0xe1: {  	[tilespmem:s31], [sflag:$0x7] =	stream.indirect.gather [hbm4b:s4+s19], $0x10, s7, s19, $0xb8;
	[tilespmem:$0xDF80] =	vst v63  }
0xe2: {  	_ =	swait.ge [sflag:s0], $0x800  }
0xe3: {  	[sflag:s0] =	ssyncset.done $0x0  }
0xe4: {  	s1 =	sadd.s32 $0x3D80, s15;
	s13 =	simm.s32 @!p1 $0x10;
	[sflag:s0] =	ssyncadd.s32 $0xFFFFF800  }
0xe5: {  	[spmem:s2] =	stream.indirect.scatter.add.f32 [tilespmem:s24], [sflag:$0xC], $0x10, s1, s19, $0xb8;
	[tilespmem:$0xDF80] =	vst v63  }
0xe6: {  	_ =	swait.ge @!p1 [sflag:s13], $0x800  }
0xe7: {  	[sflag:s13] =	ssyncset.done @!p1 $0x0  }
0xe8: {  	s6 =	sadd.s32 $0x380, s15;
	[sflag:s13] =	ssyncadd.s32 @!p1 $0xFFFFF800  }
0xe9: {  	[tilespmem:s18], [sflag:$0x8] =	stream.indirect.gather [hbm4b:s4+s19], $0x10, s6, s19, $0xb8;
	[tilespmem:$0xDF80] =	vst v63  }
0xea: {  	_ =	swait.ge [sflag:s10], $0x800  }
0xeb: {  	p1 =	seq.s32 s14, $0xE000;
	[sflag:s10] =	ssyncset.done $0x0  }
0xec: {  	s7 =	sadd.s32 $0x3E00, s15;
	s13 =	simm.s32 @p1 $0x6;
	[sflag:s10] =	ssyncadd.s32 $0xFFFFF800  }
0xed: {  	[spmem:s2] =	stream.indirect.scatter.add.f32 [tilespmem:s26], [sflag:$0xD], $0x10, s7, s19, $0xb8;
	[tilespmem:$0xDF80] =	vst v63  }
0xee: {  	_ =	swait.ge @p1 [sflag:s13], $0x800  }
0xef: {  	[sflag:s13] =	ssyncset.done @p1 $0x0  }
0xf0: {  	[sflag:s13] =	ssyncadd.s32 @p1 $0xFFFFF800;
	s13 =	sshra.s32 @p1 s14, $0x2  }
0xf1: {  	s1 =	simm.s32 @p1 $0x80;
	s6 =	simm.s32 @p1 $0xA000;
	s13 =	sadd.s32 @p1 $0x3E80, s13  }
0xf2: {  	[spmem:s2] =	stream.indirect.scatter.add.f32 @p1 [tilespmem:s6], [sflag:$0xE], $0x10, s13, s1, $0xb8;
	[tilespmem:$0xDF80] =	vst v63  }
0xf3: {  	s1 =	simm.s32 @!p1 $0x9  }
0xf4: {  	_ =	swait.ge @!p1 [sflag:s1], $0x800  }
0xf5: {  	[sflag:s1] =	ssyncset.done @!p1 $0x0  }
0xf6: {  	[sflag:s1] =	ssyncadd.s32 @!p1 $0xFFFFF800;
	s1 =	sshra.s32 @!p1 s14, $0x2  }
0xf7: {  	s7 =	simm.s32 @!p1 $0x7800;
	s13 =	simm.s32 @!p1 $0x80;
	s6 =	sadd.s32 @!p1 $0x400, s1  }
0xf8: {  	[tilespmem:s7], [sflag:$0x1] =	stream.indirect.gather @!p1 [hbm4b:s4+s13], $0x10, s6, s13, $0xb8;
	[tilespmem:$0xDF80] =	vst v63  }
0xf9: {  	s6 =	simm.s32 @!p1 $0x6  }
0xfa: {  	_ =	swait.ge @!p1 [sflag:s6], $0x800  }
0xfb: {  	[sflag:s6] =	ssyncset.done @!p1 $0x0  }
0xfc: {  	s7 =	simm.s32 @!p1 $0xA000;
	[sflag:s6] =	ssyncadd.s32 @!p1 $0xFFFFF800;
	s6 =	sadd.s32 @!p1 $0x3E80, s1  }
0xfd: {  	[spmem:s2] =	stream.indirect.scatter.add.f32 @!p1 [tilespmem:s7], [sflag:$0xE], $0x10, s6, s13, $0xb8;
	[tilespmem:$0xDF80] =	vst v63  }
0xfe: {  	s6 =	simm.s32 @!p1 $0xA  }
0xff: {  	_ =	swait.ge @!p1 [sflag:s6], $0x800  }
0x100: {  	[sflag:s6] =	ssyncset.done @!p1 $0x0  }
0x101: {  	s1 =	sadd.s32 @!p1 $0x480, s1;
	[sflag:s6] =	ssyncadd.s32 @!p1 $0xFFFFF800;
	s6 =	simm.s32 @!p1 $0x8000  }
0x102: {  	[tilespmem:s6], [sflag:$0x2] =	stream.indirect.gather @!p1 [hbm4b:s4+s13], $0x10, s1, s13, $0xb8;
	[tilespmem:$0xDF80] =	vst v63  }
.Ltmp6:
0x103: {  	_ = 	snop;
	(pc) =	sbr.rel @p1 .LBB2_11-.Ltmp6, $4  }
0x104: {  	_ =	swait.ge [sflag:s21], $0x800  }
0x105: {  	[sflag:s21] =	ssyncset.done $0x0  }
0x106: {  	s13 =	sadd.s32 $0x3F00, s15;
	[sflag:s21] =	ssyncadd.s32 $0xFFFFF800  }
0x107: {  	[spmem:s2] =	stream.indirect.scatter.add.f32 [tilespmem:s31], [sflag:$0xF], $0x10, s13, s19, $0xb8;
	[tilespmem:$0xDF80] =	vst v63  }
0x108: {  	_ =	swait.ge [sflag:s11], $0x800  }
0x109: {  	[sflag:s11] =	ssyncset.done $0x0  }
0x10a: {  	s1 =	sadd.s32 $0x500, s15;
	[sflag:s11] =	ssyncadd.s32 $0xFFFFF800  }
0x10b: {  	[tilespmem:s22], [sflag:$0x3] =	stream.indirect.gather [hbm4b:s4+s19], $0x10, s1, s19, $0xb8;
	[tilespmem:$0xDF80] =	vst v63  }
0x10c: {  	_ =	swait.ge [sflag:s23], $0x800  }
0x10d: {  	[sflag:s23] =	ssyncset.done $0x0  }
0x10e: {  	s13 =	sadd.s32 $0x3F80, s15;
	[sflag:s23] =	ssyncadd.s32 $0xFFFFF800  }
0x10f: {  	[spmem:s2] =	stream.indirect.scatter.add.f32 [tilespmem:s18], [sflag:$0x10], $0x10, s13, s19, $0xb8;
	[tilespmem:$0xDF80] =	vst v63  }
.Ltmp7:
0x110: {  	_ = 	snop;
	(pc) =	sbr.rel .LBB2_5-.Ltmp7, $4  }
0x111: {  	_ =	swait.ge [sflag:s12], $0x800  }
0x112: {  	[sflag:s12] =	ssyncset.done $0x0  }
0x113: {  	s15 =	sadd.s32 $0x580, s15;
	s14 =	sadd.s32 $0x1000, s14;
	[sflag:s12] =	ssyncadd.s32 $0xFFFFF800  }
0x114: {  	[tilespmem:s24], [sflag:$0x4] =	stream.indirect.gather [hbm4b:s4+s19], $0x10, s15, s19, $0xb8;
	[tilespmem:$0xDF80] =	vst v63  }
.LBB2_10:
.Ltmp8:
0x115: {  	(pc) =	sbr.rel .LBB2_12-.Ltmp8, $2  }
0x116: {  	_ =	sdelay $0x2  }
0x117: {  	s14 =	sadd.s32 $0xE00, s14  }
.LBB2_13:
0x118: {  	_ =	sfence.sel $0x180000  }
0x119: {  	[bflag:$0x0] =	sbarrier.arrive $0xFFFF  }
0x11a: {  	_ =	strace $0x9000004A  }
0x11b: {  	s0 =	stileid.u32;
	[bflag:$0x2] =	sbarrier.arrive $0xFFFF  }
0x11c: {  	p0 =	sne.s32 s0, $0x0;
	s0 =	rddreg [dreg:$0x2]  }
0x11d: {  	s0 =	sadd.s32 @!p0 $0x100000, s0  }
0x11e: {  	[sflag:s0] =	ssyncadd.tile.s32 @!p0 $0x1;
	_ =	shalt  }
.Lfunc_end2:
_tile_overlayer_lowered:
.L_overlay_start_2:
0x11f: {  	(tag) =	ssettag $0x2  }
0x120: {  	s0 =	rddreg [dreg:$0x0];
	s2 =	stileid.u32  }
0x121: {  	s1 =	rddreg [dreg:$0x1];
	p0 =	sne.s32 s2, $0x0  }
0x122: {  	s3 =	rddreg [dreg:$0x2];
	[bflag:$0x3] =	sbarrier.arrive $0xFFFF;
	s2 =	simm.s32 @!p0 $0x1C11  }
0x123: {  	[timem:s3], [sflag:s2] =	dma.local @!p0 [hbm:s0], s1  }
0x124: {  	s0 =	simm.s32 @!p0 $0x11  }
0x125: {  	_ =	swait.ge @!p0 [sflag:s0], s1  }
0x126: {  	s1 =	ssub.s32 @!p0 $0x0, s1;
	[sflag:s0] =	ssyncset.done @!p0 $0x0  }
0x127: {  	[sflag:s0] =	ssyncadd.s32 @!p0 s1  }
0x128: {  	[bflag:$0x3] =	sbarrier.arrive $0xFFFF  }
0x129: {  	_ =	shalt  }

</sc_bundles>
